<compile_context>
chip_gen: v7x
topology: tpu7x:2x2x1
jax: 0.10.2.dev20260603
libtpu: 0.0.44.dev20260713+nightly
codegen_flags: <defaults>
</compile_context>

<pallas_src>
import functools
import math

import jax
import jax.numpy as jnp
from jax import lax
from jax.experimental import pallas as pl
from jax.experimental.pallas import tpu as pltpu
from jax.experimental.pallas import tpu_sc as plsc

B = 8; S = 2048; T = 2048; H = 512; C = 512; NH = 8; DM = 768; L = 6; P = 128; V = 256; FF = 2048

CDT = jnp.bfloat16
ACC = jnp.float32

ENC_TB = 512
ENC_NPB = ENC_TB // P
DEC_TB = 1024
DH_E = H // NH
DH_D = DM // NH
NP = S // P


def _mm(a, b):
    return jax.lax.dot_general(a.astype(CDT), b.astype(CDT),
                               (((1,), (0,)), ((), ())),
                               preferred_element_type=ACC)


def _mm_t(a, b):
    return jax.lax.dot_general(a.astype(CDT), b.astype(CDT),
                               (((1,), (1,)), ((), ())),
                               preferred_element_type=ACC)


def _mm_tt(a, b):
    return jax.lax.dot_general(a.astype(CDT), b.astype(CDT),
                               (((0,), (0,)), ((), ())),
                               preferred_element_type=ACC)


def _ln_f32(x):
    m = jnp.mean(x, axis=-1, keepdims=True)
    v = jnp.mean((x - m) * (x - m), axis=-1, keepdims=True)
    return (x - m) / jnp.sqrt(v + 1e-5)


def _gelu(x):
    c = math.sqrt(2.0 / math.pi)
    return 0.5 * x * (1.0 + jnp.tanh(c * (x + 0.044715 * (x * x * x))))


def _head_mask(width, dh, h):
    lane = jax.lax.broadcasted_iota(jnp.int32, (1, width), 1)
    return (lane // dh == h).astype(ACC)


def _softmax_rows(s):
    m = jnp.max(s, axis=-1, keepdims=True)
    e = jnp.exp(s - m)
    return e / jnp.sum(e, axis=-1, keepdims=True)


def _enc_kernel(ids_ref, emb_ref, wq_ref, wk_ref, wv_ref, wo_ref,
                ff1_ref, ff2_ref, out_ref):
    ids = ids_ref[0]
    oh = (jax.lax.broadcasted_iota(jnp.int32, (V, ENC_TB), 0) == ids)
    x = _mm_tt(oh.astype(CDT), emb_ref[...])
    h1 = _ln_f32(x)
    q = _mm(h1, wq_ref[...])
    k = _mm(h1, wk_ref[...])
    v = _mm(h1, wv_ref[...])
    qm = [(q * _head_mask(H, DH_E, h)).astype(CDT) for h in range(NH)]
    vm = [(v * _head_mask(H, DH_E, h)).astype(CDT) for h in range(NH)]
    kb = k.astype(CDT)
    scale = 1.0 / math.sqrt(DH_E)
    rows = []
    for p in range(ENC_NPB):
        sl = slice(p * P, (p + 1) * P)
        kp = kb[sl]
        a_list = [_softmax_rows(_mm_t(qm[h][sl], kp) * scale) for h in range(NH)]
        A = jnp.concatenate(a_list, axis=1)
        Vhat = jnp.concatenate([vm[h][sl] for h in range(NH)], axis=0)
        rows.append(_mm(A, Vhat))
    attn = jnp.concatenate(rows, axis=0)
    h = x + _mm(attn, wo_ref[...])
    h2 = _ln_f32(h)
    h = h + _mm(_gelu(_mm(h2, ff1_ref[...]).astype(CDT)), ff2_ref[...])
    pooled = jnp.concatenate(
        [jnp.mean(h[p * P:(p + 1) * P], axis=0, keepdims=True)
         for p in range(ENC_NPB)], axis=0)
    out_ref[0] = pooled


def _cplx_kernel(pr_ref, pwr_ref, pwi_ref, cqr_ref, cqi_ref, ckr_ref, cki_ref,
                 cvr_ref, cvi_ref, cor_ref, coi_ref, c2r_ref, dwk_ref, dwv_ref,
                 kout_ref, vout_ref, zr_ref, zi_ref):
    l = pl.program_id(0)

    @pl.when(l == 0)
    def _init():
        pr = pr_ref[...]
        zr_ref[...] = _mm(pr, pwr_ref[...])
        zi_ref[...] = _mm(pr, pwi_ref[...])

    zr = zr_ref[...]
    zi = zi_ref[...]
    cqr = cqr_ref[0]; cqi = cqi_ref[0]
    ckr = ckr_ref[0]; cki = cki_ref[0]
    cvr = cvr_ref[0]; cvi = cvi_ref[0]
    cor = cor_ref[0]; coi = coi_ref[0]
    qr = _mm(zr, cqr) - _mm(zi, cqi); qi = _mm(zr, cqi) + _mm(zi, cqr)
    kr = _mm(zr, ckr) - _mm(zi, cki); ki = _mm(zr, cki) + _mm(zi, ckr)
    vr = _mm(zr, cvr) - _mm(zi, cvi); vi = _mm(zr, cvi) + _mm(zi, cvr)

    n = B * (S // P)
    r_iota = jax.lax.broadcasted_iota(jnp.int32, (n, n), 0)
    c_iota = jax.lax.broadcasted_iota(jnp.int32, (n, n), 1)
    bmask = (r_iota // (S // P)) == (c_iota // (S // P))
    scale = 1.0 / math.sqrt(DH_E)
    krb = kr.astype(CDT); kib = ki.astype(CDT)
    a_list, vr_list, vi_list = [], [], []
    for h in range(NH):
        mh = _head_mask(C, DH_E, h)
        s = (_mm_t((qr * mh).astype(CDT), krb) +
             _mm_t((qi * mh).astype(CDT), kib)) * scale
        s = jnp.where(bmask, s, -1e30)
        a_list.append(_softmax_rows(s))
        vr_list.append((vr * mh).astype(CDT))
        vi_list.append((vi * mh).astype(CDT))
    A = jnp.concatenate(a_list, axis=1)
    ar = _mm(A, jnp.concatenate(vr_list, axis=0))
    ai = _mm(A, jnp.concatenate(vi_list, axis=0))
    orr = _mm(ar, cor) - _mm(ai, coi)
    oii = _mm(ar, coi) + _mm(ai, cor)
    zr = _ln_f32(zr + orr)
    zi = _ln_f32(zi + oii)
    zr_ref[...] = zr
    zi_ref[...] = zi

    @pl.when(l == L - 1)
    def _fini():
        mem = _mm(jnp.concatenate([zr, zi], axis=1), c2r_ref[...])
        kout_ref[...] = _mm(mem, dwk_ref[...])
        vout_ref[...] = _mm(mem, dwv_ref[...])


def _dec_kernel(y_ref, k_ref, v_ref, wq_ref, wo_ref,
                ff1_ref, ff2_ref, outw_ref, out_ref):
    y = y_ref[...].astype(jnp.float32)
    yn = _ln_f32(y)
    q = _mm(yn, wq_ref[...])
    Kb = k_ref[0]
    Vb = v_ref[0]
    scale = 1.0 / math.sqrt(DH_D)
    Kbb = Kb.astype(CDT)
    s_list, v_list = [], []
    for h in range(NH):
        mh = _head_mask(DM, DH_D, h)
        s_list.append(_mm_t((q * mh).astype(CDT), Kbb) * scale)
        v_list.append((Vb * mh).astype(CDT))
    sc = jnp.concatenate(s_list, axis=1)
    m = jnp.max(sc, axis=-1, keepdims=True)
    e = jnp.exp(sc - m)
    gr = jax.lax.broadcasted_iota(jnp.int32, (NH * NP, NH * NP), 0) // NP
    gc = jax.lax.broadcasted_iota(jnp.int32, (NH * NP, NH * NP), 1) // NP
    G = (gr == gc).astype(jnp.float32)
    denom = jax.lax.dot_general(e, G, (((1,), (0,)), ((), ())),
                                preferred_element_type=jnp.float32)
    A = e / denom
    attn = _mm(A, jnp.concatenate(v_list, axis=0))
    y = y + _mm(attn, wo_ref[...])
    y2 = _ln_f32(y)
    y = y + _mm(_gelu(_mm(y2, ff1_ref[...]).astype(CDT)), ff2_ref[...])
    out_ref[0] = _mm(_ln_f32(y), outw_ref[...])


_SC_NC = 2
_SC_NS = 16
_SC_NW = _SC_NC * _SC_NS
_SC_CH = 128


def _sc_gather_rows(table, idx):
    n_rows = idx.shape[0]
    d = table.shape[1]
    per_w = n_rows // _SC_NW
    n_ch = per_w // _SC_CH
    mesh = plsc.VectorSubcoreMesh(core_axis_name="c", subcore_axis_name="s")

    @functools.partial(
        pl.kernel, mesh=mesh,
        out_type=jax.ShapeDtypeStruct((n_rows, d), jnp.int32),
        scratch_types=[
            pltpu.VMEM((per_w,), jnp.int32),
            pltpu.VMEM((_SC_CH, d), jnp.int32),
            pltpu.VMEM((_SC_CH, d), jnp.int32),
            pltpu.SemaphoreType.DMA,
            pltpu.SemaphoreType.DMA,
        ],
    )
    def gk(table_hbm, idx_hbm, out_hbm, idx_v, buf0, buf1, sem0, sem1):
        wid = lax.axis_index("s") * _SC_NC + lax.axis_index("c")
        base = wid * per_w
        pltpu.sync_copy(idx_hbm.at[pl.ds(base, per_w)], idx_v)
        bufs = (buf0, buf1)
        sems = (sem0, sem1)
        copies = [None, None]
        for c in range(n_ch):
            copies[c % 2] = pltpu.async_copy(
                table_hbm.at[idx_v.at[pl.ds(c * _SC_CH, _SC_CH)]],
                bufs[c % 2], sems[c % 2])
            if c > 0:
                copies[(c - 1) % 2].wait()
                pltpu.sync_copy(
                    bufs[(c - 1) % 2],
                    out_hbm.at[pl.ds(base + (c - 1) * _SC_CH, _SC_CH)])
        copies[(n_ch - 1) % 2].wait()
        pltpu.sync_copy(bufs[(n_ch - 1) % 2],
                        out_hbm.at[pl.ds(base + (n_ch - 1) * _SC_CH, _SC_CH)])

    return gk(table, idx)


def _const_spec(shape):
    nd = len(shape)
    return pl.BlockSpec(shape, lambda *args: (0,) * nd)


@jax.jit
def kernel(byte_seq, target_byte_seq, emb_byte, enc_Wq, enc_Wk, enc_Wv, enc_Wo,
           enc_ff1, enc_ff2, proj_Wr, proj_Wi, cq_r, cq_i, ck_r, ck_i, cv_r,
           cv_i, co_r, co_i, c2r_W, dec_emb, dec_Wq, dec_Wk, dec_Wv, dec_Wo,
           dec_ff1, dec_ff2, out_W):
    f16 = lambda w: w.astype(CDT)
    Np = S // P
    n = B * Np

    emb_pk = jax.lax.bitcast_convert_type(
        dec_emb.astype(CDT).reshape(V, DM // 2, 2), jnp.int32)
    y_pk = _sc_gather_rows(emb_pk,
                           target_byte_seq.astype(jnp.int32).reshape(-1))
    y_emb = jax.lax.bitcast_convert_type(y_pk, CDT).reshape(B * T, DM)

    n_enc = (B * S) // ENC_TB
    ids_enc = byte_seq.astype(jnp.int32).reshape(n_enc, 1, ENC_TB)
    patch = pl.pallas_call(
        _enc_kernel,
        grid=(n_enc,),
        in_specs=[
            pl.BlockSpec((1, 1, ENC_TB), lambda i: (i, 0, 0)),
            _const_spec((V, H)), _const_spec((H, H)), _const_spec((H, H)),
            _const_spec((H, H)), _const_spec((H, H)),
            _const_spec((H, FF)), _const_spec((FF, H)),
        ],
        out_specs=pl.BlockSpec((1, ENC_NPB, H), lambda i: (i, 0, 0)),
        out_shape=jax.ShapeDtypeStruct((n_enc, ENC_NPB, H), jnp.float32),
        compiler_params=pltpu.CompilerParams(
            dimension_semantics=("arbitrary",)),
    )(ids_enc, f16(emb_byte), f16(enc_Wq), f16(enc_Wk), f16(enc_Wv),
      f16(enc_Wo), f16(enc_ff1), f16(enc_ff2))
    patch = patch.reshape(n, H)

    lspec = pl.BlockSpec((1, C, C), lambda l: (l, 0, 0))
    kv = pl.pallas_call(
        _cplx_kernel,
        grid=(L,),
        in_specs=[
            _const_spec((n, H)), _const_spec((H, C)), _const_spec((H, C)),
            lspec, lspec, lspec, lspec, lspec, lspec, lspec, lspec,
            _const_spec((2 * C, DM)), _const_spec((DM, DM)),
            _const_spec((DM, DM)),
        ],
        out_specs=[_const_spec((n, DM)), _const_spec((n, DM))],
        out_shape=[jax.ShapeDtypeStruct((n, DM), jnp.float32),
                   jax.ShapeDtypeStruct((n, DM), jnp.float32)],
        scratch_shapes=[pltpu.VMEM((n, C), jnp.float32),
                        pltpu.VMEM((n, C), jnp.float32)],
        compiler_params=pltpu.CompilerParams(
            dimension_semantics=("arbitrary",)),
    )(patch, f16(proj_Wr), f16(proj_Wi), f16(cq_r), f16(cq_i), f16(ck_r),
      f16(ck_i), f16(cv_r), f16(cv_i), f16(co_r), f16(co_i), f16(c2r_W),
      f16(dec_Wk), f16(dec_Wv))
    K, Vv = kv
    K = K.reshape(B, Np, DM)
    Vv = Vv.reshape(B, Np, DM)

    n_dec = T // DEC_TB
    logits = pl.pallas_call(
        _dec_kernel,
        grid=(B, n_dec),
        in_specs=[
            pl.BlockSpec((DEC_TB, DM), lambda b, t: (b * n_dec + t, 0)),
            pl.BlockSpec((1, Np, DM), lambda b, t: (b, 0, 0)),
            pl.BlockSpec((1, Np, DM), lambda b, t: (b, 0, 0)),
            _const_spec((DM, DM)), _const_spec((DM, DM)),
            _const_spec((DM, FF)), _const_spec((FF, DM)),
            _const_spec((DM, V)),
        ],
        out_specs=pl.BlockSpec((1, DEC_TB, V), lambda b, t: (b, t, 0)),
        out_shape=jax.ShapeDtypeStruct((B, T, V), jnp.float32),
        compiler_params=pltpu.CompilerParams(
            dimension_semantics=("arbitrary", "arbitrary")),
    )(y_emb, K, Vv, f16(dec_Wq), f16(dec_Wo), f16(dec_ff1),
      f16(dec_ff2), f16(out_W))
    return logits

# --- scband reference (transcript-rebuilt; emitter-appended) ---
"""Pipeline reference for scband-bsfinmodel-18150531793285 (READ-ONLY COPY).

The authoritative reference and input builder live on the scoring server;
editing this copy changes nothing except your own understanding.
"""

import jax, jax.numpy as jnp
import numpy as np

B = 8; S = 2048; T = 2048; H = 512; C = 512; NH = 8; DM = 768; L = 6; P = 128; V = 256; FF = 2048

def _ln(x):
    m = jnp.mean(x, axis=-1, keepdims=True)
    v = jnp.var(x, axis=-1, keepdims=True)
    return (x - m) / jnp.sqrt(v + 1e-5)

def _mha(q, k, v, nh):
    Bq, Tq, D = q.shape
    Tk = k.shape[1]
    dh = D // nh
    qh = q.reshape(Bq, Tq, nh, dh).transpose(0, 2, 1, 3)
    kh = k.reshape(Bq, Tk, nh, dh).transpose(0, 2, 1, 3)
    vh = v.reshape(Bq, Tk, nh, dh).transpose(0, 2, 1, 3)
    s = jnp.einsum('bhqd,bhkd->bhqk', qh, kh) / np.sqrt(dh)
    a = jax.nn.softmax(s, axis=-1)
    o = jnp.einsum('bhqk,bhkd->bhqd', a, vh)
    return o.transpose(0, 2, 1, 3).reshape(Bq, Tq, D)

def _cmul(xr, xi, Wr, Wi):
    return xr @ Wr - xi @ Wi, xr @ Wi + xi @ Wr

def _cattn(qr, qi, kr, ki, vr, vi, nh):
    Bq, Tq, D = qr.shape
    dh = D // nh
    def sp(x):
        return x.reshape(Bq, Tq, nh, dh).transpose(0, 2, 1, 3)
    s = (jnp.einsum('bhqd,bhkd->bhqk', sp(qr), sp(kr)) + jnp.einsum('bhqd,bhkd->bhqk', sp(qi), sp(ki))) / np.sqrt(dh)
    a = jax.nn.softmax(s, axis=-1)
    def mg(x):
        return jnp.einsum('bhqk,bhkd->bhqd', a, sp(x)).transpose(0, 2, 1, 3).reshape(Bq, Tq, D)
    return mg(vr), mg(vi)

def _forward(params, byte_seq, target_byte_seq):
    (emb_byte, enc_Wq, enc_Wk, enc_Wv, enc_Wo, enc_ff1, enc_ff2, proj_Wr, proj_Wi,
     cq_r, cq_i, ck_r, ck_i, cv_r, cv_i, co_r, co_i, c2r_W, dec_emb,
     dec_Wq, dec_Wk, dec_Wv, dec_Wo, dec_ff1, dec_ff2, out_W) = params
    Np = S // P
    # local encoder over entropy patches (fixed-size patching: seq_len//128 boundaries)
    x = jnp.take(emb_byte, byte_seq, axis=0)
    xp = x.reshape(B * Np, P, H)
    h1 = _ln(xp)
    h = xp + _mha(h1 @ enc_Wq, h1 @ enc_Wk, h1 @ enc_Wv, NH) @ enc_Wo
    h2 = _ln(h)
    h = h + jax.nn.gelu(h2 @ enc_ff1) @ enc_ff2
    patch_repr = jnp.mean(h, axis=1).reshape(B, Np, H)
    # real -> complex projection
    zr = patch_repr @ proj_Wr
    zi = patch_repr @ proj_Wi
    # entangled interference layers (complex-valued attention)
    for l in range(L):
        qr, qi = _cmul(zr, zi, cq_r[l], cq_i[l])
        kr, ki = _cmul(zr, zi, ck_r[l], ck_i[l])
        vr, vi = _cmul(zr, zi, cv_r[l], cv_i[l])
        ar, ai = _cattn(qr, qi, kr, ki, vr, vi, NH)
        orr, oii = _cmul(ar, ai, co_r[l], co_i[l])
        zr = _ln(zr + orr)
        zi = _ln(zi + oii)
    # complex -> real (concat method) producing decoder memory
    mem = jnp.concatenate([zr, zi], axis=-1) @ c2r_W
    # local decoder: cross-attention from target bytes to patch memory
    y = jnp.take(dec_emb, target_byte_seq, axis=0)
    yn = _ln(y)
    y = y + _mha(yn @ dec_Wq, mem @ dec_Wk, mem @ dec_Wv, NH) @ dec_Wo
    y2 = _ln(y)
    y = y + jax.nn.gelu(y2 @ dec_ff1) @ dec_ff2
    logits = _ln(y) @ out_W
    return logits

def setup_inputs(seed: int = 0):
    key = jax.random.key(seed)
    def p(i, shape, scale=0.02):
        return jax.random.normal(jax.random.fold_in(key, i), shape, dtype=jnp.float32) * scale
    inp = {}
    inp['byte_seq'] = jax.random.randint(jax.random.fold_in(key, 100), (B, S), 0, 256)
    inp['target_byte_seq'] = jax.random.randint(jax.random.fold_in(key, 101), (B, T), 0, 256)
    inp['emb_byte'] = p(0, (V, H), 0.05)
    inp['enc_Wq'] = p(1, (H, H)); inp['enc_Wk'] = p(2, (H, H)); inp['enc_Wv'] = p(3, (H, H)); inp['enc_Wo'] = p(4, (H, H))
    inp['enc_ff1'] = p(5, (H, FF)); inp['enc_ff2'] = p(6, (FF, H))
    inp['proj_Wr'] = p(7, (H, C)); inp['proj_Wi'] = p(8, (H, C))
    inp['cq_r'] = p(9, (L, C, C)); inp['cq_i'] = p(10, (L, C, C))
    inp['ck_r'] = p(11, (L, C, C)); inp['ck_i'] = p(12, (L, C, C))
    inp['cv_r'] = p(13, (L, C, C)); inp['cv_i'] = p(14, (L, C, C))
    inp['co_r'] = p(15, (L, C, C)); inp['co_i'] = p(16, (L, C, C))
    inp['c2r_W'] = p(17, (2 * C, DM))
    inp['dec_emb'] = p(18, (V, DM), 0.05)
    inp['dec_Wq'] = p(19, (DM, DM)); inp['dec_Wk'] = p(20, (DM, DM)); inp['dec_Wv'] = p(21, (DM, DM)); inp['dec_Wo'] = p(22, (DM, DM))
    inp['dec_ff1'] = p(23, (DM, FF)); inp['dec_ff2'] = p(24, (FF, DM))
    inp['out_W'] = p(25, (DM, V))
    return inp

def reference(byte_seq, target_byte_seq, emb_byte, enc_Wq, enc_Wk, enc_Wv, enc_Wo, enc_ff1, enc_ff2, proj_Wr, proj_Wi, cq_r, cq_i, ck_r, ck_i, cv_r, cv_i, co_r, co_i, c2r_W, dec_emb, dec_Wq, dec_Wk, dec_Wv, dec_Wo, dec_ff1, dec_ff2, out_W):
    floats = (emb_byte, enc_Wq, enc_Wk, enc_Wv, enc_Wo, enc_ff1, enc_ff2, proj_Wr, proj_Wi, cq_r, cq_i, ck_r, ck_i, cv_r, cv_i, co_r, co_i, c2r_W, dec_emb, dec_Wq, dec_Wk, dec_Wv, dec_Wo, dec_ff1, dec_ff2, out_W)
    return _forward(floats, byte_seq, target_byte_seq)

if __name__ == "__main__":
    import jax
    _d = setup_inputs()
    print(jax.jit(kernel)(*tuple(_d.values())))

</pallas_src>

<mosaic_0001>
#map = affine_map<(d0, d1) -> (0, 0)>
#map1 = affine_map<(d0, d1) -> (0)>
module attributes {stable_mosaic.version = 14 : i64} {
  func.func @gk(%arg0: i32, %arg1: i32, %arg2: memref<256x384xi32, #tpu.memory_space<hbm>>, %arg3: memref<16384xi32, #tpu.memory_space<hbm>>, %arg4: memref<16384x384xi32, #tpu.memory_space<hbm>>, %arg5: memref<512xi32, #tpu.memory_space<vmem>>, %arg6: memref<128x384xi32, #tpu.memory_space<vmem>>, %arg7: memref<128x384xi32, #tpu.memory_space<vmem>>, %arg8: memref<!tpu.dma_semaphore, #tpu.memory_space<semaphore_mem>>, %arg9: memref<!tpu.dma_semaphore, #tpu.memory_space<semaphore_mem>>) attributes {dimension_semantics = [#tpu.dimension_semantics<core_parallel>, #tpu.dimension_semantics<subcore_parallel>], iteration_bounds = array<i64: 2, 16>, scalar_prefetch = 0 : i64, scratch_operands = 5 : i64, tpu.core_type = #tpu.core_type<sc_vector_subcore>, window_params = [{transform_indices = #map}, {transform_indices = #map1}, {transform_indices = #map}]} {
    %mul3A = arith.constant 2 : i32
    %mul3A_0 = arith.muli %arg1, %mul3A : i32
    %add3A = arith.addi %mul3A_0, %arg0 : i32
    %mul3A_1 = arith.constant 512 : i32
    %mul3A_2 = arith.muli %add3A, %mul3A_1 : i32
    "tpu.region"() ({
      %run_scoped3A = tpu.sem_alloc : memref<!tpu.dma_semaphore, #tpu.memory_space<semaphore_mem>>
      %dma_start3A_49 = tpu.memref_slice %arg3[%mul3A_2] : memref<16384xi32, #tpu.memory_space<hbm>> -> memref<512xi32, #tpu.memory_space<hbm>>
      %dma_start3A_50 = tpu.memref_slice %arg3[%mul3A_2] : memref<16384xi32, #tpu.memory_space<hbm>> -> memref<512xi32, #tpu.memory_space<hbm>>
      tpu.enqueue_dma source(%dma_start3A_50 : memref<512xi32, #tpu.memory_space<hbm>>) target(%arg5 : memref<512xi32, #tpu.memory_space<vmem>>) target_semaphore(%run_scoped3A : memref<!tpu.dma_semaphore, #tpu.memory_space<semaphore_mem>>)
      %dma_wait3A_51 = tpu.memref_slice %arg3[%mul3A_2] : memref<16384xi32, #tpu.memory_space<hbm>> -> memref<512xi32, #tpu.memory_space<hbm>>
      %dma_wait3A_52 = tpu.memref_slice %arg3[%mul3A_2] : memref<16384xi32, #tpu.memory_space<hbm>> -> memref<512xi32, #tpu.memory_space<hbm>>
      tpu.wait_dma2 semaphore(%run_scoped3A : memref<!tpu.dma_semaphore, #tpu.memory_space<semaphore_mem>>) src(%dma_wait3A_52 : memref<512xi32, #tpu.memory_space<hbm>>) dst(%arg5 : memref<512xi32, #tpu.memory_space<vmem>>)
      tpu.yield
    }) : () -> ()
    %dma_start3A = arith.constant 0 : i32
    %dma_start3A_3 = tpu.memref_slice %arg5[%dma_start3A] : memref<512xi32, #tpu.memory_space<vmem>> -> memref<128xi32, #tpu.memory_space<vmem>>
    %dma_start3A_4 = arith.constant 0 : i32
    %dma_start3A_5 = arith.constant 0 : i32
    %dma_start3A_6 = tpu.memref_slice %arg2[%dma_start3A_4, %dma_start3A_5] : memref<256x384xi32, #tpu.memory_space<hbm>> -> memref<256x384xi32, #tpu.memory_space<hbm>>
    tpu.enqueue_indirect_dma source(%dma_start3A_6 : memref<256x384xi32, #tpu.memory_space<hbm>>) target(%arg6 : memref<128x384xi32, #tpu.memory_space<vmem>>) offsets(%dma_start3A_3 : memref<128xi32, #tpu.memory_space<vmem>>) semaphore(%arg8 : memref<!tpu.dma_semaphore, #tpu.memory_space<semaphore_mem>>)
    %dma_start3A_7 = arith.constant 128 : i32
    %dma_start3A_8 = tpu.memref_slice %arg5[%dma_start3A_7] : memref<512xi32, #tpu.memory_space<vmem>> -> memref<128xi32, #tpu.memory_space<vmem>>
    %dma_start3A_9 = arith.constant 0 : i32
    %dma_start3A_10 = arith.constant 0 : i32
    %dma_start3A_11 = tpu.memref_slice %arg2[%dma_start3A_9, %dma_start3A_10] : memref<256x384xi32, #tpu.memory_space<hbm>> -> memref<256x384xi32, #tpu.memory_space<hbm>>
    tpu.enqueue_indirect_dma source(%dma_start3A_11 : memref<256x384xi32, #tpu.memory_space<hbm>>) target(%arg7 : memref<128x384xi32, #tpu.memory_space<vmem>>) offsets(%dma_start3A_8 : memref<128xi32, #tpu.memory_space<vmem>>) semaphore(%arg9 : memref<!tpu.dma_semaphore, #tpu.memory_space<semaphore_mem>>)
    %dma_wait3A = arith.constant 0 : i32
    %dma_wait3A_12 = tpu.memref_slice %arg5[%dma_wait3A] : memref<512xi32, #tpu.memory_space<vmem>> -> memref<128xi32, #tpu.memory_space<vmem>>
    %dma_wait3A_13 = arith.constant 0 : i32
    %dma_wait3A_14 = arith.constant 0 : i32
    %dma_wait3A_15 = tpu.memref_slice %arg2[%dma_wait3A_13, %dma_wait3A_14] : memref<256x384xi32, #tpu.memory_space<hbm>> -> memref<256x384xi32, #tpu.memory_space<hbm>>
    tpu.wait_indirect_dma semaphore(%arg8 : memref<!tpu.dma_semaphore, #tpu.memory_space<semaphore_mem>>) src(%dma_wait3A_15 : memref<256x384xi32, #tpu.memory_space<hbm>>) dst(%arg6 : memref<128x384xi32, #tpu.memory_space<vmem>>)
    %add3A_16 = arith.constant 0 : i32
    %add3A_17 = arith.addi %mul3A_2, %add3A_16 : i32
    "tpu.region"() ({
      %run_scoped3A = tpu.sem_alloc : memref<!tpu.dma_semaphore, #tpu.memory_space<semaphore_mem>>
      %dma_start3A_49 = arith.constant 0 : i32
      %dma_start3A_50 = tpu.memref_slice %arg4[%add3A_17, %dma_start3A_49] : memref<16384x384xi32, #tpu.memory_space<hbm>> -> memref<128x384xi32, #tpu.memory_space<hbm>>
      %dma_start3A_51 = arith.constant 0 : i32
      %dma_start3A_52 = tpu.memref_slice %arg4[%add3A_17, %dma_start3A_51] : memref<16384x384xi32, #tpu.memory_space<hbm>> -> memref<128x384xi32, #tpu.memory_space<hbm>>
      tpu.enqueue_dma source(%arg6 : memref<128x384xi32, #tpu.memory_space<vmem>>) target(%dma_start3A_52 : memref<128x384xi32, #tpu.memory_space<hbm>>) target_semaphore(%run_scoped3A : memref<!tpu.dma_semaphore, #tpu.memory_space<semaphore_mem>>)
      %dma_wait3A_53 = arith.constant 0 : i32
      %dma_wait3A_54 = tpu.memref_slice %arg4[%add3A_17, %dma_wait3A_53] : memref<16384x384xi32, #tpu.memory_space<hbm>> -> memref<128x384xi32, #tpu.memory_space<hbm>>
      %dma_wait3A_55 = arith.constant 0 : i32
      %dma_wait3A_56 = tpu.memref_slice %arg4[%add3A_17, %dma_wait3A_55] : memref<16384x384xi32, #tpu.memory_space<hbm>> -> memref<128x384xi32, #tpu.memory_space<hbm>>
      tpu.wait_dma2 semaphore(%run_scoped3A : memref<!tpu.dma_semaphore, #tpu.memory_space<semaphore_mem>>) src(%arg6 : memref<128x384xi32, #tpu.memory_space<vmem>>) dst(%dma_wait3A_56 : memref<128x384xi32, #tpu.memory_space<hbm>>)
      tpu.yield
    }) : () -> ()
    %dma_start3A_18 = arith.constant 256 : i32
    %dma_start3A_19 = tpu.memref_slice %arg5[%dma_start3A_18] : memref<512xi32, #tpu.memory_space<vmem>> -> memref<128xi32, #tpu.memory_space<vmem>>
    %dma_start3A_20 = arith.constant 0 : i32
    %dma_start3A_21 = arith.constant 0 : i32
    %dma_start3A_22 = tpu.memref_slice %arg2[%dma_start3A_20, %dma_start3A_21] : memref<256x384xi32, #tpu.memory_space<hbm>> -> memref<256x384xi32, #tpu.memory_space<hbm>>
    tpu.enqueue_indirect_dma source(%dma_start3A_22 : memref<256x384xi32, #tpu.memory_space<hbm>>) target(%arg6 : memref<128x384xi32, #tpu.memory_space<vmem>>) offsets(%dma_start3A_19 : memref<128xi32, #tpu.memory_space<vmem>>) semaphore(%arg8 : memref<!tpu.dma_semaphore, #tpu.memory_space<semaphore_mem>>)
    %dma_wait3A_23 = arith.constant 128 : i32
    %dma_wait3A_24 = tpu.memref_slice %arg5[%dma_wait3A_23] : memref<512xi32, #tpu.memory_space<vmem>> -> memref<128xi32, #tpu.memory_space<vmem>>
    %dma_wait3A_25 = arith.constant 0 : i32
    %dma_wait3A_26 = arith.constant 0 : i32
    %dma_wait3A_27 = tpu.memref_slice %arg2[%dma_wait3A_25, %dma_wait3A_26] : memref<256x384xi32, #tpu.memory_space<hbm>> -> memref<256x384xi32, #tpu.memory_space<hbm>>
    tpu.wait_indirect_dma semaphore(%arg9 : memref<!tpu.dma_semaphore, #tpu.memory_space<semaphore_mem>>) src(%dma_wait3A_27 : memref<256x384xi32, #tpu.memory_space<hbm>>) dst(%arg7 : memref<128x384xi32, #tpu.memory_space<vmem>>)
    %add3A_28 = arith.constant 128 : i32
    %add3A_29 = arith.addi %mul3A_2, %add3A_28 : i32
    "tpu.region"() ({
      %run_scoped3A = tpu.sem_alloc : memref<!tpu.dma_semaphore, #tpu.memory_space<semaphore_mem>>
      %dma_start3A_49 = arith.constant 0 : i32
      %dma_start3A_50 = tpu.memref_slice %arg4[%add3A_29, %dma_start3A_49] : memref<16384x384xi32, #tpu.memory_space<hbm>> -> memref<128x384xi32, #tpu.memory_space<hbm>>
      %dma_start3A_51 = arith.constant 0 : i32
      %dma_start3A_52 = tpu.memref_slice %arg4[%add3A_29, %dma_start3A_51] : memref<16384x384xi32, #tpu.memory_space<hbm>> -> memref<128x384xi32, #tpu.memory_space<hbm>>
      tpu.enqueue_dma source(%arg7 : memref<128x384xi32, #tpu.memory_space<vmem>>) target(%dma_start3A_52 : memref<128x384xi32, #tpu.memory_space<hbm>>) target_semaphore(%run_scoped3A : memref<!tpu.dma_semaphore, #tpu.memory_space<semaphore_mem>>)
      %dma_wait3A_53 = arith.constant 0 : i32
      %dma_wait3A_54 = tpu.memref_slice %arg4[%add3A_29, %dma_wait3A_53] : memref<16384x384xi32, #tpu.memory_space<hbm>> -> memref<128x384xi32, #tpu.memory_space<hbm>>
      %dma_wait3A_55 = arith.constant 0 : i32
      %dma_wait3A_56 = tpu.memref_slice %arg4[%add3A_29, %dma_wait3A_55] : memref<16384x384xi32, #tpu.memory_space<hbm>> -> memref<128x384xi32, #tpu.memory_space<hbm>>
      tpu.wait_dma2 semaphore(%run_scoped3A : memref<!tpu.dma_semaphore, #tpu.memory_space<semaphore_mem>>) src(%arg7 : memref<128x384xi32, #tpu.memory_space<vmem>>) dst(%dma_wait3A_56 : memref<128x384xi32, #tpu.memory_space<hbm>>)
      tpu.yield
    }) : () -> ()
    %dma_start3A_30 = arith.constant 384 : i32
    %dma_start3A_31 = tpu.memref_slice %arg5[%dma_start3A_30] : memref<512xi32, #tpu.memory_space<vmem>> -> memref<128xi32, #tpu.memory_space<vmem>>
    %dma_start3A_32 = arith.constant 0 : i32
    %dma_start3A_33 = arith.constant 0 : i32
    %dma_start3A_34 = tpu.memref_slice %arg2[%dma_start3A_32, %dma_start3A_33] : memref<256x384xi32, #tpu.memory_space<hbm>> -> memref<256x384xi32, #tpu.memory_space<hbm>>
    tpu.enqueue_indirect_dma source(%dma_start3A_34 : memref<256x384xi32, #tpu.memory_space<hbm>>) target(%arg7 : memref<128x384xi32, #tpu.memory_space<vmem>>) offsets(%dma_start3A_31 : memref<128xi32, #tpu.memory_space<vmem>>) semaphore(%arg9 : memref<!tpu.dma_semaphore, #tpu.memory_space<semaphore_mem>>)
    %dma_wait3A_35 = arith.constant 256 : i32
    %dma_wait3A_36 = tpu.memref_slice %arg5[%dma_wait3A_35] : memref<512xi32, #tpu.memory_space<vmem>> -> memref<128xi32, #tpu.memory_space<vmem>>
    %dma_wait3A_37 = arith.constant 0 : i32
    %dma_wait3A_38 = arith.constant 0 : i32
    %dma_wait3A_39 = tpu.memref_slice %arg2[%dma_wait3A_37, %dma_wait3A_38] : memref<256x384xi32, #tpu.memory_space<hbm>> -> memref<256x384xi32, #tpu.memory_space<hbm>>
    tpu.wait_indirect_dma semaphore(%arg8 : memref<!tpu.dma_semaphore, #tpu.memory_space<semaphore_mem>>) src(%dma_wait3A_39 : memref<256x384xi32, #tpu.memory_space<hbm>>) dst(%arg6 : memref<128x384xi32, #tpu.memory_space<vmem>>)
    %add3A_40 = arith.constant 256 : i32
    %add3A_41 = arith.addi %mul3A_2, %add3A_40 : i32
    "tpu.region"() ({
      %run_scoped3A = tpu.sem_alloc : memref<!tpu.dma_semaphore, #tpu.memory_space<semaphore_mem>>
      %dma_start3A_49 = arith.constant 0 : i32
      %dma_start3A_50 = tpu.memref_slice %arg4[%add3A_41, %dma_start3A_49] : memref<16384x384xi32, #tpu.memory_space<hbm>> -> memref<128x384xi32, #tpu.memory_space<hbm>>
      %dma_start3A_51 = arith.constant 0 : i32
      %dma_start3A_52 = tpu.memref_slice %arg4[%add3A_41, %dma_start3A_51] : memref<16384x384xi32, #tpu.memory_space<hbm>> -> memref<128x384xi32, #tpu.memory_space<hbm>>
      tpu.enqueue_dma source(%arg6 : memref<128x384xi32, #tpu.memory_space<vmem>>) target(%dma_start3A_52 : memref<128x384xi32, #tpu.memory_space<hbm>>) target_semaphore(%run_scoped3A : memref<!tpu.dma_semaphore, #tpu.memory_space<semaphore_mem>>)
      %dma_wait3A_53 = arith.constant 0 : i32
      %dma_wait3A_54 = tpu.memref_slice %arg4[%add3A_41, %dma_wait3A_53] : memref<16384x384xi32, #tpu.memory_space<hbm>> -> memref<128x384xi32, #tpu.memory_space<hbm>>
      %dma_wait3A_55 = arith.constant 0 : i32
      %dma_wait3A_56 = tpu.memref_slice %arg4[%add3A_41, %dma_wait3A_55] : memref<16384x384xi32, #tpu.memory_space<hbm>> -> memref<128x384xi32, #tpu.memory_space<hbm>>
      tpu.wait_dma2 semaphore(%run_scoped3A : memref<!tpu.dma_semaphore, #tpu.memory_space<semaphore_mem>>) src(%arg6 : memref<128x384xi32, #tpu.memory_space<vmem>>) dst(%dma_wait3A_56 : memref<128x384xi32, #tpu.memory_space<hbm>>)
      tpu.yield
    }) : () -> ()
    %dma_wait3A_42 = arith.constant 384 : i32
    %dma_wait3A_43 = tpu.memref_slice %arg5[%dma_wait3A_42] : memref<512xi32, #tpu.memory_space<vmem>> -> memref<128xi32, #tpu.memory_space<vmem>>
    %dma_wait3A_44 = arith.constant 0 : i32
    %dma_wait3A_45 = arith.constant 0 : i32
    %dma_wait3A_46 = tpu.memref_slice %arg2[%dma_wait3A_44, %dma_wait3A_45] : memref<256x384xi32, #tpu.memory_space<hbm>> -> memref<256x384xi32, #tpu.memory_space<hbm>>
    tpu.wait_indirect_dma semaphore(%arg9 : memref<!tpu.dma_semaphore, #tpu.memory_space<semaphore_mem>>) src(%dma_wait3A_46 : memref<256x384xi32, #tpu.memory_space<hbm>>) dst(%arg7 : memref<128x384xi32, #tpu.memory_space<vmem>>)
    %add3A_47 = arith.constant 384 : i32
    %add3A_48 = arith.addi %mul3A_2, %add3A_47 : i32
    "tpu.region"() ({
      %run_scoped3A = tpu.sem_alloc : memref<!tpu.dma_semaphore, #tpu.memory_space<semaphore_mem>>
      %dma_start3A_49 = arith.constant 0 : i32
      %dma_start3A_50 = tpu.memref_slice %arg4[%add3A_48, %dma_start3A_49] : memref<16384x384xi32, #tpu.memory_space<hbm>> -> memref<128x384xi32, #tpu.memory_space<hbm>>
      %dma_start3A_51 = arith.constant 0 : i32
      %dma_start3A_52 = tpu.memref_slice %arg4[%add3A_48, %dma_start3A_51] : memref<16384x384xi32, #tpu.memory_space<hbm>> -> memref<128x384xi32, #tpu.memory_space<hbm>>
      tpu.enqueue_dma source(%arg7 : memref<128x384xi32, #tpu.memory_space<vmem>>) target(%dma_start3A_52 : memref<128x384xi32, #tpu.memory_space<hbm>>) target_semaphore(%run_scoped3A : memref<!tpu.dma_semaphore, #tpu.memory_space<semaphore_mem>>)
      %dma_wait3A_53 = arith.constant 0 : i32
      %dma_wait3A_54 = tpu.memref_slice %arg4[%add3A_48, %dma_wait3A_53] : memref<16384x384xi32, #tpu.memory_space<hbm>> -> memref<128x384xi32, #tpu.memory_space<hbm>>
      %dma_wait3A_55 = arith.constant 0 : i32
      %dma_wait3A_56 = tpu.memref_slice %arg4[%add3A_48, %dma_wait3A_55] : memref<16384x384xi32, #tpu.memory_space<hbm>> -> memref<128x384xi32, #tpu.memory_space<hbm>>
      tpu.wait_dma2 semaphore(%run_scoped3A : memref<!tpu.dma_semaphore, #tpu.memory_space<semaphore_mem>>) src(%arg7 : memref<128x384xi32, #tpu.memory_space<vmem>>) dst(%dma_wait3A_56 : memref<128x384xi32, #tpu.memory_space<hbm>>)
      tpu.yield
    }) : () -> ()
    return
  }
}

module attributes {stable_mosaic.version = 14 : i64} {
  func.func @_enc_kernel(%arg0: i32, %arg1: memref<1x1x512xi32, #tpu.memory_space<vmem>>, %arg2: memref<256x512xbf16, #tpu.memory_space<vmem>>, %arg3: memref<512x512xbf16, #tpu.memory_space<vmem>>, %arg4: memref<512x512xbf16, #tpu.memory_space<vmem>>, %arg5: memref<512x512xbf16, #tpu.memory_space<vmem>>, %arg6: memref<512x512xbf16, #tpu.memory_space<vmem>>, %arg7: memref<512x2048xbf16, #tpu.memory_space<vmem>>, %arg8: memref<2048x512xbf16, #tpu.memory_space<vmem>>, %arg9: memref<1x4x512xf32, #tpu.memory_space<vmem>>) attributes {dimension_semantics = [#tpu.dimension_semantics<arbitrary>], iteration_bounds = array<i64: 32>, scalar_prefetch = 0 : i64, scratch_operands = 0 : i64, tpu.core_type = #tpu.core_type<tc>, window_params = [{transform_indices = @transform_0, window_bounds = array<i64: 1, 1, 512>}, {pipeline_mode = #tpu.pipeline_mode<synchronous>, transform_indices = @transform_1, window_bounds = array<i64: 256, 512>}, {pipeline_mode = #tpu.pipeline_mode<synchronous>, transform_indices = @transform_2, window_bounds = array<i64: 512, 512>}, {pipeline_mode = #tpu.pipeline_mode<synchronous>, transform_indices = @transform_3, window_bounds = array<i64: 512, 512>}, {pipeline_mode = #tpu.pipeline_mode<synchronous>, transform_indices = @transform_4, window_bounds = array<i64: 512, 512>}, {pipeline_mode = #tpu.pipeline_mode<synchronous>, transform_indices = @transform_5, window_bounds = array<i64: 512, 512>}, {pipeline_mode = #tpu.pipeline_mode<synchronous>, transform_indices = @transform_6, window_bounds = array<i64: 512, 2048>}, {pipeline_mode = #tpu.pipeline_mode<synchronous>, transform_indices = @transform_7, window_bounds = array<i64: 2048, 512>}, {transform_indices = @transform_8, window_bounds = array<i64: 1, 4, 512>}]} {
    %get3A = arith.constant 0 : index
    %get3A_0 = arith.constant 0 : index
    %get3A_1 = arith.constant 0 : index
    %get3A_2 = vector.load %arg1[%get3A, %get3A_0, %get3A_1] : memref<1x1x512xi32, #tpu.memory_space<vmem>>, vector<1x1x512xi32>
    %get3A_3 = vector.shape_cast %get3A_2 : vector<1x1x512xi32> to vector<1x512xi32>
    %iota3A = tpu.iota {dimensions = array<i32: 0>} : vector<256x512xi32>
    %eq3A = vector.broadcast %get3A_3 : vector<1x512xi32> to vector<256x512xi32>
    %eq3A_4 = arith.cmpi eq, %iota3A, %eq3A : vector<256x512xi32>
    %convert_element_type3A = arith.extui %eq3A_4 : vector<256x512xi1> to vector<256x512xi32>
    %convert_element_type3A_5 = arith.sitofp %convert_element_type3A : vector<256x512xi32> to vector<256x512xf32>
    %convert_element_type3A_6 = arith.truncf %convert_element_type3A_5 : vector<256x512xf32> to vector<256x512xbf16>
    %get3A_7 = arith.constant 0 : index
    %get3A_8 = arith.constant 0 : index
    %get3A_9 = vector.load %arg2[%get3A_7, %get3A_8] : memref<256x512xbf16, #tpu.memory_space<vmem>>, vector<256x512xbf16>
    %dot_general3A = arith.constant dense<0.000000e+00> : vector<512x512xf32>
    %dot_general3A_10 = tpu.matmul %convert_element_type3A_6, %get3A_9, %dot_general3A {dimension_numbers = #tpu.dot_dimension_numbers<[0], [0], [1], [1], [0, 1, 1, 1], [], []>, transpose_lhs_hint = false} : vector<256x512xbf16>, vector<256x512xbf16>, vector<512x512xf32> -> vector<512x512xf32>
    %reduce_sum3A = arith.constant dense<0.000000e+00> : vector<512xf32>
    %reduce_sum3A_11 = vector.multi_reduction <add>, %dot_general3A_10, %reduce_sum3A [1] : vector<512x512xf32> to vector<512xf32>
    %broadcast_in_dim3A = vector.shape_cast %reduce_sum3A_11 : vector<512xf32> to vector<512x1xf32>
    %div3A = arith.constant 5.120000e+02 : f32
    %div3A_12 = vector.broadcast %div3A : f32 to vector<512x1xf32>
    %div3A_13 = arith.divf %broadcast_in_dim3A, %div3A_12 : vector<512x1xf32>
    %sub3A = vector.broadcast %div3A_13 : vector<512x1xf32> to vector<512x512xf32>
    %sub3A_14 = arith.subf %dot_general3A_10, %sub3A : vector<512x512xf32>
    %sub3A_15 = vector.broadcast %div3A_13 : vector<512x1xf32> to vector<512x512xf32>
    %sub3A_16 = arith.subf %dot_general3A_10, %sub3A_15 : vector<512x512xf32>
    %mul3A = arith.mulf %sub3A_14, %sub3A_16 : vector<512x512xf32>
    %reduce_sum3A_17 = arith.constant dense<0.000000e+00> : vector<512xf32>
    %reduce_sum3A_18 = vector.multi_reduction <add>, %mul3A, %reduce_sum3A_17 [1] : vector<512x512xf32> to vector<512xf32>
    %broadcast_in_dim3A_19 = vector.shape_cast %reduce_sum3A_18 : vector<512xf32> to vector<512x1xf32>
    %div3A_20 = arith.constant 5.120000e+02 : f32
    %div3A_21 = vector.broadcast %div3A_20 : f32 to vector<512x1xf32>
    %div3A_22 = arith.divf %broadcast_in_dim3A_19, %div3A_21 : vector<512x1xf32>
    %sub3A_23 = vector.broadcast %div3A_13 : vector<512x1xf32> to vector<512x512xf32>
    %sub3A_24 = arith.subf %dot_general3A_10, %sub3A_23 : vector<512x512xf32>
    %add3A = arith.constant 9.99999974E-6 : f32
    %add3A_25 = vector.broadcast %add3A : f32 to vector<512x1xf32>
    %add3A_26 = arith.addf %div3A_22, %add3A_25 : vector<512x1xf32>
    %sqrt3A = math.sqrt %add3A_26 : vector<512x1xf32>
    %div3A_27 = vector.broadcast %sqrt3A : vector<512x1xf32> to vector<512x512xf32>
    %div3A_28 = arith.divf %sub3A_24, %div3A_27 : vector<512x512xf32>
    %get3A_29 = arith.constant 0 : index
    %get3A_30 = arith.constant 0 : index
    %get3A_31 = vector.load %arg3[%get3A_29, %get3A_30] : memref<512x512xbf16, #tpu.memory_space<vmem>>, vector<512x512xbf16>
    %convert_element_type3A_32 = arith.truncf %div3A_28 : vector<512x512xf32> to vector<512x512xbf16>
    %dot_general3A_33 = arith.constant dense<0.000000e+00> : vector<512x512xf32>
    %dot_general3A_34 = tpu.matmul %convert_element_type3A_32, %get3A_31, %dot_general3A_33 {dimension_numbers = #tpu.dot_dimension_numbers<[1], [0], [0], [1], [0, 0, 1, 1], [], []>, transpose_lhs_hint = false} : vector<512x512xbf16>, vector<512x512xbf16>, vector<512x512xf32> -> vector<512x512xf32>
    %get3A_35 = arith.constant 0 : index
    %get3A_36 = arith.constant 0 : index
    %get3A_37 = vector.load %arg4[%get3A_35, %get3A_36] : memref<512x512xbf16, #tpu.memory_space<vmem>>, vector<512x512xbf16>
    %convert_element_type3A_38 = arith.truncf %div3A_28 : vector<512x512xf32> to vector<512x512xbf16>
    %dot_general3A_39 = arith.constant dense<0.000000e+00> : vector<512x512xf32>
    %dot_general3A_40 = tpu.matmul %convert_element_type3A_38, %get3A_37, %dot_general3A_39 {dimension_numbers = #tpu.dot_dimension_numbers<[1], [0], [0], [1], [0, 0, 1, 1], [], []>, transpose_lhs_hint = false} : vector<512x512xbf16>, vector<512x512xbf16>, vector<512x512xf32> -> vector<512x512xf32>
    %get3A_41 = arith.constant 0 : index
    %get3A_42 = arith.constant 0 : index
    %get3A_43 = vector.load %arg5[%get3A_41, %get3A_42] : memref<512x512xbf16, #tpu.memory_space<vmem>>, vector<512x512xbf16>
    %convert_element_type3A_44 = arith.truncf %div3A_28 : vector<512x512xf32> to vector<512x512xbf16>
    %dot_general3A_45 = arith.constant dense<0.000000e+00> : vector<512x512xf32>
    %dot_general3A_46 = tpu.matmul %convert_element_type3A_44, %get3A_43, %dot_general3A_45 {dimension_numbers = #tpu.dot_dimension_numbers<[1], [0], [0], [1], [0, 0, 1, 1], [], []>, transpose_lhs_hint = false} : vector<512x512xbf16>, vector<512x512xbf16>, vector<512x512xf32> -> vector<512x512xf32>
    %iota3A_47 = tpu.iota {dimensions = array<i32: 1>} : vector<1x512xi32>
    %jit3A = arith.constant 64 : i32
    %div3A_48 = vector.broadcast %jit3A : i32 to vector<1x512xi32>
    %div3A_49 = arith.divsi %iota3A_47, %div3A_48 : vector<1x512xi32>
    %sign3A = arith.constant 0 : i32
    %sign3A_50 = vector.broadcast %sign3A : i32 to vector<1x512xi32>
    %sign3A_51 = arith.cmpi sgt, %iota3A_47, %sign3A_50 : vector<1x512xi32>
    %sign3A_52 = arith.extui %sign3A_51 : vector<1x512xi1> to vector<1x512xi32>
    %sign3A_53 = arith.constant 0 : i32
    %sign3A_54 = vector.broadcast %sign3A_53 : i32 to vector<1x512xi32>
    %sign3A_55 = arith.cmpi slt, %iota3A_47, %sign3A_54 : vector<1x512xi32>
    %sign3A_56 = arith.extui %sign3A_55 : vector<1x512xi1> to vector<1x512xi32>
    %sign3A_57 = arith.subi %sign3A_52, %sign3A_56 : vector<1x512xi32>
    %sign3A_58 = arith.constant 0 : i32
    %sign3A_59 = arith.cmpi sgt, %jit3A, %sign3A_58 : i32
    %sign3A_60 = arith.extui %sign3A_59 : i1 to i32
    %sign3A_61 = arith.constant 0 : i32
    %sign3A_62 = arith.cmpi slt, %jit3A, %sign3A_61 : i32
    %sign3A_63 = arith.extui %sign3A_62 : i1 to i32
    %sign3A_64 = arith.subi %sign3A_60, %sign3A_63 : i32
    %ne3A = vector.broadcast %sign3A_64 : i32 to vector<1x512xi32>
    %ne3A_65 = arith.cmpi ne, %sign3A_57, %ne3A : vector<1x512xi32>
    %rem3A = vector.broadcast %jit3A : i32 to vector<1x512xi32>
    %rem3A_66 = arith.remsi %iota3A_47, %rem3A : vector<1x512xi32>
    %ne3A_67 = arith.constant 0 : i32
    %ne3A_68 = vector.broadcast %ne3A_67 : i32 to vector<1x512xi32>
    %ne3A_69 = arith.cmpi ne, %rem3A_66, %ne3A_68 : vector<1x512xi32>
    %and3A = arith.andi %ne3A_65, %ne3A_69 : vector<1x512xi1>
    %sub3A_70 = arith.constant 1 : i32
    %sub3A_71 = vector.broadcast %sub3A_70 : i32 to vector<1x512xi32>
    %sub3A_72 = arith.subi %div3A_49, %sub3A_71 : vector<1x512xi32>
    %select_n3A = arith.select %and3A, %sub3A_72, %div3A_49 : vector<1x512xi1>, vector<1x512xi32>
    %eq3A_73 = arith.constant 0 : i32
    %eq3A_74 = vector.broadcast %eq3A_73 : i32 to vector<1x512xi32>
    %eq3A_75 = arith.cmpi eq, %select_n3A, %eq3A_74 : vector<1x512xi32>
    %convert_element_type3A_76 = arith.extui %eq3A_75 : vector<1x512xi1> to vector<1x512xi32>
    %convert_element_type3A_77 = arith.sitofp %convert_element_type3A_76 : vector<1x512xi32> to vector<1x512xf32>
    %mul3A_78 = vector.broadcast %convert_element_type3A_77 : vector<1x512xf32> to vector<512x512xf32>
    %mul3A_79 = arith.mulf %dot_general3A_34, %mul3A_78 : vector<512x512xf32>
    %convert_element_type3A_80 = arith.truncf %mul3A_79 : vector<512x512xf32> to vector<512x512xbf16>
    %iota3A_81 = tpu.iota {dimensions = array<i32: 1>} : vector<1x512xi32>
    %jit3A_82 = arith.constant 64 : i32
    %div3A_83 = vector.broadcast %jit3A_82 : i32 to vector<1x512xi32>
    %div3A_84 = arith.divsi %iota3A_81, %div3A_83 : vector<1x512xi32>
    %sign3A_85 = arith.constant 0 : i32
    %sign3A_86 = vector.broadcast %sign3A_85 : i32 to vector<1x512xi32>
    %sign3A_87 = arith.cmpi sgt, %iota3A_81, %sign3A_86 : vector<1x512xi32>
    %sign3A_88 = arith.extui %sign3A_87 : vector<1x512xi1> to vector<1x512xi32>
    %sign3A_89 = arith.constant 0 : i32
    %sign3A_90 = vector.broadcast %sign3A_89 : i32 to vector<1x512xi32>
    %sign3A_91 = arith.cmpi slt, %iota3A_81, %sign3A_90 : vector<1x512xi32>
    %sign3A_92 = arith.extui %sign3A_91 : vector<1x512xi1> to vector<1x512xi32>
    %sign3A_93 = arith.subi %sign3A_88, %sign3A_92 : vector<1x512xi32>
    %sign3A_94 = arith.constant 0 : i32
    %sign3A_95 = arith.cmpi sgt, %jit3A_82, %sign3A_94 : i32
    %sign3A_96 = arith.extui %sign3A_95 : i1 to i32
    %sign3A_97 = arith.constant 0 : i32
    %sign3A_98 = arith.cmpi slt, %jit3A_82, %sign3A_97 : i32
    %sign3A_99 = arith.extui %sign3A_98 : i1 to i32
    %sign3A_100 = arith.subi %sign3A_96, %sign3A_99 : i32
    %ne3A_101 = vector.broadcast %sign3A_100 : i32 to vector<1x512xi32>
    %ne3A_102 = arith.cmpi ne, %sign3A_93, %ne3A_101 : vector<1x512xi32>
    %rem3A_103 = vector.broadcast %jit3A_82 : i32 to vector<1x512xi32>
    %rem3A_104 = arith.remsi %iota3A_81, %rem3A_103 : vector<1x512xi32>
    %ne3A_105 = arith.constant 0 : i32
    %ne3A_106 = vector.broadcast %ne3A_105 : i32 to vector<1x512xi32>
    %ne3A_107 = arith.cmpi ne, %rem3A_104, %ne3A_106 : vector<1x512xi32>
    %and3A_108 = arith.andi %ne3A_102, %ne3A_107 : vector<1x512xi1>
    %sub3A_109 = arith.constant 1 : i32
    %sub3A_110 = vector.broadcast %sub3A_109 : i32 to vector<1x512xi32>
    %sub3A_111 = arith.subi %div3A_84, %sub3A_110 : vector<1x512xi32>
    %select_n3A_112 = arith.select %and3A_108, %sub3A_111, %div3A_84 : vector<1x512xi1>, vector<1x512xi32>
    %eq3A_113 = arith.constant 1 : i32
    %eq3A_114 = vector.broadcast %eq3A_113 : i32 to vector<1x512xi32>
    %eq3A_115 = arith.cmpi eq, %select_n3A_112, %eq3A_114 : vector<1x512xi32>
    %convert_element_type3A_116 = arith.extui %eq3A_115 : vector<1x512xi1> to vector<1x512xi32>
    %convert_element_type3A_117 = arith.sitofp %convert_element_type3A_116 : vector<1x512xi32> to vector<1x512xf32>
    %mul3A_118 = vector.broadcast %convert_element_type3A_117 : vector<1x512xf32> to vector<512x512xf32>
    %mul3A_119 = arith.mulf %dot_general3A_34, %mul3A_118 : vector<512x512xf32>
    %convert_element_type3A_120 = arith.truncf %mul3A_119 : vector<512x512xf32> to vector<512x512xbf16>
    %iota3A_121 = tpu.iota {dimensions = array<i32: 1>} : vector<1x512xi32>
    %jit3A_122 = arith.constant 64 : i32
    %div3A_123 = vector.broadcast %jit3A_122 : i32 to vector<1x512xi32>
    %div3A_124 = arith.divsi %iota3A_121, %div3A_123 : vector<1x512xi32>
    %sign3A_125 = arith.constant 0 : i32
    %sign3A_126 = vector.broadcast %sign3A_125 : i32 to vector<1x512xi32>
    %sign3A_127 = arith.cmpi sgt, %iota3A_121, %sign3A_126 : vector<1x512xi32>
    %sign3A_128 = arith.extui %sign3A_127 : vector<1x512xi1> to vector<1x512xi32>
    %sign3A_129 = arith.constant 0 : i32
    %sign3A_130 = vector.broadcast %sign3A_129 : i32 to vector<1x512xi32>
    %sign3A_131 = arith.cmpi slt, %iota3A_121, %sign3A_130 : vector<1x512xi32>
    %sign3A_132 = arith.extui %sign3A_131 : vector<1x512xi1> to vector<1x512xi32>
    %sign3A_133 = arith.subi %sign3A_128, %sign3A_132 : vector<1x512xi32>
    %sign3A_134 = arith.constant 0 : i32
    %sign3A_135 = arith.cmpi sgt, %jit3A_122, %sign3A_134 : i32
    %sign3A_136 = arith.extui %sign3A_135 : i1 to i32
    %sign3A_137 = arith.constant 0 : i32
    %sign3A_138 = arith.cmpi slt, %jit3A_122, %sign3A_137 : i32
    %sign3A_139 = arith.extui %sign3A_138 : i1 to i32
    %sign3A_140 = arith.subi %sign3A_136, %sign3A_139 : i32
    %ne3A_141 = vector.broadcast %sign3A_140 : i32 to vector<1x512xi32>
    %ne3A_142 = arith.cmpi ne, %sign3A_133, %ne3A_141 : vector<1x512xi32>
    %rem3A_143 = vector.broadcast %jit3A_122 : i32 to vector<1x512xi32>
    %rem3A_144 = arith.remsi %iota3A_121, %rem3A_143 : vector<1x512xi32>
    %ne3A_145 = arith.constant 0 : i32
    %ne3A_146 = vector.broadcast %ne3A_145 : i32 to vector<1x512xi32>
    %ne3A_147 = arith.cmpi ne, %rem3A_144, %ne3A_146 : vector<1x512xi32>
    %and3A_148 = arith.andi %ne3A_142, %ne3A_147 : vector<1x512xi1>
    %sub3A_149 = arith.constant 1 : i32
    %sub3A_150 = vector.broadcast %sub3A_149 : i32 to vector<1x512xi32>
    %sub3A_151 = arith.subi %div3A_124, %sub3A_150 : vector<1x512xi32>
    %select_n3A_152 = arith.select %and3A_148, %sub3A_151, %div3A_124 : vector<1x512xi1>, vector<1x512xi32>
    %eq3A_153 = arith.constant 2 : i32
    %eq3A_154 = vector.broadcast %eq3A_153 : i32 to vector<1x512xi32>
    %eq3A_155 = arith.cmpi eq, %select_n3A_152, %eq3A_154 : vector<1x512xi32>
    %convert_element_type3A_156 = arith.extui %eq3A_155 : vector<1x512xi1> to vector<1x512xi32>
    %convert_element_type3A_157 = arith.sitofp %convert_element_type3A_156 : vector<1x512xi32> to vector<1x512xf32>
    %mul3A_158 = vector.broadcast %convert_element_type3A_157 : vector<1x512xf32> to vector<512x512xf32>
    %mul3A_159 = arith.mulf %dot_general3A_34, %mul3A_158 : vector<512x512xf32>
    %convert_element_type3A_160 = arith.truncf %mul3A_159 : vector<512x512xf32> to vector<512x512xbf16>
    %iota3A_161 = tpu.iota {dimensions = array<i32: 1>} : vector<1x512xi32>
    %jit3A_162 = arith.constant 64 : i32
    %div3A_163 = vector.broadcast %jit3A_162 : i32 to vector<1x512xi32>
    %div3A_164 = arith.divsi %iota3A_161, %div3A_163 : vector<1x512xi32>
    %sign3A_165 = arith.constant 0 : i32
    %sign3A_166 = vector.broadcast %sign3A_165 : i32 to vector<1x512xi32>
    %sign3A_167 = arith.cmpi sgt, %iota3A_161, %sign3A_166 : vector<1x512xi32>
    %sign3A_168 = arith.extui %sign3A_167 : vector<1x512xi1> to vector<1x512xi32>
    %sign3A_169 = arith.constant 0 : i32
    %sign3A_170 = vector.broadcast %sign3A_169 : i32 to vector<1x512xi32>
    %sign3A_171 = arith.cmpi slt, %iota3A_161, %sign3A_170 : vector<1x512xi32>
    %sign3A_172 = arith.extui %sign3A_171 : vector<1x512xi1> to vector<1x512xi32>
    %sign3A_173 = arith.subi %sign3A_168, %sign3A_172 : vector<1x512xi32>
    %sign3A_174 = arith.constant 0 : i32
    %sign3A_175 = arith.cmpi sgt, %jit3A_162, %sign3A_174 : i32
    %sign3A_176 = arith.extui %sign3A_175 : i1 to i32
    %sign3A_177 = arith.constant 0 : i32
    %sign3A_178 = arith.cmpi slt, %jit3A_162, %sign3A_177 : i32
    %sign3A_179 = arith.extui %sign3A_178 : i1 to i32
    %sign3A_180 = arith.subi %sign3A_176, %sign3A_179 : i32
    %ne3A_181 = vector.broadcast %sign3A_180 : i32 to vector<1x512xi32>
    %ne3A_182 = arith.cmpi ne, %sign3A_173, %ne3A_181 : vector<1x512xi32>
    %rem3A_183 = vector.broadcast %jit3A_162 : i32 to vector<1x512xi32>
    %rem3A_184 = arith.remsi %iota3A_161, %rem3A_183 : vector<1x512xi32>
    %ne3A_185 = arith.constant 0 : i32
    %ne3A_186 = vector.broadcast %ne3A_185 : i32 to vector<1x512xi32>
    %ne3A_187 = arith.cmpi ne, %rem3A_184, %ne3A_186 : vector<1x512xi32>
    %and3A_188 = arith.andi %ne3A_182, %ne3A_187 : vector<1x512xi1>
    %sub3A_189 = arith.constant 1 : i32
    %sub3A_190 = vector.broadcast %sub3A_189 : i32 to vector<1x512xi32>
    %sub3A_191 = arith.subi %div3A_164, %sub3A_190 : vector<1x512xi32>
    %select_n3A_192 = arith.select %and3A_188, %sub3A_191, %div3A_164 : vector<1x512xi1>, vector<1x512xi32>
    %eq3A_193 = arith.constant 3 : i32
    %eq3A_194 = vector.broadcast %eq3A_193 : i32 to vector<1x512xi32>
    %eq3A_195 = arith.cmpi eq, %select_n3A_192, %eq3A_194 : vector<1x512xi32>
    %convert_element_type3A_196 = arith.extui %eq3A_195 : vector<1x512xi1> to vector<1x512xi32>
    %convert_element_type3A_197 = arith.sitofp %convert_element_type3A_196 : vector<1x512xi32> to vector<1x512xf32>
    %mul3A_198 = vector.broadcast %convert_element_type3A_197 : vector<1x512xf32> to vector<512x512xf32>
    %mul3A_199 = arith.mulf %dot_general3A_34, %mul3A_198 : vector<512x512xf32>
    %convert_element_type3A_200 = arith.truncf %mul3A_199 : vector<512x512xf32> to vector<512x512xbf16>
    %iota3A_201 = tpu.iota {dimensions = array<i32: 1>} : vector<1x512xi32>
    %jit3A_202 = arith.constant 64 : i32
    %div3A_203 = vector.broadcast %jit3A_202 : i32 to vector<1x512xi32>
    %div3A_204 = arith.divsi %iota3A_201, %div3A_203 : vector<1x512xi32>
    %sign3A_205 = arith.constant 0 : i32
    %sign3A_206 = vector.broadcast %sign3A_205 : i32 to vector<1x512xi32>
    %sign3A_207 = arith.cmpi sgt, %iota3A_201, %sign3A_206 : vector<1x512xi32>
    %sign3A_208 = arith.extui %sign3A_207 : vector<1x512xi1> to vector<1x512xi32>
    %sign3A_209 = arith.constant 0 : i32
    %sign3A_210 = vector.broadcast %sign3A_209 : i32 to vector<1x512xi32>
    %sign3A_211 = arith.cmpi slt, %iota3A_201, %sign3A_210 : vector<1x512xi32>
    %sign3A_212 = arith.extui %sign3A_211 : vector<1x512xi1> to vector<1x512xi32>
    %sign3A_213 = arith.subi %sign3A_208, %sign3A_212 : vector<1x512xi32>
    %sign3A_214 = arith.constant 0 : i32
    %sign3A_215 = arith.cmpi sgt, %jit3A_202, %sign3A_214 : i32
    %sign3A_216 = arith.extui %sign3A_215 : i1 to i32
    %sign3A_217 = arith.constant 0 : i32
    %sign3A_218 = arith.cmpi slt, %jit3A_202, %sign3A_217 : i32
    %sign3A_219 = arith.extui %sign3A_218 : i1 to i32
    %sign3A_220 = arith.subi %sign3A_216, %sign3A_219 : i32
    %ne3A_221 = vector.broadcast %sign3A_220 : i32 to vector<1x512xi32>
    %ne3A_222 = arith.cmpi ne, %sign3A_213, %ne3A_221 : vector<1x512xi32>
    %rem3A_223 = vector.broadcast %jit3A_202 : i32 to vector<1x512xi32>
    %rem3A_224 = arith.remsi %iota3A_201, %rem3A_223 : vector<1x512xi32>
    %ne3A_225 = arith.constant 0 : i32
    %ne3A_226 = vector.broadcast %ne3A_225 : i32 to vector<1x512xi32>
    %ne3A_227 = arith.cmpi ne, %rem3A_224, %ne3A_226 : vector<1x512xi32>
    %and3A_228 = arith.andi %ne3A_222, %ne3A_227 : vector<1x512xi1>
    %sub3A_229 = arith.constant 1 : i32
    %sub3A_230 = vector.broadcast %sub3A_229 : i32 to vector<1x512xi32>
    %sub3A_231 = arith.subi %div3A_204, %sub3A_230 : vector<1x512xi32>
    %select_n3A_232 = arith.select %and3A_228, %sub3A_231, %div3A_204 : vector<1x512xi1>, vector<1x512xi32>
    %eq3A_233 = arith.constant 4 : i32
    %eq3A_234 = vector.broadcast %eq3A_233 : i32 to vector<1x512xi32>
    %eq3A_235 = arith.cmpi eq, %select_n3A_232, %eq3A_234 : vector<1x512xi32>
    %convert_element_type3A_236 = arith.extui %eq3A_235 : vector<1x512xi1> to vector<1x512xi32>
    %convert_element_type3A_237 = arith.sitofp %convert_element_type3A_236 : vector<1x512xi32> to vector<1x512xf32>
    %mul3A_238 = vector.broadcast %convert_element_type3A_237 : vector<1x512xf32> to vector<512x512xf32>
    %mul3A_239 = arith.mulf %dot_general3A_34, %mul3A_238 : vector<512x512xf32>
    %convert_element_type3A_240 = arith.truncf %mul3A_239 : vector<512x512xf32> to vector<512x512xbf16>
    %iota3A_241 = tpu.iota {dimensions = array<i32: 1>} : vector<1x512xi32>
    %jit3A_242 = arith.constant 64 : i32
    %div3A_243 = vector.broadcast %jit3A_242 : i32 to vector<1x512xi32>
    %div3A_244 = arith.divsi %iota3A_241, %div3A_243 : vector<1x512xi32>
    %sign3A_245 = arith.constant 0 : i32
    %sign3A_246 = vector.broadcast %sign3A_245 : i32 to vector<1x512xi32>
    %sign3A_247 = arith.cmpi sgt, %iota3A_241, %sign3A_246 : vector<1x512xi32>
    %sign3A_248 = arith.extui %sign3A_247 : vector<1x512xi1> to vector<1x512xi32>
    %sign3A_249 = arith.constant 0 : i32
    %sign3A_250 = vector.broadcast %sign3A_249 : i32 to vector<1x512xi32>
    %sign3A_251 = arith.cmpi slt, %iota3A_241, %sign3A_250 : vector<1x512xi32>
    %sign3A_252 = arith.extui %sign3A_251 : vector<1x512xi1> to vector<1x512xi32>
    %sign3A_253 = arith.subi %sign3A_248, %sign3A_252 : vector<1x512xi32>
    %sign3A_254 = arith.constant 0 : i32
    %sign3A_255 = arith.cmpi sgt, %jit3A_242, %sign3A_254 : i32
    %sign3A_256 = arith.extui %sign3A_255 : i1 to i32
    %sign3A_257 = arith.constant 0 : i32
    %sign3A_258 = arith.cmpi slt, %jit3A_242, %sign3A_257 : i32
    %sign3A_259 = arith.extui %sign3A_258 : i1 to i32
    %sign3A_260 = arith.subi %sign3A_256, %sign3A_259 : i32
    %ne3A_261 = vector.broadcast %sign3A_260 : i32 to vector<1x512xi32>
    %ne3A_262 = arith.cmpi ne, %sign3A_253, %ne3A_261 : vector<1x512xi32>
    %rem3A_263 = vector.broadcast %jit3A_242 : i32 to vector<1x512xi32>
    %rem3A_264 = arith.remsi %iota3A_241, %rem3A_263 : vector<1x512xi32>
    %ne3A_265 = arith.constant 0 : i32
    %ne3A_266 = vector.broadcast %ne3A_265 : i32 to vector<1x512xi32>
    %ne3A_267 = arith.cmpi ne, %rem3A_264, %ne3A_266 : vector<1x512xi32>
    %and3A_268 = arith.andi %ne3A_262, %ne3A_267 : vector<1x512xi1>
    %sub3A_269 = arith.constant 1 : i32
    %sub3A_270 = vector.broadcast %sub3A_269 : i32 to vector<1x512xi32>
    %sub3A_271 = arith.subi %div3A_244, %sub3A_270 : vector<1x512xi32>
    %select_n3A_272 = arith.select %and3A_268, %sub3A_271, %div3A_244 : vector<1x512xi1>, vector<1x512xi32>
    %eq3A_273 = arith.constant 5 : i32
    %eq3A_274 = vector.broadcast %eq3A_273 : i32 to vector<1x512xi32>
    %eq3A_275 = arith.cmpi eq, %select_n3A_272, %eq3A_274 : vector<1x512xi32>
    %convert_element_type3A_276 = arith.extui %eq3A_275 : vector<1x512xi1> to vector<1x512xi32>
    %convert_element_type3A_277 = arith.sitofp %convert_element_type3A_276 : vector<1x512xi32> to vector<1x512xf32>
    %mul3A_278 = vector.broadcast %convert_element_type3A_277 : vector<1x512xf32> to vector<512x512xf32>
    %mul3A_279 = arith.mulf %dot_general3A_34, %mul3A_278 : vector<512x512xf32>
    %convert_element_type3A_280 = arith.truncf %mul3A_279 : vector<512x512xf32> to vector<512x512xbf16>
    %iota3A_281 = tpu.iota {dimensions = array<i32: 1>} : vector<1x512xi32>
    %jit3A_282 = arith.constant 64 : i32
    %div3A_283 = vector.broadcast %jit3A_282 : i32 to vector<1x512xi32>
    %div3A_284 = arith.divsi %iota3A_281, %div3A_283 : vector<1x512xi32>
    %sign3A_285 = arith.constant 0 : i32
    %sign3A_286 = vector.broadcast %sign3A_285 : i32 to vector<1x512xi32>
    %sign3A_287 = arith.cmpi sgt, %iota3A_281, %sign3A_286 : vector<1x512xi32>
    %sign3A_288 = arith.extui %sign3A_287 : vector<1x512xi1> to vector<1x512xi32>
    %sign3A_289 = arith.constant 0 : i32
    %sign3A_290 = vector.broadcast %sign3A_289 : i32 to vector<1x512xi32>
    %sign3A_291 = arith.cmpi slt, %iota3A_281, %sign3A_290 : vector<1x512xi32>
    %sign3A_292 = arith.extui %sign3A_291 : vector<1x512xi1> to vector<1x512xi32>
    %sign3A_293 = arith.subi %sign3A_288, %sign3A_292 : vector<1x512xi32>
    %sign3A_294 = arith.constant 0 : i32
    %sign3A_295 = arith.cmpi sgt, %jit3A_282, %sign3A_294 : i32
    %sign3A_296 = arith.extui %sign3A_295 : i1 to i32
    %sign3A_297 = arith.constant 0 : i32
    %sign3A_298 = arith.cmpi slt, %jit3A_282, %sign3A_297 : i32
    %sign3A_299 = arith.extui %sign3A_298 : i1 to i32
    %sign3A_300 = arith.subi %sign3A_296, %sign3A_299 : i32
    %ne3A_301 = vector.broadcast %sign3A_300 : i32 to vector<1x512xi32>
    %ne3A_302 = arith.cmpi ne, %sign3A_293, %ne3A_301 : vector<1x512xi32>
    %rem3A_303 = vector.broadcast %jit3A_282 : i32 to vector<1x512xi32>
    %rem3A_304 = arith.remsi %iota3A_281, %rem3A_303 : vector<1x512xi32>
    %ne3A_305 = arith.constant 0 : i32
    %ne3A_306 = vector.broadcast %ne3A_305 : i32 to vector<1x512xi32>
    %ne3A_307 = arith.cmpi ne, %rem3A_304, %ne3A_306 : vector<1x512xi32>
    %and3A_308 = arith.andi %ne3A_302, %ne3A_307 : vector<1x512xi1>
    %sub3A_309 = arith.constant 1 : i32
    %sub3A_310 = vector.broadcast %sub3A_309 : i32 to vector<1x512xi32>
    %sub3A_311 = arith.subi %div3A_284, %sub3A_310 : vector<1x512xi32>
    %select_n3A_312 = arith.select %and3A_308, %sub3A_311, %div3A_284 : vector<1x512xi1>, vector<1x512xi32>
    %eq3A_313 = arith.constant 6 : i32
    %eq3A_314 = vector.broadcast %eq3A_313 : i32 to vector<1x512xi32>
    %eq3A_315 = arith.cmpi eq, %select_n3A_312, %eq3A_314 : vector<1x512xi32>
    %convert_element_type3A_316 = arith.extui %eq3A_315 : vector<1x512xi1> to vector<1x512xi32>
    %convert_element_type3A_317 = arith.sitofp %convert_element_type3A_316 : vector<1x512xi32> to vector<1x512xf32>
    %mul3A_318 = vector.broadcast %convert_element_type3A_317 : vector<1x512xf32> to vector<512x512xf32>
    %mul3A_319 = arith.mulf %dot_general3A_34, %mul3A_318 : vector<512x512xf32>
    %convert_element_type3A_320 = arith.truncf %mul3A_319 : vector<512x512xf32> to vector<512x512xbf16>
    %iota3A_321 = tpu.iota {dimensions = array<i32: 1>} : vector<1x512xi32>
    %jit3A_322 = arith.constant 64 : i32
    %div3A_323 = vector.broadcast %jit3A_322 : i32 to vector<1x512xi32>
    %div3A_324 = arith.divsi %iota3A_321, %div3A_323 : vector<1x512xi32>
    %sign3A_325 = arith.constant 0 : i32
    %sign3A_326 = vector.broadcast %sign3A_325 : i32 to vector<1x512xi32>
    %sign3A_327 = arith.cmpi sgt, %iota3A_321, %sign3A_326 : vector<1x512xi32>
    %sign3A_328 = arith.extui %sign3A_327 : vector<1x512xi1> to vector<1x512xi32>
    %sign3A_329 = arith.constant 0 : i32
    %sign3A_330 = vector.broadcast %sign3A_329 : i32 to vector<1x512xi32>
    %sign3A_331 = arith.cmpi slt, %iota3A_321, %sign3A_330 : vector<1x512xi32>
    %sign3A_332 = arith.extui %sign3A_331 : vector<1x512xi1> to vector<1x512xi32>
    %sign3A_333 = arith.subi %sign3A_328, %sign3A_332 : vector<1x512xi32>
    %sign3A_334 = arith.constant 0 : i32
    %sign3A_335 = arith.cmpi sgt, %jit3A_322, %sign3A_334 : i32
    %sign3A_336 = arith.extui %sign3A_335 : i1 to i32
    %sign3A_337 = arith.constant 0 : i32
    %sign3A_338 = arith.cmpi slt, %jit3A_322, %sign3A_337 : i32
    %sign3A_339 = arith.extui %sign3A_338 : i1 to i32
    %sign3A_340 = arith.subi %sign3A_336, %sign3A_339 : i32
    %ne3A_341 = vector.broadcast %sign3A_340 : i32 to vector<1x512xi32>
    %ne3A_342 = arith.cmpi ne, %sign3A_333, %ne3A_341 : vector<1x512xi32>
    %rem3A_343 = vector.broadcast %jit3A_322 : i32 to vector<1x512xi32>
    %rem3A_344 = arith.remsi %iota3A_321, %rem3A_343 : vector<1x512xi32>
    %ne3A_345 = arith.constant 0 : i32
    %ne3A_346 = vector.broadcast %ne3A_345 : i32 to vector<1x512xi32>
    %ne3A_347 = arith.cmpi ne, %rem3A_344, %ne3A_346 : vector<1x512xi32>
    %and3A_348 = arith.andi %ne3A_342, %ne3A_347 : vector<1x512xi1>
    %sub3A_349 = arith.constant 1 : i32
    %sub3A_350 = vector.broadcast %sub3A_349 : i32 to vector<1x512xi32>
    %sub3A_351 = arith.subi %div3A_324, %sub3A_350 : vector<1x512xi32>
    %select_n3A_352 = arith.select %and3A_348, %sub3A_351, %div3A_324 : vector<1x512xi1>, vector<1x512xi32>
    %eq3A_353 = arith.constant 7 : i32
    %eq3A_354 = vector.broadcast %eq3A_353 : i32 to vector<1x512xi32>
    %eq3A_355 = arith.cmpi eq, %select_n3A_352, %eq3A_354 : vector<1x512xi32>
    %convert_element_type3A_356 = arith.extui %eq3A_355 : vector<1x512xi1> to vector<1x512xi32>
    %convert_element_type3A_357 = arith.sitofp %convert_element_type3A_356 : vector<1x512xi32> to vector<1x512xf32>
    %mul3A_358 = vector.broadcast %convert_element_type3A_357 : vector<1x512xf32> to vector<512x512xf32>
    %mul3A_359 = arith.mulf %dot_general3A_34, %mul3A_358 : vector<512x512xf32>
    %convert_element_type3A_360 = arith.truncf %mul3A_359 : vector<512x512xf32> to vector<512x512xbf16>
    %iota3A_361 = tpu.iota {dimensions = array<i32: 1>} : vector<1x512xi32>
    %jit3A_362 = arith.constant 64 : i32
    %div3A_363 = vector.broadcast %jit3A_362 : i32 to vector<1x512xi32>
    %div3A_364 = arith.divsi %iota3A_361, %div3A_363 : vector<1x512xi32>
    %sign3A_365 = arith.constant 0 : i32
    %sign3A_366 = vector.broadcast %sign3A_365 : i32 to vector<1x512xi32>
    %sign3A_367 = arith.cmpi sgt, %iota3A_361, %sign3A_366 : vector<1x512xi32>
    %sign3A_368 = arith.extui %sign3A_367 : vector<1x512xi1> to vector<1x512xi32>
    %sign3A_369 = arith.constant 0 : i32
    %sign3A_370 = vector.broadcast %sign3A_369 : i32 to vector<1x512xi32>
    %sign3A_371 = arith.cmpi slt, %iota3A_361, %sign3A_370 : vector<1x512xi32>
    %sign3A_372 = arith.extui %sign3A_371 : vector<1x512xi1> to vector<1x512xi32>
    %sign3A_373 = arith.subi %sign3A_368, %sign3A_372 : vector<1x512xi32>
    %sign3A_374 = arith.constant 0 : i32
    %sign3A_375 = arith.cmpi sgt, %jit3A_362, %sign3A_374 : i32
    %sign3A_376 = arith.extui %sign3A_375 : i1 to i32
    %sign3A_377 = arith.constant 0 : i32
    %sign3A_378 = arith.cmpi slt, %jit3A_362, %sign3A_377 : i32
    %sign3A_379 = arith.extui %sign3A_378 : i1 to i32
    %sign3A_380 = arith.subi %sign3A_376, %sign3A_379 : i32
    %ne3A_381 = vector.broadcast %sign3A_380 : i32 to vector<1x512xi32>
    %ne3A_382 = arith.cmpi ne, %sign3A_373, %ne3A_381 : vector<1x512xi32>
    %rem3A_383 = vector.broadcast %jit3A_362 : i32 to vector<1x512xi32>
    %rem3A_384 = arith.remsi %iota3A_361, %rem3A_383 : vector<1x512xi32>
    %ne3A_385 = arith.constant 0 : i32
    %ne3A_386 = vector.broadcast %ne3A_385 : i32 to vector<1x512xi32>
    %ne3A_387 = arith.cmpi ne, %rem3A_384, %ne3A_386 : vector<1x512xi32>
    %and3A_388 = arith.andi %ne3A_382, %ne3A_387 : vector<1x512xi1>
    %sub3A_389 = arith.constant 1 : i32
    %sub3A_390 = vector.broadcast %sub3A_389 : i32 to vector<1x512xi32>
    %sub3A_391 = arith.subi %div3A_364, %sub3A_390 : vector<1x512xi32>
    %select_n3A_392 = arith.select %and3A_388, %sub3A_391, %div3A_364 : vector<1x512xi1>, vector<1x512xi32>
    %eq3A_393 = arith.constant 0 : i32
    %eq3A_394 = vector.broadcast %eq3A_393 : i32 to vector<1x512xi32>
    %eq3A_395 = arith.cmpi eq, %select_n3A_392, %eq3A_394 : vector<1x512xi32>
    %convert_element_type3A_396 = arith.extui %eq3A_395 : vector<1x512xi1> to vector<1x512xi32>
    %convert_element_type3A_397 = arith.sitofp %convert_element_type3A_396 : vector<1x512xi32> to vector<1x512xf32>
    %mul3A_398 = vector.broadcast %convert_element_type3A_397 : vector<1x512xf32> to vector<512x512xf32>
    %mul3A_399 = arith.mulf %dot_general3A_46, %mul3A_398 : vector<512x512xf32>
    %convert_element_type3A_400 = arith.truncf %mul3A_399 : vector<512x512xf32> to vector<512x512xbf16>
    %iota3A_401 = tpu.iota {dimensions = array<i32: 1>} : vector<1x512xi32>
    %jit3A_402 = arith.constant 64 : i32
    %div3A_403 = vector.broadcast %jit3A_402 : i32 to vector<1x512xi32>
    %div3A_404 = arith.divsi %iota3A_401, %div3A_403 : vector<1x512xi32>
    %sign3A_405 = arith.constant 0 : i32
    %sign3A_406 = vector.broadcast %sign3A_405 : i32 to vector<1x512xi32>
    %sign3A_407 = arith.cmpi sgt, %iota3A_401, %sign3A_406 : vector<1x512xi32>
    %sign3A_408 = arith.extui %sign3A_407 : vector<1x512xi1> to vector<1x512xi32>
    %sign3A_409 = arith.constant 0 : i32
    %sign3A_410 = vector.broadcast %sign3A_409 : i32 to vector<1x512xi32>
    %sign3A_411 = arith.cmpi slt, %iota3A_401, %sign3A_410 : vector<1x512xi32>
    %sign3A_412 = arith.extui %sign3A_411 : vector<1x512xi1> to vector<1x512xi32>
    %sign3A_413 = arith.subi %sign3A_408, %sign3A_412 : vector<1x512xi32>
    %sign3A_414 = arith.constant 0 : i32
    %sign3A_415 = arith.cmpi sgt, %jit3A_402, %sign3A_414 : i32
    %sign3A_416 = arith.extui %sign3A_415 : i1 to i32
    %sign3A_417 = arith.constant 0 : i32
    %sign3A_418 = arith.cmpi slt, %jit3A_402, %sign3A_417 : i32
    %sign3A_419 = arith.extui %sign3A_418 : i1 to i32
    %sign3A_420 = arith.subi %sign3A_416, %sign3A_419 : i32
    %ne3A_421 = vector.broadcast %sign3A_420 : i32 to vector<1x512xi32>
    %ne3A_422 = arith.cmpi ne, %sign3A_413, %ne3A_421 : vector<1x512xi32>
    %rem3A_423 = vector.broadcast %jit3A_402 : i32 to vector<1x512xi32>
    %rem3A_424 = arith.remsi %iota3A_401, %rem3A_423 : vector<1x512xi32>
    %ne3A_425 = arith.constant 0 : i32
    %ne3A_426 = vector.broadcast %ne3A_425 : i32 to vector<1x512xi32>
    %ne3A_427 = arith.cmpi ne, %rem3A_424, %ne3A_426 : vector<1x512xi32>
    %and3A_428 = arith.andi %ne3A_422, %ne3A_427 : vector<1x512xi1>
    %sub3A_429 = arith.constant 1 : i32
    %sub3A_430 = vector.broadcast %sub3A_429 : i32 to vector<1x512xi32>
    %sub3A_431 = arith.subi %div3A_404, %sub3A_430 : vector<1x512xi32>
    %select_n3A_432 = arith.select %and3A_428, %sub3A_431, %div3A_404 : vector<1x512xi1>, vector<1x512xi32>
    %eq3A_433 = arith.constant 1 : i32
    %eq3A_434 = vector.broadcast %eq3A_433 : i32 to vector<1x512xi32>
    %eq3A_435 = arith.cmpi eq, %select_n3A_432, %eq3A_434 : vector<1x512xi32>
    %convert_element_type3A_436 = arith.extui %eq3A_435 : vector<1x512xi1> to vector<1x512xi32>
    %convert_element_type3A_437 = arith.sitofp %convert_element_type3A_436 : vector<1x512xi32> to vector<1x512xf32>
    %mul3A_438 = vector.broadcast %convert_element_type3A_437 : vector<1x512xf32> to vector<512x512xf32>
    %mul3A_439 = arith.mulf %dot_general3A_46, %mul3A_438 : vector<512x512xf32>
    %convert_element_type3A_440 = arith.truncf %mul3A_439 : vector<512x512xf32> to vector<512x512xbf16>
    %iota3A_441 = tpu.iota {dimensions = array<i32: 1>} : vector<1x512xi32>
    %jit3A_442 = arith.constant 64 : i32
    %div3A_443 = vector.broadcast %jit3A_442 : i32 to vector<1x512xi32>
    %div3A_444 = arith.divsi %iota3A_441, %div3A_443 : vector<1x512xi32>
    %sign3A_445 = arith.constant 0 : i32
    %sign3A_446 = vector.broadcast %sign3A_445 : i32 to vector<1x512xi32>
    %sign3A_447 = arith.cmpi sgt, %iota3A_441, %sign3A_446 : vector<1x512xi32>
    %sign3A_448 = arith.extui %sign3A_447 : vector<1x512xi1> to vector<1x512xi32>
    %sign3A_449 = arith.constant 0 : i32
    %sign3A_450 = vector.broadcast %sign3A_449 : i32 to vector<1x512xi32>
    %sign3A_451 = arith.cmpi slt, %iota3A_441, %sign3A_450 : vector<1x512xi32>
    %sign3A_452 = arith.extui %sign3A_451 : vector<1x512xi1> to vector<1x512xi32>
    %sign3A_453 = arith.subi %sign3A_448, %sign3A_452 : vector<1x512xi32>
    %sign3A_454 = arith.constant 0 : i32
    %sign3A_455 = arith.cmpi sgt, %jit3A_442, %sign3A_454 : i32
    %sign3A_456 = arith.extui %sign3A_455 : i1 to i32
    %sign3A_457 = arith.constant 0 : i32
    %sign3A_458 = arith.cmpi slt, %jit3A_442, %sign3A_457 : i32
    %sign3A_459 = arith.extui %sign3A_458 : i1 to i32
    %sign3A_460 = arith.subi %sign3A_456, %sign3A_459 : i32
    %ne3A_461 = vector.broadcast %sign3A_460 : i32 to vector<1x512xi32>
    %ne3A_462 = arith.cmpi ne, %sign3A_453, %ne3A_461 : vector<1x512xi32>
    %rem3A_463 = vector.broadcast %jit3A_442 : i32 to vector<1x512xi32>
    %rem3A_464 = arith.remsi %iota3A_441, %rem3A_463 : vector<1x512xi32>
    %ne3A_465 = arith.constant 0 : i32
    %ne3A_466 = vector.broadcast %ne3A_465 : i32 to vector<1x512xi32>
    %ne3A_467 = arith.cmpi ne, %rem3A_464, %ne3A_466 : vector<1x512xi32>
    %and3A_468 = arith.andi %ne3A_462, %ne3A_467 : vector<1x512xi1>
    %sub3A_469 = arith.constant 1 : i32
    %sub3A_470 = vector.broadcast %sub3A_469 : i32 to vector<1x512xi32>
    %sub3A_471 = arith.subi %div3A_444, %sub3A_470 : vector<1x512xi32>
    %select_n3A_472 = arith.select %and3A_468, %sub3A_471, %div3A_444 : vector<1x512xi1>, vector<1x512xi32>
    %eq3A_473 = arith.constant 2 : i32
    %eq3A_474 = vector.broadcast %eq3A_473 : i32 to vector<1x512xi32>
    %eq3A_475 = arith.cmpi eq, %select_n3A_472, %eq3A_474 : vector<1x512xi32>
    %convert_element_type3A_476 = arith.extui %eq3A_475 : vector<1x512xi1> to vector<1x512xi32>
    %convert_element_type3A_477 = arith.sitofp %convert_element_type3A_476 : vector<1x512xi32> to vector<1x512xf32>
    %mul3A_478 = vector.broadcast %convert_element_type3A_477 : vector<1x512xf32> to vector<512x512xf32>
    %mul3A_479 = arith.mulf %dot_general3A_46, %mul3A_478 : vector<512x512xf32>
    %convert_element_type3A_480 = arith.truncf %mul3A_479 : vector<512x512xf32> to vector<512x512xbf16>
    %iota3A_481 = tpu.iota {dimensions = array<i32: 1>} : vector<1x512xi32>
    %jit3A_482 = arith.constant 64 : i32
    %div3A_483 = vector.broadcast %jit3A_482 : i32 to vector<1x512xi32>
    %div3A_484 = arith.divsi %iota3A_481, %div3A_483 : vector<1x512xi32>
    %sign3A_485 = arith.constant 0 : i32
    %sign3A_486 = vector.broadcast %sign3A_485 : i32 to vector<1x512xi32>
    %sign3A_487 = arith.cmpi sgt, %iota3A_481, %sign3A_486 : vector<1x512xi32>
    %sign3A_488 = arith.extui %sign3A_487 : vector<1x512xi1> to vector<1x512xi32>
    %sign3A_489 = arith.constant 0 : i32
    %sign3A_490 = vector.broadcast %sign3A_489 : i32 to vector<1x512xi32>
    %sign3A_491 = arith.cmpi slt, %iota3A_481, %sign3A_490 : vector<1x512xi32>
    %sign3A_492 = arith.extui %sign3A_491 : vector<1x512xi1> to vector<1x512xi32>
    %sign3A_493 = arith.subi %sign3A_488, %sign3A_492 : vector<1x512xi32>
    %sign3A_494 = arith.constant 0 : i32
    %sign3A_495 = arith.cmpi sgt, %jit3A_482, %sign3A_494 : i32
    %sign3A_496 = arith.extui %sign3A_495 : i1 to i32
    %sign3A_497 = arith.constant 0 : i32
    %sign3A_498 = arith.cmpi slt, %jit3A_482, %sign3A_497 : i32
    %sign3A_499 = arith.extui %sign3A_498 : i1 to i32
    %sign3A_500 = arith.subi %sign3A_496, %sign3A_499 : i32
    %ne3A_501 = vector.broadcast %sign3A_500 : i32 to vector<1x512xi32>
    %ne3A_502 = arith.cmpi ne, %sign3A_493, %ne3A_501 : vector<1x512xi32>
    %rem3A_503 = vector.broadcast %jit3A_482 : i32 to vector<1x512xi32>
    %rem3A_504 = arith.remsi %iota3A_481, %rem3A_503 : vector<1x512xi32>
    %ne3A_505 = arith.constant 0 : i32
    %ne3A_506 = vector.broadcast %ne3A_505 : i32 to vector<1x512xi32>
    %ne3A_507 = arith.cmpi ne, %rem3A_504, %ne3A_506 : vector<1x512xi32>
    %and3A_508 = arith.andi %ne3A_502, %ne3A_507 : vector<1x512xi1>
    %sub3A_509 = arith.constant 1 : i32
    %sub3A_510 = vector.broadcast %sub3A_509 : i32 to vector<1x512xi32>
    %sub3A_511 = arith.subi %div3A_484, %sub3A_510 : vector<1x512xi32>
    %select_n3A_512 = arith.select %and3A_508, %sub3A_511, %div3A_484 : vector<1x512xi1>, vector<1x512xi32>
    %eq3A_513 = arith.constant 3 : i32
    %eq3A_514 = vector.broadcast %eq3A_513 : i32 to vector<1x512xi32>
    %eq3A_515 = arith.cmpi eq, %select_n3A_512, %eq3A_514 : vector<1x512xi32>
    %convert_element_type3A_516 = arith.extui %eq3A_515 : vector<1x512xi1> to vector<1x512xi32>
    %convert_element_type3A_517 = arith.sitofp %convert_element_type3A_516 : vector<1x512xi32> to vector<1x512xf32>
    %mul3A_518 = vector.broadcast %convert_element_type3A_517 : vector<1x512xf32> to vector<512x512xf32>
    %mul3A_519 = arith.mulf %dot_general3A_46, %mul3A_518 : vector<512x512xf32>
    %convert_element_type3A_520 = arith.truncf %mul3A_519 : vector<512x512xf32> to vector<512x512xbf16>
    %iota3A_521 = tpu.iota {dimensions = array<i32: 1>} : vector<1x512xi32>
    %jit3A_522 = arith.constant 64 : i32
    %div3A_523 = vector.broadcast %jit3A_522 : i32 to vector<1x512xi32>
    %div3A_524 = arith.divsi %iota3A_521, %div3A_523 : vector<1x512xi32>
    %sign3A_525 = arith.constant 0 : i32
    %sign3A_526 = vector.broadcast %sign3A_525 : i32 to vector<1x512xi32>
    %sign3A_527 = arith.cmpi sgt, %iota3A_521, %sign3A_526 : vector<1x512xi32>
    %sign3A_528 = arith.extui %sign3A_527 : vector<1x512xi1> to vector<1x512xi32>
    %sign3A_529 = arith.constant 0 : i32
    %sign3A_530 = vector.broadcast %sign3A_529 : i32 to vector<1x512xi32>
    %sign3A_531 = arith.cmpi slt, %iota3A_521, %sign3A_530 : vector<1x512xi32>
    %sign3A_532 = arith.extui %sign3A_531 : vector<1x512xi1> to vector<1x512xi32>
    %sign3A_533 = arith.subi %sign3A_528, %sign3A_532 : vector<1x512xi32>
    %sign3A_534 = arith.constant 0 : i32
    %sign3A_535 = arith.cmpi sgt, %jit3A_522, %sign3A_534 : i32
    %sign3A_536 = arith.extui %sign3A_535 : i1 to i32
    %sign3A_537 = arith.constant 0 : i32
    %sign3A_538 = arith.cmpi slt, %jit3A_522, %sign3A_537 : i32
    %sign3A_539 = arith.extui %sign3A_538 : i1 to i32
    %sign3A_540 = arith.subi %sign3A_536, %sign3A_539 : i32
    %ne3A_541 = vector.broadcast %sign3A_540 : i32 to vector<1x512xi32>
    %ne3A_542 = arith.cmpi ne, %sign3A_533, %ne3A_541 : vector<1x512xi32>
    %rem3A_543 = vector.broadcast %jit3A_522 : i32 to vector<1x512xi32>
    %rem3A_544 = arith.remsi %iota3A_521, %rem3A_543 : vector<1x512xi32>
    %ne3A_545 = arith.constant 0 : i32
    %ne3A_546 = vector.broadcast %ne3A_545 : i32 to vector<1x512xi32>
    %ne3A_547 = arith.cmpi ne, %rem3A_544, %ne3A_546 : vector<1x512xi32>
    %and3A_548 = arith.andi %ne3A_542, %ne3A_547 : vector<1x512xi1>
    %sub3A_549 = arith.constant 1 : i32
    %sub3A_550 = vector.broadcast %sub3A_549 : i32 to vector<1x512xi32>
    %sub3A_551 = arith.subi %div3A_524, %sub3A_550 : vector<1x512xi32>
    %select_n3A_552 = arith.select %and3A_548, %sub3A_551, %div3A_524 : vector<1x512xi1>, vector<1x512xi32>
    %eq3A_553 = arith.constant 4 : i32
    %eq3A_554 = vector.broadcast %eq3A_553 : i32 to vector<1x512xi32>
    %eq3A_555 = arith.cmpi eq, %select_n3A_552, %eq3A_554 : vector<1x512xi32>
    %convert_element_type3A_556 = arith.extui %eq3A_555 : vector<1x512xi1> to vector<1x512xi32>
    %convert_element_type3A_557 = arith.sitofp %convert_element_type3A_556 : vector<1x512xi32> to vector<1x512xf32>
    %mul3A_558 = vector.broadcast %convert_element_type3A_557 : vector<1x512xf32> to vector<512x512xf32>
    %mul3A_559 = arith.mulf %dot_general3A_46, %mul3A_558 : vector<512x512xf32>
    %convert_element_type3A_560 = arith.truncf %mul3A_559 : vector<512x512xf32> to vector<512x512xbf16>
    %iota3A_561 = tpu.iota {dimensions = array<i32: 1>} : vector<1x512xi32>
    %jit3A_562 = arith.constant 64 : i32
    %div3A_563 = vector.broadcast %jit3A_562 : i32 to vector<1x512xi32>
    %div3A_564 = arith.divsi %iota3A_561, %div3A_563 : vector<1x512xi32>
    %sign3A_565 = arith.constant 0 : i32
    %sign3A_566 = vector.broadcast %sign3A_565 : i32 to vector<1x512xi32>
    %sign3A_567 = arith.cmpi sgt, %iota3A_561, %sign3A_566 : vector<1x512xi32>
    %sign3A_568 = arith.extui %sign3A_567 : vector<1x512xi1> to vector<1x512xi32>
    %sign3A_569 = arith.constant 0 : i32
    %sign3A_570 = vector.broadcast %sign3A_569 : i32 to vector<1x512xi32>
    %sign3A_571 = arith.cmpi slt, %iota3A_561, %sign3A_570 : vector<1x512xi32>
    %sign3A_572 = arith.extui %sign3A_571 : vector<1x512xi1> to vector<1x512xi32>
    %sign3A_573 = arith.subi %sign3A_568, %sign3A_572 : vector<1x512xi32>
    %sign3A_574 = arith.constant 0 : i32
    %sign3A_575 = arith.cmpi sgt, %jit3A_562, %sign3A_574 : i32
    %sign3A_576 = arith.extui %sign3A_575 : i1 to i32
    %sign3A_577 = arith.constant 0 : i32
    %sign3A_578 = arith.cmpi slt, %jit3A_562, %sign3A_577 : i32
    %sign3A_579 = arith.extui %sign3A_578 : i1 to i32
    %sign3A_580 = arith.subi %sign3A_576, %sign3A_579 : i32
    %ne3A_581 = vector.broadcast %sign3A_580 : i32 to vector<1x512xi32>
    %ne3A_582 = arith.cmpi ne, %sign3A_573, %ne3A_581 : vector<1x512xi32>
    %rem3A_583 = vector.broadcast %jit3A_562 : i32 to vector<1x512xi32>
    %rem3A_584 = arith.remsi %iota3A_561, %rem3A_583 : vector<1x512xi32>
    %ne3A_585 = arith.constant 0 : i32
    %ne3A_586 = vector.broadcast %ne3A_585 : i32 to vector<1x512xi32>
    %ne3A_587 = arith.cmpi ne, %rem3A_584, %ne3A_586 : vector<1x512xi32>
    %and3A_588 = arith.andi %ne3A_582, %ne3A_587 : vector<1x512xi1>
    %sub3A_589 = arith.constant 1 : i32
    %sub3A_590 = vector.broadcast %sub3A_589 : i32 to vector<1x512xi32>
    %sub3A_591 = arith.subi %div3A_564, %sub3A_590 : vector<1x512xi32>
    %select_n3A_592 = arith.select %and3A_588, %sub3A_591, %div3A_564 : vector<1x512xi1>, vector<1x512xi32>
    %eq3A_593 = arith.constant 5 : i32
    %eq3A_594 = vector.broadcast %eq3A_593 : i32 to vector<1x512xi32>
    %eq3A_595 = arith.cmpi eq, %select_n3A_592, %eq3A_594 : vector<1x512xi32>
    %convert_element_type3A_596 = arith.extui %eq3A_595 : vector<1x512xi1> to vector<1x512xi32>
    %convert_element_type3A_597 = arith.sitofp %convert_element_type3A_596 : vector<1x512xi32> to vector<1x512xf32>
    %mul3A_598 = vector.broadcast %convert_element_type3A_597 : vector<1x512xf32> to vector<512x512xf32>
    %mul3A_599 = arith.mulf %dot_general3A_46, %mul3A_598 : vector<512x512xf32>
    %convert_element_type3A_600 = arith.truncf %mul3A_599 : vector<512x512xf32> to vector<512x512xbf16>
    %iota3A_601 = tpu.iota {dimensions = array<i32: 1>} : vector<1x512xi32>
    %jit3A_602 = arith.constant 64 : i32
    %div3A_603 = vector.broadcast %jit3A_602 : i32 to vector<1x512xi32>
    %div3A_604 = arith.divsi %iota3A_601, %div3A_603 : vector<1x512xi32>
    %sign3A_605 = arith.constant 0 : i32
    %sign3A_606 = vector.broadcast %sign3A_605 : i32 to vector<1x512xi32>
    %sign3A_607 = arith.cmpi sgt, %iota3A_601, %sign3A_606 : vector<1x512xi32>
    %sign3A_608 = arith.extui %sign3A_607 : vector<1x512xi1> to vector<1x512xi32>
    %sign3A_609 = arith.constant 0 : i32
    %sign3A_610 = vector.broadcast %sign3A_609 : i32 to vector<1x512xi32>
    %sign3A_611 = arith.cmpi slt, %iota3A_601, %sign3A_610 : vector<1x512xi32>
    %sign3A_612 = arith.extui %sign3A_611 : vector<1x512xi1> to vector<1x512xi32>
    %sign3A_613 = arith.subi %sign3A_608, %sign3A_612 : vector<1x512xi32>
    %sign3A_614 = arith.constant 0 : i32
    %sign3A_615 = arith.cmpi sgt, %jit3A_602, %sign3A_614 : i32
    %sign3A_616 = arith.extui %sign3A_615 : i1 to i32
    %sign3A_617 = arith.constant 0 : i32
    %sign3A_618 = arith.cmpi slt, %jit3A_602, %sign3A_617 : i32
    %sign3A_619 = arith.extui %sign3A_618 : i1 to i32
    %sign3A_620 = arith.subi %sign3A_616, %sign3A_619 : i32
    %ne3A_621 = vector.broadcast %sign3A_620 : i32 to vector<1x512xi32>
    %ne3A_622 = arith.cmpi ne, %sign3A_613, %ne3A_621 : vector<1x512xi32>
    %rem3A_623 = vector.broadcast %jit3A_602 : i32 to vector<1x512xi32>
    %rem3A_624 = arith.remsi %iota3A_601, %rem3A_623 : vector<1x512xi32>
    %ne3A_625 = arith.constant 0 : i32
    %ne3A_626 = vector.broadcast %ne3A_625 : i32 to vector<1x512xi32>
    %ne3A_627 = arith.cmpi ne, %rem3A_624, %ne3A_626 : vector<1x512xi32>
    %and3A_628 = arith.andi %ne3A_622, %ne3A_627 : vector<1x512xi1>
    %sub3A_629 = arith.constant 1 : i32
    %sub3A_630 = vector.broadcast %sub3A_629 : i32 to vector<1x512xi32>
    %sub3A_631 = arith.subi %div3A_604, %sub3A_630 : vector<1x512xi32>
    %select_n3A_632 = arith.select %and3A_628, %sub3A_631, %div3A_604 : vector<1x512xi1>, vector<1x512xi32>
    %eq3A_633 = arith.constant 6 : i32
    %eq3A_634 = vector.broadcast %eq3A_633 : i32 to vector<1x512xi32>
    %eq3A_635 = arith.cmpi eq, %select_n3A_632, %eq3A_634 : vector<1x512xi32>
    %convert_element_type3A_636 = arith.extui %eq3A_635 : vector<1x512xi1> to vector<1x512xi32>
    %convert_element_type3A_637 = arith.sitofp %convert_element_type3A_636 : vector<1x512xi32> to vector<1x512xf32>
    %mul3A_638 = vector.broadcast %convert_element_type3A_637 : vector<1x512xf32> to vector<512x512xf32>
    %mul3A_639 = arith.mulf %dot_general3A_46, %mul3A_638 : vector<512x512xf32>
    %convert_element_type3A_640 = arith.truncf %mul3A_639 : vector<512x512xf32> to vector<512x512xbf16>
    %iota3A_641 = tpu.iota {dimensions = array<i32: 1>} : vector<1x512xi32>
    %jit3A_642 = arith.constant 64 : i32
    %div3A_643 = vector.broadcast %jit3A_642 : i32 to vector<1x512xi32>
    %div3A_644 = arith.divsi %iota3A_641, %div3A_643 : vector<1x512xi32>
    %sign3A_645 = arith.constant 0 : i32
    %sign3A_646 = vector.broadcast %sign3A_645 : i32 to vector<1x512xi32>
    %sign3A_647 = arith.cmpi sgt, %iota3A_641, %sign3A_646 : vector<1x512xi32>
    %sign3A_648 = arith.extui %sign3A_647 : vector<1x512xi1> to vector<1x512xi32>
    %sign3A_649 = arith.constant 0 : i32
    %sign3A_650 = vector.broadcast %sign3A_649 : i32 to vector<1x512xi32>
    %sign3A_651 = arith.cmpi slt, %iota3A_641, %sign3A_650 : vector<1x512xi32>
    %sign3A_652 = arith.extui %sign3A_651 : vector<1x512xi1> to vector<1x512xi32>
    %sign3A_653 = arith.subi %sign3A_648, %sign3A_652 : vector<1x512xi32>
    %sign3A_654 = arith.constant 0 : i32
    %sign3A_655 = arith.cmpi sgt, %jit3A_642, %sign3A_654 : i32
    %sign3A_656 = arith.extui %sign3A_655 : i1 to i32
    %sign3A_657 = arith.constant 0 : i32
    %sign3A_658 = arith.cmpi slt, %jit3A_642, %sign3A_657 : i32
    %sign3A_659 = arith.extui %sign3A_658 : i1 to i32
    %sign3A_660 = arith.subi %sign3A_656, %sign3A_659 : i32
    %ne3A_661 = vector.broadcast %sign3A_660 : i32 to vector<1x512xi32>
    %ne3A_662 = arith.cmpi ne, %sign3A_653, %ne3A_661 : vector<1x512xi32>
    %rem3A_663 = vector.broadcast %jit3A_642 : i32 to vector<1x512xi32>
    %rem3A_664 = arith.remsi %iota3A_641, %rem3A_663 : vector<1x512xi32>
    %ne3A_665 = arith.constant 0 : i32
    %ne3A_666 = vector.broadcast %ne3A_665 : i32 to vector<1x512xi32>
    %ne3A_667 = arith.cmpi ne, %rem3A_664, %ne3A_666 : vector<1x512xi32>
    %and3A_668 = arith.andi %ne3A_662, %ne3A_667 : vector<1x512xi1>
    %sub3A_669 = arith.constant 1 : i32
    %sub3A_670 = vector.broadcast %sub3A_669 : i32 to vector<1x512xi32>
    %sub3A_671 = arith.subi %div3A_644, %sub3A_670 : vector<1x512xi32>
    %select_n3A_672 = arith.select %and3A_668, %sub3A_671, %div3A_644 : vector<1x512xi1>, vector<1x512xi32>
    %eq3A_673 = arith.constant 7 : i32
    %eq3A_674 = vector.broadcast %eq3A_673 : i32 to vector<1x512xi32>
    %eq3A_675 = arith.cmpi eq, %select_n3A_672, %eq3A_674 : vector<1x512xi32>
    %convert_element_type3A_676 = arith.extui %eq3A_675 : vector<1x512xi1> to vector<1x512xi32>
    %convert_element_type3A_677 = arith.sitofp %convert_element_type3A_676 : vector<1x512xi32> to vector<1x512xf32>
    %mul3A_678 = vector.broadcast %convert_element_type3A_677 : vector<1x512xf32> to vector<512x512xf32>
    %mul3A_679 = arith.mulf %dot_general3A_46, %mul3A_678 : vector<512x512xf32>
    %convert_element_type3A_680 = arith.truncf %mul3A_679 : vector<512x512xf32> to vector<512x512xbf16>
    %convert_element_type3A_681 = arith.truncf %dot_general3A_40 : vector<512x512xf32> to vector<512x512xbf16>
    %slice3A = vector.extract_strided_slice %convert_element_type3A_681 {offsets = [0, 0], sizes = [128, 512], strides = [1, 1]} : vector<512x512xbf16> to vector<128x512xbf16>
    %slice3A_682 = vector.extract_strided_slice %convert_element_type3A_80 {offsets = [0, 0], sizes = [128, 512], strides = [1, 1]} : vector<512x512xbf16> to vector<128x512xbf16>
    %dot_general3A_683 = arith.constant dense<0.000000e+00> : vector<128x128xf32>
    %dot_general3A_684 = tpu.matmul %slice3A_682, %slice3A, %dot_general3A_683 {dimension_numbers = #tpu.dot_dimension_numbers<[1], [1], [0], [0], [0, 0, 1, 0], [], []>, transpose_lhs_hint = false} : vector<128x512xbf16>, vector<128x512xbf16>, vector<128x128xf32> -> vector<128x128xf32>
    %mul3A_685 = arith.constant 1.250000e-01 : f32
    %mul3A_686 = vector.broadcast %mul3A_685 : f32 to vector<128x128xf32>
    %mul3A_687 = arith.mulf %dot_general3A_684, %mul3A_686 : vector<128x128xf32>
    %reduce_max3A = arith.constant dense<0xFF800000> : vector<128xf32>
    %reduce_max3A_688 = vector.multi_reduction <maximumf>, %mul3A_687, %reduce_max3A [1] : vector<128x128xf32> to vector<128xf32>
    %broadcast_in_dim3A_689 = vector.shape_cast %reduce_max3A_688 : vector<128xf32> to vector<128x1xf32>
    %sub3A_690 = vector.broadcast %broadcast_in_dim3A_689 : vector<128x1xf32> to vector<128x128xf32>
    %sub3A_691 = arith.subf %mul3A_687, %sub3A_690 : vector<128x128xf32>
    %exp3A = math.exp %sub3A_691 : vector<128x128xf32>
    %reduce_sum3A_692 = arith.constant dense<0.000000e+00> : vector<128xf32>
    %reduce_sum3A_693 = vector.multi_reduction <add>, %exp3A, %reduce_sum3A_692 [1] : vector<128x128xf32> to vector<128xf32>
    %broadcast_in_dim3A_694 = vector.shape_cast %reduce_sum3A_693 : vector<128xf32> to vector<128x1xf32>
    %div3A_695 = vector.broadcast %broadcast_in_dim3A_694 : vector<128x1xf32> to vector<128x128xf32>
    %div3A_696 = arith.divf %exp3A, %div3A_695 : vector<128x128xf32>
    %slice3A_697 = vector.extract_strided_slice %convert_element_type3A_120 {offsets = [0, 0], sizes = [128, 512], strides = [1, 1]} : vector<512x512xbf16> to vector<128x512xbf16>
    %dot_general3A_698 = arith.constant dense<0.000000e+00> : vector<128x128xf32>
    %dot_general3A_699 = tpu.matmul %slice3A_697, %slice3A, %dot_general3A_698 {dimension_numbers = #tpu.dot_dimension_numbers<[1], [1], [0], [0], [0, 0, 1, 0], [], []>, transpose_lhs_hint = false} : vector<128x512xbf16>, vector<128x512xbf16>, vector<128x128xf32> -> vector<128x128xf32>
    %mul3A_700 = arith.constant 1.250000e-01 : f32
    %mul3A_701 = vector.broadcast %mul3A_700 : f32 to vector<128x128xf32>
    %mul3A_702 = arith.mulf %dot_general3A_699, %mul3A_701 : vector<128x128xf32>
    %reduce_max3A_703 = arith.constant dense<0xFF800000> : vector<128xf32>
    %reduce_max3A_704 = vector.multi_reduction <maximumf>, %mul3A_702, %reduce_max3A_703 [1] : vector<128x128xf32> to vector<128xf32>
    %broadcast_in_dim3A_705 = vector.shape_cast %reduce_max3A_704 : vector<128xf32> to vector<128x1xf32>
    %sub3A_706 = vector.broadcast %broadcast_in_dim3A_705 : vector<128x1xf32> to vector<128x128xf32>
    %sub3A_707 = arith.subf %mul3A_702, %sub3A_706 : vector<128x128xf32>
    %exp3A_708 = math.exp %sub3A_707 : vector<128x128xf32>
    %reduce_sum3A_709 = arith.constant dense<0.000000e+00> : vector<128xf32>
    %reduce_sum3A_710 = vector.multi_reduction <add>, %exp3A_708, %reduce_sum3A_709 [1] : vector<128x128xf32> to vector<128xf32>
    %broadcast_in_dim3A_711 = vector.shape_cast %reduce_sum3A_710 : vector<128xf32> to vector<128x1xf32>
    %div3A_712 = vector.broadcast %broadcast_in_dim3A_711 : vector<128x1xf32> to vector<128x128xf32>
    %div3A_713 = arith.divf %exp3A_708, %div3A_712 : vector<128x128xf32>
    %slice3A_714 = vector.extract_strided_slice %convert_element_type3A_160 {offsets = [0, 0], sizes = [128, 512], strides = [1, 1]} : vector<512x512xbf16> to vector<128x512xbf16>
    %dot_general3A_715 = arith.constant dense<0.000000e+00> : vector<128x128xf32>
    %dot_general3A_716 = tpu.matmul %slice3A_714, %slice3A, %dot_general3A_715 {dimension_numbers = #tpu.dot_dimension_numbers<[1], [1], [0], [0], [0, 0, 1, 0], [], []>, transpose_lhs_hint = false} : vector<128x512xbf16>, vector<128x512xbf16>, vector<128x128xf32> -> vector<128x128xf32>
    %mul3A_717 = arith.constant 1.250000e-01 : f32
    %mul3A_718 = vector.broadcast %mul3A_717 : f32 to vector<128x128xf32>
    %mul3A_719 = arith.mulf %dot_general3A_716, %mul3A_718 : vector<128x128xf32>
    %reduce_max3A_720 = arith.constant dense<0xFF800000> : vector<128xf32>
    %reduce_max3A_721 = vector.multi_reduction <maximumf>, %mul3A_719, %reduce_max3A_720 [1] : vector<128x128xf32> to vector<128xf32>
    %broadcast_in_dim3A_722 = vector.shape_cast %reduce_max3A_721 : vector<128xf32> to vector<128x1xf32>
    %sub3A_723 = vector.broadcast %broadcast_in_dim3A_722 : vector<128x1xf32> to vector<128x128xf32>
    %sub3A_724 = arith.subf %mul3A_719, %sub3A_723 : vector<128x128xf32>
    %exp3A_725 = math.exp %sub3A_724 : vector<128x128xf32>
    %reduce_sum3A_726 = arith.constant dense<0.000000e+00> : vector<128xf32>
    %reduce_sum3A_727 = vector.multi_reduction <add>, %exp3A_725, %reduce_sum3A_726 [1] : vector<128x128xf32> to vector<128xf32>
    %broadcast_in_dim3A_728 = vector.shape_cast %reduce_sum3A_727 : vector<128xf32> to vector<128x1xf32>
    %div3A_729 = vector.broadcast %broadcast_in_dim3A_728 : vector<128x1xf32> to vector<128x128xf32>
    %div3A_730 = arith.divf %exp3A_725, %div3A_729 : vector<128x128xf32>
    %slice3A_731 = vector.extract_strided_slice %convert_element_type3A_200 {offsets = [0, 0], sizes = [128, 512], strides = [1, 1]} : vector<512x512xbf16> to vector<128x512xbf16>
    %dot_general3A_732 = arith.constant dense<0.000000e+00> : vector<128x128xf32>
    %dot_general3A_733 = tpu.matmul %slice3A_731, %slice3A, %dot_general3A_732 {dimension_numbers = #tpu.dot_dimension_numbers<[1], [1], [0], [0], [0, 0, 1, 0], [], []>, transpose_lhs_hint = false} : vector<128x512xbf16>, vector<128x512xbf16>, vector<128x128xf32> -> vector<128x128xf32>
    %mul3A_734 = arith.constant 1.250000e-01 : f32
    %mul3A_735 = vector.broadcast %mul3A_734 : f32 to vector<128x128xf32>
    %mul3A_736 = arith.mulf %dot_general3A_733, %mul3A_735 : vector<128x128xf32>
    %reduce_max3A_737 = arith.constant dense<0xFF800000> : vector<128xf32>
    %reduce_max3A_738 = vector.multi_reduction <maximumf>, %mul3A_736, %reduce_max3A_737 [1] : vector<128x128xf32> to vector<128xf32>
    %broadcast_in_dim3A_739 = vector.shape_cast %reduce_max3A_738 : vector<128xf32> to vector<128x1xf32>
    %sub3A_740 = vector.broadcast %broadcast_in_dim3A_739 : vector<128x1xf32> to vector<128x128xf32>
    %sub3A_741 = arith.subf %mul3A_736, %sub3A_740 : vector<128x128xf32>
    %exp3A_742 = math.exp %sub3A_741 : vector<128x128xf32>
    %reduce_sum3A_743 = arith.constant dense<0.000000e+00> : vector<128xf32>
    %reduce_sum3A_744 = vector.multi_reduction <add>, %exp3A_742, %reduce_sum3A_743 [1] : vector<128x128xf32> to vector<128xf32>
    %broadcast_in_dim3A_745 = vector.shape_cast %reduce_sum3A_744 : vector<128xf32> to vector<128x1xf32>
    %div3A_746 = vector.broadcast %broadcast_in_dim3A_745 : vector<128x1xf32> to vector<128x128xf32>
    %div3A_747 = arith.divf %exp3A_742, %div3A_746 : vector<128x128xf32>
    %slice3A_748 = vector.extract_strided_slice %convert_element_type3A_240 {offsets = [0, 0], sizes = [128, 512], strides = [1, 1]} : vector<512x512xbf16> to vector<128x512xbf16>
    %dot_general3A_749 = arith.constant dense<0.000000e+00> : vector<128x128xf32>
    %dot_general3A_750 = tpu.matmul %slice3A_748, %slice3A, %dot_general3A_749 {dimension_numbers = #tpu.dot_dimension_numbers<[1], [1], [0], [0], [0, 0, 1, 0], [], []>, transpose_lhs_hint = false} : vector<128x512xbf16>, vector<128x512xbf16>, vector<128x128xf32> -> vector<128x128xf32>
    %mul3A_751 = arith.constant 1.250000e-01 : f32
    %mul3A_752 = vector.broadcast %mul3A_751 : f32 to vector<128x128xf32>
    %mul3A_753 = arith.mulf %dot_general3A_750, %mul3A_752 : vector<128x128xf32>
    %reduce_max3A_754 = arith.constant dense<0xFF800000> : vector<128xf32>
    %reduce_max3A_755 = vector.multi_reduction <maximumf>, %mul3A_753, %reduce_max3A_754 [1] : vector<128x128xf32> to vector<128xf32>
    %broadcast_in_dim3A_756 = vector.shape_cast %reduce_max3A_755 : vector<128xf32> to vector<128x1xf32>
    %sub3A_757 = vector.broadcast %broadcast_in_dim3A_756 : vector<128x1xf32> to vector<128x128xf32>
    %sub3A_758 = arith.subf %mul3A_753, %sub3A_757 : vector<128x128xf32>
    %exp3A_759 = math.exp %sub3A_758 : vector<128x128xf32>
    %reduce_sum3A_760 = arith.constant dense<0.000000e+00> : vector<128xf32>
    %reduce_sum3A_761 = vector.multi_reduction <add>, %exp3A_759, %reduce_sum3A_760 [1] : vector<128x128xf32> to vector<128xf32>
    %broadcast_in_dim3A_762 = vector.shape_cast %reduce_sum3A_761 : vector<128xf32> to vector<128x1xf32>
    %div3A_763 = vector.broadcast %broadcast_in_dim3A_762 : vector<128x1xf32> to vector<128x128xf32>
    %div3A_764 = arith.divf %exp3A_759, %div3A_763 : vector<128x128xf32>
    %slice3A_765 = vector.extract_strided_slice %convert_element_type3A_280 {offsets = [0, 0], sizes = [128, 512], strides = [1, 1]} : vector<512x512xbf16> to vector<128x512xbf16>
    %dot_general3A_766 = arith.constant dense<0.000000e+00> : vector<128x128xf32>
    %dot_general3A_767 = tpu.matmul %slice3A_765, %slice3A, %dot_general3A_766 {dimension_numbers = #tpu.dot_dimension_numbers<[1], [1], [0], [0], [0, 0, 1, 0], [], []>, transpose_lhs_hint = false} : vector<128x512xbf16>, vector<128x512xbf16>, vector<128x128xf32> -> vector<128x128xf32>
    %mul3A_768 = arith.constant 1.250000e-01 : f32
    %mul3A_769 = vector.broadcast %mul3A_768 : f32 to vector<128x128xf32>
    %mul3A_770 = arith.mulf %dot_general3A_767, %mul3A_769 : vector<128x128xf32>
    %reduce_max3A_771 = arith.constant dense<0xFF800000> : vector<128xf32>
    %reduce_max3A_772 = vector.multi_reduction <maximumf>, %mul3A_770, %reduce_max3A_771 [1] : vector<128x128xf32> to vector<128xf32>
    %broadcast_in_dim3A_773 = vector.shape_cast %reduce_max3A_772 : vector<128xf32> to vector<128x1xf32>
    %sub3A_774 = vector.broadcast %broadcast_in_dim3A_773 : vector<128x1xf32> to vector<128x128xf32>
    %sub3A_775 = arith.subf %mul3A_770, %sub3A_774 : vector<128x128xf32>
    %exp3A_776 = math.exp %sub3A_775 : vector<128x128xf32>
    %reduce_sum3A_777 = arith.constant dense<0.000000e+00> : vector<128xf32>
    %reduce_sum3A_778 = vector.multi_reduction <add>, %exp3A_776, %reduce_sum3A_777 [1] : vector<128x128xf32> to vector<128xf32>
    %broadcast_in_dim3A_779 = vector.shape_cast %reduce_sum3A_778 : vector<128xf32> to vector<128x1xf32>
    %div3A_780 = vector.broadcast %broadcast_in_dim3A_779 : vector<128x1xf32> to vector<128x128xf32>
    %div3A_781 = arith.divf %exp3A_776, %div3A_780 : vector<128x128xf32>
    %slice3A_782 = vector.extract_strided_slice %convert_element_type3A_320 {offsets = [0, 0], sizes = [128, 512], strides = [1, 1]} : vector<512x512xbf16> to vector<128x512xbf16>
    %dot_general3A_783 = arith.constant dense<0.000000e+00> : vector<128x128xf32>
    %dot_general3A_784 = tpu.matmul %slice3A_782, %slice3A, %dot_general3A_783 {dimension_numbers = #tpu.dot_dimension_numbers<[1], [1], [0], [0], [0, 0, 1, 0], [], []>, transpose_lhs_hint = false} : vector<128x512xbf16>, vector<128x512xbf16>, vector<128x128xf32> -> vector<128x128xf32>
    %mul3A_785 = arith.constant 1.250000e-01 : f32
    %mul3A_786 = vector.broadcast %mul3A_785 : f32 to vector<128x128xf32>
    %mul3A_787 = arith.mulf %dot_general3A_784, %mul3A_786 : vector<128x128xf32>
    %reduce_max3A_788 = arith.constant dense<0xFF800000> : vector<128xf32>
    %reduce_max3A_789 = vector.multi_reduction <maximumf>, %mul3A_787, %reduce_max3A_788 [1] : vector<128x128xf32> to vector<128xf32>
    %broadcast_in_dim3A_790 = vector.shape_cast %reduce_max3A_789 : vector<128xf32> to vector<128x1xf32>
    %sub3A_791 = vector.broadcast %broadcast_in_dim3A_790 : vector<128x1xf32> to vector<128x128xf32>
    %sub3A_792 = arith.subf %mul3A_787, %sub3A_791 : vector<128x128xf32>
    %exp3A_793 = math.exp %sub3A_792 : vector<128x128xf32>
    %reduce_sum3A_794 = arith.constant dense<0.000000e+00> : vector<128xf32>
    %reduce_sum3A_795 = vector.multi_reduction <add>, %exp3A_793, %reduce_sum3A_794 [1] : vector<128x128xf32> to vector<128xf32>
    %broadcast_in_dim3A_796 = vector.shape_cast %reduce_sum3A_795 : vector<128xf32> to vector<128x1xf32>
    %div3A_797 = vector.broadcast %broadcast_in_dim3A_796 : vector<128x1xf32> to vector<128x128xf32>
    %div3A_798 = arith.divf %exp3A_793, %div3A_797 : vector<128x128xf32>
    %slice3A_799 = vector.extract_strided_slice %convert_element_type3A_360 {offsets = [0, 0], sizes = [128, 512], strides = [1, 1]} : vector<512x512xbf16> to vector<128x512xbf16>
    %dot_general3A_800 = arith.constant dense<0.000000e+00> : vector<128x128xf32>
    %dot_general3A_801 = tpu.matmul %slice3A_799, %slice3A, %dot_general3A_800 {dimension_numbers = #tpu.dot_dimension_numbers<[1], [1], [0], [0], [0, 0, 1, 0], [], []>, transpose_lhs_hint = false} : vector<128x512xbf16>, vector<128x512xbf16>, vector<128x128xf32> -> vector<128x128xf32>
    %mul3A_802 = arith.constant 1.250000e-01 : f32
    %mul3A_803 = vector.broadcast %mul3A_802 : f32 to vector<128x128xf32>
    %mul3A_804 = arith.mulf %dot_general3A_801, %mul3A_803 : vector<128x128xf32>
    %reduce_max3A_805 = arith.constant dense<0xFF800000> : vector<128xf32>
    %reduce_max3A_806 = vector.multi_reduction <maximumf>, %mul3A_804, %reduce_max3A_805 [1] : vector<128x128xf32> to vector<128xf32>
    %broadcast_in_dim3A_807 = vector.shape_cast %reduce_max3A_806 : vector<128xf32> to vector<128x1xf32>
    %sub3A_808 = vector.broadcast %broadcast_in_dim3A_807 : vector<128x1xf32> to vector<128x128xf32>
    %sub3A_809 = arith.subf %mul3A_804, %sub3A_808 : vector<128x128xf32>
    %exp3A_810 = math.exp %sub3A_809 : vector<128x128xf32>
    %reduce_sum3A_811 = arith.constant dense<0.000000e+00> : vector<128xf32>
    %reduce_sum3A_812 = vector.multi_reduction <add>, %exp3A_810, %reduce_sum3A_811 [1] : vector<128x128xf32> to vector<128xf32>
    %broadcast_in_dim3A_813 = vector.shape_cast %reduce_sum3A_812 : vector<128xf32> to vector<128x1xf32>
    %div3A_814 = vector.broadcast %broadcast_in_dim3A_813 : vector<128x1xf32> to vector<128x128xf32>
    %div3A_815 = arith.divf %exp3A_810, %div3A_814 : vector<128x128xf32>
    %concatenate3A = tpu.concatenate %div3A_696, %div3A_713, %div3A_730, %div3A_747, %div3A_764, %div3A_781, %div3A_798, %div3A_815 in 1 : vector<128x128xf32>, vector<128x128xf32>, vector<128x128xf32>, vector<128x128xf32>, vector<128x128xf32>, vector<128x128xf32>, vector<128x128xf32>, vector<128x128xf32> -> vector<128x1024xf32>
    %slice3A_816 = vector.extract_strided_slice %convert_element_type3A_400 {offsets = [0, 0], sizes = [128, 512], strides = [1, 1]} : vector<512x512xbf16> to vector<128x512xbf16>
    %slice3A_817 = vector.extract_strided_slice %convert_element_type3A_440 {offsets = [0, 0], sizes = [128, 512], strides = [1, 1]} : vector<512x512xbf16> to vector<128x512xbf16>
    %slice3A_818 = vector.extract_strided_slice %convert_element_type3A_480 {offsets = [0, 0], sizes = [128, 512], strides = [1, 1]} : vector<512x512xbf16> to vector<128x512xbf16>
    %slice3A_819 = vector.extract_strided_slice %convert_element_type3A_520 {offsets = [0, 0], sizes = [128, 512], strides = [1, 1]} : vector<512x512xbf16> to vector<128x512xbf16>
    %slice3A_820 = vector.extract_strided_slice %convert_element_type3A_560 {offsets = [0, 0], sizes = [128, 512], strides = [1, 1]} : vector<512x512xbf16> to vector<128x512xbf16>
    %slice3A_821 = vector.extract_strided_slice %convert_element_type3A_600 {offsets = [0, 0], sizes = [128, 512], strides = [1, 1]} : vector<512x512xbf16> to vector<128x512xbf16>
    %slice3A_822 = vector.extract_strided_slice %convert_element_type3A_640 {offsets = [0, 0], sizes = [128, 512], strides = [1, 1]} : vector<512x512xbf16> to vector<128x512xbf16>
    %slice3A_823 = vector.extract_strided_slice %convert_element_type3A_680 {offsets = [0, 0], sizes = [128, 512], strides = [1, 1]} : vector<512x512xbf16> to vector<128x512xbf16>
    %concatenate3A_824 = tpu.concatenate %slice3A_816, %slice3A_817, %slice3A_818, %slice3A_819, %slice3A_820, %slice3A_821, %slice3A_822, %slice3A_823 in 0 : vector<128x512xbf16>, vector<128x512xbf16>, vector<128x512xbf16>, vector<128x512xbf16>, vector<128x512xbf16>, vector<128x512xbf16>, vector<128x512xbf16>, vector<128x512xbf16> -> vector<1024x512xbf16>
    %convert_element_type3A_825 = arith.truncf %concatenate3A : vector<128x1024xf32> to vector<128x1024xbf16>
    %dot_general3A_826 = arith.constant dense<0.000000e+00> : vector<128x512xf32>
    %dot_general3A_827 = tpu.matmul %convert_element_type3A_825, %concatenate3A_824, %dot_general3A_826 {dimension_numbers = #tpu.dot_dimension_numbers<[1], [0], [0], [1], [0, 0, 1, 1], [], []>, transpose_lhs_hint = false} : vector<128x1024xbf16>, vector<1024x512xbf16>, vector<128x512xf32> -> vector<128x512xf32>
    %slice3A_828 = vector.extract_strided_slice %convert_element_type3A_681 {offsets = [128, 0], sizes = [128, 512], strides = [1, 1]} : vector<512x512xbf16> to vector<128x512xbf16>
    %slice3A_829 = vector.extract_strided_slice %convert_element_type3A_80 {offsets = [128, 0], sizes = [128, 512], strides = [1, 1]} : vector<512x512xbf16> to vector<128x512xbf16>
    %dot_general3A_830 = arith.constant dense<0.000000e+00> : vector<128x128xf32>
    %dot_general3A_831 = tpu.matmul %slice3A_829, %slice3A_828, %dot_general3A_830 {dimension_numbers = #tpu.dot_dimension_numbers<[1], [1], [0], [0], [0, 0, 1, 0], [], []>, transpose_lhs_hint = false} : vector<128x512xbf16>, vector<128x512xbf16>, vector<128x128xf32> -> vector<128x128xf32>
    %mul3A_832 = arith.constant 1.250000e-01 : f32
    %mul3A_833 = vector.broadcast %mul3A_832 : f32 to vector<128x128xf32>
    %mul3A_834 = arith.mulf %dot_general3A_831, %mul3A_833 : vector<128x128xf32>
    %reduce_max3A_835 = arith.constant dense<0xFF800000> : vector<128xf32>
    %reduce_max3A_836 = vector.multi_reduction <maximumf>, %mul3A_834, %reduce_max3A_835 [1] : vector<128x128xf32> to vector<128xf32>
    %broadcast_in_dim3A_837 = vector.shape_cast %reduce_max3A_836 : vector<128xf32> to vector<128x1xf32>
    %sub3A_838 = vector.broadcast %broadcast_in_dim3A_837 : vector<128x1xf32> to vector<128x128xf32>
    %sub3A_839 = arith.subf %mul3A_834, %sub3A_838 : vector<128x128xf32>
    %exp3A_840 = math.exp %sub3A_839 : vector<128x128xf32>
    %reduce_sum3A_841 = arith.constant dense<0.000000e+00> : vector<128xf32>
    %reduce_sum3A_842 = vector.multi_reduction <add>, %exp3A_840, %reduce_sum3A_841 [1] : vector<128x128xf32> to vector<128xf32>
    %broadcast_in_dim3A_843 = vector.shape_cast %reduce_sum3A_842 : vector<128xf32> to vector<128x1xf32>
    %div3A_844 = vector.broadcast %broadcast_in_dim3A_843 : vector<128x1xf32> to vector<128x128xf32>
    %div3A_845 = arith.divf %exp3A_840, %div3A_844 : vector<128x128xf32>
    %slice3A_846 = vector.extract_strided_slice %convert_element_type3A_120 {offsets = [128, 0], sizes = [128, 512], strides = [1, 1]} : vector<512x512xbf16> to vector<128x512xbf16>
    %dot_general3A_847 = arith.constant dense<0.000000e+00> : vector<128x128xf32>
    %dot_general3A_848 = tpu.matmul %slice3A_846, %slice3A_828, %dot_general3A_847 {dimension_numbers = #tpu.dot_dimension_numbers<[1], [1], [0], [0], [0, 0, 1, 0], [], []>, transpose_lhs_hint = false} : vector<128x512xbf16>, vector<128x512xbf16>, vector<128x128xf32> -> vector<128x128xf32>
    %mul3A_849 = arith.constant 1.250000e-01 : f32
    %mul3A_850 = vector.broadcast %mul3A_849 : f32 to vector<128x128xf32>
    %mul3A_851 = arith.mulf %dot_general3A_848, %mul3A_850 : vector<128x128xf32>
    %reduce_max3A_852 = arith.constant dense<0xFF800000> : vector<128xf32>
    %reduce_max3A_853 = vector.multi_reduction <maximumf>, %mul3A_851, %reduce_max3A_852 [1] : vector<128x128xf32> to vector<128xf32>
    %broadcast_in_dim3A_854 = vector.shape_cast %reduce_max3A_853 : vector<128xf32> to vector<128x1xf32>
    %sub3A_855 = vector.broadcast %broadcast_in_dim3A_854 : vector<128x1xf32> to vector<128x128xf32>
    %sub3A_856 = arith.subf %mul3A_851, %sub3A_855 : vector<128x128xf32>
    %exp3A_857 = math.exp %sub3A_856 : vector<128x128xf32>
    %reduce_sum3A_858 = arith.constant dense<0.000000e+00> : vector<128xf32>
    %reduce_sum3A_859 = vector.multi_reduction <add>, %exp3A_857, %reduce_sum3A_858 [1] : vector<128x128xf32> to vector<128xf32>
    %broadcast_in_dim3A_860 = vector.shape_cast %reduce_sum3A_859 : vector<128xf32> to vector<128x1xf32>
    %div3A_861 = vector.broadcast %broadcast_in_dim3A_860 : vector<128x1xf32> to vector<128x128xf32>
    %div3A_862 = arith.divf %exp3A_857, %div3A_861 : vector<128x128xf32>
    %slice3A_863 = vector.extract_strided_slice %convert_element_type3A_160 {offsets = [128, 0], sizes = [128, 512], strides = [1, 1]} : vector<512x512xbf16> to vector<128x512xbf16>
    %dot_general3A_864 = arith.constant dense<0.000000e+00> : vector<128x128xf32>
    %dot_general3A_865 = tpu.matmul %slice3A_863, %slice3A_828, %dot_general3A_864 {dimension_numbers = #tpu.dot_dimension_numbers<[1], [1], [0], [0], [0, 0, 1, 0], [], []>, transpose_lhs_hint = false} : vector<128x512xbf16>, vector<128x512xbf16>, vector<128x128xf32> -> vector<128x128xf32>
    %mul3A_866 = arith.constant 1.250000e-01 : f32
    %mul3A_867 = vector.broadcast %mul3A_866 : f32 to vector<128x128xf32>
    %mul3A_868 = arith.mulf %dot_general3A_865, %mul3A_867 : vector<128x128xf32>
    %reduce_max3A_869 = arith.constant dense<0xFF800000> : vector<128xf32>
    %reduce_max3A_870 = vector.multi_reduction <maximumf>, %mul3A_868, %reduce_max3A_869 [1] : vector<128x128xf32> to vector<128xf32>
    %broadcast_in_dim3A_871 = vector.shape_cast %reduce_max3A_870 : vector<128xf32> to vector<128x1xf32>
    %sub3A_872 = vector.broadcast %broadcast_in_dim3A_871 : vector<128x1xf32> to vector<128x128xf32>
    %sub3A_873 = arith.subf %mul3A_868, %sub3A_872 : vector<128x128xf32>
    %exp3A_874 = math.exp %sub3A_873 : vector<128x128xf32>
    %reduce_sum3A_875 = arith.constant dense<0.000000e+00> : vector<128xf32>
    %reduce_sum3A_876 = vector.multi_reduction <add>, %exp3A_874, %reduce_sum3A_875 [1] : vector<128x128xf32> to vector<128xf32>
    %broadcast_in_dim3A_877 = vector.shape_cast %reduce_sum3A_876 : vector<128xf32> to vector<128x1xf32>
    %div3A_878 = vector.broadcast %broadcast_in_dim3A_877 : vector<128x1xf32> to vector<128x128xf32>
    %div3A_879 = arith.divf %exp3A_874, %div3A_878 : vector<128x128xf32>
    %slice3A_880 = vector.extract_strided_slice %convert_element_type3A_200 {offsets = [128, 0], sizes = [128, 512], strides = [1, 1]} : vector<512x512xbf16> to vector<128x512xbf16>
    %dot_general3A_881 = arith.constant dense<0.000000e+00> : vector<128x128xf32>
    %dot_general3A_882 = tpu.matmul %slice3A_880, %slice3A_828, %dot_general3A_881 {dimension_numbers = #tpu.dot_dimension_numbers<[1], [1], [0], [0], [0, 0, 1, 0], [], []>, transpose_lhs_hint = false} : vector<128x512xbf16>, vector<128x512xbf16>, vector<128x128xf32> -> vector<128x128xf32>
    %mul3A_883 = arith.constant 1.250000e-01 : f32
    %mul3A_884 = vector.broadcast %mul3A_883 : f32 to vector<128x128xf32>
    %mul3A_885 = arith.mulf %dot_general3A_882, %mul3A_884 : vector<128x128xf32>
    %reduce_max3A_886 = arith.constant dense<0xFF800000> : vector<128xf32>
    %reduce_max3A_887 = vector.multi_reduction <maximumf>, %mul3A_885, %reduce_max3A_886 [1] : vector<128x128xf32> to vector<128xf32>
    %broadcast_in_dim3A_888 = vector.shape_cast %reduce_max3A_887 : vector<128xf32> to vector<128x1xf32>
    %sub3A_889 = vector.broadcast %broadcast_in_dim3A_888 : vector<128x1xf32> to vector<128x128xf32>
    %sub3A_890 = arith.subf %mul3A_885, %sub3A_889 : vector<128x128xf32>
    %exp3A_891 = math.exp %sub3A_890 : vector<128x128xf32>
    %reduce_sum3A_892 = arith.constant dense<0.000000e+00> : vector<128xf32>
    %reduce_sum3A_893 = vector.multi_reduction <add>, %exp3A_891, %reduce_sum3A_892 [1] : vector<128x128xf32> to vector<128xf32>
    %broadcast_in_dim3A_894 = vector.shape_cast %reduce_sum3A_893 : vector<128xf32> to vector<128x1xf32>
    %div3A_895 = vector.broadcast %broadcast_in_dim3A_894 : vector<128x1xf32> to vector<128x128xf32>
    %div3A_896 = arith.divf %exp3A_891, %div3A_895 : vector<128x128xf32>
    %slice3A_897 = vector.extract_strided_slice %convert_element_type3A_240 {offsets = [128, 0], sizes = [128, 512], strides = [1, 1]} : vector<512x512xbf16> to vector<128x512xbf16>
    %dot_general3A_898 = arith.constant dense<0.000000e+00> : vector<128x128xf32>
    %dot_general3A_899 = tpu.matmul %slice3A_897, %slice3A_828, %dot_general3A_898 {dimension_numbers = #tpu.dot_dimension_numbers<[1], [1], [0], [0], [0, 0, 1, 0], [], []>, transpose_lhs_hint = false} : vector<128x512xbf16>, vector<128x512xbf16>, vector<128x128xf32> -> vector<128x128xf32>
    %mul3A_900 = arith.constant 1.250000e-01 : f32
    %mul3A_901 = vector.broadcast %mul3A_900 : f32 to vector<128x128xf32>
    %mul3A_902 = arith.mulf %dot_general3A_899, %mul3A_901 : vector<128x128xf32>
    %reduce_max3A_903 = arith.constant dense<0xFF800000> : vector<128xf32>
    %reduce_max3A_904 = vector.multi_reduction <maximumf>, %mul3A_902, %reduce_max3A_903 [1] : vector<128x128xf32> to vector<128xf32>
    %broadcast_in_dim3A_905 = vector.shape_cast %reduce_max3A_904 : vector<128xf32> to vector<128x1xf32>
    %sub3A_906 = vector.broadcast %broadcast_in_dim3A_905 : vector<128x1xf32> to vector<128x128xf32>
    %sub3A_907 = arith.subf %mul3A_902, %sub3A_906 : vector<128x128xf32>
    %exp3A_908 = math.exp %sub3A_907 : vector<128x128xf32>
    %reduce_sum3A_909 = arith.constant dense<0.000000e+00> : vector<128xf32>
    %reduce_sum3A_910 = vector.multi_reduction <add>, %exp3A_908, %reduce_sum3A_909 [1] : vector<128x128xf32> to vector<128xf32>
    %broadcast_in_dim3A_911 = vector.shape_cast %reduce_sum3A_910 : vector<128xf32> to vector<128x1xf32>
    %div3A_912 = vector.broadcast %broadcast_in_dim3A_911 : vector<128x1xf32> to vector<128x128xf32>
    %div3A_913 = arith.divf %exp3A_908, %div3A_912 : vector<128x128xf32>
    %slice3A_914 = vector.extract_strided_slice %convert_element_type3A_280 {offsets = [128, 0], sizes = [128, 512], strides = [1, 1]} : vector<512x512xbf16> to vector<128x512xbf16>
    %dot_general3A_915 = arith.constant dense<0.000000e+00> : vector<128x128xf32>
    %dot_general3A_916 = tpu.matmul %slice3A_914, %slice3A_828, %dot_general3A_915 {dimension_numbers = #tpu.dot_dimension_numbers<[1], [1], [0], [0], [0, 0, 1, 0], [], []>, transpose_lhs_hint = false} : vector<128x512xbf16>, vector<128x512xbf16>, vector<128x128xf32> -> vector<128x128xf32>
    %mul3A_917 = arith.constant 1.250000e-01 : f32
    %mul3A_918 = vector.broadcast %mul3A_917 : f32 to vector<128x128xf32>
    %mul3A_919 = arith.mulf %dot_general3A_916, %mul3A_918 : vector<128x128xf32>
    %reduce_max3A_920 = arith.constant dense<0xFF800000> : vector<128xf32>
    %reduce_max3A_921 = vector.multi_reduction <maximumf>, %mul3A_919, %reduce_max3A_920 [1] : vector<128x128xf32> to vector<128xf32>
    %broadcast_in_dim3A_922 = vector.shape_cast %reduce_max3A_921 : vector<128xf32> to vector<128x1xf32>
    %sub3A_923 = vector.broadcast %broadcast_in_dim3A_922 : vector<128x1xf32> to vector<128x128xf32>
    %sub3A_924 = arith.subf %mul3A_919, %sub3A_923 : vector<128x128xf32>
    %exp3A_925 = math.exp %sub3A_924 : vector<128x128xf32>
    %reduce_sum3A_926 = arith.constant dense<0.000000e+00> : vector<128xf32>
    %reduce_sum3A_927 = vector.multi_reduction <add>, %exp3A_925, %reduce_sum3A_926 [1] : vector<128x128xf32> to vector<128xf32>
    %broadcast_in_dim3A_928 = vector.shape_cast %reduce_sum3A_927 : vector<128xf32> to vector<128x1xf32>
    %div3A_929 = vector.broadcast %broadcast_in_dim3A_928 : vector<128x1xf32> to vector<128x128xf32>
    %div3A_930 = arith.divf %exp3A_925, %div3A_929 : vector<128x128xf32>
    %slice3A_931 = vector.extract_strided_slice %convert_element_type3A_320 {offsets = [128, 0], sizes = [128, 512], strides = [1, 1]} : vector<512x512xbf16> to vector<128x512xbf16>
    %dot_general3A_932 = arith.constant dense<0.000000e+00> : vector<128x128xf32>
    %dot_general3A_933 = tpu.matmul %slice3A_931, %slice3A_828, %dot_general3A_932 {dimension_numbers = #tpu.dot_dimension_numbers<[1], [1], [0], [0], [0, 0, 1, 0], [], []>, transpose_lhs_hint = false} : vector<128x512xbf16>, vector<128x512xbf16>, vector<128x128xf32> -> vector<128x128xf32>
    %mul3A_934 = arith.constant 1.250000e-01 : f32
    %mul3A_935 = vector.broadcast %mul3A_934 : f32 to vector<128x128xf32>
    %mul3A_936 = arith.mulf %dot_general3A_933, %mul3A_935 : vector<128x128xf32>
    %reduce_max3A_937 = arith.constant dense<0xFF800000> : vector<128xf32>
    %reduce_max3A_938 = vector.multi_reduction <maximumf>, %mul3A_936, %reduce_max3A_937 [1] : vector<128x128xf32> to vector<128xf32>
    %broadcast_in_dim3A_939 = vector.shape_cast %reduce_max3A_938 : vector<128xf32> to vector<128x1xf32>
    %sub3A_940 = vector.broadcast %broadcast_in_dim3A_939 : vector<128x1xf32> to vector<128x128xf32>
    %sub3A_941 = arith.subf %mul3A_936, %sub3A_940 : vector<128x128xf32>
    %exp3A_942 = math.exp %sub3A_941 : vector<128x128xf32>
    %reduce_sum3A_943 = arith.constant dense<0.000000e+00> : vector<128xf32>
    %reduce_sum3A_944 = vector.multi_reduction <add>, %exp3A_942, %reduce_sum3A_943 [1] : vector<128x128xf32> to vector<128xf32>
    %broadcast_in_dim3A_945 = vector.shape_cast %reduce_sum3A_944 : vector<128xf32> to vector<128x1xf32>
    %div3A_946 = vector.broadcast %broadcast_in_dim3A_945 : vector<128x1xf32> to vector<128x128xf32>
    %div3A_947 = arith.divf %exp3A_942, %div3A_946 : vector<128x128xf32>
    %slice3A_948 = vector.extract_strided_slice %convert_element_type3A_360 {offsets = [128, 0], sizes = [128, 512], strides = [1, 1]} : vector<512x512xbf16> to vector<128x512xbf16>
    %dot_general3A_949 = arith.constant dense<0.000000e+00> : vector<128x128xf32>
    %dot_general3A_950 = tpu.matmul %slice3A_948, %slice3A_828, %dot_general3A_949 {dimension_numbers = #tpu.dot_dimension_numbers<[1], [1], [0], [0], [0, 0, 1, 0], [], []>, transpose_lhs_hint = false} : vector<128x512xbf16>, vector<128x512xbf16>, vector<128x128xf32> -> vector<128x128xf32>
    %mul3A_951 = arith.constant 1.250000e-01 : f32
    %mul3A_952 = vector.broadcast %mul3A_951 : f32 to vector<128x128xf32>
    %mul3A_953 = arith.mulf %dot_general3A_950, %mul3A_952 : vector<128x128xf32>
    %reduce_max3A_954 = arith.constant dense<0xFF800000> : vector<128xf32>
    %reduce_max3A_955 = vector.multi_reduction <maximumf>, %mul3A_953, %reduce_max3A_954 [1] : vector<128x128xf32> to vector<128xf32>
    %broadcast_in_dim3A_956 = vector.shape_cast %reduce_max3A_955 : vector<128xf32> to vector<128x1xf32>
    %sub3A_957 = vector.broadcast %broadcast_in_dim3A_956 : vector<128x1xf32> to vector<128x128xf32>
    %sub3A_958 = arith.subf %mul3A_953, %sub3A_957 : vector<128x128xf32>
    %exp3A_959 = math.exp %sub3A_958 : vector<128x128xf32>
    %reduce_sum3A_960 = arith.constant dense<0.000000e+00> : vector<128xf32>
    %reduce_sum3A_961 = vector.multi_reduction <add>, %exp3A_959, %reduce_sum3A_960 [1] : vector<128x128xf32> to vector<128xf32>
    %broadcast_in_dim3A_962 = vector.shape_cast %reduce_sum3A_961 : vector<128xf32> to vector<128x1xf32>
    %div3A_963 = vector.broadcast %broadcast_in_dim3A_962 : vector<128x1xf32> to vector<128x128xf32>
    %div3A_964 = arith.divf %exp3A_959, %div3A_963 : vector<128x128xf32>
    %concatenate3A_965 = tpu.concatenate %div3A_845, %div3A_862, %div3A_879, %div3A_896, %div3A_913, %div3A_930, %div3A_947, %div3A_964 in 1 : vector<128x128xf32>, vector<128x128xf32>, vector<128x128xf32>, vector<128x128xf32>, vector<128x128xf32>, vector<128x128xf32>, vector<128x128xf32>, vector<128x128xf32> -> vector<128x1024xf32>
    %slice3A_966 = vector.extract_strided_slice %convert_element_type3A_400 {offsets = [128, 0], sizes = [128, 512], strides = [1, 1]} : vector<512x512xbf16> to vector<128x512xbf16>
    %slice3A_967 = vector.extract_strided_slice %convert_element_type3A_440 {offsets = [128, 0], sizes = [128, 512], strides = [1, 1]} : vector<512x512xbf16> to vector<128x512xbf16>
    %slice3A_968 = vector.extract_strided_slice %convert_element_type3A_480 {offsets = [128, 0], sizes = [128, 512], strides = [1, 1]} : vector<512x512xbf16> to vector<128x512xbf16>
    %slice3A_969 = vector.extract_strided_slice %convert_element_type3A_520 {offsets = [128, 0], sizes = [128, 512], strides = [1, 1]} : vector<512x512xbf16> to vector<128x512xbf16>
    %slice3A_970 = vector.extract_strided_slice %convert_element_type3A_560 {offsets = [128, 0], sizes = [128, 512], strides = [1, 1]} : vector<512x512xbf16> to vector<128x512xbf16>
    %slice3A_971 = vector.extract_strided_slice %convert_element_type3A_600 {offsets = [128, 0], sizes = [128, 512], strides = [1, 1]} : vector<512x512xbf16> to vector<128x512xbf16>
    %slice3A_972 = vector.extract_strided_slice %convert_element_type3A_640 {offsets = [128, 0], sizes = [128, 512], strides = [1, 1]} : vector<512x512xbf16> to vector<128x512xbf16>
    %slice3A_973 = vector.extract_strided_slice %convert_element_type3A_680 {offsets = [128, 0], sizes = [128, 512], strides = [1, 1]} : vector<512x512xbf16> to vector<128x512xbf16>
    %concatenate3A_974 = tpu.concatenate %slice3A_966, %slice3A_967, %slice3A_968, %slice3A_969, %slice3A_970, %slice3A_971, %slice3A_972, %slice3A_973 in 0 : vector<128x512xbf16>, vector<128x512xbf16>, vector<128x512xbf16>, vector<128x512xbf16>, vector<128x512xbf16>, vector<128x512xbf16>, vector<128x512xbf16>, vector<128x512xbf16> -> vector<1024x512xbf16>
    %convert_element_type3A_975 = arith.truncf %concatenate3A_965 : vector<128x1024xf32> to vector<128x1024xbf16>
    %dot_general3A_976 = arith.constant dense<0.000000e+00> : vector<128x512xf32>
    %dot_general3A_977 = tpu.matmul %convert_element_type3A_975, %concatenate3A_974, %dot_general3A_976 {dimension_numbers = #tpu.dot_dimension_numbers<[1], [0], [0], [1], [0, 0, 1, 1], [], []>, transpose_lhs_hint = false} : vector<128x1024xbf16>, vector<1024x512xbf16>, vector<128x512xf32> -> vector<128x512xf32>
    %slice3A_978 = vector.extract_strided_slice %convert_element_type3A_681 {offsets = [256, 0], sizes = [128, 512], strides = [1, 1]} : vector<512x512xbf16> to vector<128x512xbf16>
    %slice3A_979 = vector.extract_strided_slice %convert_element_type3A_80 {offsets = [256, 0], sizes = [128, 512], strides = [1, 1]} : vector<512x512xbf16> to vector<128x512xbf16>
    %dot_general3A_980 = arith.constant dense<0.000000e+00> : vector<128x128xf32>
    %dot_general3A_981 = tpu.matmul %slice3A_979, %slice3A_978, %dot_general3A_980 {dimension_numbers = #tpu.dot_dimension_numbers<[1], [1], [0], [0], [0, 0, 1, 0], [], []>, transpose_lhs_hint = false} : vector<128x512xbf16>, vector<128x512xbf16>, vector<128x128xf32> -> vector<128x128xf32>
    %mul3A_982 = arith.constant 1.250000e-01 : f32
    %mul3A_983 = vector.broadcast %mul3A_982 : f32 to vector<128x128xf32>
    %mul3A_984 = arith.mulf %dot_general3A_981, %mul3A_983 : vector<128x128xf32>
    %reduce_max3A_985 = arith.constant dense<0xFF800000> : vector<128xf32>
    %reduce_max3A_986 = vector.multi_reduction <maximumf>, %mul3A_984, %reduce_max3A_985 [1] : vector<128x128xf32> to vector<128xf32>
    %broadcast_in_dim3A_987 = vector.shape_cast %reduce_max3A_986 : vector<128xf32> to vector<128x1xf32>
    %sub3A_988 = vector.broadcast %broadcast_in_dim3A_987 : vector<128x1xf32> to vector<128x128xf32>
    %sub3A_989 = arith.subf %mul3A_984, %sub3A_988 : vector<128x128xf32>
    %exp3A_990 = math.exp %sub3A_989 : vector<128x128xf32>
    %reduce_sum3A_991 = arith.constant dense<0.000000e+00> : vector<128xf32>
    %reduce_sum3A_992 = vector.multi_reduction <add>, %exp3A_990, %reduce_sum3A_991 [1] : vector<128x128xf32> to vector<128xf32>
    %broadcast_in_dim3A_993 = vector.shape_cast %reduce_sum3A_992 : vector<128xf32> to vector<128x1xf32>
    %div3A_994 = vector.broadcast %broadcast_in_dim3A_993 : vector<128x1xf32> to vector<128x128xf32>
    %div3A_995 = arith.divf %exp3A_990, %div3A_994 : vector<128x128xf32>
    %slice3A_996 = vector.extract_strided_slice %convert_element_type3A_120 {offsets = [256, 0], sizes = [128, 512], strides = [1, 1]} : vector<512x512xbf16> to vector<128x512xbf16>
    %dot_general3A_997 = arith.constant dense<0.000000e+00> : vector<128x128xf32>
    %dot_general3A_998 = tpu.matmul %slice3A_996, %slice3A_978, %dot_general3A_997 {dimension_numbers = #tpu.dot_dimension_numbers<[1], [1], [0], [0], [0, 0, 1, 0], [], []>, transpose_lhs_hint = false} : vector<128x512xbf16>, vector<128x512xbf16>, vector<128x128xf32> -> vector<128x128xf32>
    %mul3A_999 = arith.constant 1.250000e-01 : f32
    %mul3A_1000 = vector.broadcast %mul3A_999 : f32 to vector<128x128xf32>
    %mul3A_1001 = arith.mulf %dot_general3A_998, %mul3A_1000 : vector<128x128xf32>
    %reduce_max3A_1002 = arith.constant dense<0xFF800000> : vector<128xf32>
    %reduce_max3A_1003 = vector.multi_reduction <maximumf>, %mul3A_1001, %reduce_max3A_1002 [1] : vector<128x128xf32> to vector<128xf32>
    %broadcast_in_dim3A_1004 = vector.shape_cast %reduce_max3A_1003 : vector<128xf32> to vector<128x1xf32>
    %sub3A_1005 = vector.broadcast %broadcast_in_dim3A_1004 : vector<128x1xf32> to vector<128x128xf32>
    %sub3A_1006 = arith.subf %mul3A_1001, %sub3A_1005 : vector<128x128xf32>
    %exp3A_1007 = math.exp %sub3A_1006 : vector<128x128xf32>
    %reduce_sum3A_1008 = arith.constant dense<0.000000e+00> : vector<128xf32>
    %reduce_sum3A_1009 = vector.multi_reduction <add>, %exp3A_1007, %reduce_sum3A_1008 [1] : vector<128x128xf32> to vector<128xf32>
    %broadcast_in_dim3A_1010 = vector.shape_cast %reduce_sum3A_1009 : vector<128xf32> to vector<128x1xf32>
    %div3A_1011 = vector.broadcast %broadcast_in_dim3A_1010 : vector<128x1xf32> to vector<128x128xf32>
    %div3A_1012 = arith.divf %exp3A_1007, %div3A_1011 : vector<128x128xf32>
    %slice3A_1013 = vector.extract_strided_slice %convert_element_type3A_160 {offsets = [256, 0], sizes = [128, 512], strides = [1, 1]} : vector<512x512xbf16> to vector<128x512xbf16>
    %dot_general3A_1014 = arith.constant dense<0.000000e+00> : vector<128x128xf32>
    %dot_general3A_1015 = tpu.matmul %slice3A_1013, %slice3A_978, %dot_general3A_1014 {dimension_numbers = #tpu.dot_dimension_numbers<[1], [1], [0], [0], [0, 0, 1, 0], [], []>, transpose_lhs_hint = false} : vector<128x512xbf16>, vector<128x512xbf16>, vector<128x128xf32> -> vector<128x128xf32>
    %mul3A_1016 = arith.constant 1.250000e-01 : f32
    %mul3A_1017 = vector.broadcast %mul3A_1016 : f32 to vector<128x128xf32>
    %mul3A_1018 = arith.mulf %dot_general3A_1015, %mul3A_1017 : vector<128x128xf32>
    %reduce_max3A_1019 = arith.constant dense<0xFF800000> : vector<128xf32>
    %reduce_max3A_1020 = vector.multi_reduction <maximumf>, %mul3A_1018, %reduce_max3A_1019 [1] : vector<128x128xf32> to vector<128xf32>
    %broadcast_in_dim3A_1021 = vector.shape_cast %reduce_max3A_1020 : vector<128xf32> to vector<128x1xf32>
    %sub3A_1022 = vector.broadcast %broadcast_in_dim3A_1021 : vector<128x1xf32> to vector<128x128xf32>
    %sub3A_1023 = arith.subf %mul3A_1018, %sub3A_1022 : vector<128x128xf32>
    %exp3A_1024 = math.exp %sub3A_1023 : vector<128x128xf32>
    %reduce_sum3A_1025 = arith.constant dense<0.000000e+00> : vector<128xf32>
    %reduce_sum3A_1026 = vector.multi_reduction <add>, %exp3A_1024, %reduce_sum3A_1025 [1] : vector<128x128xf32> to vector<128xf32>
    %broadcast_in_dim3A_1027 = vector.shape_cast %reduce_sum3A_1026 : vector<128xf32> to vector<128x1xf32>
    %div3A_1028 = vector.broadcast %broadcast_in_dim3A_1027 : vector<128x1xf32> to vector<128x128xf32>
    %div3A_1029 = arith.divf %exp3A_1024, %div3A_1028 : vector<128x128xf32>
    %slice3A_1030 = vector.extract_strided_slice %convert_element_type3A_200 {offsets = [256, 0], sizes = [128, 512], strides = [1, 1]} : vector<512x512xbf16> to vector<128x512xbf16>
    %dot_general3A_1031 = arith.constant dense<0.000000e+00> : vector<128x128xf32>
    %dot_general3A_1032 = tpu.matmul %slice3A_1030, %slice3A_978, %dot_general3A_1031 {dimension_numbers = #tpu.dot_dimension_numbers<[1], [1], [0], [0], [0, 0, 1, 0], [], []>, transpose_lhs_hint = false} : vector<128x512xbf16>, vector<128x512xbf16>, vector<128x128xf32> -> vector<128x128xf32>
    %mul3A_1033 = arith.constant 1.250000e-01 : f32
    %mul3A_1034 = vector.broadcast %mul3A_1033 : f32 to vector<128x128xf32>
    %mul3A_1035 = arith.mulf %dot_general3A_1032, %mul3A_1034 : vector<128x128xf32>
    %reduce_max3A_1036 = arith.constant dense<0xFF800000> : vector<128xf32>
    %reduce_max3A_1037 = vector.multi_reduction <maximumf>, %mul3A_1035, %reduce_max3A_1036 [1] : vector<128x128xf32> to vector<128xf32>
    %broadcast_in_dim3A_1038 = vector.shape_cast %reduce_max3A_1037 : vector<128xf32> to vector<128x1xf32>
    %sub3A_1039 = vector.broadcast %broadcast_in_dim3A_1038 : vector<128x1xf32> to vector<128x128xf32>
    %sub3A_1040 = arith.subf %mul3A_1035, %sub3A_1039 : vector<128x128xf32>
    %exp3A_1041 = math.exp %sub3A_1040 : vector<128x128xf32>
    %reduce_sum3A_1042 = arith.constant dense<0.000000e+00> : vector<128xf32>
    %reduce_sum3A_1043 = vector.multi_reduction <add>, %exp3A_1041, %reduce_sum3A_1042 [1] : vector<128x128xf32> to vector<128xf32>
    %broadcast_in_dim3A_1044 = vector.shape_cast %reduce_sum3A_1043 : vector<128xf32> to vector<128x1xf32>
    %div3A_1045 = vector.broadcast %broadcast_in_dim3A_1044 : vector<128x1xf32> to vector<128x128xf32>
    %div3A_1046 = arith.divf %exp3A_1041, %div3A_1045 : vector<128x128xf32>
    %slice3A_1047 = vector.extract_strided_slice %convert_element_type3A_240 {offsets = [256, 0], sizes = [128, 512], strides = [1, 1]} : vector<512x512xbf16> to vector<128x512xbf16>
    %dot_general3A_1048 = arith.constant dense<0.000000e+00> : vector<128x128xf32>
    %dot_general3A_1049 = tpu.matmul %slice3A_1047, %slice3A_978, %dot_general3A_1048 {dimension_numbers = #tpu.dot_dimension_numbers<[1], [1], [0], [0], [0, 0, 1, 0], [], []>, transpose_lhs_hint = false} : vector<128x512xbf16>, vector<128x512xbf16>, vector<128x128xf32> -> vector<128x128xf32>
    %mul3A_1050 = arith.constant 1.250000e-01 : f32
    %mul3A_1051 = vector.broadcast %mul3A_1050 : f32 to vector<128x128xf32>
    %mul3A_1052 = arith.mulf %dot_general3A_1049, %mul3A_1051 : vector<128x128xf32>
    %reduce_max3A_1053 = arith.constant dense<0xFF800000> : vector<128xf32>
    %reduce_max3A_1054 = vector.multi_reduction <maximumf>, %mul3A_1052, %reduce_max3A_1053 [1] : vector<128x128xf32> to vector<128xf32>
    %broadcast_in_dim3A_1055 = vector.shape_cast %reduce_max3A_1054 : vector<128xf32> to vector<128x1xf32>
    %sub3A_1056 = vector.broadcast %broadcast_in_dim3A_1055 : vector<128x1xf32> to vector<128x128xf32>
    %sub3A_1057 = arith.subf %mul3A_1052, %sub3A_1056 : vector<128x128xf32>
    %exp3A_1058 = math.exp %sub3A_1057 : vector<128x128xf32>
    %reduce_sum3A_1059 = arith.constant dense<0.000000e+00> : vector<128xf32>
    %reduce_sum3A_1060 = vector.multi_reduction <add>, %exp3A_1058, %reduce_sum3A_1059 [1] : vector<128x128xf32> to vector<128xf32>
    %broadcast_in_dim3A_1061 = vector.shape_cast %reduce_sum3A_1060 : vector<128xf32> to vector<128x1xf32>
    %div3A_1062 = vector.broadcast %broadcast_in_dim3A_1061 : vector<128x1xf32> to vector<128x128xf32>
    %div3A_1063 = arith.divf %exp3A_1058, %div3A_1062 : vector<128x128xf32>
    %slice3A_1064 = vector.extract_strided_slice %convert_element_type3A_280 {offsets = [256, 0], sizes = [128, 512], strides = [1, 1]} : vector<512x512xbf16> to vector<128x512xbf16>
    %dot_general3A_1065 = arith.constant dense<0.000000e+00> : vector<128x128xf32>
    %dot_general3A_1066 = tpu.matmul %slice3A_1064, %slice3A_978, %dot_general3A_1065 {dimension_numbers = #tpu.dot_dimension_numbers<[1], [1], [0], [0], [0, 0, 1, 0], [], []>, transpose_lhs_hint = false} : vector<128x512xbf16>, vector<128x512xbf16>, vector<128x128xf32> -> vector<128x128xf32>
    %mul3A_1067 = arith.constant 1.250000e-01 : f32
    %mul3A_1068 = vector.broadcast %mul3A_1067 : f32 to vector<128x128xf32>
    %mul3A_1069 = arith.mulf %dot_general3A_1066, %mul3A_1068 : vector<128x128xf32>
    %reduce_max3A_1070 = arith.constant dense<0xFF800000> : vector<128xf32>
    %reduce_max3A_1071 = vector.multi_reduction <maximumf>, %mul3A_1069, %reduce_max3A_1070 [1] : vector<128x128xf32> to vector<128xf32>
    %broadcast_in_dim3A_1072 = vector.shape_cast %reduce_max3A_1071 : vector<128xf32> to vector<128x1xf32>
    %sub3A_1073 = vector.broadcast %broadcast_in_dim3A_1072 : vector<128x1xf32> to vector<128x128xf32>
    %sub3A_1074 = arith.subf %mul3A_1069, %sub3A_1073 : vector<128x128xf32>
    %exp3A_1075 = math.exp %sub3A_1074 : vector<128x128xf32>
    %reduce_sum3A_1076 = arith.constant dense<0.000000e+00> : vector<128xf32>
    %reduce_sum3A_1077 = vector.multi_reduction <add>, %exp3A_1075, %reduce_sum3A_1076 [1] : vector<128x128xf32> to vector<128xf32>
    %broadcast_in_dim3A_1078 = vector.shape_cast %reduce_sum3A_1077 : vector<128xf32> to vector<128x1xf32>
    %div3A_1079 = vector.broadcast %broadcast_in_dim3A_1078 : vector<128x1xf32> to vector<128x128xf32>
    %div3A_1080 = arith.divf %exp3A_1075, %div3A_1079 : vector<128x128xf32>
    %slice3A_1081 = vector.extract_strided_slice %convert_element_type3A_320 {offsets = [256, 0], sizes = [128, 512], strides = [1, 1]} : vector<512x512xbf16> to vector<128x512xbf16>
    %dot_general3A_1082 = arith.constant dense<0.000000e+00> : vector<128x128xf32>
    %dot_general3A_1083 = tpu.matmul %slice3A_1081, %slice3A_978, %dot_general3A_1082 {dimension_numbers = #tpu.dot_dimension_numbers<[1], [1], [0], [0], [0, 0, 1, 0], [], []>, transpose_lhs_hint = false} : vector<128x512xbf16>, vector<128x512xbf16>, vector<128x128xf32> -> vector<128x128xf32>
    %mul3A_1084 = arith.constant 1.250000e-01 : f32
    %mul3A_1085 = vector.broadcast %mul3A_1084 : f32 to vector<128x128xf32>
    %mul3A_1086 = arith.mulf %dot_general3A_1083, %mul3A_1085 : vector<128x128xf32>
    %reduce_max3A_1087 = arith.constant dense<0xFF800000> : vector<128xf32>
    %reduce_max3A_1088 = vector.multi_reduction <maximumf>, %mul3A_1086, %reduce_max3A_1087 [1] : vector<128x128xf32> to vector<128xf32>
    %broadcast_in_dim3A_1089 = vector.shape_cast %reduce_max3A_1088 : vector<128xf32> to vector<128x1xf32>
    %sub3A_1090 = vector.broadcast %broadcast_in_dim3A_1089 : vector<128x1xf32> to vector<128x128xf32>
    %sub3A_1091 = arith.subf %mul3A_1086, %sub3A_1090 : vector<128x128xf32>
    %exp3A_1092 = math.exp %sub3A_1091 : vector<128x128xf32>
    %reduce_sum3A_1093 = arith.constant dense<0.000000e+00> : vector<128xf32>
    %reduce_sum3A_1094 = vector.multi_reduction <add>, %exp3A_1092, %reduce_sum3A_1093 [1] : vector<128x128xf32> to vector<128xf32>
    %broadcast_in_dim3A_1095 = vector.shape_cast %reduce_sum3A_1094 : vector<128xf32> to vector<128x1xf32>
    %div3A_1096 = vector.broadcast %broadcast_in_dim3A_1095 : vector<128x1xf32> to vector<128x128xf32>
    %div3A_1097 = arith.divf %exp3A_1092, %div3A_1096 : vector<128x128xf32>
    %slice3A_1098 = vector.extract_strided_slice %convert_element_type3A_360 {offsets = [256, 0], sizes = [128, 512], strides = [1, 1]} : vector<512x512xbf16> to vector<128x512xbf16>
    %dot_general3A_1099 = arith.constant dense<0.000000e+00> : vector<128x128xf32>
    %dot_general3A_1100 = tpu.matmul %slice3A_1098, %slice3A_978, %dot_general3A_1099 {dimension_numbers = #tpu.dot_dimension_numbers<[1], [1], [0], [0], [0, 0, 1, 0], [], []>, transpose_lhs_hint = false} : vector<128x512xbf16>, vector<128x512xbf16>, vector<128x128xf32> -> vector<128x128xf32>
    %mul3A_1101 = arith.constant 1.250000e-01 : f32
    %mul3A_1102 = vector.broadcast %mul3A_1101 : f32 to vector<128x128xf32>
    %mul3A_1103 = arith.mulf %dot_general3A_1100, %mul3A_1102 : vector<128x128xf32>
    %reduce_max3A_1104 = arith.constant dense<0xFF800000> : vector<128xf32>
    %reduce_max3A_1105 = vector.multi_reduction <maximumf>, %mul3A_1103, %reduce_max3A_1104 [1] : vector<128x128xf32> to vector<128xf32>
    %broadcast_in_dim3A_1106 = vector.shape_cast %reduce_max3A_1105 : vector<128xf32> to vector<128x1xf32>
    %sub3A_1107 = vector.broadcast %broadcast_in_dim3A_1106 : vector<128x1xf32> to vector<128x128xf32>
    %sub3A_1108 = arith.subf %mul3A_1103, %sub3A_1107 : vector<128x128xf32>
    %exp3A_1109 = math.exp %sub3A_1108 : vector<128x128xf32>
    %reduce_sum3A_1110 = arith.constant dense<0.000000e+00> : vector<128xf32>
    %reduce_sum3A_1111 = vector.multi_reduction <add>, %exp3A_1109, %reduce_sum3A_1110 [1] : vector<128x128xf32> to vector<128xf32>
    %broadcast_in_dim3A_1112 = vector.shape_cast %reduce_sum3A_1111 : vector<128xf32> to vector<128x1xf32>
    %div3A_1113 = vector.broadcast %broadcast_in_dim3A_1112 : vector<128x1xf32> to vector<128x128xf32>
    %div3A_1114 = arith.divf %exp3A_1109, %div3A_1113 : vector<128x128xf32>
    %concatenate3A_1115 = tpu.concatenate %div3A_995, %div3A_1012, %div3A_1029, %div3A_1046, %div3A_1063, %div3A_1080, %div3A_1097, %div3A_1114 in 1 : vector<128x128xf32>, vector<128x128xf32>, vector<128x128xf32>, vector<128x128xf32>, vector<128x128xf32>, vector<128x128xf32>, vector<128x128xf32>, vector<128x128xf32> -> vector<128x1024xf32>
    %slice3A_1116 = vector.extract_strided_slice %convert_element_type3A_400 {offsets = [256, 0], sizes = [128, 512], strides = [1, 1]} : vector<512x512xbf16> to vector<128x512xbf16>
    %slice3A_1117 = vector.extract_strided_slice %convert_element_type3A_440 {offsets = [256, 0], sizes = [128, 512], strides = [1, 1]} : vector<512x512xbf16> to vector<128x512xbf16>
    %slice3A_1118 = vector.extract_strided_slice %convert_element_type3A_480 {offsets = [256, 0], sizes = [128, 512], strides = [1, 1]} : vector<512x512xbf16> to vector<128x512xbf16>
    %slice3A_1119 = vector.extract_strided_slice %convert_element_type3A_520 {offsets = [256, 0], sizes = [128, 512], strides = [1, 1]} : vector<512x512xbf16> to vector<128x512xbf16>
    %slice3A_1120 = vector.extract_strided_slice %convert_element_type3A_560 {offsets = [256, 0], sizes = [128, 512], strides = [1, 1]} : vector<512x512xbf16> to vector<128x512xbf16>
    %slice3A_1121 = vector.extract_strided_slice %convert_element_type3A_600 {offsets = [256, 0], sizes = [128, 512], strides = [1, 1]} : vector<512x512xbf16> to vector<128x512xbf16>
    %slice3A_1122 = vector.extract_strided_slice %convert_element_type3A_640 {offsets = [256, 0], sizes = [128, 512], strides = [1, 1]} : vector<512x512xbf16> to vector<128x512xbf16>
    %slice3A_1123 = vector.extract_strided_slice %convert_element_type3A_680 {offsets = [256, 0], sizes = [128, 512], strides = [1, 1]} : vector<512x512xbf16> to vector<128x512xbf16>
    %concatenate3A_1124 = tpu.concatenate %slice3A_1116, %slice3A_1117, %slice3A_1118, %slice3A_1119, %slice3A_1120, %slice3A_1121, %slice3A_1122, %slice3A_1123 in 0 : vector<128x512xbf16>, vector<128x512xbf16>, vector<128x512xbf16>, vector<128x512xbf16>, vector<128x512xbf16>, vector<128x512xbf16>, vector<128x512xbf16>, vector<128x512xbf16> -> vector<1024x512xbf16>
    %convert_element_type3A_1125 = arith.truncf %concatenate3A_1115 : vector<128x1024xf32> to vector<128x1024xbf16>
    %dot_general3A_1126 = arith.constant dense<0.000000e+00> : vector<128x512xf32>
    %dot_general3A_1127 = tpu.matmul %convert_element_type3A_1125, %concatenate3A_1124, %dot_general3A_1126 {dimension_numbers = #tpu.dot_dimension_numbers<[1], [0], [0], [1], [0, 0, 1, 1], [], []>, transpose_lhs_hint = false} : vector<128x1024xbf16>, vector<1024x512xbf16>, vector<128x512xf32> -> vector<128x512xf32>
    %slice3A_1128 = vector.extract_strided_slice %convert_element_type3A_681 {offsets = [384, 0], sizes = [128, 512], strides = [1, 1]} : vector<512x512xbf16> to vector<128x512xbf16>
    %slice3A_1129 = vector.extract_strided_slice %convert_element_type3A_80 {offsets = [384, 0], sizes = [128, 512], strides = [1, 1]} : vector<512x512xbf16> to vector<128x512xbf16>
    %dot_general3A_1130 = arith.constant dense<0.000000e+00> : vector<128x128xf32>
    %dot_general3A_1131 = tpu.matmul %slice3A_1129, %slice3A_1128, %dot_general3A_1130 {dimension_numbers = #tpu.dot_dimension_numbers<[1], [1], [0], [0], [0, 0, 1, 0], [], []>, transpose_lhs_hint = false} : vector<128x512xbf16>, vector<128x512xbf16>, vector<128x128xf32> -> vector<128x128xf32>
    %mul3A_1132 = arith.constant 1.250000e-01 : f32
    %mul3A_1133 = vector.broadcast %mul3A_1132 : f32 to vector<128x128xf32>
    %mul3A_1134 = arith.mulf %dot_general3A_1131, %mul3A_1133 : vector<128x128xf32>
    %reduce_max3A_1135 = arith.constant dense<0xFF800000> : vector<128xf32>
    %reduce_max3A_1136 = vector.multi_reduction <maximumf>, %mul3A_1134, %reduce_max3A_1135 [1] : vector<128x128xf32> to vector<128xf32>
    %broadcast_in_dim3A_1137 = vector.shape_cast %reduce_max3A_1136 : vector<128xf32> to vector<128x1xf32>
    %sub3A_1138 = vector.broadcast %broadcast_in_dim3A_1137 : vector<128x1xf32> to vector<128x128xf32>
    %sub3A_1139 = arith.subf %mul3A_1134, %sub3A_1138 : vector<128x128xf32>
    %exp3A_1140 = math.exp %sub3A_1139 : vector<128x128xf32>
    %reduce_sum3A_1141 = arith.constant dense<0.000000e+00> : vector<128xf32>
    %reduce_sum3A_1142 = vector.multi_reduction <add>, %exp3A_1140, %reduce_sum3A_1141 [1] : vector<128x128xf32> to vector<128xf32>
    %broadcast_in_dim3A_1143 = vector.shape_cast %reduce_sum3A_1142 : vector<128xf32> to vector<128x1xf32>
    %div3A_1144 = vector.broadcast %broadcast_in_dim3A_1143 : vector<128x1xf32> to vector<128x128xf32>
    %div3A_1145 = arith.divf %exp3A_1140, %div3A_1144 : vector<128x128xf32>
    %slice3A_1146 = vector.extract_strided_slice %convert_element_type3A_120 {offsets = [384, 0], sizes = [128, 512], strides = [1, 1]} : vector<512x512xbf16> to vector<128x512xbf16>
    %dot_general3A_1147 = arith.constant dense<0.000000e+00> : vector<128x128xf32>
    %dot_general3A_1148 = tpu.matmul %slice3A_1146, %slice3A_1128, %dot_general3A_1147 {dimension_numbers = #tpu.dot_dimension_numbers<[1], [1], [0], [0], [0, 0, 1, 0], [], []>, transpose_lhs_hint = false} : vector<128x512xbf16>, vector<128x512xbf16>, vector<128x128xf32> -> vector<128x128xf32>
    %mul3A_1149 = arith.constant 1.250000e-01 : f32
    %mul3A_1150 = vector.broadcast %mul3A_1149 : f32 to vector<128x128xf32>
    %mul3A_1151 = arith.mulf %dot_general3A_1148, %mul3A_1150 : vector<128x128xf32>
    %reduce_max3A_1152 = arith.constant dense<0xFF800000> : vector<128xf32>
    %reduce_max3A_1153 = vector.multi_reduction <maximumf>, %mul3A_1151, %reduce_max3A_1152 [1] : vector<128x128xf32> to vector<128xf32>
    %broadcast_in_dim3A_1154 = vector.shape_cast %reduce_max3A_1153 : vector<128xf32> to vector<128x1xf32>
    %sub3A_1155 = vector.broadcast %broadcast_in_dim3A_1154 : vector<128x1xf32> to vector<128x128xf32>
    %sub3A_1156 = arith.subf %mul3A_1151, %sub3A_1155 : vector<128x128xf32>
    %exp3A_1157 = math.exp %sub3A_1156 : vector<128x128xf32>
    %reduce_sum3A_1158 = arith.constant dense<0.000000e+00> : vector<128xf32>
    %reduce_sum3A_1159 = vector.multi_reduction <add>, %exp3A_1157, %reduce_sum3A_1158 [1] : vector<128x128xf32> to vector<128xf32>
    %broadcast_in_dim3A_1160 = vector.shape_cast %reduce_sum3A_1159 : vector<128xf32> to vector<128x1xf32>
    %div3A_1161 = vector.broadcast %broadcast_in_dim3A_1160 : vector<128x1xf32> to vector<128x128xf32>
    %div3A_1162 = arith.divf %exp3A_1157, %div3A_1161 : vector<128x128xf32>
    %slice3A_1163 = vector.extract_strided_slice %convert_element_type3A_160 {offsets = [384, 0], sizes = [128, 512], strides = [1, 1]} : vector<512x512xbf16> to vector<128x512xbf16>
    %dot_general3A_1164 = arith.constant dense<0.000000e+00> : vector<128x128xf32>
    %dot_general3A_1165 = tpu.matmul %slice3A_1163, %slice3A_1128, %dot_general3A_1164 {dimension_numbers = #tpu.dot_dimension_numbers<[1], [1], [0], [0], [0, 0, 1, 0], [], []>, transpose_lhs_hint = false} : vector<128x512xbf16>, vector<128x512xbf16>, vector<128x128xf32> -> vector<128x128xf32>
    %mul3A_1166 = arith.constant 1.250000e-01 : f32
    %mul3A_1167 = vector.broadcast %mul3A_1166 : f32 to vector<128x128xf32>
    %mul3A_1168 = arith.mulf %dot_general3A_1165, %mul3A_1167 : vector<128x128xf32>
    %reduce_max3A_1169 = arith.constant dense<0xFF800000> : vector<128xf32>
    %reduce_max3A_1170 = vector.multi_reduction <maximumf>, %mul3A_1168, %reduce_max3A_1169 [1] : vector<128x128xf32> to vector<128xf32>
    %broadcast_in_dim3A_1171 = vector.shape_cast %reduce_max3A_1170 : vector<128xf32> to vector<128x1xf32>
    %sub3A_1172 = vector.broadcast %broadcast_in_dim3A_1171 : vector<128x1xf32> to vector<128x128xf32>
    %sub3A_1173 = arith.subf %mul3A_1168, %sub3A_1172 : vector<128x128xf32>
    %exp3A_1174 = math.exp %sub3A_1173 : vector<128x128xf32>
    %reduce_sum3A_1175 = arith.constant dense<0.000000e+00> : vector<128xf32>
    %reduce_sum3A_1176 = vector.multi_reduction <add>, %exp3A_1174, %reduce_sum3A_1175 [1] : vector<128x128xf32> to vector<128xf32>
    %broadcast_in_dim3A_1177 = vector.shape_cast %reduce_sum3A_1176 : vector<128xf32> to vector<128x1xf32>
    %div3A_1178 = vector.broadcast %broadcast_in_dim3A_1177 : vector<128x1xf32> to vector<128x128xf32>
    %div3A_1179 = arith.divf %exp3A_1174, %div3A_1178 : vector<128x128xf32>
    %slice3A_1180 = vector.extract_strided_slice %convert_element_type3A_200 {offsets = [384, 0], sizes = [128, 512], strides = [1, 1]} : vector<512x512xbf16> to vector<128x512xbf16>
    %dot_general3A_1181 = arith.constant dense<0.000000e+00> : vector<128x128xf32>
    %dot_general3A_1182 = tpu.matmul %slice3A_1180, %slice3A_1128, %dot_general3A_1181 {dimension_numbers = #tpu.dot_dimension_numbers<[1], [1], [0], [0], [0, 0, 1, 0], [], []>, transpose_lhs_hint = false} : vector<128x512xbf16>, vector<128x512xbf16>, vector<128x128xf32> -> vector<128x128xf32>
    %mul3A_1183 = arith.constant 1.250000e-01 : f32
    %mul3A_1184 = vector.broadcast %mul3A_1183 : f32 to vector<128x128xf32>
    %mul3A_1185 = arith.mulf %dot_general3A_1182, %mul3A_1184 : vector<128x128xf32>
    %reduce_max3A_1186 = arith.constant dense<0xFF800000> : vector<128xf32>
    %reduce_max3A_1187 = vector.multi_reduction <maximumf>, %mul3A_1185, %reduce_max3A_1186 [1] : vector<128x128xf32> to vector<128xf32>
    %broadcast_in_dim3A_1188 = vector.shape_cast %reduce_max3A_1187 : vector<128xf32> to vector<128x1xf32>
    %sub3A_1189 = vector.broadcast %broadcast_in_dim3A_1188 : vector<128x1xf32> to vector<128x128xf32>
    %sub3A_1190 = arith.subf %mul3A_1185, %sub3A_1189 : vector<128x128xf32>
    %exp3A_1191 = math.exp %sub3A_1190 : vector<128x128xf32>
    %reduce_sum3A_1192 = arith.constant dense<0.000000e+00> : vector<128xf32>
    %reduce_sum3A_1193 = vector.multi_reduction <add>, %exp3A_1191, %reduce_sum3A_1192 [1] : vector<128x128xf32> to vector<128xf32>
    %broadcast_in_dim3A_1194 = vector.shape_cast %reduce_sum3A_1193 : vector<128xf32> to vector<128x1xf32>
    %div3A_1195 = vector.broadcast %broadcast_in_dim3A_1194 : vector<128x1xf32> to vector<128x128xf32>
    %div3A_1196 = arith.divf %exp3A_1191, %div3A_1195 : vector<128x128xf32>
    %slice3A_1197 = vector.extract_strided_slice %convert_element_type3A_240 {offsets = [384, 0], sizes = [128, 512], strides = [1, 1]} : vector<512x512xbf16> to vector<128x512xbf16>
    %dot_general3A_1198 = arith.constant dense<0.000000e+00> : vector<128x128xf32>
    %dot_general3A_1199 = tpu.matmul %slice3A_1197, %slice3A_1128, %dot_general3A_1198 {dimension_numbers = #tpu.dot_dimension_numbers<[1], [1], [0], [0], [0, 0, 1, 0], [], []>, transpose_lhs_hint = false} : vector<128x512xbf16>, vector<128x512xbf16>, vector<128x128xf32> -> vector<128x128xf32>
    %mul3A_1200 = arith.constant 1.250000e-01 : f32
    %mul3A_1201 = vector.broadcast %mul3A_1200 : f32 to vector<128x128xf32>
    %mul3A_1202 = arith.mulf %dot_general3A_1199, %mul3A_1201 : vector<128x128xf32>
    %reduce_max3A_1203 = arith.constant dense<0xFF800000> : vector<128xf32>
    %reduce_max3A_1204 = vector.multi_reduction <maximumf>, %mul3A_1202, %reduce_max3A_1203 [1] : vector<128x128xf32> to vector<128xf32>
    %broadcast_in_dim3A_1205 = vector.shape_cast %reduce_max3A_1204 : vector<128xf32> to vector<128x1xf32>
    %sub3A_1206 = vector.broadcast %broadcast_in_dim3A_1205 : vector<128x1xf32> to vector<128x128xf32>
    %sub3A_1207 = arith.subf %mul3A_1202, %sub3A_1206 : vector<128x128xf32>
    %exp3A_1208 = math.exp %sub3A_1207 : vector<128x128xf32>
    %reduce_sum3A_1209 = arith.constant dense<0.000000e+00> : vector<128xf32>
    %reduce_sum3A_1210 = vector.multi_reduction <add>, %exp3A_1208, %reduce_sum3A_1209 [1] : vector<128x128xf32> to vector<128xf32>
    %broadcast_in_dim3A_1211 = vector.shape_cast %reduce_sum3A_1210 : vector<128xf32> to vector<128x1xf32>
    %div3A_1212 = vector.broadcast %broadcast_in_dim3A_1211 : vector<128x1xf32> to vector<128x128xf32>
    %div3A_1213 = arith.divf %exp3A_1208, %div3A_1212 : vector<128x128xf32>
    %slice3A_1214 = vector.extract_strided_slice %convert_element_type3A_280 {offsets = [384, 0], sizes = [128, 512], strides = [1, 1]} : vector<512x512xbf16> to vector<128x512xbf16>
    %dot_general3A_1215 = arith.constant dense<0.000000e+00> : vector<128x128xf32>
    %dot_general3A_1216 = tpu.matmul %slice3A_1214, %slice3A_1128, %dot_general3A_1215 {dimension_numbers = #tpu.dot_dimension_numbers<[1], [1], [0], [0], [0, 0, 1, 0], [], []>, transpose_lhs_hint = false} : vector<128x512xbf16>, vector<128x512xbf16>, vector<128x128xf32> -> vector<128x128xf32>
    %mul3A_1217 = arith.constant 1.250000e-01 : f32
    %mul3A_1218 = vector.broadcast %mul3A_1217 : f32 to vector<128x128xf32>
    %mul3A_1219 = arith.mulf %dot_general3A_1216, %mul3A_1218 : vector<128x128xf32>
    %reduce_max3A_1220 = arith.constant dense<0xFF800000> : vector<128xf32>
    %reduce_max3A_1221 = vector.multi_reduction <maximumf>, %mul3A_1219, %reduce_max3A_1220 [1] : vector<128x128xf32> to vector<128xf32>
    %broadcast_in_dim3A_1222 = vector.shape_cast %reduce_max3A_1221 : vector<128xf32> to vector<128x1xf32>
    %sub3A_1223 = vector.broadcast %broadcast_in_dim3A_1222 : vector<128x1xf32> to vector<128x128xf32>
    %sub3A_1224 = arith.subf %mul3A_1219, %sub3A_1223 : vector<128x128xf32>
    %exp3A_1225 = math.exp %sub3A_1224 : vector<128x128xf32>
    %reduce_sum3A_1226 = arith.constant dense<0.000000e+00> : vector<128xf32>
    %reduce_sum3A_1227 = vector.multi_reduction <add>, %exp3A_1225, %reduce_sum3A_1226 [1] : vector<128x128xf32> to vector<128xf32>
    %broadcast_in_dim3A_1228 = vector.shape_cast %reduce_sum3A_1227 : vector<128xf32> to vector<128x1xf32>
    %div3A_1229 = vector.broadcast %broadcast_in_dim3A_1228 : vector<128x1xf32> to vector<128x128xf32>
    %div3A_1230 = arith.divf %exp3A_1225, %div3A_1229 : vector<128x128xf32>
    %slice3A_1231 = vector.extract_strided_slice %convert_element_type3A_320 {offsets = [384, 0], sizes = [128, 512], strides = [1, 1]} : vector<512x512xbf16> to vector<128x512xbf16>
    %dot_general3A_1232 = arith.constant dense<0.000000e+00> : vector<128x128xf32>
    %dot_general3A_1233 = tpu.matmul %slice3A_1231, %slice3A_1128, %dot_general3A_1232 {dimension_numbers = #tpu.dot_dimension_numbers<[1], [1], [0], [0], [0, 0, 1, 0], [], []>, transpose_lhs_hint = false} : vector<128x512xbf16>, vector<128x512xbf16>, vector<128x128xf32> -> vector<128x128xf32>
    %mul3A_1234 = arith.constant 1.250000e-01 : f32
    %mul3A_1235 = vector.broadcast %mul3A_1234 : f32 to vector<128x128xf32>
    %mul3A_1236 = arith.mulf %dot_general3A_1233, %mul3A_1235 : vector<128x128xf32>
    %reduce_max3A_1237 = arith.constant dense<0xFF800000> : vector<128xf32>
    %reduce_max3A_1238 = vector.multi_reduction <maximumf>, %mul3A_1236, %reduce_max3A_1237 [1] : vector<128x128xf32> to vector<128xf32>
    %broadcast_in_dim3A_1239 = vector.shape_cast %reduce_max3A_1238 : vector<128xf32> to vector<128x1xf32>
    %sub3A_1240 = vector.broadcast %broadcast_in_dim3A_1239 : vector<128x1xf32> to vector<128x128xf32>
    %sub3A_1241 = arith.subf %mul3A_1236, %sub3A_1240 : vector<128x128xf32>
    %exp3A_1242 = math.exp %sub3A_1241 : vector<128x128xf32>
    %reduce_sum3A_1243 = arith.constant dense<0.000000e+00> : vector<128xf32>
    %reduce_sum3A_1244 = vector.multi_reduction <add>, %exp3A_1242, %reduce_sum3A_1243 [1] : vector<128x128xf32> to vector<128xf32>
    %broadcast_in_dim3A_1245 = vector.shape_cast %reduce_sum3A_1244 : vector<128xf32> to vector<128x1xf32>
    %div3A_1246 = vector.broadcast %broadcast_in_dim3A_1245 : vector<128x1xf32> to vector<128x128xf32>
    %div3A_1247 = arith.divf %exp3A_1242, %div3A_1246 : vector<128x128xf32>
    %slice3A_1248 = vector.extract_strided_slice %convert_element_type3A_360 {offsets = [384, 0], sizes = [128, 512], strides = [1, 1]} : vector<512x512xbf16> to vector<128x512xbf16>
    %dot_general3A_1249 = arith.constant dense<0.000000e+00> : vector<128x128xf32>
    %dot_general3A_1250 = tpu.matmul %slice3A_1248, %slice3A_1128, %dot_general3A_1249 {dimension_numbers = #tpu.dot_dimension_numbers<[1], [1], [0], [0], [0, 0, 1, 0], [], []>, transpose_lhs_hint = false} : vector<128x512xbf16>, vector<128x512xbf16>, vector<128x128xf32> -> vector<128x128xf32>
    %mul3A_1251 = arith.constant 1.250000e-01 : f32
    %mul3A_1252 = vector.broadcast %mul3A_1251 : f32 to vector<128x128xf32>
    %mul3A_1253 = arith.mulf %dot_general3A_1250, %mul3A_1252 : vector<128x128xf32>
    %reduce_max3A_1254 = arith.constant dense<0xFF800000> : vector<128xf32>
    %reduce_max3A_1255 = vector.multi_reduction <maximumf>, %mul3A_1253, %reduce_max3A_1254 [1] : vector<128x128xf32> to vector<128xf32>
    %broadcast_in_dim3A_1256 = vector.shape_cast %reduce_max3A_1255 : vector<128xf32> to vector<128x1xf32>
    %sub3A_1257 = vector.broadcast %broadcast_in_dim3A_1256 : vector<128x1xf32> to vector<128x128xf32>
    %sub3A_1258 = arith.subf %mul3A_1253, %sub3A_1257 : vector<128x128xf32>
    %exp3A_1259 = math.exp %sub3A_1258 : vector<128x128xf32>
    %reduce_sum3A_1260 = arith.constant dense<0.000000e+00> : vector<128xf32>
    %reduce_sum3A_1261 = vector.multi_reduction <add>, %exp3A_1259, %reduce_sum3A_1260 [1] : vector<128x128xf32> to vector<128xf32>
    %broadcast_in_dim3A_1262 = vector.shape_cast %reduce_sum3A_1261 : vector<128xf32> to vector<128x1xf32>
    %div3A_1263 = vector.broadcast %broadcast_in_dim3A_1262 : vector<128x1xf32> to vector<128x128xf32>
    %div3A_1264 = arith.divf %exp3A_1259, %div3A_1263 : vector<128x128xf32>
    %concatenate3A_1265 = tpu.concatenate %div3A_1145, %div3A_1162, %div3A_1179, %div3A_1196, %div3A_1213, %div3A_1230, %div3A_1247, %div3A_1264 in 1 : vector<128x128xf32>, vector<128x128xf32>, vector<128x128xf32>, vector<128x128xf32>, vector<128x128xf32>, vector<128x128xf32>, vector<128x128xf32>, vector<128x128xf32> -> vector<128x1024xf32>
    %slice3A_1266 = vector.extract_strided_slice %convert_element_type3A_400 {offsets = [384, 0], sizes = [128, 512], strides = [1, 1]} : vector<512x512xbf16> to vector<128x512xbf16>
    %slice3A_1267 = vector.extract_strided_slice %convert_element_type3A_440 {offsets = [384, 0], sizes = [128, 512], strides = [1, 1]} : vector<512x512xbf16> to vector<128x512xbf16>
    %slice3A_1268 = vector.extract_strided_slice %convert_element_type3A_480 {offsets = [384, 0], sizes = [128, 512], strides = [1, 1]} : vector<512x512xbf16> to vector<128x512xbf16>
    %slice3A_1269 = vector.extract_strided_slice %convert_element_type3A_520 {offsets = [384, 0], sizes = [128, 512], strides = [1, 1]} : vector<512x512xbf16> to vector<128x512xbf16>
    %slice3A_1270 = vector.extract_strided_slice %convert_element_type3A_560 {offsets = [384, 0], sizes = [128, 512], strides = [1, 1]} : vector<512x512xbf16> to vector<128x512xbf16>
    %slice3A_1271 = vector.extract_strided_slice %convert_element_type3A_600 {offsets = [384, 0], sizes = [128, 512], strides = [1, 1]} : vector<512x512xbf16> to vector<128x512xbf16>
    %slice3A_1272 = vector.extract_strided_slice %convert_element_type3A_640 {offsets = [384, 0], sizes = [128, 512], strides = [1, 1]} : vector<512x512xbf16> to vector<128x512xbf16>
    %slice3A_1273 = vector.extract_strided_slice %convert_element_type3A_680 {offsets = [384, 0], sizes = [128, 512], strides = [1, 1]} : vector<512x512xbf16> to vector<128x512xbf16>
    %concatenate3A_1274 = tpu.concatenate %slice3A_1266, %slice3A_1267, %slice3A_1268, %slice3A_1269, %slice3A_1270, %slice3A_1271, %slice3A_1272, %slice3A_1273 in 0 : vector<128x512xbf16>, vector<128x512xbf16>, vector<128x512xbf16>, vector<128x512xbf16>, vector<128x512xbf16>, vector<128x512xbf16>, vector<128x512xbf16>, vector<128x512xbf16> -> vector<1024x512xbf16>
    %convert_element_type3A_1275 = arith.truncf %concatenate3A_1265 : vector<128x1024xf32> to vector<128x1024xbf16>
    %dot_general3A_1276 = arith.constant dense<0.000000e+00> : vector<128x512xf32>
    %dot_general3A_1277 = tpu.matmul %convert_element_type3A_1275, %concatenate3A_1274, %dot_general3A_1276 {dimension_numbers = #tpu.dot_dimension_numbers<[1], [0], [0], [1], [0, 0, 1, 1], [], []>, transpose_lhs_hint = false} : vector<128x1024xbf16>, vector<1024x512xbf16>, vector<128x512xf32> -> vector<128x512xf32>
    %concatenate3A_1278 = tpu.concatenate %dot_general3A_827, %dot_general3A_977, %dot_general3A_1127, %dot_general3A_1277 in 0 : vector<128x512xf32>, vector<128x512xf32>, vector<128x512xf32>, vector<128x512xf32> -> vector<512x512xf32>
    %get3A_1279 = arith.constant 0 : index
    %get3A_1280 = arith.constant 0 : index
    %get3A_1281 = vector.load %arg6[%get3A_1279, %get3A_1280] : memref<512x512xbf16, #tpu.memory_space<vmem>>, vector<512x512xbf16>
    %convert_element_type3A_1282 = arith.truncf %concatenate3A_1278 : vector<512x512xf32> to vector<512x512xbf16>
    %dot_general3A_1283 = arith.constant dense<0.000000e+00> : vector<512x512xf32>
    %dot_general3A_1284 = tpu.matmul %convert_element_type3A_1282, %get3A_1281, %dot_general3A_1283 {dimension_numbers = #tpu.dot_dimension_numbers<[1], [0], [0], [1], [0, 0, 1, 1], [], []>, transpose_lhs_hint = false} : vector<512x512xbf16>, vector<512x512xbf16>, vector<512x512xf32> -> vector<512x512xf32>
    %add3A_1285 = arith.addf %dot_general3A_10, %dot_general3A_1284 : vector<512x512xf32>
    %reduce_sum3A_1286 = arith.constant dense<0.000000e+00> : vector<512xf32>
    %reduce_sum3A_1287 = vector.multi_reduction <add>, %add3A_1285, %reduce_sum3A_1286 [1] : vector<512x512xf32> to vector<512xf32>
    %broadcast_in_dim3A_1288 = vector.shape_cast %reduce_sum3A_1287 : vector<512xf32> to vector<512x1xf32>
    %div3A_1289 = arith.constant 5.120000e+02 : f32
    %div3A_1290 = vector.broadcast %div3A_1289 : f32 to vector<512x1xf32>
    %div3A_1291 = arith.divf %broadcast_in_dim3A_1288, %div3A_1290 : vector<512x1xf32>
    %sub3A_1292 = vector.broadcast %div3A_1291 : vector<512x1xf32> to vector<512x512xf32>
    %sub3A_1293 = arith.subf %add3A_1285, %sub3A_1292 : vector<512x512xf32>
    %sub3A_1294 = vector.broadcast %div3A_1291 : vector<512x1xf32> to vector<512x512xf32>
    %sub3A_1295 = arith.subf %add3A_1285, %sub3A_1294 : vector<512x512xf32>
    %mul3A_1296 = arith.mulf %sub3A_1293, %sub3A_1295 : vector<512x512xf32>
    %reduce_sum3A_1297 = arith.constant dense<0.000000e+00> : vector<512xf32>
    %reduce_sum3A_1298 = vector.multi_reduction <add>, %mul3A_1296, %reduce_sum3A_1297 [1] : vector<512x512xf32> to vector<512xf32>
    %broadcast_in_dim3A_1299 = vector.shape_cast %reduce_sum3A_1298 : vector<512xf32> to vector<512x1xf32>
    %div3A_1300 = arith.constant 5.120000e+02 : f32
    %div3A_1301 = vector.broadcast %div3A_1300 : f32 to vector<512x1xf32>
    %div3A_1302 = arith.divf %broadcast_in_dim3A_1299, %div3A_1301 : vector<512x1xf32>
    %sub3A_1303 = vector.broadcast %div3A_1291 : vector<512x1xf32> to vector<512x512xf32>
    %sub3A_1304 = arith.subf %add3A_1285, %sub3A_1303 : vector<512x512xf32>
    %add3A_1305 = arith.constant 9.99999974E-6 : f32
    %add3A_1306 = vector.broadcast %add3A_1305 : f32 to vector<512x1xf32>
    %add3A_1307 = arith.addf %div3A_1302, %add3A_1306 : vector<512x1xf32>
    %sqrt3A_1308 = math.sqrt %add3A_1307 : vector<512x1xf32>
    %div3A_1309 = vector.broadcast %sqrt3A_1308 : vector<512x1xf32> to vector<512x512xf32>
    %div3A_1310 = arith.divf %sub3A_1304, %div3A_1309 : vector<512x512xf32>
    %get3A_1311 = arith.constant 0 : index
    %get3A_1312 = arith.constant 0 : index
    %get3A_1313 = vector.load %arg7[%get3A_1311, %get3A_1312] : memref<512x2048xbf16, #tpu.memory_space<vmem>>, vector<512x2048xbf16>
    %convert_element_type3A_1314 = arith.truncf %div3A_1310 : vector<512x512xf32> to vector<512x512xbf16>
    %dot_general3A_1315 = arith.constant dense<0.000000e+00> : vector<512x2048xf32>
    %dot_general3A_1316 = tpu.matmul %convert_element_type3A_1314, %get3A_1313, %dot_general3A_1315 {dimension_numbers = #tpu.dot_dimension_numbers<[1], [0], [0], [1], [0, 0, 1, 1], [], []>, transpose_lhs_hint = false} : vector<512x512xbf16>, vector<512x2048xbf16>, vector<512x2048xf32> -> vector<512x2048xf32>
    %convert_element_type3A_1317 = arith.truncf %dot_general3A_1316 : vector<512x2048xf32> to vector<512x2048xbf16>
    %mul3A_1318 = arith.constant 5.000000e-01 : bf16
    %mul3A_1319 = vector.broadcast %mul3A_1318 : bf16 to vector<512x2048xbf16>
    %mul3A_1320 = arith.mulf %mul3A_1319, %convert_element_type3A_1317 : vector<512x2048xbf16>
    %mul3A_1321 = arith.mulf %convert_element_type3A_1317, %convert_element_type3A_1317 : vector<512x2048xbf16>
    %mul3A_1322 = arith.mulf %mul3A_1321, %convert_element_type3A_1317 : vector<512x2048xbf16>
    %mul3A_1323 = arith.constant 4.467770e-02 : bf16
    %mul3A_1324 = vector.broadcast %mul3A_1323 : bf16 to vector<512x2048xbf16>
    %mul3A_1325 = arith.mulf %mul3A_1324, %mul3A_1322 : vector<512x2048xbf16>
    %add3A_1326 = arith.addf %convert_element_type3A_1317, %mul3A_1325 : vector<512x2048xbf16>
    %mul3A_1327 = arith.constant 7.968750e-01 : bf16
    %mul3A_1328 = vector.broadcast %mul3A_1327 : bf16 to vector<512x2048xbf16>
    %mul3A_1329 = arith.mulf %mul3A_1328, %add3A_1326 : vector<512x2048xbf16>
    %tanh3A = math.tanh %mul3A_1329 : vector<512x2048xbf16>
    %add3A_1330 = arith.constant 1.000000e+00 : bf16
    %add3A_1331 = vector.broadcast %add3A_1330 : bf16 to vector<512x2048xbf16>
    %add3A_1332 = arith.addf %add3A_1331, %tanh3A : vector<512x2048xbf16>
    %mul3A_1333 = arith.mulf %mul3A_1320, %add3A_1332 : vector<512x2048xbf16>
    %get3A_1334 = arith.constant 0 : index
    %get3A_1335 = arith.constant 0 : index
    %get3A_1336 = vector.load %arg8[%get3A_1334, %get3A_1335] : memref<2048x512xbf16, #tpu.memory_space<vmem>>, vector<2048x512xbf16>
    %dot_general3A_1337 = arith.constant dense<0.000000e+00> : vector<512x512xf32>
    %dot_general3A_1338 = tpu.matmul %mul3A_1333, %get3A_1336, %dot_general3A_1337 {dimension_numbers = #tpu.dot_dimension_numbers<[1], [0], [0], [1], [0, 0, 1, 1], [], []>, transpose_lhs_hint = false} : vector<512x2048xbf16>, vector<2048x512xbf16>, vector<512x512xf32> -> vector<512x512xf32>
    %add3A_1339 = arith.addf %add3A_1285, %dot_general3A_1338 : vector<512x512xf32>
    %slice3A_1340 = vector.extract_strided_slice %add3A_1339 {offsets = [0, 0], sizes = [128, 512], strides = [1, 1]} : vector<512x512xf32> to vector<128x512xf32>
    %reduce_sum3A_1341 = arith.constant dense<0.000000e+00> : vector<512xf32>
    %reduce_sum3A_1342 = vector.multi_reduction <add>, %slice3A_1340, %reduce_sum3A_1341 [0] : vector<128x512xf32> to vector<512xf32>
    %broadcast_in_dim3A_1343 = vector.shape_cast %reduce_sum3A_1342 : vector<512xf32> to vector<1x512xf32>
    %div3A_1344 = arith.constant 1.280000e+02 : f32
    %div3A_1345 = vector.broadcast %div3A_1344 : f32 to vector<1x512xf32>
    %div3A_1346 = arith.divf %broadcast_in_dim3A_1343, %div3A_1345 : vector<1x512xf32>
    %slice3A_1347 = vector.extract_strided_slice %add3A_1339 {offsets = [128, 0], sizes = [128, 512], strides = [1, 1]} : vector<512x512xf32> to vector<128x512xf32>
    %reduce_sum3A_1348 = arith.constant dense<0.000000e+00> : vector<512xf32>
    %reduce_sum3A_1349 = vector.multi_reduction <add>, %slice3A_1347, %reduce_sum3A_1348 [0] : vector<128x512xf32> to vector<512xf32>
    %broadcast_in_dim3A_1350 = vector.shape_cast %reduce_sum3A_1349 : vector<512xf32> to vector<1x512xf32>
    %div3A_1351 = arith.constant 1.280000e+02 : f32
    %div3A_1352 = vector.broadcast %div3A_1351 : f32 to vector<1x512xf32>
    %div3A_1353 = arith.divf %broadcast_in_dim3A_1350, %div3A_1352 : vector<1x512xf32>
    %slice3A_1354 = vector.extract_strided_slice %add3A_1339 {offsets = [256, 0], sizes = [128, 512], strides = [1, 1]} : vector<512x512xf32> to vector<128x512xf32>
    %reduce_sum3A_1355 = arith.constant dense<0.000000e+00> : vector<512xf32>
    %reduce_sum3A_1356 = vector.multi_reduction <add>, %slice3A_1354, %reduce_sum3A_1355 [0] : vector<128x512xf32> to vector<512xf32>
    %broadcast_in_dim3A_1357 = vector.shape_cast %reduce_sum3A_1356 : vector<512xf32> to vector<1x512xf32>
    %div3A_1358 = arith.constant 1.280000e+02 : f32
    %div3A_1359 = vector.broadcast %div3A_1358 : f32 to vector<1x512xf32>
    %div3A_1360 = arith.divf %broadcast_in_dim3A_1357, %div3A_1359 : vector<1x512xf32>
    %slice3A_1361 = vector.extract_strided_slice %add3A_1339 {offsets = [384, 0], sizes = [128, 512], strides = [1, 1]} : vector<512x512xf32> to vector<128x512xf32>
    %reduce_sum3A_1362 = arith.constant dense<0.000000e+00> : vector<512xf32>
    %reduce_sum3A_1363 = vector.multi_reduction <add>, %slice3A_1361, %reduce_sum3A_1362 [0] : vector<128x512xf32> to vector<512xf32>
    %broadcast_in_dim3A_1364 = vector.shape_cast %reduce_sum3A_1363 : vector<512xf32> to vector<1x512xf32>
    %div3A_1365 = arith.constant 1.280000e+02 : f32
    %div3A_1366 = vector.broadcast %div3A_1365 : f32 to vector<1x512xf32>
    %div3A_1367 = arith.divf %broadcast_in_dim3A_1364, %div3A_1366 : vector<1x512xf32>
    %concatenate3A_1368 = tpu.concatenate %div3A_1346, %div3A_1353, %div3A_1360, %div3A_1367 in 0 : vector<1x512xf32>, vector<1x512xf32>, vector<1x512xf32>, vector<1x512xf32> -> vector<4x512xf32>
    %swap3A = arith.constant 0 : index
    %swap3A_1369 = arith.constant 0 : index
    %swap3A_1370 = arith.constant 0 : index
    %swap3A_1371 = vector.load %arg9[%swap3A, %swap3A_1369, %swap3A_1370] : memref<1x4x512xf32, #tpu.memory_space<vmem>>, vector<1x4x512xf32>
    %swap3A_1372 = vector.shape_cast %swap3A_1371 : vector<1x4x512xf32> to vector<4x512xf32>
    %swap3A_1373 = vector.shape_cast %concatenate3A_1368 : vector<4x512xf32> to vector<1x4x512xf32>
    tpu.vector_store %arg9[%swap3A, %swap3A_1369, %swap3A_1370], %swap3A_1373 {strides = array<i32>} : memref<1x4x512xf32, #tpu.memory_space<vmem>>, vector<1x4x512xf32>,
    return
  }
  func.func @transform_0(%arg0: i32) -> (i32, i32, i32) {
    %c0_i32 = arith.constant 0 : i32
    %c0_i32_0 = arith.constant 0 : i32
    %c0_i32_1 = arith.constant 0 : i32
    return %arg0, %c0_i32, %c0_i32_0 : i32, i32, i32
  }
  func.func @transform_1(%arg0: i32) -> (i32, i32) {
    %c0_i32 = arith.constant 0 : i32
    %c0_i32_0 = arith.constant 0 : i32
    %c0_i32_1 = arith.constant 0 : i32
    return %c0_i32, %c0_i32_0 : i32, i32
  }
  func.func @transform_2(%arg0: i32) -> (i32, i32) {
    %c0_i32 = arith.constant 0 : i32
    %c0_i32_0 = arith.constant 0 : i32
    %c0_i32_1 = arith.constant 0 : i32
    return %c0_i32, %c0_i32_0 : i32, i32
  }
  func.func @transform_3(%arg0: i32) -> (i32, i32) {
    %c0_i32 = arith.constant 0 : i32
    %c0_i32_0 = arith.constant 0 : i32
    %c0_i32_1 = arith.constant 0 : i32
    return %c0_i32, %c0_i32_0 : i32, i32
  }
  func.func @transform_4(%arg0: i32) -> (i32, i32) {
    %c0_i32 = arith.constant 0 : i32
    %c0_i32_0 = arith.constant 0 : i32
    %c0_i32_1 = arith.constant 0 : i32
    return %c0_i32, %c0_i32_0 : i32, i32
  }
  func.func @transform_5(%arg0: i32) -> (i32, i32) {
    %c0_i32 = arith.constant 0 : i32
    %c0_i32_0 = arith.constant 0 : i32
    %c0_i32_1 = arith.constant 0 : i32
    return %c0_i32, %c0_i32_0 : i32, i32
  }
  func.func @transform_6(%arg0: i32) -> (i32, i32) {
    %c0_i32 = arith.constant 0 : i32
    %c0_i32_0 = arith.constant 0 : i32
    %c0_i32_1 = arith.constant 0 : i32
    return %c0_i32, %c0_i32_0 : i32, i32
  }
  func.func @transform_7(%arg0: i32) -> (i32, i32) {
    %c0_i32 = arith.constant 0 : i32
    %c0_i32_0 = arith.constant 0 : i32
    %c0_i32_1 = arith.constant 0 : i32
    return %c0_i32, %c0_i32_0 : i32, i32
  }
  func.func @transform_8(%arg0: i32) -> (i32, i32, i32) {
    %c0_i32 = arith.constant 0 : i32
    %c0_i32_0 = arith.constant 0 : i32
    %c0_i32_1 = arith.constant 0 : i32
    return %arg0, %c0_i32, %c0_i32_0 : i32, i32, i32
  }
}

module attributes {stable_mosaic.version = 14 : i64} {
  func.func @_cplx_kernel(%arg0: i32, %arg1: memref<128x512xf32, #tpu.memory_space<vmem>>, %arg2: memref<512x512xbf16, #tpu.memory_space<vmem>>, %arg3: memref<512x512xbf16, #tpu.memory_space<vmem>>, %arg4: memref<1x512x512xbf16, #tpu.memory_space<vmem>>, %arg5: memref<1x512x512xbf16, #tpu.memory_space<vmem>>, %arg6: memref<1x512x512xbf16, #tpu.memory_space<vmem>>, %arg7: memref<1x512x512xbf16, #tpu.memory_space<vmem>>, %arg8: memref<1x512x512xbf16, #tpu.memory_space<vmem>>, %arg9: memref<1x512x512xbf16, #tpu.memory_space<vmem>>, %arg10: memref<1x512x512xbf16, #tpu.memory_space<vmem>>, %arg11: memref<1x512x512xbf16, #tpu.memory_space<vmem>>, %arg12: memref<1024x768xbf16, #tpu.memory_space<vmem>>, %arg13: memref<768x768xbf16, #tpu.memory_space<vmem>>, %arg14: memref<768x768xbf16, #tpu.memory_space<vmem>>, %arg15: memref<128x768xf32, #tpu.memory_space<vmem>>, %arg16: memref<128x768xf32, #tpu.memory_space<vmem>>, %arg17: memref<128x512xf32, #tpu.memory_space<vmem>>, %arg18: memref<128x512xf32, #tpu.memory_space<vmem>>) attributes {dimension_semantics = [#tpu.dimension_semantics<arbitrary>], iteration_bounds = array<i64: 6>, scalar_prefetch = 0 : i64, scratch_operands = 2 : i64, tpu.core_type = #tpu.core_type<tc>, window_params = [{pipeline_mode = #tpu.pipeline_mode<synchronous>, transform_indices = @transform_0, window_bounds = array<i64: 128, 512>}, {pipeline_mode = #tpu.pipeline_mode<synchronous>, transform_indices = @transform_1, window_bounds = array<i64: 512, 512>}, {pipeline_mode = #tpu.pipeline_mode<synchronous>, transform_indices = @transform_2, window_bounds = array<i64: 512, 512>}, {transform_indices = @transform_3, window_bounds = array<i64: 1, 512, 512>}, {transform_indices = @transform_4, window_bounds = array<i64: 1, 512, 512>}, {transform_indices = @transform_5, window_bounds = array<i64: 1, 512, 512>}, {transform_indices = @transform_6, window_bounds = array<i64: 1, 512, 512>}, {transform_indices = @transform_7, window_bounds = array<i64: 1, 512, 512>}, {transform_indices = @transform_8, window_bounds = array<i64: 1, 512, 512>}, {transform_indices = @transform_9, window_bounds = array<i64: 1, 512, 512>}, {transform_indices = @transform_10, window_bounds = array<i64: 1, 512, 512>}, {pipeline_mode = #tpu.pipeline_mode<synchronous>, transform_indices = @transform_11, window_bounds = array<i64: 1024, 768>}, {pipeline_mode = #tpu.pipeline_mode<synchronous>, transform_indices = @transform_12, window_bounds = array<i64: 768, 768>}, {pipeline_mode = #tpu.pipeline_mode<synchronous>, transform_indices = @transform_13, window_bounds = array<i64: 768, 768>}, {pipeline_mode = #tpu.pipeline_mode<synchronous>, transform_indices = @transform_14, window_bounds = array<i64: 128, 768>}, {pipeline_mode = #tpu.pipeline_mode<synchronous>, transform_indices = @transform_15, window_bounds = array<i64: 128, 768>}]} {
    %eq3A = arith.constant 0 : i32
    %eq3A_0 = arith.cmpi eq, %arg0, %eq3A : i32
    %convert_element_type3A = arith.extui %eq3A_0 : i1 to i32
    %cond3A = arith.constant 0 : i32
    %cond3A_1 = arith.cmpi ne, %convert_element_type3A, %cond3A : i32
    scf.if %cond3A_1 {
      %get3A_791 = arith.constant 0 : index
      %get3A_792 = arith.constant 0 : index
      %get3A_793 = vector.load %arg1[%get3A_791, %get3A_792] : memref<128x512xf32, #tpu.memory_space<vmem>>, vector<128x512xf32>
      %get3A_794 = arith.constant 0 : index
      %get3A_795 = arith.constant 0 : index
      %get3A_796 = vector.load %arg2[%get3A_794, %get3A_795] : memref<512x512xbf16, #tpu.memory_space<vmem>>, vector<512x512xbf16>
      %convert_element_type3A_797 = arith.truncf %get3A_793 : vector<128x512xf32> to vector<128x512xbf16>
      %dot_general3A_798 = arith.constant dense<0.000000e+00> : vector<128x512xf32>
      %dot_general3A_799 = tpu.matmul %convert_element_type3A_797, %get3A_796, %dot_general3A_798 {dimension_numbers = #tpu.dot_dimension_numbers<[1], [0], [0], [1], [0, 0, 1, 1], [], []>, transpose_lhs_hint = false} : vector<128x512xbf16>, vector<512x512xbf16>, vector<128x512xf32> -> vector<128x512xf32>
      %swap3A_800 = arith.constant 0 : index
      %swap3A_801 = arith.constant 0 : index
      %swap3A_802 = vector.load %arg17[%swap3A_800, %swap3A_801] : memref<128x512xf32, #tpu.memory_space<vmem>>, vector<128x512xf32>
      tpu.vector_store %arg17[%swap3A_800, %swap3A_801], %dot_general3A_799 {strides = array<i32>} : memref<128x512xf32, #tpu.memory_space<vmem>>, vector<128x512xf32>,
      %get3A_803 = arith.constant 0 : index
      %get3A_804 = arith.constant 0 : index
      %get3A_805 = vector.load %arg3[%get3A_803, %get3A_804] : memref<512x512xbf16, #tpu.memory_space<vmem>>, vector<512x512xbf16>
      %convert_element_type3A_806 = arith.truncf %get3A_793 : vector<128x512xf32> to vector<128x512xbf16>
      %dot_general3A_807 = arith.constant dense<0.000000e+00> : vector<128x512xf32>
      %dot_general3A_808 = tpu.matmul %convert_element_type3A_806, %get3A_805, %dot_general3A_807 {dimension_numbers = #tpu.dot_dimension_numbers<[1], [0], [0], [1], [0, 0, 1, 1], [], []>, transpose_lhs_hint = false} : vector<128x512xbf16>, vector<512x512xbf16>, vector<128x512xf32> -> vector<128x512xf32>
      %swap3A_809 = arith.constant 0 : index
      %swap3A_810 = arith.constant 0 : index
      %swap3A_811 = vector.load %arg18[%swap3A_809, %swap3A_810] : memref<128x512xf32, #tpu.memory_space<vmem>>, vector<128x512xf32>
      tpu.vector_store %arg18[%swap3A_809, %swap3A_810], %dot_general3A_808 {strides = array<i32>} : memref<128x512xf32, #tpu.memory_space<vmem>>, vector<128x512xf32>,
    } else {
    }
    %get3A = arith.constant 0 : index
    %get3A_2 = arith.constant 0 : index
    %get3A_3 = vector.load %arg17[%get3A, %get3A_2] : memref<128x512xf32, #tpu.memory_space<vmem>>, vector<128x512xf32>
    %get3A_4 = arith.constant 0 : index
    %get3A_5 = arith.constant 0 : index
    %get3A_6 = vector.load %arg18[%get3A_4, %get3A_5] : memref<128x512xf32, #tpu.memory_space<vmem>>, vector<128x512xf32>
    %get3A_7 = arith.constant 0 : index
    %get3A_8 = arith.constant 0 : index
    %get3A_9 = arith.constant 0 : index
    %get3A_10 = vector.load %arg4[%get3A_7, %get3A_8, %get3A_9] : memref<1x512x512xbf16, #tpu.memory_space<vmem>>, vector<1x512x512xbf16>
    %get3A_11 = vector.shape_cast %get3A_10 : vector<1x512x512xbf16> to vector<512x512xbf16>
    %get3A_12 = arith.constant 0 : index
    %get3A_13 = arith.constant 0 : index
    %get3A_14 = arith.constant 0 : index
    %get3A_15 = vector.load %arg5[%get3A_12, %get3A_13, %get3A_14] : memref<1x512x512xbf16, #tpu.memory_space<vmem>>, vector<1x512x512xbf16>
    %get3A_16 = vector.shape_cast %get3A_15 : vector<1x512x512xbf16> to vector<512x512xbf16>
    %get3A_17 = arith.constant 0 : index
    %get3A_18 = arith.constant 0 : index
    %get3A_19 = arith.constant 0 : index
    %get3A_20 = vector.load %arg6[%get3A_17, %get3A_18, %get3A_19] : memref<1x512x512xbf16, #tpu.memory_space<vmem>>, vector<1x512x512xbf16>
    %get3A_21 = vector.shape_cast %get3A_20 : vector<1x512x512xbf16> to vector<512x512xbf16>
    %get3A_22 = arith.constant 0 : index
    %get3A_23 = arith.constant 0 : index
    %get3A_24 = arith.constant 0 : index
    %get3A_25 = vector.load %arg7[%get3A_22, %get3A_23, %get3A_24] : memref<1x512x512xbf16, #tpu.memory_space<vmem>>, vector<1x512x512xbf16>
    %get3A_26 = vector.shape_cast %get3A_25 : vector<1x512x512xbf16> to vector<512x512xbf16>
    %get3A_27 = arith.constant 0 : index
    %get3A_28 = arith.constant 0 : index
    %get3A_29 = arith.constant 0 : index
    %get3A_30 = vector.load %arg8[%get3A_27, %get3A_28, %get3A_29] : memref<1x512x512xbf16, #tpu.memory_space<vmem>>, vector<1x512x512xbf16>
    %get3A_31 = vector.shape_cast %get3A_30 : vector<1x512x512xbf16> to vector<512x512xbf16>
    %get3A_32 = arith.constant 0 : index
    %get3A_33 = arith.constant 0 : index
    %get3A_34 = arith.constant 0 : index
    %get3A_35 = vector.load %arg9[%get3A_32, %get3A_33, %get3A_34] : memref<1x512x512xbf16, #tpu.memory_space<vmem>>, vector<1x512x512xbf16>
    %get3A_36 = vector.shape_cast %get3A_35 : vector<1x512x512xbf16> to vector<512x512xbf16>
    %get3A_37 = arith.constant 0 : index
    %get3A_38 = arith.constant 0 : index
    %get3A_39 = arith.constant 0 : index
    %get3A_40 = vector.load %arg10[%get3A_37, %get3A_38, %get3A_39] : memref<1x512x512xbf16, #tpu.memory_space<vmem>>, vector<1x512x512xbf16>
    %get3A_41 = vector.shape_cast %get3A_40 : vector<1x512x512xbf16> to vector<512x512xbf16>
    %get3A_42 = arith.constant 0 : index
    %get3A_43 = arith.constant 0 : index
    %get3A_44 = arith.constant 0 : index
    %get3A_45 = vector.load %arg11[%get3A_42, %get3A_43, %get3A_44] : memref<1x512x512xbf16, #tpu.memory_space<vmem>>, vector<1x512x512xbf16>
    %get3A_46 = vector.shape_cast %get3A_45 : vector<1x512x512xbf16> to vector<512x512xbf16>
    %convert_element_type3A_47 = arith.truncf %get3A_3 : vector<128x512xf32> to vector<128x512xbf16>
    %dot_general3A = arith.constant dense<0.000000e+00> : vector<128x512xf32>
    %dot_general3A_48 = tpu.matmul %convert_element_type3A_47, %get3A_11, %dot_general3A {dimension_numbers = #tpu.dot_dimension_numbers<[1], [0], [0], [1], [0, 0, 1, 1], [], []>, transpose_lhs_hint = false} : vector<128x512xbf16>, vector<512x512xbf16>, vector<128x512xf32> -> vector<128x512xf32>
    %convert_element_type3A_49 = arith.truncf %get3A_6 : vector<128x512xf32> to vector<128x512xbf16>
    %dot_general3A_50 = arith.constant dense<0.000000e+00> : vector<128x512xf32>
    %dot_general3A_51 = tpu.matmul %convert_element_type3A_49, %get3A_16, %dot_general3A_50 {dimension_numbers = #tpu.dot_dimension_numbers<[1], [0], [0], [1], [0, 0, 1, 1], [], []>, transpose_lhs_hint = false} : vector<128x512xbf16>, vector<512x512xbf16>, vector<128x512xf32> -> vector<128x512xf32>
    %sub3A = arith.subf %dot_general3A_48, %dot_general3A_51 : vector<128x512xf32>
    %convert_element_type3A_52 = arith.truncf %get3A_3 : vector<128x512xf32> to vector<128x512xbf16>
    %dot_general3A_53 = arith.constant dense<0.000000e+00> : vector<128x512xf32>
    %dot_general3A_54 = tpu.matmul %convert_element_type3A_52, %get3A_16, %dot_general3A_53 {dimension_numbers = #tpu.dot_dimension_numbers<[1], [0], [0], [1], [0, 0, 1, 1], [], []>, transpose_lhs_hint = false} : vector<128x512xbf16>, vector<512x512xbf16>, vector<128x512xf32> -> vector<128x512xf32>
    %convert_element_type3A_55 = arith.truncf %get3A_6 : vector<128x512xf32> to vector<128x512xbf16>
    %dot_general3A_56 = arith.constant dense<0.000000e+00> : vector<128x512xf32>
    %dot_general3A_57 = tpu.matmul %convert_element_type3A_55, %get3A_11, %dot_general3A_56 {dimension_numbers = #tpu.dot_dimension_numbers<[1], [0], [0], [1], [0, 0, 1, 1], [], []>, transpose_lhs_hint = false} : vector<128x512xbf16>, vector<512x512xbf16>, vector<128x512xf32> -> vector<128x512xf32>
    %add3A = arith.addf %dot_general3A_54, %dot_general3A_57 : vector<128x512xf32>
    %convert_element_type3A_58 = arith.truncf %get3A_3 : vector<128x512xf32> to vector<128x512xbf16>
    %dot_general3A_59 = arith.constant dense<0.000000e+00> : vector<128x512xf32>
    %dot_general3A_60 = tpu.matmul %convert_element_type3A_58, %get3A_21, %dot_general3A_59 {dimension_numbers = #tpu.dot_dimension_numbers<[1], [0], [0], [1], [0, 0, 1, 1], [], []>, transpose_lhs_hint = false} : vector<128x512xbf16>, vector<512x512xbf16>, vector<128x512xf32> -> vector<128x512xf32>
    %convert_element_type3A_61 = arith.truncf %get3A_6 : vector<128x512xf32> to vector<128x512xbf16>
    %dot_general3A_62 = arith.constant dense<0.000000e+00> : vector<128x512xf32>
    %dot_general3A_63 = tpu.matmul %convert_element_type3A_61, %get3A_26, %dot_general3A_62 {dimension_numbers = #tpu.dot_dimension_numbers<[1], [0], [0], [1], [0, 0, 1, 1], [], []>, transpose_lhs_hint = false} : vector<128x512xbf16>, vector<512x512xbf16>, vector<128x512xf32> -> vector<128x512xf32>
    %sub3A_64 = arith.subf %dot_general3A_60, %dot_general3A_63 : vector<128x512xf32>
    %convert_element_type3A_65 = arith.truncf %get3A_3 : vector<128x512xf32> to vector<128x512xbf16>
    %dot_general3A_66 = arith.constant dense<0.000000e+00> : vector<128x512xf32>
    %dot_general3A_67 = tpu.matmul %convert_element_type3A_65, %get3A_26, %dot_general3A_66 {dimension_numbers = #tpu.dot_dimension_numbers<[1], [0], [0], [1], [0, 0, 1, 1], [], []>, transpose_lhs_hint = false} : vector<128x512xbf16>, vector<512x512xbf16>, vector<128x512xf32> -> vector<128x512xf32>
    %convert_element_type3A_68 = arith.truncf %get3A_6 : vector<128x512xf32> to vector<128x512xbf16>
    %dot_general3A_69 = arith.constant dense<0.000000e+00> : vector<128x512xf32>
    %dot_general3A_70 = tpu.matmul %convert_element_type3A_68, %get3A_21, %dot_general3A_69 {dimension_numbers = #tpu.dot_dimension_numbers<[1], [0], [0], [1], [0, 0, 1, 1], [], []>, transpose_lhs_hint = false} : vector<128x512xbf16>, vector<512x512xbf16>, vector<128x512xf32> -> vector<128x512xf32>
    %add3A_71 = arith.addf %dot_general3A_67, %dot_general3A_70 : vector<128x512xf32>
    %convert_element_type3A_72 = arith.truncf %get3A_3 : vector<128x512xf32> to vector<128x512xbf16>
    %dot_general3A_73 = arith.constant dense<0.000000e+00> : vector<128x512xf32>
    %dot_general3A_74 = tpu.matmul %convert_element_type3A_72, %get3A_31, %dot_general3A_73 {dimension_numbers = #tpu.dot_dimension_numbers<[1], [0], [0], [1], [0, 0, 1, 1], [], []>, transpose_lhs_hint = false} : vector<128x512xbf16>, vector<512x512xbf16>, vector<128x512xf32> -> vector<128x512xf32>
    %convert_element_type3A_75 = arith.truncf %get3A_6 : vector<128x512xf32> to vector<128x512xbf16>
    %dot_general3A_76 = arith.constant dense<0.000000e+00> : vector<128x512xf32>
    %dot_general3A_77 = tpu.matmul %convert_element_type3A_75, %get3A_36, %dot_general3A_76 {dimension_numbers = #tpu.dot_dimension_numbers<[1], [0], [0], [1], [0, 0, 1, 1], [], []>, transpose_lhs_hint = false} : vector<128x512xbf16>, vector<512x512xbf16>, vector<128x512xf32> -> vector<128x512xf32>
    %sub3A_78 = arith.subf %dot_general3A_74, %dot_general3A_77 : vector<128x512xf32>
    %convert_element_type3A_79 = arith.truncf %get3A_3 : vector<128x512xf32> to vector<128x512xbf16>
    %dot_general3A_80 = arith.constant dense<0.000000e+00> : vector<128x512xf32>
    %dot_general3A_81 = tpu.matmul %convert_element_type3A_79, %get3A_36, %dot_general3A_80 {dimension_numbers = #tpu.dot_dimension_numbers<[1], [0], [0], [1], [0, 0, 1, 1], [], []>, transpose_lhs_hint = false} : vector<128x512xbf16>, vector<512x512xbf16>, vector<128x512xf32> -> vector<128x512xf32>
    %convert_element_type3A_82 = arith.truncf %get3A_6 : vector<128x512xf32> to vector<128x512xbf16>
    %dot_general3A_83 = arith.constant dense<0.000000e+00> : vector<128x512xf32>
    %dot_general3A_84 = tpu.matmul %convert_element_type3A_82, %get3A_31, %dot_general3A_83 {dimension_numbers = #tpu.dot_dimension_numbers<[1], [0], [0], [1], [0, 0, 1, 1], [], []>, transpose_lhs_hint = false} : vector<128x512xbf16>, vector<512x512xbf16>, vector<128x512xf32> -> vector<128x512xf32>
    %add3A_85 = arith.addf %dot_general3A_81, %dot_general3A_84 : vector<128x512xf32>
    %iota3A = tpu.iota {dimensions = array<i32: 0>} : vector<128x128xi32>
    %iota3A_86 = tpu.iota {dimensions = array<i32: 1>} : vector<128x128xi32>
    %jit3A = arith.constant 16 : i32
    %div3A = vector.broadcast %jit3A : i32 to vector<128x128xi32>
    %div3A_87 = arith.divsi %iota3A, %div3A : vector<128x128xi32>
    %sign3A = arith.constant 0 : i32
    %sign3A_88 = vector.broadcast %sign3A : i32 to vector<128x128xi32>
    %sign3A_89 = arith.cmpi sgt, %iota3A, %sign3A_88 : vector<128x128xi32>
    %sign3A_90 = arith.extui %sign3A_89 : vector<128x128xi1> to vector<128x128xi32>
    %sign3A_91 = arith.constant 0 : i32
    %sign3A_92 = vector.broadcast %sign3A_91 : i32 to vector<128x128xi32>
    %sign3A_93 = arith.cmpi slt, %iota3A, %sign3A_92 : vector<128x128xi32>
    %sign3A_94 = arith.extui %sign3A_93 : vector<128x128xi1> to vector<128x128xi32>
    %sign3A_95 = arith.subi %sign3A_90, %sign3A_94 : vector<128x128xi32>
    %sign3A_96 = arith.constant 0 : i32
    %sign3A_97 = arith.cmpi sgt, %jit3A, %sign3A_96 : i32
    %sign3A_98 = arith.extui %sign3A_97 : i1 to i32
    %sign3A_99 = arith.constant 0 : i32
    %sign3A_100 = arith.cmpi slt, %jit3A, %sign3A_99 : i32
    %sign3A_101 = arith.extui %sign3A_100 : i1 to i32
    %sign3A_102 = arith.subi %sign3A_98, %sign3A_101 : i32
    %ne3A = vector.broadcast %sign3A_102 : i32 to vector<128x128xi32>
    %ne3A_103 = arith.cmpi ne, %sign3A_95, %ne3A : vector<128x128xi32>
    %rem3A = vector.broadcast %jit3A : i32 to vector<128x128xi32>
    %rem3A_104 = arith.remsi %iota3A, %rem3A : vector<128x128xi32>
    %ne3A_105 = arith.constant 0 : i32
    %ne3A_106 = vector.broadcast %ne3A_105 : i32 to vector<128x128xi32>
    %ne3A_107 = arith.cmpi ne, %rem3A_104, %ne3A_106 : vector<128x128xi32>
    %and3A = arith.andi %ne3A_103, %ne3A_107 : vector<128x128xi1>
    %sub3A_108 = arith.constant 1 : i32
    %sub3A_109 = vector.broadcast %sub3A_108 : i32 to vector<128x128xi32>
    %sub3A_110 = arith.subi %div3A_87, %sub3A_109 : vector<128x128xi32>
    %select_n3A = arith.select %and3A, %sub3A_110, %div3A_87 : vector<128x128xi1>, vector<128x128xi32>
    %jit3A_111 = arith.constant 16 : i32
    %div3A_112 = vector.broadcast %jit3A_111 : i32 to vector<128x128xi32>
    %div3A_113 = arith.divsi %iota3A_86, %div3A_112 : vector<128x128xi32>
    %sign3A_114 = arith.constant 0 : i32
    %sign3A_115 = vector.broadcast %sign3A_114 : i32 to vector<128x128xi32>
    %sign3A_116 = arith.cmpi sgt, %iota3A_86, %sign3A_115 : vector<128x128xi32>
    %sign3A_117 = arith.extui %sign3A_116 : vector<128x128xi1> to vector<128x128xi32>
    %sign3A_118 = arith.constant 0 : i32
    %sign3A_119 = vector.broadcast %sign3A_118 : i32 to vector<128x128xi32>
    %sign3A_120 = arith.cmpi slt, %iota3A_86, %sign3A_119 : vector<128x128xi32>
    %sign3A_121 = arith.extui %sign3A_120 : vector<128x128xi1> to vector<128x128xi32>
    %sign3A_122 = arith.subi %sign3A_117, %sign3A_121 : vector<128x128xi32>
    %sign3A_123 = arith.constant 0 : i32
    %sign3A_124 = arith.cmpi sgt, %jit3A_111, %sign3A_123 : i32
    %sign3A_125 = arith.extui %sign3A_124 : i1 to i32
    %sign3A_126 = arith.constant 0 : i32
    %sign3A_127 = arith.cmpi slt, %jit3A_111, %sign3A_126 : i32
    %sign3A_128 = arith.extui %sign3A_127 : i1 to i32
    %sign3A_129 = arith.subi %sign3A_125, %sign3A_128 : i32
    %ne3A_130 = vector.broadcast %sign3A_129 : i32 to vector<128x128xi32>
    %ne3A_131 = arith.cmpi ne, %sign3A_122, %ne3A_130 : vector<128x128xi32>
    %rem3A_132 = vector.broadcast %jit3A_111 : i32 to vector<128x128xi32>
    %rem3A_133 = arith.remsi %iota3A_86, %rem3A_132 : vector<128x128xi32>
    %ne3A_134 = arith.constant 0 : i32
    %ne3A_135 = vector.broadcast %ne3A_134 : i32 to vector<128x128xi32>
    %ne3A_136 = arith.cmpi ne, %rem3A_133, %ne3A_135 : vector<128x128xi32>
    %and3A_137 = arith.andi %ne3A_131, %ne3A_136 : vector<128x128xi1>
    %sub3A_138 = arith.constant 1 : i32
    %sub3A_139 = vector.broadcast %sub3A_138 : i32 to vector<128x128xi32>
    %sub3A_140 = arith.subi %div3A_113, %sub3A_139 : vector<128x128xi32>
    %select_n3A_141 = arith.select %and3A_137, %sub3A_140, %div3A_113 : vector<128x128xi1>, vector<128x128xi32>
    %eq3A_142 = arith.cmpi eq, %select_n3A, %select_n3A_141 : vector<128x128xi32>
    %convert_element_type3A_143 = arith.truncf %sub3A_64 : vector<128x512xf32> to vector<128x512xbf16>
    %convert_element_type3A_144 = arith.truncf %add3A_71 : vector<128x512xf32> to vector<128x512xbf16>
    %iota3A_145 = tpu.iota {dimensions = array<i32: 1>} : vector<1x512xi32>
    %jit3A_146 = arith.constant 64 : i32
    %div3A_147 = vector.broadcast %jit3A_146 : i32 to vector<1x512xi32>
    %div3A_148 = arith.divsi %iota3A_145, %div3A_147 : vector<1x512xi32>
    %sign3A_149 = arith.constant 0 : i32
    %sign3A_150 = vector.broadcast %sign3A_149 : i32 to vector<1x512xi32>
    %sign3A_151 = arith.cmpi sgt, %iota3A_145, %sign3A_150 : vector<1x512xi32>
    %sign3A_152 = arith.extui %sign3A_151 : vector<1x512xi1> to vector<1x512xi32>
    %sign3A_153 = arith.constant 0 : i32
    %sign3A_154 = vector.broadcast %sign3A_153 : i32 to vector<1x512xi32>
    %sign3A_155 = arith.cmpi slt, %iota3A_145, %sign3A_154 : vector<1x512xi32>
    %sign3A_156 = arith.extui %sign3A_155 : vector<1x512xi1> to vector<1x512xi32>
    %sign3A_157 = arith.subi %sign3A_152, %sign3A_156 : vector<1x512xi32>
    %sign3A_158 = arith.constant 0 : i32
    %sign3A_159 = arith.cmpi sgt, %jit3A_146, %sign3A_158 : i32
    %sign3A_160 = arith.extui %sign3A_159 : i1 to i32
    %sign3A_161 = arith.constant 0 : i32
    %sign3A_162 = arith.cmpi slt, %jit3A_146, %sign3A_161 : i32
    %sign3A_163 = arith.extui %sign3A_162 : i1 to i32
    %sign3A_164 = arith.subi %sign3A_160, %sign3A_163 : i32
    %ne3A_165 = vector.broadcast %sign3A_164 : i32 to vector<1x512xi32>
    %ne3A_166 = arith.cmpi ne, %sign3A_157, %ne3A_165 : vector<1x512xi32>
    %rem3A_167 = vector.broadcast %jit3A_146 : i32 to vector<1x512xi32>
    %rem3A_168 = arith.remsi %iota3A_145, %rem3A_167 : vector<1x512xi32>
    %ne3A_169 = arith.constant 0 : i32
    %ne3A_170 = vector.broadcast %ne3A_169 : i32 to vector<1x512xi32>
    %ne3A_171 = arith.cmpi ne, %rem3A_168, %ne3A_170 : vector<1x512xi32>
    %and3A_172 = arith.andi %ne3A_166, %ne3A_171 : vector<1x512xi1>
    %sub3A_173 = arith.constant 1 : i32
    %sub3A_174 = vector.broadcast %sub3A_173 : i32 to vector<1x512xi32>
    %sub3A_175 = arith.subi %div3A_148, %sub3A_174 : vector<1x512xi32>
    %select_n3A_176 = arith.select %and3A_172, %sub3A_175, %div3A_148 : vector<1x512xi1>, vector<1x512xi32>
    %eq3A_177 = arith.constant 0 : i32
    %eq3A_178 = vector.broadcast %eq3A_177 : i32 to vector<1x512xi32>
    %eq3A_179 = arith.cmpi eq, %select_n3A_176, %eq3A_178 : vector<1x512xi32>
    %convert_element_type3A_180 = arith.extui %eq3A_179 : vector<1x512xi1> to vector<1x512xi32>
    %convert_element_type3A_181 = arith.sitofp %convert_element_type3A_180 : vector<1x512xi32> to vector<1x512xf32>
    %mul3A = vector.broadcast %convert_element_type3A_181 : vector<1x512xf32> to vector<128x512xf32>
    %mul3A_182 = arith.mulf %sub3A, %mul3A : vector<128x512xf32>
    %convert_element_type3A_183 = arith.truncf %mul3A_182 : vector<128x512xf32> to vector<128x512xbf16>
    %dot_general3A_184 = arith.constant dense<0.000000e+00> : vector<128x128xf32>
    %dot_general3A_185 = tpu.matmul %convert_element_type3A_183, %convert_element_type3A_143, %dot_general3A_184 {dimension_numbers = #tpu.dot_dimension_numbers<[1], [1], [0], [0], [0, 0, 1, 0], [], []>, transpose_lhs_hint = false} : vector<128x512xbf16>, vector<128x512xbf16>, vector<128x128xf32> -> vector<128x128xf32>
    %mul3A_186 = vector.broadcast %convert_element_type3A_181 : vector<1x512xf32> to vector<128x512xf32>
    %mul3A_187 = arith.mulf %add3A, %mul3A_186 : vector<128x512xf32>
    %convert_element_type3A_188 = arith.truncf %mul3A_187 : vector<128x512xf32> to vector<128x512xbf16>
    %dot_general3A_189 = arith.constant dense<0.000000e+00> : vector<128x128xf32>
    %dot_general3A_190 = tpu.matmul %convert_element_type3A_188, %convert_element_type3A_144, %dot_general3A_189 {dimension_numbers = #tpu.dot_dimension_numbers<[1], [1], [0], [0], [0, 0, 1, 0], [], []>, transpose_lhs_hint = false} : vector<128x512xbf16>, vector<128x512xbf16>, vector<128x128xf32> -> vector<128x128xf32>
    %add3A_191 = arith.addf %dot_general3A_185, %dot_general3A_190 : vector<128x128xf32>
    %mul3A_192 = arith.constant 1.250000e-01 : f32
    %mul3A_193 = vector.broadcast %mul3A_192 : f32 to vector<128x128xf32>
    %mul3A_194 = arith.mulf %add3A_191, %mul3A_193 : vector<128x128xf32>
    %jit3A_195 = arith.constant -1.000000e+30 : f32
    %broadcast_in_dim3A = vector.broadcast %jit3A_195 : f32 to vector<128x128xf32>
    %select_n3A_196 = arith.select %eq3A_142, %mul3A_194, %broadcast_in_dim3A : vector<128x128xi1>, vector<128x128xf32>
    %reduce_max3A = arith.constant dense<0xFF800000> : vector<128xf32>
    %reduce_max3A_197 = vector.multi_reduction <maximumf>, %select_n3A_196, %reduce_max3A [1] : vector<128x128xf32> to vector<128xf32>
    %broadcast_in_dim3A_198 = vector.shape_cast %reduce_max3A_197 : vector<128xf32> to vector<128x1xf32>
    %sub3A_199 = vector.broadcast %broadcast_in_dim3A_198 : vector<128x1xf32> to vector<128x128xf32>
    %sub3A_200 = arith.subf %select_n3A_196, %sub3A_199 : vector<128x128xf32>
    %exp3A = math.exp %sub3A_200 : vector<128x128xf32>
    %reduce_sum3A = arith.constant dense<0.000000e+00> : vector<128xf32>
    %reduce_sum3A_201 = vector.multi_reduction <add>, %exp3A, %reduce_sum3A [1] : vector<128x128xf32> to vector<128xf32>
    %broadcast_in_dim3A_202 = vector.shape_cast %reduce_sum3A_201 : vector<128xf32> to vector<128x1xf32>
    %div3A_203 = vector.broadcast %broadcast_in_dim3A_202 : vector<128x1xf32> to vector<128x128xf32>
    %div3A_204 = arith.divf %exp3A, %div3A_203 : vector<128x128xf32>
    %mul3A_205 = vector.broadcast %convert_element_type3A_181 : vector<1x512xf32> to vector<128x512xf32>
    %mul3A_206 = arith.mulf %sub3A_78, %mul3A_205 : vector<128x512xf32>
    %convert_element_type3A_207 = arith.truncf %mul3A_206 : vector<128x512xf32> to vector<128x512xbf16>
    %mul3A_208 = vector.broadcast %convert_element_type3A_181 : vector<1x512xf32> to vector<128x512xf32>
    %mul3A_209 = arith.mulf %add3A_85, %mul3A_208 : vector<128x512xf32>
    %convert_element_type3A_210 = arith.truncf %mul3A_209 : vector<128x512xf32> to vector<128x512xbf16>
    %iota3A_211 = tpu.iota {dimensions = array<i32: 1>} : vector<1x512xi32>
    %jit3A_212 = arith.constant 64 : i32
    %div3A_213 = vector.broadcast %jit3A_212 : i32 to vector<1x512xi32>
    %div3A_214 = arith.divsi %iota3A_211, %div3A_213 : vector<1x512xi32>
    %sign3A_215 = arith.constant 0 : i32
    %sign3A_216 = vector.broadcast %sign3A_215 : i32 to vector<1x512xi32>
    %sign3A_217 = arith.cmpi sgt, %iota3A_211, %sign3A_216 : vector<1x512xi32>
    %sign3A_218 = arith.extui %sign3A_217 : vector<1x512xi1> to vector<1x512xi32>
    %sign3A_219 = arith.constant 0 : i32
    %sign3A_220 = vector.broadcast %sign3A_219 : i32 to vector<1x512xi32>
    %sign3A_221 = arith.cmpi slt, %iota3A_211, %sign3A_220 : vector<1x512xi32>
    %sign3A_222 = arith.extui %sign3A_221 : vector<1x512xi1> to vector<1x512xi32>
    %sign3A_223 = arith.subi %sign3A_218, %sign3A_222 : vector<1x512xi32>
    %sign3A_224 = arith.constant 0 : i32
    %sign3A_225 = arith.cmpi sgt, %jit3A_212, %sign3A_224 : i32
    %sign3A_226 = arith.extui %sign3A_225 : i1 to i32
    %sign3A_227 = arith.constant 0 : i32
    %sign3A_228 = arith.cmpi slt, %jit3A_212, %sign3A_227 : i32
    %sign3A_229 = arith.extui %sign3A_228 : i1 to i32
    %sign3A_230 = arith.subi %sign3A_226, %sign3A_229 : i32
    %ne3A_231 = vector.broadcast %sign3A_230 : i32 to vector<1x512xi32>
    %ne3A_232 = arith.cmpi ne, %sign3A_223, %ne3A_231 : vector<1x512xi32>
    %rem3A_233 = vector.broadcast %jit3A_212 : i32 to vector<1x512xi32>
    %rem3A_234 = arith.remsi %iota3A_211, %rem3A_233 : vector<1x512xi32>
    %ne3A_235 = arith.constant 0 : i32
    %ne3A_236 = vector.broadcast %ne3A_235 : i32 to vector<1x512xi32>
    %ne3A_237 = arith.cmpi ne, %rem3A_234, %ne3A_236 : vector<1x512xi32>
    %and3A_238 = arith.andi %ne3A_232, %ne3A_237 : vector<1x512xi1>
    %sub3A_239 = arith.constant 1 : i32
    %sub3A_240 = vector.broadcast %sub3A_239 : i32 to vector<1x512xi32>
    %sub3A_241 = arith.subi %div3A_214, %sub3A_240 : vector<1x512xi32>
    %select_n3A_242 = arith.select %and3A_238, %sub3A_241, %div3A_214 : vector<1x512xi1>, vector<1x512xi32>
    %eq3A_243 = arith.constant 1 : i32
    %eq3A_244 = vector.broadcast %eq3A_243 : i32 to vector<1x512xi32>
    %eq3A_245 = arith.cmpi eq, %select_n3A_242, %eq3A_244 : vector<1x512xi32>
    %convert_element_type3A_246 = arith.extui %eq3A_245 : vector<1x512xi1> to vector<1x512xi32>
    %convert_element_type3A_247 = arith.sitofp %convert_element_type3A_246 : vector<1x512xi32> to vector<1x512xf32>
    %mul3A_248 = vector.broadcast %convert_element_type3A_247 : vector<1x512xf32> to vector<128x512xf32>
    %mul3A_249 = arith.mulf %sub3A, %mul3A_248 : vector<128x512xf32>
    %convert_element_type3A_250 = arith.truncf %mul3A_249 : vector<128x512xf32> to vector<128x512xbf16>
    %dot_general3A_251 = arith.constant dense<0.000000e+00> : vector<128x128xf32>
    %dot_general3A_252 = tpu.matmul %convert_element_type3A_250, %convert_element_type3A_143, %dot_general3A_251 {dimension_numbers = #tpu.dot_dimension_numbers<[1], [1], [0], [0], [0, 0, 1, 0], [], []>, transpose_lhs_hint = false} : vector<128x512xbf16>, vector<128x512xbf16>, vector<128x128xf32> -> vector<128x128xf32>
    %mul3A_253 = vector.broadcast %convert_element_type3A_247 : vector<1x512xf32> to vector<128x512xf32>
    %mul3A_254 = arith.mulf %add3A, %mul3A_253 : vector<128x512xf32>
    %convert_element_type3A_255 = arith.truncf %mul3A_254 : vector<128x512xf32> to vector<128x512xbf16>
    %dot_general3A_256 = arith.constant dense<0.000000e+00> : vector<128x128xf32>
    %dot_general3A_257 = tpu.matmul %convert_element_type3A_255, %convert_element_type3A_144, %dot_general3A_256 {dimension_numbers = #tpu.dot_dimension_numbers<[1], [1], [0], [0], [0, 0, 1, 0], [], []>, transpose_lhs_hint = false} : vector<128x512xbf16>, vector<128x512xbf16>, vector<128x128xf32> -> vector<128x128xf32>
    %add3A_258 = arith.addf %dot_general3A_252, %dot_general3A_257 : vector<128x128xf32>
    %mul3A_259 = arith.constant 1.250000e-01 : f32
    %mul3A_260 = vector.broadcast %mul3A_259 : f32 to vector<128x128xf32>
    %mul3A_261 = arith.mulf %add3A_258, %mul3A_260 : vector<128x128xf32>
    %jit3A_262 = arith.constant -1.000000e+30 : f32
    %broadcast_in_dim3A_263 = vector.broadcast %jit3A_262 : f32 to vector<128x128xf32>
    %select_n3A_264 = arith.select %eq3A_142, %mul3A_261, %broadcast_in_dim3A_263 : vector<128x128xi1>, vector<128x128xf32>
    %reduce_max3A_265 = arith.constant dense<0xFF800000> : vector<128xf32>
    %reduce_max3A_266 = vector.multi_reduction <maximumf>, %select_n3A_264, %reduce_max3A_265 [1] : vector<128x128xf32> to vector<128xf32>
    %broadcast_in_dim3A_267 = vector.shape_cast %reduce_max3A_266 : vector<128xf32> to vector<128x1xf32>
    %sub3A_268 = vector.broadcast %broadcast_in_dim3A_267 : vector<128x1xf32> to vector<128x128xf32>
    %sub3A_269 = arith.subf %select_n3A_264, %sub3A_268 : vector<128x128xf32>
    %exp3A_270 = math.exp %sub3A_269 : vector<128x128xf32>
    %reduce_sum3A_271 = arith.constant dense<0.000000e+00> : vector<128xf32>
    %reduce_sum3A_272 = vector.multi_reduction <add>, %exp3A_270, %reduce_sum3A_271 [1] : vector<128x128xf32> to vector<128xf32>
    %broadcast_in_dim3A_273 = vector.shape_cast %reduce_sum3A_272 : vector<128xf32> to vector<128x1xf32>
    %div3A_274 = vector.broadcast %broadcast_in_dim3A_273 : vector<128x1xf32> to vector<128x128xf32>
    %div3A_275 = arith.divf %exp3A_270, %div3A_274 : vector<128x128xf32>
    %mul3A_276 = vector.broadcast %convert_element_type3A_247 : vector<1x512xf32> to vector<128x512xf32>
    %mul3A_277 = arith.mulf %sub3A_78, %mul3A_276 : vector<128x512xf32>
    %convert_element_type3A_278 = arith.truncf %mul3A_277 : vector<128x512xf32> to vector<128x512xbf16>
    %mul3A_279 = vector.broadcast %convert_element_type3A_247 : vector<1x512xf32> to vector<128x512xf32>
    %mul3A_280 = arith.mulf %add3A_85, %mul3A_279 : vector<128x512xf32>
    %convert_element_type3A_281 = arith.truncf %mul3A_280 : vector<128x512xf32> to vector<128x512xbf16>
    %iota3A_282 = tpu.iota {dimensions = array<i32: 1>} : vector<1x512xi32>
    %jit3A_283 = arith.constant 64 : i32
    %div3A_284 = vector.broadcast %jit3A_283 : i32 to vector<1x512xi32>
    %div3A_285 = arith.divsi %iota3A_282, %div3A_284 : vector<1x512xi32>
    %sign3A_286 = arith.constant 0 : i32
    %sign3A_287 = vector.broadcast %sign3A_286 : i32 to vector<1x512xi32>
    %sign3A_288 = arith.cmpi sgt, %iota3A_282, %sign3A_287 : vector<1x512xi32>
    %sign3A_289 = arith.extui %sign3A_288 : vector<1x512xi1> to vector<1x512xi32>
    %sign3A_290 = arith.constant 0 : i32
    %sign3A_291 = vector.broadcast %sign3A_290 : i32 to vector<1x512xi32>
    %sign3A_292 = arith.cmpi slt, %iota3A_282, %sign3A_291 : vector<1x512xi32>
    %sign3A_293 = arith.extui %sign3A_292 : vector<1x512xi1> to vector<1x512xi32>
    %sign3A_294 = arith.subi %sign3A_289, %sign3A_293 : vector<1x512xi32>
    %sign3A_295 = arith.constant 0 : i32
    %sign3A_296 = arith.cmpi sgt, %jit3A_283, %sign3A_295 : i32
    %sign3A_297 = arith.extui %sign3A_296 : i1 to i32
    %sign3A_298 = arith.constant 0 : i32
    %sign3A_299 = arith.cmpi slt, %jit3A_283, %sign3A_298 : i32
    %sign3A_300 = arith.extui %sign3A_299 : i1 to i32
    %sign3A_301 = arith.subi %sign3A_297, %sign3A_300 : i32
    %ne3A_302 = vector.broadcast %sign3A_301 : i32 to vector<1x512xi32>
    %ne3A_303 = arith.cmpi ne, %sign3A_294, %ne3A_302 : vector<1x512xi32>
    %rem3A_304 = vector.broadcast %jit3A_283 : i32 to vector<1x512xi32>
    %rem3A_305 = arith.remsi %iota3A_282, %rem3A_304 : vector<1x512xi32>
    %ne3A_306 = arith.constant 0 : i32
    %ne3A_307 = vector.broadcast %ne3A_306 : i32 to vector<1x512xi32>
    %ne3A_308 = arith.cmpi ne, %rem3A_305, %ne3A_307 : vector<1x512xi32>
    %and3A_309 = arith.andi %ne3A_303, %ne3A_308 : vector<1x512xi1>
    %sub3A_310 = arith.constant 1 : i32
    %sub3A_311 = vector.broadcast %sub3A_310 : i32 to vector<1x512xi32>
    %sub3A_312 = arith.subi %div3A_285, %sub3A_311 : vector<1x512xi32>
    %select_n3A_313 = arith.select %and3A_309, %sub3A_312, %div3A_285 : vector<1x512xi1>, vector<1x512xi32>
    %eq3A_314 = arith.constant 2 : i32
    %eq3A_315 = vector.broadcast %eq3A_314 : i32 to vector<1x512xi32>
    %eq3A_316 = arith.cmpi eq, %select_n3A_313, %eq3A_315 : vector<1x512xi32>
    %convert_element_type3A_317 = arith.extui %eq3A_316 : vector<1x512xi1> to vector<1x512xi32>
    %convert_element_type3A_318 = arith.sitofp %convert_element_type3A_317 : vector<1x512xi32> to vector<1x512xf32>
    %mul3A_319 = vector.broadcast %convert_element_type3A_318 : vector<1x512xf32> to vector<128x512xf32>
    %mul3A_320 = arith.mulf %sub3A, %mul3A_319 : vector<128x512xf32>
    %convert_element_type3A_321 = arith.truncf %mul3A_320 : vector<128x512xf32> to vector<128x512xbf16>
    %dot_general3A_322 = arith.constant dense<0.000000e+00> : vector<128x128xf32>
    %dot_general3A_323 = tpu.matmul %convert_element_type3A_321, %convert_element_type3A_143, %dot_general3A_322 {dimension_numbers = #tpu.dot_dimension_numbers<[1], [1], [0], [0], [0, 0, 1, 0], [], []>, transpose_lhs_hint = false} : vector<128x512xbf16>, vector<128x512xbf16>, vector<128x128xf32> -> vector<128x128xf32>
    %mul3A_324 = vector.broadcast %convert_element_type3A_318 : vector<1x512xf32> to vector<128x512xf32>
    %mul3A_325 = arith.mulf %add3A, %mul3A_324 : vector<128x512xf32>
    %convert_element_type3A_326 = arith.truncf %mul3A_325 : vector<128x512xf32> to vector<128x512xbf16>
    %dot_general3A_327 = arith.constant dense<0.000000e+00> : vector<128x128xf32>
    %dot_general3A_328 = tpu.matmul %convert_element_type3A_326, %convert_element_type3A_144, %dot_general3A_327 {dimension_numbers = #tpu.dot_dimension_numbers<[1], [1], [0], [0], [0, 0, 1, 0], [], []>, transpose_lhs_hint = false} : vector<128x512xbf16>, vector<128x512xbf16>, vector<128x128xf32> -> vector<128x128xf32>
    %add3A_329 = arith.addf %dot_general3A_323, %dot_general3A_328 : vector<128x128xf32>
    %mul3A_330 = arith.constant 1.250000e-01 : f32
    %mul3A_331 = vector.broadcast %mul3A_330 : f32 to vector<128x128xf32>
    %mul3A_332 = arith.mulf %add3A_329, %mul3A_331 : vector<128x128xf32>
    %jit3A_333 = arith.constant -1.000000e+30 : f32
    %broadcast_in_dim3A_334 = vector.broadcast %jit3A_333 : f32 to vector<128x128xf32>
    %select_n3A_335 = arith.select %eq3A_142, %mul3A_332, %broadcast_in_dim3A_334 : vector<128x128xi1>, vector<128x128xf32>
    %reduce_max3A_336 = arith.constant dense<0xFF800000> : vector<128xf32>
    %reduce_max3A_337 = vector.multi_reduction <maximumf>, %select_n3A_335, %reduce_max3A_336 [1] : vector<128x128xf32> to vector<128xf32>
    %broadcast_in_dim3A_338 = vector.shape_cast %reduce_max3A_337 : vector<128xf32> to vector<128x1xf32>
    %sub3A_339 = vector.broadcast %broadcast_in_dim3A_338 : vector<128x1xf32> to vector<128x128xf32>
    %sub3A_340 = arith.subf %select_n3A_335, %sub3A_339 : vector<128x128xf32>
    %exp3A_341 = math.exp %sub3A_340 : vector<128x128xf32>
    %reduce_sum3A_342 = arith.constant dense<0.000000e+00> : vector<128xf32>
    %reduce_sum3A_343 = vector.multi_reduction <add>, %exp3A_341, %reduce_sum3A_342 [1] : vector<128x128xf32> to vector<128xf32>
    %broadcast_in_dim3A_344 = vector.shape_cast %reduce_sum3A_343 : vector<128xf32> to vector<128x1xf32>
    %div3A_345 = vector.broadcast %broadcast_in_dim3A_344 : vector<128x1xf32> to vector<128x128xf32>
    %div3A_346 = arith.divf %exp3A_341, %div3A_345 : vector<128x128xf32>
    %mul3A_347 = vector.broadcast %convert_element_type3A_318 : vector<1x512xf32> to vector<128x512xf32>
    %mul3A_348 = arith.mulf %sub3A_78, %mul3A_347 : vector<128x512xf32>
    %convert_element_type3A_349 = arith.truncf %mul3A_348 : vector<128x512xf32> to vector<128x512xbf16>
    %mul3A_350 = vector.broadcast %convert_element_type3A_318 : vector<1x512xf32> to vector<128x512xf32>
    %mul3A_351 = arith.mulf %add3A_85, %mul3A_350 : vector<128x512xf32>
    %convert_element_type3A_352 = arith.truncf %mul3A_351 : vector<128x512xf32> to vector<128x512xbf16>
    %iota3A_353 = tpu.iota {dimensions = array<i32: 1>} : vector<1x512xi32>
    %jit3A_354 = arith.constant 64 : i32
    %div3A_355 = vector.broadcast %jit3A_354 : i32 to vector<1x512xi32>
    %div3A_356 = arith.divsi %iota3A_353, %div3A_355 : vector<1x512xi32>
    %sign3A_357 = arith.constant 0 : i32
    %sign3A_358 = vector.broadcast %sign3A_357 : i32 to vector<1x512xi32>
    %sign3A_359 = arith.cmpi sgt, %iota3A_353, %sign3A_358 : vector<1x512xi32>
    %sign3A_360 = arith.extui %sign3A_359 : vector<1x512xi1> to vector<1x512xi32>
    %sign3A_361 = arith.constant 0 : i32
    %sign3A_362 = vector.broadcast %sign3A_361 : i32 to vector<1x512xi32>
    %sign3A_363 = arith.cmpi slt, %iota3A_353, %sign3A_362 : vector<1x512xi32>
    %sign3A_364 = arith.extui %sign3A_363 : vector<1x512xi1> to vector<1x512xi32>
    %sign3A_365 = arith.subi %sign3A_360, %sign3A_364 : vector<1x512xi32>
    %sign3A_366 = arith.constant 0 : i32
    %sign3A_367 = arith.cmpi sgt, %jit3A_354, %sign3A_366 : i32
    %sign3A_368 = arith.extui %sign3A_367 : i1 to i32
    %sign3A_369 = arith.constant 0 : i32
    %sign3A_370 = arith.cmpi slt, %jit3A_354, %sign3A_369 : i32
    %sign3A_371 = arith.extui %sign3A_370 : i1 to i32
    %sign3A_372 = arith.subi %sign3A_368, %sign3A_371 : i32
    %ne3A_373 = vector.broadcast %sign3A_372 : i32 to vector<1x512xi32>
    %ne3A_374 = arith.cmpi ne, %sign3A_365, %ne3A_373 : vector<1x512xi32>
    %rem3A_375 = vector.broadcast %jit3A_354 : i32 to vector<1x512xi32>
    %rem3A_376 = arith.remsi %iota3A_353, %rem3A_375 : vector<1x512xi32>
    %ne3A_377 = arith.constant 0 : i32
    %ne3A_378 = vector.broadcast %ne3A_377 : i32 to vector<1x512xi32>
    %ne3A_379 = arith.cmpi ne, %rem3A_376, %ne3A_378 : vector<1x512xi32>
    %and3A_380 = arith.andi %ne3A_374, %ne3A_379 : vector<1x512xi1>
    %sub3A_381 = arith.constant 1 : i32
    %sub3A_382 = vector.broadcast %sub3A_381 : i32 to vector<1x512xi32>
    %sub3A_383 = arith.subi %div3A_356, %sub3A_382 : vector<1x512xi32>
    %select_n3A_384 = arith.select %and3A_380, %sub3A_383, %div3A_356 : vector<1x512xi1>, vector<1x512xi32>
    %eq3A_385 = arith.constant 3 : i32
    %eq3A_386 = vector.broadcast %eq3A_385 : i32 to vector<1x512xi32>
    %eq3A_387 = arith.cmpi eq, %select_n3A_384, %eq3A_386 : vector<1x512xi32>
    %convert_element_type3A_388 = arith.extui %eq3A_387 : vector<1x512xi1> to vector<1x512xi32>
    %convert_element_type3A_389 = arith.sitofp %convert_element_type3A_388 : vector<1x512xi32> to vector<1x512xf32>
    %mul3A_390 = vector.broadcast %convert_element_type3A_389 : vector<1x512xf32> to vector<128x512xf32>
    %mul3A_391 = arith.mulf %sub3A, %mul3A_390 : vector<128x512xf32>
    %convert_element_type3A_392 = arith.truncf %mul3A_391 : vector<128x512xf32> to vector<128x512xbf16>
    %dot_general3A_393 = arith.constant dense<0.000000e+00> : vector<128x128xf32>
    %dot_general3A_394 = tpu.matmul %convert_element_type3A_392, %convert_element_type3A_143, %dot_general3A_393 {dimension_numbers = #tpu.dot_dimension_numbers<[1], [1], [0], [0], [0, 0, 1, 0], [], []>, transpose_lhs_hint = false} : vector<128x512xbf16>, vector<128x512xbf16>, vector<128x128xf32> -> vector<128x128xf32>
    %mul3A_395 = vector.broadcast %convert_element_type3A_389 : vector<1x512xf32> to vector<128x512xf32>
    %mul3A_396 = arith.mulf %add3A, %mul3A_395 : vector<128x512xf32>
    %convert_element_type3A_397 = arith.truncf %mul3A_396 : vector<128x512xf32> to vector<128x512xbf16>
    %dot_general3A_398 = arith.constant dense<0.000000e+00> : vector<128x128xf32>
    %dot_general3A_399 = tpu.matmul %convert_element_type3A_397, %convert_element_type3A_144, %dot_general3A_398 {dimension_numbers = #tpu.dot_dimension_numbers<[1], [1], [0], [0], [0, 0, 1, 0], [], []>, transpose_lhs_hint = false} : vector<128x512xbf16>, vector<128x512xbf16>, vector<128x128xf32> -> vector<128x128xf32>
    %add3A_400 = arith.addf %dot_general3A_394, %dot_general3A_399 : vector<128x128xf32>
    %mul3A_401 = arith.constant 1.250000e-01 : f32
    %mul3A_402 = vector.broadcast %mul3A_401 : f32 to vector<128x128xf32>
    %mul3A_403 = arith.mulf %add3A_400, %mul3A_402 : vector<128x128xf32>
    %jit3A_404 = arith.constant -1.000000e+30 : f32
    %broadcast_in_dim3A_405 = vector.broadcast %jit3A_404 : f32 to vector<128x128xf32>
    %select_n3A_406 = arith.select %eq3A_142, %mul3A_403, %broadcast_in_dim3A_405 : vector<128x128xi1>, vector<128x128xf32>
    %reduce_max3A_407 = arith.constant dense<0xFF800000> : vector<128xf32>
    %reduce_max3A_408 = vector.multi_reduction <maximumf>, %select_n3A_406, %reduce_max3A_407 [1] : vector<128x128xf32> to vector<128xf32>
    %broadcast_in_dim3A_409 = vector.shape_cast %reduce_max3A_408 : vector<128xf32> to vector<128x1xf32>
    %sub3A_410 = vector.broadcast %broadcast_in_dim3A_409 : vector<128x1xf32> to vector<128x128xf32>
    %sub3A_411 = arith.subf %select_n3A_406, %sub3A_410 : vector<128x128xf32>
    %exp3A_412 = math.exp %sub3A_411 : vector<128x128xf32>
    %reduce_sum3A_413 = arith.constant dense<0.000000e+00> : vector<128xf32>
    %reduce_sum3A_414 = vector.multi_reduction <add>, %exp3A_412, %reduce_sum3A_413 [1] : vector<128x128xf32> to vector<128xf32>
    %broadcast_in_dim3A_415 = vector.shape_cast %reduce_sum3A_414 : vector<128xf32> to vector<128x1xf32>
    %div3A_416 = vector.broadcast %broadcast_in_dim3A_415 : vector<128x1xf32> to vector<128x128xf32>
    %div3A_417 = arith.divf %exp3A_412, %div3A_416 : vector<128x128xf32>
    %mul3A_418 = vector.broadcast %convert_element_type3A_389 : vector<1x512xf32> to vector<128x512xf32>
    %mul3A_419 = arith.mulf %sub3A_78, %mul3A_418 : vector<128x512xf32>
    %convert_element_type3A_420 = arith.truncf %mul3A_419 : vector<128x512xf32> to vector<128x512xbf16>
    %mul3A_421 = vector.broadcast %convert_element_type3A_389 : vector<1x512xf32> to vector<128x512xf32>
    %mul3A_422 = arith.mulf %add3A_85, %mul3A_421 : vector<128x512xf32>
    %convert_element_type3A_423 = arith.truncf %mul3A_422 : vector<128x512xf32> to vector<128x512xbf16>
    %iota3A_424 = tpu.iota {dimensions = array<i32: 1>} : vector<1x512xi32>
    %jit3A_425 = arith.constant 64 : i32
    %div3A_426 = vector.broadcast %jit3A_425 : i32 to vector<1x512xi32>
    %div3A_427 = arith.divsi %iota3A_424, %div3A_426 : vector<1x512xi32>
    %sign3A_428 = arith.constant 0 : i32
    %sign3A_429 = vector.broadcast %sign3A_428 : i32 to vector<1x512xi32>
    %sign3A_430 = arith.cmpi sgt, %iota3A_424, %sign3A_429 : vector<1x512xi32>
    %sign3A_431 = arith.extui %sign3A_430 : vector<1x512xi1> to vector<1x512xi32>
    %sign3A_432 = arith.constant 0 : i32
    %sign3A_433 = vector.broadcast %sign3A_432 : i32 to vector<1x512xi32>
    %sign3A_434 = arith.cmpi slt, %iota3A_424, %sign3A_433 : vector<1x512xi32>
    %sign3A_435 = arith.extui %sign3A_434 : vector<1x512xi1> to vector<1x512xi32>
    %sign3A_436 = arith.subi %sign3A_431, %sign3A_435 : vector<1x512xi32>
    %sign3A_437 = arith.constant 0 : i32
    %sign3A_438 = arith.cmpi sgt, %jit3A_425, %sign3A_437 : i32
    %sign3A_439 = arith.extui %sign3A_438 : i1 to i32
    %sign3A_440 = arith.constant 0 : i32
    %sign3A_441 = arith.cmpi slt, %jit3A_425, %sign3A_440 : i32
    %sign3A_442 = arith.extui %sign3A_441 : i1 to i32
    %sign3A_443 = arith.subi %sign3A_439, %sign3A_442 : i32
    %ne3A_444 = vector.broadcast %sign3A_443 : i32 to vector<1x512xi32>
    %ne3A_445 = arith.cmpi ne, %sign3A_436, %ne3A_444 : vector<1x512xi32>
    %rem3A_446 = vector.broadcast %jit3A_425 : i32 to vector<1x512xi32>
    %rem3A_447 = arith.remsi %iota3A_424, %rem3A_446 : vector<1x512xi32>
    %ne3A_448 = arith.constant 0 : i32
    %ne3A_449 = vector.broadcast %ne3A_448 : i32 to vector<1x512xi32>
    %ne3A_450 = arith.cmpi ne, %rem3A_447, %ne3A_449 : vector<1x512xi32>
    %and3A_451 = arith.andi %ne3A_445, %ne3A_450 : vector<1x512xi1>
    %sub3A_452 = arith.constant 1 : i32
    %sub3A_453 = vector.broadcast %sub3A_452 : i32 to vector<1x512xi32>
    %sub3A_454 = arith.subi %div3A_427, %sub3A_453 : vector<1x512xi32>
    %select_n3A_455 = arith.select %and3A_451, %sub3A_454, %div3A_427 : vector<1x512xi1>, vector<1x512xi32>
    %eq3A_456 = arith.constant 4 : i32
    %eq3A_457 = vector.broadcast %eq3A_456 : i32 to vector<1x512xi32>
    %eq3A_458 = arith.cmpi eq, %select_n3A_455, %eq3A_457 : vector<1x512xi32>
    %convert_element_type3A_459 = arith.extui %eq3A_458 : vector<1x512xi1> to vector<1x512xi32>
    %convert_element_type3A_460 = arith.sitofp %convert_element_type3A_459 : vector<1x512xi32> to vector<1x512xf32>
    %mul3A_461 = vector.broadcast %convert_element_type3A_460 : vector<1x512xf32> to vector<128x512xf32>
    %mul3A_462 = arith.mulf %sub3A, %mul3A_461 : vector<128x512xf32>
    %convert_element_type3A_463 = arith.truncf %mul3A_462 : vector<128x512xf32> to vector<128x512xbf16>
    %dot_general3A_464 = arith.constant dense<0.000000e+00> : vector<128x128xf32>
    %dot_general3A_465 = tpu.matmul %convert_element_type3A_463, %convert_element_type3A_143, %dot_general3A_464 {dimension_numbers = #tpu.dot_dimension_numbers<[1], [1], [0], [0], [0, 0, 1, 0], [], []>, transpose_lhs_hint = false} : vector<128x512xbf16>, vector<128x512xbf16>, vector<128x128xf32> -> vector<128x128xf32>
    %mul3A_466 = vector.broadcast %convert_element_type3A_460 : vector<1x512xf32> to vector<128x512xf32>
    %mul3A_467 = arith.mulf %add3A, %mul3A_466 : vector<128x512xf32>
    %convert_element_type3A_468 = arith.truncf %mul3A_467 : vector<128x512xf32> to vector<128x512xbf16>
    %dot_general3A_469 = arith.constant dense<0.000000e+00> : vector<128x128xf32>
    %dot_general3A_470 = tpu.matmul %convert_element_type3A_468, %convert_element_type3A_144, %dot_general3A_469 {dimension_numbers = #tpu.dot_dimension_numbers<[1], [1], [0], [0], [0, 0, 1, 0], [], []>, transpose_lhs_hint = false} : vector<128x512xbf16>, vector<128x512xbf16>, vector<128x128xf32> -> vector<128x128xf32>
    %add3A_471 = arith.addf %dot_general3A_465, %dot_general3A_470 : vector<128x128xf32>
    %mul3A_472 = arith.constant 1.250000e-01 : f32
    %mul3A_473 = vector.broadcast %mul3A_472 : f32 to vector<128x128xf32>
    %mul3A_474 = arith.mulf %add3A_471, %mul3A_473 : vector<128x128xf32>
    %jit3A_475 = arith.constant -1.000000e+30 : f32
    %broadcast_in_dim3A_476 = vector.broadcast %jit3A_475 : f32 to vector<128x128xf32>
    %select_n3A_477 = arith.select %eq3A_142, %mul3A_474, %broadcast_in_dim3A_476 : vector<128x128xi1>, vector<128x128xf32>
    %reduce_max3A_478 = arith.constant dense<0xFF800000> : vector<128xf32>
    %reduce_max3A_479 = vector.multi_reduction <maximumf>, %select_n3A_477, %reduce_max3A_478 [1] : vector<128x128xf32> to vector<128xf32>
    %broadcast_in_dim3A_480 = vector.shape_cast %reduce_max3A_479 : vector<128xf32> to vector<128x1xf32>
    %sub3A_481 = vector.broadcast %broadcast_in_dim3A_480 : vector<128x1xf32> to vector<128x128xf32>
    %sub3A_482 = arith.subf %select_n3A_477, %sub3A_481 : vector<128x128xf32>
    %exp3A_483 = math.exp %sub3A_482 : vector<128x128xf32>
    %reduce_sum3A_484 = arith.constant dense<0.000000e+00> : vector<128xf32>
    %reduce_sum3A_485 = vector.multi_reduction <add>, %exp3A_483, %reduce_sum3A_484 [1] : vector<128x128xf32> to vector<128xf32>
    %broadcast_in_dim3A_486 = vector.shape_cast %reduce_sum3A_485 : vector<128xf32> to vector<128x1xf32>
    %div3A_487 = vector.broadcast %broadcast_in_dim3A_486 : vector<128x1xf32> to vector<128x128xf32>
    %div3A_488 = arith.divf %exp3A_483, %div3A_487 : vector<128x128xf32>
    %mul3A_489 = vector.broadcast %convert_element_type3A_460 : vector<1x512xf32> to vector<128x512xf32>
    %mul3A_490 = arith.mulf %sub3A_78, %mul3A_489 : vector<128x512xf32>
    %convert_element_type3A_491 = arith.truncf %mul3A_490 : vector<128x512xf32> to vector<128x512xbf16>
    %mul3A_492 = vector.broadcast %convert_element_type3A_460 : vector<1x512xf32> to vector<128x512xf32>
    %mul3A_493 = arith.mulf %add3A_85, %mul3A_492 : vector<128x512xf32>
    %convert_element_type3A_494 = arith.truncf %mul3A_493 : vector<128x512xf32> to vector<128x512xbf16>
    %iota3A_495 = tpu.iota {dimensions = array<i32: 1>} : vector<1x512xi32>
    %jit3A_496 = arith.constant 64 : i32
    %div3A_497 = vector.broadcast %jit3A_496 : i32 to vector<1x512xi32>
    %div3A_498 = arith.divsi %iota3A_495, %div3A_497 : vector<1x512xi32>
    %sign3A_499 = arith.constant 0 : i32
    %sign3A_500 = vector.broadcast %sign3A_499 : i32 to vector<1x512xi32>
    %sign3A_501 = arith.cmpi sgt, %iota3A_495, %sign3A_500 : vector<1x512xi32>
    %sign3A_502 = arith.extui %sign3A_501 : vector<1x512xi1> to vector<1x512xi32>
    %sign3A_503 = arith.constant 0 : i32
    %sign3A_504 = vector.broadcast %sign3A_503 : i32 to vector<1x512xi32>
    %sign3A_505 = arith.cmpi slt, %iota3A_495, %sign3A_504 : vector<1x512xi32>
    %sign3A_506 = arith.extui %sign3A_505 : vector<1x512xi1> to vector<1x512xi32>
    %sign3A_507 = arith.subi %sign3A_502, %sign3A_506 : vector<1x512xi32>
    %sign3A_508 = arith.constant 0 : i32
    %sign3A_509 = arith.cmpi sgt, %jit3A_496, %sign3A_508 : i32
    %sign3A_510 = arith.extui %sign3A_509 : i1 to i32
    %sign3A_511 = arith.constant 0 : i32
    %sign3A_512 = arith.cmpi slt, %jit3A_496, %sign3A_511 : i32
    %sign3A_513 = arith.extui %sign3A_512 : i1 to i32
    %sign3A_514 = arith.subi %sign3A_510, %sign3A_513 : i32
    %ne3A_515 = vector.broadcast %sign3A_514 : i32 to vector<1x512xi32>
    %ne3A_516 = arith.cmpi ne, %sign3A_507, %ne3A_515 : vector<1x512xi32>
    %rem3A_517 = vector.broadcast %jit3A_496 : i32 to vector<1x512xi32>
    %rem3A_518 = arith.remsi %iota3A_495, %rem3A_517 : vector<1x512xi32>
    %ne3A_519 = arith.constant 0 : i32
    %ne3A_520 = vector.broadcast %ne3A_519 : i32 to vector<1x512xi32>
    %ne3A_521 = arith.cmpi ne, %rem3A_518, %ne3A_520 : vector<1x512xi32>
    %and3A_522 = arith.andi %ne3A_516, %ne3A_521 : vector<1x512xi1>
    %sub3A_523 = arith.constant 1 : i32
    %sub3A_524 = vector.broadcast %sub3A_523 : i32 to vector<1x512xi32>
    %sub3A_525 = arith.subi %div3A_498, %sub3A_524 : vector<1x512xi32>
    %select_n3A_526 = arith.select %and3A_522, %sub3A_525, %div3A_498 : vector<1x512xi1>, vector<1x512xi32>
    %eq3A_527 = arith.constant 5 : i32
    %eq3A_528 = vector.broadcast %eq3A_527 : i32 to vector<1x512xi32>
    %eq3A_529 = arith.cmpi eq, %select_n3A_526, %eq3A_528 : vector<1x512xi32>
    %convert_element_type3A_530 = arith.extui %eq3A_529 : vector<1x512xi1> to vector<1x512xi32>
    %convert_element_type3A_531 = arith.sitofp %convert_element_type3A_530 : vector<1x512xi32> to vector<1x512xf32>
    %mul3A_532 = vector.broadcast %convert_element_type3A_531 : vector<1x512xf32> to vector<128x512xf32>
    %mul3A_533 = arith.mulf %sub3A, %mul3A_532 : vector<128x512xf32>
    %convert_element_type3A_534 = arith.truncf %mul3A_533 : vector<128x512xf32> to vector<128x512xbf16>
    %dot_general3A_535 = arith.constant dense<0.000000e+00> : vector<128x128xf32>
    %dot_general3A_536 = tpu.matmul %convert_element_type3A_534, %convert_element_type3A_143, %dot_general3A_535 {dimension_numbers = #tpu.dot_dimension_numbers<[1], [1], [0], [0], [0, 0, 1, 0], [], []>, transpose_lhs_hint = false} : vector<128x512xbf16>, vector<128x512xbf16>, vector<128x128xf32> -> vector<128x128xf32>
    %mul3A_537 = vector.broadcast %convert_element_type3A_531 : vector<1x512xf32> to vector<128x512xf32>
    %mul3A_538 = arith.mulf %add3A, %mul3A_537 : vector<128x512xf32>
    %convert_element_type3A_539 = arith.truncf %mul3A_538 : vector<128x512xf32> to vector<128x512xbf16>
    %dot_general3A_540 = arith.constant dense<0.000000e+00> : vector<128x128xf32>
    %dot_general3A_541 = tpu.matmul %convert_element_type3A_539, %convert_element_type3A_144, %dot_general3A_540 {dimension_numbers = #tpu.dot_dimension_numbers<[1], [1], [0], [0], [0, 0, 1, 0], [], []>, transpose_lhs_hint = false} : vector<128x512xbf16>, vector<128x512xbf16>, vector<128x128xf32> -> vector<128x128xf32>
    %add3A_542 = arith.addf %dot_general3A_536, %dot_general3A_541 : vector<128x128xf32>
    %mul3A_543 = arith.constant 1.250000e-01 : f32
    %mul3A_544 = vector.broadcast %mul3A_543 : f32 to vector<128x128xf32>
    %mul3A_545 = arith.mulf %add3A_542, %mul3A_544 : vector<128x128xf32>
    %jit3A_546 = arith.constant -1.000000e+30 : f32
    %broadcast_in_dim3A_547 = vector.broadcast %jit3A_546 : f32 to vector<128x128xf32>
    %select_n3A_548 = arith.select %eq3A_142, %mul3A_545, %broadcast_in_dim3A_547 : vector<128x128xi1>, vector<128x128xf32>
    %reduce_max3A_549 = arith.constant dense<0xFF800000> : vector<128xf32>
    %reduce_max3A_550 = vector.multi_reduction <maximumf>, %select_n3A_548, %reduce_max3A_549 [1] : vector<128x128xf32> to vector<128xf32>
    %broadcast_in_dim3A_551 = vector.shape_cast %reduce_max3A_550 : vector<128xf32> to vector<128x1xf32>
    %sub3A_552 = vector.broadcast %broadcast_in_dim3A_551 : vector<128x1xf32> to vector<128x128xf32>
    %sub3A_553 = arith.subf %select_n3A_548, %sub3A_552 : vector<128x128xf32>
    %exp3A_554 = math.exp %sub3A_553 : vector<128x128xf32>
    %reduce_sum3A_555 = arith.constant dense<0.000000e+00> : vector<128xf32>
    %reduce_sum3A_556 = vector.multi_reduction <add>, %exp3A_554, %reduce_sum3A_555 [1] : vector<128x128xf32> to vector<128xf32>
    %broadcast_in_dim3A_557 = vector.shape_cast %reduce_sum3A_556 : vector<128xf32> to vector<128x1xf32>
    %div3A_558 = vector.broadcast %broadcast_in_dim3A_557 : vector<128x1xf32> to vector<128x128xf32>
    %div3A_559 = arith.divf %exp3A_554, %div3A_558 : vector<128x128xf32>
    %mul3A_560 = vector.broadcast %convert_element_type3A_531 : vector<1x512xf32> to vector<128x512xf32>
    %mul3A_561 = arith.mulf %sub3A_78, %mul3A_560 : vector<128x512xf32>
    %convert_element_type3A_562 = arith.truncf %mul3A_561 : vector<128x512xf32> to vector<128x512xbf16>
    %mul3A_563 = vector.broadcast %convert_element_type3A_531 : vector<1x512xf32> to vector<128x512xf32>
    %mul3A_564 = arith.mulf %add3A_85, %mul3A_563 : vector<128x512xf32>
    %convert_element_type3A_565 = arith.truncf %mul3A_564 : vector<128x512xf32> to vector<128x512xbf16>
    %iota3A_566 = tpu.iota {dimensions = array<i32: 1>} : vector<1x512xi32>
    %jit3A_567 = arith.constant 64 : i32
    %div3A_568 = vector.broadcast %jit3A_567 : i32 to vector<1x512xi32>
    %div3A_569 = arith.divsi %iota3A_566, %div3A_568 : vector<1x512xi32>
    %sign3A_570 = arith.constant 0 : i32
    %sign3A_571 = vector.broadcast %sign3A_570 : i32 to vector<1x512xi32>
    %sign3A_572 = arith.cmpi sgt, %iota3A_566, %sign3A_571 : vector<1x512xi32>
    %sign3A_573 = arith.extui %sign3A_572 : vector<1x512xi1> to vector<1x512xi32>
    %sign3A_574 = arith.constant 0 : i32
    %sign3A_575 = vector.broadcast %sign3A_574 : i32 to vector<1x512xi32>
    %sign3A_576 = arith.cmpi slt, %iota3A_566, %sign3A_575 : vector<1x512xi32>
    %sign3A_577 = arith.extui %sign3A_576 : vector<1x512xi1> to vector<1x512xi32>
    %sign3A_578 = arith.subi %sign3A_573, %sign3A_577 : vector<1x512xi32>
    %sign3A_579 = arith.constant 0 : i32
    %sign3A_580 = arith.cmpi sgt, %jit3A_567, %sign3A_579 : i32
    %sign3A_581 = arith.extui %sign3A_580 : i1 to i32
    %sign3A_582 = arith.constant 0 : i32
    %sign3A_583 = arith.cmpi slt, %jit3A_567, %sign3A_582 : i32
    %sign3A_584 = arith.extui %sign3A_583 : i1 to i32
    %sign3A_585 = arith.subi %sign3A_581, %sign3A_584 : i32
    %ne3A_586 = vector.broadcast %sign3A_585 : i32 to vector<1x512xi32>
    %ne3A_587 = arith.cmpi ne, %sign3A_578, %ne3A_586 : vector<1x512xi32>
    %rem3A_588 = vector.broadcast %jit3A_567 : i32 to vector<1x512xi32>
    %rem3A_589 = arith.remsi %iota3A_566, %rem3A_588 : vector<1x512xi32>
    %ne3A_590 = arith.constant 0 : i32
    %ne3A_591 = vector.broadcast %ne3A_590 : i32 to vector<1x512xi32>
    %ne3A_592 = arith.cmpi ne, %rem3A_589, %ne3A_591 : vector<1x512xi32>
    %and3A_593 = arith.andi %ne3A_587, %ne3A_592 : vector<1x512xi1>
    %sub3A_594 = arith.constant 1 : i32
    %sub3A_595 = vector.broadcast %sub3A_594 : i32 to vector<1x512xi32>
    %sub3A_596 = arith.subi %div3A_569, %sub3A_595 : vector<1x512xi32>
    %select_n3A_597 = arith.select %and3A_593, %sub3A_596, %div3A_569 : vector<1x512xi1>, vector<1x512xi32>
    %eq3A_598 = arith.constant 6 : i32
    %eq3A_599 = vector.broadcast %eq3A_598 : i32 to vector<1x512xi32>
    %eq3A_600 = arith.cmpi eq, %select_n3A_597, %eq3A_599 : vector<1x512xi32>
    %convert_element_type3A_601 = arith.extui %eq3A_600 : vector<1x512xi1> to vector<1x512xi32>
    %convert_element_type3A_602 = arith.sitofp %convert_element_type3A_601 : vector<1x512xi32> to vector<1x512xf32>
    %mul3A_603 = vector.broadcast %convert_element_type3A_602 : vector<1x512xf32> to vector<128x512xf32>
    %mul3A_604 = arith.mulf %sub3A, %mul3A_603 : vector<128x512xf32>
    %convert_element_type3A_605 = arith.truncf %mul3A_604 : vector<128x512xf32> to vector<128x512xbf16>
    %dot_general3A_606 = arith.constant dense<0.000000e+00> : vector<128x128xf32>
    %dot_general3A_607 = tpu.matmul %convert_element_type3A_605, %convert_element_type3A_143, %dot_general3A_606 {dimension_numbers = #tpu.dot_dimension_numbers<[1], [1], [0], [0], [0, 0, 1, 0], [], []>, transpose_lhs_hint = false} : vector<128x512xbf16>, vector<128x512xbf16>, vector<128x128xf32> -> vector<128x128xf32>
    %mul3A_608 = vector.broadcast %convert_element_type3A_602 : vector<1x512xf32> to vector<128x512xf32>
    %mul3A_609 = arith.mulf %add3A, %mul3A_608 : vector<128x512xf32>
    %convert_element_type3A_610 = arith.truncf %mul3A_609 : vector<128x512xf32> to vector<128x512xbf16>
    %dot_general3A_611 = arith.constant dense<0.000000e+00> : vector<128x128xf32>
    %dot_general3A_612 = tpu.matmul %convert_element_type3A_610, %convert_element_type3A_144, %dot_general3A_611 {dimension_numbers = #tpu.dot_dimension_numbers<[1], [1], [0], [0], [0, 0, 1, 0], [], []>, transpose_lhs_hint = false} : vector<128x512xbf16>, vector<128x512xbf16>, vector<128x128xf32> -> vector<128x128xf32>
    %add3A_613 = arith.addf %dot_general3A_607, %dot_general3A_612 : vector<128x128xf32>
    %mul3A_614 = arith.constant 1.250000e-01 : f32
    %mul3A_615 = vector.broadcast %mul3A_614 : f32 to vector<128x128xf32>
    %mul3A_616 = arith.mulf %add3A_613, %mul3A_615 : vector<128x128xf32>
    %jit3A_617 = arith.constant -1.000000e+30 : f32
    %broadcast_in_dim3A_618 = vector.broadcast %jit3A_617 : f32 to vector<128x128xf32>
    %select_n3A_619 = arith.select %eq3A_142, %mul3A_616, %broadcast_in_dim3A_618 : vector<128x128xi1>, vector<128x128xf32>
    %reduce_max3A_620 = arith.constant dense<0xFF800000> : vector<128xf32>
    %reduce_max3A_621 = vector.multi_reduction <maximumf>, %select_n3A_619, %reduce_max3A_620 [1] : vector<128x128xf32> to vector<128xf32>
    %broadcast_in_dim3A_622 = vector.shape_cast %reduce_max3A_621 : vector<128xf32> to vector<128x1xf32>
    %sub3A_623 = vector.broadcast %broadcast_in_dim3A_622 : vector<128x1xf32> to vector<128x128xf32>
    %sub3A_624 = arith.subf %select_n3A_619, %sub3A_623 : vector<128x128xf32>
    %exp3A_625 = math.exp %sub3A_624 : vector<128x128xf32>
    %reduce_sum3A_626 = arith.constant dense<0.000000e+00> : vector<128xf32>
    %reduce_sum3A_627 = vector.multi_reduction <add>, %exp3A_625, %reduce_sum3A_626 [1] : vector<128x128xf32> to vector<128xf32>
    %broadcast_in_dim3A_628 = vector.shape_cast %reduce_sum3A_627 : vector<128xf32> to vector<128x1xf32>
    %div3A_629 = vector.broadcast %broadcast_in_dim3A_628 : vector<128x1xf32> to vector<128x128xf32>
    %div3A_630 = arith.divf %exp3A_625, %div3A_629 : vector<128x128xf32>
    %mul3A_631 = vector.broadcast %convert_element_type3A_602 : vector<1x512xf32> to vector<128x512xf32>
    %mul3A_632 = arith.mulf %sub3A_78, %mul3A_631 : vector<128x512xf32>
    %convert_element_type3A_633 = arith.truncf %mul3A_632 : vector<128x512xf32> to vector<128x512xbf16>
    %mul3A_634 = vector.broadcast %convert_element_type3A_602 : vector<1x512xf32> to vector<128x512xf32>
    %mul3A_635 = arith.mulf %add3A_85, %mul3A_634 : vector<128x512xf32>
    %convert_element_type3A_636 = arith.truncf %mul3A_635 : vector<128x512xf32> to vector<128x512xbf16>
    %iota3A_637 = tpu.iota {dimensions = array<i32: 1>} : vector<1x512xi32>
    %jit3A_638 = arith.constant 64 : i32
    %div3A_639 = vector.broadcast %jit3A_638 : i32 to vector<1x512xi32>
    %div3A_640 = arith.divsi %iota3A_637, %div3A_639 : vector<1x512xi32>
    %sign3A_641 = arith.constant 0 : i32
    %sign3A_642 = vector.broadcast %sign3A_641 : i32 to vector<1x512xi32>
    %sign3A_643 = arith.cmpi sgt, %iota3A_637, %sign3A_642 : vector<1x512xi32>
    %sign3A_644 = arith.extui %sign3A_643 : vector<1x512xi1> to vector<1x512xi32>
    %sign3A_645 = arith.constant 0 : i32
    %sign3A_646 = vector.broadcast %sign3A_645 : i32 to vector<1x512xi32>
    %sign3A_647 = arith.cmpi slt, %iota3A_637, %sign3A_646 : vector<1x512xi32>
    %sign3A_648 = arith.extui %sign3A_647 : vector<1x512xi1> to vector<1x512xi32>
    %sign3A_649 = arith.subi %sign3A_644, %sign3A_648 : vector<1x512xi32>
    %sign3A_650 = arith.constant 0 : i32
    %sign3A_651 = arith.cmpi sgt, %jit3A_638, %sign3A_650 : i32
    %sign3A_652 = arith.extui %sign3A_651 : i1 to i32
    %sign3A_653 = arith.constant 0 : i32
    %sign3A_654 = arith.cmpi slt, %jit3A_638, %sign3A_653 : i32
    %sign3A_655 = arith.extui %sign3A_654 : i1 to i32
    %sign3A_656 = arith.subi %sign3A_652, %sign3A_655 : i32
    %ne3A_657 = vector.broadcast %sign3A_656 : i32 to vector<1x512xi32>
    %ne3A_658 = arith.cmpi ne, %sign3A_649, %ne3A_657 : vector<1x512xi32>
    %rem3A_659 = vector.broadcast %jit3A_638 : i32 to vector<1x512xi32>
    %rem3A_660 = arith.remsi %iota3A_637, %rem3A_659 : vector<1x512xi32>
    %ne3A_661 = arith.constant 0 : i32
    %ne3A_662 = vector.broadcast %ne3A_661 : i32 to vector<1x512xi32>
    %ne3A_663 = arith.cmpi ne, %rem3A_660, %ne3A_662 : vector<1x512xi32>
    %and3A_664 = arith.andi %ne3A_658, %ne3A_663 : vector<1x512xi1>
    %sub3A_665 = arith.constant 1 : i32
    %sub3A_666 = vector.broadcast %sub3A_665 : i32 to vector<1x512xi32>
    %sub3A_667 = arith.subi %div3A_640, %sub3A_666 : vector<1x512xi32>
    %select_n3A_668 = arith.select %and3A_664, %sub3A_667, %div3A_640 : vector<1x512xi1>, vector<1x512xi32>
    %eq3A_669 = arith.constant 7 : i32
    %eq3A_670 = vector.broadcast %eq3A_669 : i32 to vector<1x512xi32>
    %eq3A_671 = arith.cmpi eq, %select_n3A_668, %eq3A_670 : vector<1x512xi32>
    %convert_element_type3A_672 = arith.extui %eq3A_671 : vector<1x512xi1> to vector<1x512xi32>
    %convert_element_type3A_673 = arith.sitofp %convert_element_type3A_672 : vector<1x512xi32> to vector<1x512xf32>
    %mul3A_674 = vector.broadcast %convert_element_type3A_673 : vector<1x512xf32> to vector<128x512xf32>
    %mul3A_675 = arith.mulf %sub3A, %mul3A_674 : vector<128x512xf32>
    %convert_element_type3A_676 = arith.truncf %mul3A_675 : vector<128x512xf32> to vector<128x512xbf16>
    %dot_general3A_677 = arith.constant dense<0.000000e+00> : vector<128x128xf32>
    %dot_general3A_678 = tpu.matmul %convert_element_type3A_676, %convert_element_type3A_143, %dot_general3A_677 {dimension_numbers = #tpu.dot_dimension_numbers<[1], [1], [0], [0], [0, 0, 1, 0], [], []>, transpose_lhs_hint = false} : vector<128x512xbf16>, vector<128x512xbf16>, vector<128x128xf32> -> vector<128x128xf32>
    %mul3A_679 = vector.broadcast %convert_element_type3A_673 : vector<1x512xf32> to vector<128x512xf32>
    %mul3A_680 = arith.mulf %add3A, %mul3A_679 : vector<128x512xf32>
    %convert_element_type3A_681 = arith.truncf %mul3A_680 : vector<128x512xf32> to vector<128x512xbf16>
    %dot_general3A_682 = arith.constant dense<0.000000e+00> : vector<128x128xf32>
    %dot_general3A_683 = tpu.matmul %convert_element_type3A_681, %convert_element_type3A_144, %dot_general3A_682 {dimension_numbers = #tpu.dot_dimension_numbers<[1], [1], [0], [0], [0, 0, 1, 0], [], []>, transpose_lhs_hint = false} : vector<128x512xbf16>, vector<128x512xbf16>, vector<128x128xf32> -> vector<128x128xf32>
    %add3A_684 = arith.addf %dot_general3A_678, %dot_general3A_683 : vector<128x128xf32>
    %mul3A_685 = arith.constant 1.250000e-01 : f32
    %mul3A_686 = vector.broadcast %mul3A_685 : f32 to vector<128x128xf32>
    %mul3A_687 = arith.mulf %add3A_684, %mul3A_686 : vector<128x128xf32>
    %jit3A_688 = arith.constant -1.000000e+30 : f32
    %broadcast_in_dim3A_689 = vector.broadcast %jit3A_688 : f32 to vector<128x128xf32>
    %select_n3A_690 = arith.select %eq3A_142, %mul3A_687, %broadcast_in_dim3A_689 : vector<128x128xi1>, vector<128x128xf32>
    %reduce_max3A_691 = arith.constant dense<0xFF800000> : vector<128xf32>
    %reduce_max3A_692 = vector.multi_reduction <maximumf>, %select_n3A_690, %reduce_max3A_691 [1] : vector<128x128xf32> to vector<128xf32>
    %broadcast_in_dim3A_693 = vector.shape_cast %reduce_max3A_692 : vector<128xf32> to vector<128x1xf32>
    %sub3A_694 = vector.broadcast %broadcast_in_dim3A_693 : vector<128x1xf32> to vector<128x128xf32>
    %sub3A_695 = arith.subf %select_n3A_690, %sub3A_694 : vector<128x128xf32>
    %exp3A_696 = math.exp %sub3A_695 : vector<128x128xf32>
    %reduce_sum3A_697 = arith.constant dense<0.000000e+00> : vector<128xf32>
    %reduce_sum3A_698 = vector.multi_reduction <add>, %exp3A_696, %reduce_sum3A_697 [1] : vector<128x128xf32> to vector<128xf32>
    %broadcast_in_dim3A_699 = vector.shape_cast %reduce_sum3A_698 : vector<128xf32> to vector<128x1xf32>
    %div3A_700 = vector.broadcast %broadcast_in_dim3A_699 : vector<128x1xf32> to vector<128x128xf32>
    %div3A_701 = arith.divf %exp3A_696, %div3A_700 : vector<128x128xf32>
    %mul3A_702 = vector.broadcast %convert_element_type3A_673 : vector<1x512xf32> to vector<128x512xf32>
    %mul3A_703 = arith.mulf %sub3A_78, %mul3A_702 : vector<128x512xf32>
    %convert_element_type3A_704 = arith.truncf %mul3A_703 : vector<128x512xf32> to vector<128x512xbf16>
    %mul3A_705 = vector.broadcast %convert_element_type3A_673 : vector<1x512xf32> to vector<128x512xf32>
    %mul3A_706 = arith.mulf %add3A_85, %mul3A_705 : vector<128x512xf32>
    %convert_element_type3A_707 = arith.truncf %mul3A_706 : vector<128x512xf32> to vector<128x512xbf16>
    %concatenate3A = tpu.concatenate %div3A_204, %div3A_275, %div3A_346, %div3A_417, %div3A_488, %div3A_559, %div3A_630, %div3A_701 in 1 : vector<128x128xf32>, vector<128x128xf32>, vector<128x128xf32>, vector<128x128xf32>, vector<128x128xf32>, vector<128x128xf32>, vector<128x128xf32>, vector<128x128xf32> -> vector<128x1024xf32>
    %concatenate3A_708 = tpu.concatenate %convert_element_type3A_207, %convert_element_type3A_278, %convert_element_type3A_349, %convert_element_type3A_420, %convert_element_type3A_491, %convert_element_type3A_562, %convert_element_type3A_633, %convert_element_type3A_704 in 0 : vector<128x512xbf16>, vector<128x512xbf16>, vector<128x512xbf16>, vector<128x512xbf16>, vector<128x512xbf16>, vector<128x512xbf16>, vector<128x512xbf16>, vector<128x512xbf16> -> vector<1024x512xbf16>
    %convert_element_type3A_709 = arith.truncf %concatenate3A : vector<128x1024xf32> to vector<128x1024xbf16>
    %dot_general3A_710 = arith.constant dense<0.000000e+00> : vector<128x512xf32>
    %dot_general3A_711 = tpu.matmul %convert_element_type3A_709, %concatenate3A_708, %dot_general3A_710 {dimension_numbers = #tpu.dot_dimension_numbers<[1], [0], [0], [1], [0, 0, 1, 1], [], []>, transpose_lhs_hint = false} : vector<128x1024xbf16>, vector<1024x512xbf16>, vector<128x512xf32> -> vector<128x512xf32>
    %concatenate3A_712 = tpu.concatenate %convert_element_type3A_210, %convert_element_type3A_281, %convert_element_type3A_352, %convert_element_type3A_423, %convert_element_type3A_494, %convert_element_type3A_565, %convert_element_type3A_636, %convert_element_type3A_707 in 0 : vector<128x512xbf16>, vector<128x512xbf16>, vector<128x512xbf16>, vector<128x512xbf16>, vector<128x512xbf16>, vector<128x512xbf16>, vector<128x512xbf16>, vector<128x512xbf16> -> vector<1024x512xbf16>
    %convert_element_type3A_713 = arith.truncf %concatenate3A : vector<128x1024xf32> to vector<128x1024xbf16>
    %dot_general3A_714 = arith.constant dense<0.000000e+00> : vector<128x512xf32>
    %dot_general3A_715 = tpu.matmul %convert_element_type3A_713, %concatenate3A_712, %dot_general3A_714 {dimension_numbers = #tpu.dot_dimension_numbers<[1], [0], [0], [1], [0, 0, 1, 1], [], []>, transpose_lhs_hint = false} : vector<128x1024xbf16>, vector<1024x512xbf16>, vector<128x512xf32> -> vector<128x512xf32>
    %convert_element_type3A_716 = arith.truncf %dot_general3A_711 : vector<128x512xf32> to vector<128x512xbf16>
    %dot_general3A_717 = arith.constant dense<0.000000e+00> : vector<128x512xf32>
    %dot_general3A_718 = tpu.matmul %convert_element_type3A_716, %get3A_41, %dot_general3A_717 {dimension_numbers = #tpu.dot_dimension_numbers<[1], [0], [0], [1], [0, 0, 1, 1], [], []>, transpose_lhs_hint = false} : vector<128x512xbf16>, vector<512x512xbf16>, vector<128x512xf32> -> vector<128x512xf32>
    %convert_element_type3A_719 = arith.truncf %dot_general3A_715 : vector<128x512xf32> to vector<128x512xbf16>
    %dot_general3A_720 = arith.constant dense<0.000000e+00> : vector<128x512xf32>
    %dot_general3A_721 = tpu.matmul %convert_element_type3A_719, %get3A_46, %dot_general3A_720 {dimension_numbers = #tpu.dot_dimension_numbers<[1], [0], [0], [1], [0, 0, 1, 1], [], []>, transpose_lhs_hint = false} : vector<128x512xbf16>, vector<512x512xbf16>, vector<128x512xf32> -> vector<128x512xf32>
    %sub3A_722 = arith.subf %dot_general3A_718, %dot_general3A_721 : vector<128x512xf32>
    %convert_element_type3A_723 = arith.truncf %dot_general3A_711 : vector<128x512xf32> to vector<128x512xbf16>
    %dot_general3A_724 = arith.constant dense<0.000000e+00> : vector<128x512xf32>
    %dot_general3A_725 = tpu.matmul %convert_element_type3A_723, %get3A_46, %dot_general3A_724 {dimension_numbers = #tpu.dot_dimension_numbers<[1], [0], [0], [1], [0, 0, 1, 1], [], []>, transpose_lhs_hint = false} : vector<128x512xbf16>, vector<512x512xbf16>, vector<128x512xf32> -> vector<128x512xf32>
    %convert_element_type3A_726 = arith.truncf %dot_general3A_715 : vector<128x512xf32> to vector<128x512xbf16>
    %dot_general3A_727 = arith.constant dense<0.000000e+00> : vector<128x512xf32>
    %dot_general3A_728 = tpu.matmul %convert_element_type3A_726, %get3A_41, %dot_general3A_727 {dimension_numbers = #tpu.dot_dimension_numbers<[1], [0], [0], [1], [0, 0, 1, 1], [], []>, transpose_lhs_hint = false} : vector<128x512xbf16>, vector<512x512xbf16>, vector<128x512xf32> -> vector<128x512xf32>
    %add3A_729 = arith.addf %dot_general3A_725, %dot_general3A_728 : vector<128x512xf32>
    %add3A_730 = arith.addf %get3A_3, %sub3A_722 : vector<128x512xf32>
    %reduce_sum3A_731 = arith.constant dense<0.000000e+00> : vector<128xf32>
    %reduce_sum3A_732 = vector.multi_reduction <add>, %add3A_730, %reduce_sum3A_731 [1] : vector<128x512xf32> to vector<128xf32>
    %broadcast_in_dim3A_733 = vector.shape_cast %reduce_sum3A_732 : vector<128xf32> to vector<128x1xf32>
    %div3A_734 = arith.constant 5.120000e+02 : f32
    %div3A_735 = vector.broadcast %div3A_734 : f32 to vector<128x1xf32>
    %div3A_736 = arith.divf %broadcast_in_dim3A_733, %div3A_735 : vector<128x1xf32>
    %sub3A_737 = vector.broadcast %div3A_736 : vector<128x1xf32> to vector<128x512xf32>
    %sub3A_738 = arith.subf %add3A_730, %sub3A_737 : vector<128x512xf32>
    %sub3A_739 = vector.broadcast %div3A_736 : vector<128x1xf32> to vector<128x512xf32>
    %sub3A_740 = arith.subf %add3A_730, %sub3A_739 : vector<128x512xf32>
    %mul3A_741 = arith.mulf %sub3A_738, %sub3A_740 : vector<128x512xf32>
    %reduce_sum3A_742 = arith.constant dense<0.000000e+00> : vector<128xf32>
    %reduce_sum3A_743 = vector.multi_reduction <add>, %mul3A_741, %reduce_sum3A_742 [1] : vector<128x512xf32> to vector<128xf32>
    %broadcast_in_dim3A_744 = vector.shape_cast %reduce_sum3A_743 : vector<128xf32> to vector<128x1xf32>
    %div3A_745 = arith.constant 5.120000e+02 : f32
    %div3A_746 = vector.broadcast %div3A_745 : f32 to vector<128x1xf32>
    %div3A_747 = arith.divf %broadcast_in_dim3A_744, %div3A_746 : vector<128x1xf32>
    %sub3A_748 = vector.broadcast %div3A_736 : vector<128x1xf32> to vector<128x512xf32>
    %sub3A_749 = arith.subf %add3A_730, %sub3A_748 : vector<128x512xf32>
    %add3A_750 = arith.constant 9.99999974E-6 : f32
    %add3A_751 = vector.broadcast %add3A_750 : f32 to vector<128x1xf32>
    %add3A_752 = arith.addf %div3A_747, %add3A_751 : vector<128x1xf32>
    %sqrt3A = math.sqrt %add3A_752 : vector<128x1xf32>
    %div3A_753 = vector.broadcast %sqrt3A : vector<128x1xf32> to vector<128x512xf32>
    %div3A_754 = arith.divf %sub3A_749, %div3A_753 : vector<128x512xf32>
    %add3A_755 = arith.addf %get3A_6, %add3A_729 : vector<128x512xf32>
    %reduce_sum3A_756 = arith.constant dense<0.000000e+00> : vector<128xf32>
    %reduce_sum3A_757 = vector.multi_reduction <add>, %add3A_755, %reduce_sum3A_756 [1] : vector<128x512xf32> to vector<128xf32>
    %broadcast_in_dim3A_758 = vector.shape_cast %reduce_sum3A_757 : vector<128xf32> to vector<128x1xf32>
    %div3A_759 = arith.constant 5.120000e+02 : f32
    %div3A_760 = vector.broadcast %div3A_759 : f32 to vector<128x1xf32>
    %div3A_761 = arith.divf %broadcast_in_dim3A_758, %div3A_760 : vector<128x1xf32>
    %sub3A_762 = vector.broadcast %div3A_761 : vector<128x1xf32> to vector<128x512xf32>
    %sub3A_763 = arith.subf %add3A_755, %sub3A_762 : vector<128x512xf32>
    %sub3A_764 = vector.broadcast %div3A_761 : vector<128x1xf32> to vector<128x512xf32>
    %sub3A_765 = arith.subf %add3A_755, %sub3A_764 : vector<128x512xf32>
    %mul3A_766 = arith.mulf %sub3A_763, %sub3A_765 : vector<128x512xf32>
    %reduce_sum3A_767 = arith.constant dense<0.000000e+00> : vector<128xf32>
    %reduce_sum3A_768 = vector.multi_reduction <add>, %mul3A_766, %reduce_sum3A_767 [1] : vector<128x512xf32> to vector<128xf32>
    %broadcast_in_dim3A_769 = vector.shape_cast %reduce_sum3A_768 : vector<128xf32> to vector<128x1xf32>
    %div3A_770 = arith.constant 5.120000e+02 : f32
    %div3A_771 = vector.broadcast %div3A_770 : f32 to vector<128x1xf32>
    %div3A_772 = arith.divf %broadcast_in_dim3A_769, %div3A_771 : vector<128x1xf32>
    %sub3A_773 = vector.broadcast %div3A_761 : vector<128x1xf32> to vector<128x512xf32>
    %sub3A_774 = arith.subf %add3A_755, %sub3A_773 : vector<128x512xf32>
    %add3A_775 = arith.constant 9.99999974E-6 : f32
    %add3A_776 = vector.broadcast %add3A_775 : f32 to vector<128x1xf32>
    %add3A_777 = arith.addf %div3A_772, %add3A_776 : vector<128x1xf32>
    %sqrt3A_778 = math.sqrt %add3A_777 : vector<128x1xf32>
    %div3A_779 = vector.broadcast %sqrt3A_778 : vector<128x1xf32> to vector<128x512xf32>
    %div3A_780 = arith.divf %sub3A_774, %div3A_779 : vector<128x512xf32>
    %swap3A = arith.constant 0 : index
    %swap3A_781 = arith.constant 0 : index
    %swap3A_782 = vector.load %arg17[%swap3A, %swap3A_781] : memref<128x512xf32, #tpu.memory_space<vmem>>, vector<128x512xf32>
    tpu.vector_store %arg17[%swap3A, %swap3A_781], %div3A_754 {strides = array<i32>} : memref<128x512xf32, #tpu.memory_space<vmem>>, vector<128x512xf32>,
    %swap3A_783 = arith.constant 0 : index
    %swap3A_784 = arith.constant 0 : index
    %swap3A_785 = vector.load %arg18[%swap3A_783, %swap3A_784] : memref<128x512xf32, #tpu.memory_space<vmem>>, vector<128x512xf32>
    tpu.vector_store %arg18[%swap3A_783, %swap3A_784], %div3A_780 {strides = array<i32>} : memref<128x512xf32, #tpu.memory_space<vmem>>, vector<128x512xf32>,
    %eq3A_786 = arith.constant 5 : i32
    %eq3A_787 = arith.cmpi eq, %arg0, %eq3A_786 : i32
    %convert_element_type3A_788 = arith.extui %eq3A_787 : i1 to i32
    %cond3A_789 = arith.constant 0 : i32
    %cond3A_790 = arith.cmpi ne, %convert_element_type3A_788, %cond3A_789 : i32
    scf.if %cond3A_790 {
      %concatenate3A_791 = tpu.concatenate %div3A_754, %div3A_780 in 1 : vector<128x512xf32>, vector<128x512xf32> -> vector<128x1024xf32>
      %get3A_792 = arith.constant 0 : index
      %get3A_793 = arith.constant 0 : index
      %get3A_794 = vector.load %arg12[%get3A_792, %get3A_793] : memref<1024x768xbf16, #tpu.memory_space<vmem>>, vector<1024x768xbf16>
      %convert_element_type3A_795 = arith.truncf %concatenate3A_791 : vector<128x1024xf32> to vector<128x1024xbf16>
      %dot_general3A_796 = arith.constant dense<0.000000e+00> : vector<128x768xf32>
      %dot_general3A_797 = tpu.matmul %convert_element_type3A_795, %get3A_794, %dot_general3A_796 {dimension_numbers = #tpu.dot_dimension_numbers<[1], [0], [0], [1], [0, 0, 1, 1], [], []>, transpose_lhs_hint = false} : vector<128x1024xbf16>, vector<1024x768xbf16>, vector<128x768xf32> -> vector<128x768xf32>
      %get3A_798 = arith.constant 0 : index
      %get3A_799 = arith.constant 0 : index
      %get3A_800 = vector.load %arg13[%get3A_798, %get3A_799] : memref<768x768xbf16, #tpu.memory_space<vmem>>, vector<768x768xbf16>
      %convert_element_type3A_801 = arith.truncf %dot_general3A_797 : vector<128x768xf32> to vector<128x768xbf16>
      %dot_general3A_802 = arith.constant dense<0.000000e+00> : vector<128x768xf32>
      %dot_general3A_803 = tpu.matmul %convert_element_type3A_801, %get3A_800, %dot_general3A_802 {dimension_numbers = #tpu.dot_dimension_numbers<[1], [0], [0], [1], [0, 0, 1, 1], [], []>, transpose_lhs_hint = false} : vector<128x768xbf16>, vector<768x768xbf16>, vector<128x768xf32> -> vector<128x768xf32>
      %swap3A_804 = arith.constant 0 : index
      %swap3A_805 = arith.constant 0 : index
      %swap3A_806 = vector.load %arg15[%swap3A_804, %swap3A_805] : memref<128x768xf32, #tpu.memory_space<vmem>>, vector<128x768xf32>
      tpu.vector_store %arg15[%swap3A_804, %swap3A_805], %dot_general3A_803 {strides = array<i32>} : memref<128x768xf32, #tpu.memory_space<vmem>>, vector<128x768xf32>,
      %get3A_807 = arith.constant 0 : index
      %get3A_808 = arith.constant 0 : index
      %get3A_809 = vector.load %arg14[%get3A_807, %get3A_808] : memref<768x768xbf16, #tpu.memory_space<vmem>>, vector<768x768xbf16>
      %convert_element_type3A_810 = arith.truncf %dot_general3A_797 : vector<128x768xf32> to vector<128x768xbf16>
      %dot_general3A_811 = arith.constant dense<0.000000e+00> : vector<128x768xf32>
      %dot_general3A_812 = tpu.matmul %convert_element_type3A_810, %get3A_809, %dot_general3A_811 {dimension_numbers = #tpu.dot_dimension_numbers<[1], [0], [0], [1], [0, 0, 1, 1], [], []>, transpose_lhs_hint = false} : vector<128x768xbf16>, vector<768x768xbf16>, vector<128x768xf32> -> vector<128x768xf32>
      %swap3A_813 = arith.constant 0 : index
      %swap3A_814 = arith.constant 0 : index
      %swap3A_815 = vector.load %arg16[%swap3A_813, %swap3A_814] : memref<128x768xf32, #tpu.memory_space<vmem>>, vector<128x768xf32>
      tpu.vector_store %arg16[%swap3A_813, %swap3A_814], %dot_general3A_812 {strides = array<i32>} : memref<128x768xf32, #tpu.memory_space<vmem>>, vector<128x768xf32>,
    } else {
    }
    return
  }
  func.func @transform_0(%arg0: i32) -> (i32, i32) {
    %c0_i32 = arith.constant 0 : i32
    %c0_i32_0 = arith.constant 0 : i32
    %c0_i32_1 = arith.constant 0 : i32
    return %c0_i32, %c0_i32_0 : i32, i32
  }
  func.func @transform_1(%arg0: i32) -> (i32, i32) {
    %c0_i32 = arith.constant 0 : i32
    %c0_i32_0 = arith.constant 0 : i32
    %c0_i32_1 = arith.constant 0 : i32
    return %c0_i32, %c0_i32_0 : i32, i32
  }
  func.func @transform_2(%arg0: i32) -> (i32, i32) {
    %c0_i32 = arith.constant 0 : i32
    %c0_i32_0 = arith.constant 0 : i32
    %c0_i32_1 = arith.constant 0 : i32
    return %c0_i32, %c0_i32_0 : i32, i32
  }
  func.func @transform_3(%arg0: i32) -> (i32, i32, i32) {
    %c0_i32 = arith.constant 0 : i32
    %c0_i32_0 = arith.constant 0 : i32
    %c0_i32_1 = arith.constant 0 : i32
    return %arg0, %c0_i32, %c0_i32_0 : i32, i32, i32
  }
  func.func @transform_4(%arg0: i32) -> (i32, i32, i32) {
    %c0_i32 = arith.constant 0 : i32
    %c0_i32_0 = arith.constant 0 : i32
    %c0_i32_1 = arith.constant 0 : i32
    return %arg0, %c0_i32, %c0_i32_0 : i32, i32, i32
  }
  func.func @transform_5(%arg0: i32) -> (i32, i32, i32) {
    %c0_i32 = arith.constant 0 : i32
    %c0_i32_0 = arith.constant 0 : i32
    %c0_i32_1 = arith.constant 0 : i32
    return %arg0, %c0_i32, %c0_i32_0 : i32, i32, i32
  }
  func.func @transform_6(%arg0: i32) -> (i32, i32, i32) {
    %c0_i32 = arith.constant 0 : i32
    %c0_i32_0 = arith.constant 0 : i32
    %c0_i32_1 = arith.constant 0 : i32
    return %arg0, %c0_i32, %c0_i32_0 : i32, i32, i32
  }
  func.func @transform_7(%arg0: i32) -> (i32, i32, i32) {
    %c0_i32 = arith.constant 0 : i32
    %c0_i32_0 = arith.constant 0 : i32
    %c0_i32_1 = arith.constant 0 : i32
    return %arg0, %c0_i32, %c0_i32_0 : i32, i32, i32
  }
  func.func @transform_8(%arg0: i32) -> (i32, i32, i32) {
    %c0_i32 = arith.constant 0 : i32
    %c0_i32_0 = arith.constant 0 : i32
    %c0_i32_1 = arith.constant 0 : i32
    return %arg0, %c0_i32, %c0_i32_0 : i32, i32, i32
  }
  func.func @transform_9(%arg0: i32) -> (i32, i32, i32) {
    %c0_i32 = arith.constant 0 : i32
    %c0_i32_0 = arith.constant 0 : i32
    %c0_i32_1 = arith.constant 0 : i32
    return %arg0, %c0_i32, %c0_i32_0 : i32, i32, i32
  }
  func.func @transform_10(%arg0: i32) -> (i32, i32, i32) {
    %c0_i32 = arith.constant 0 : i32
    %c0_i32_0 = arith.constant 0 : i32
    %c0_i32_1 = arith.constant 0 : i32
    return %arg0, %c0_i32, %c0_i32_0 : i32, i32, i32
  }
  func.func @transform_11(%arg0: i32) -> (i32, i32) {
    %c0_i32 = arith.constant 0 : i32
    %c0_i32_0 = arith.constant 0 : i32
    %c0_i32_1 = arith.constant 0 : i32
    return %c0_i32, %c0_i32_0 : i32, i32
  }
  func.func @transform_12(%arg0: i32) -> (i32, i32) {
    %c0_i32 = arith.constant 0 : i32
    %c0_i32_0 = arith.constant 0 : i32
    %c0_i32_1 = arith.constant 0 : i32
    return %c0_i32, %c0_i32_0 : i32, i32
  }
  func.func @transform_13(%arg0: i32) -> (i32, i32) {
    %c0_i32 = arith.constant 0 : i32
    %c0_i32_0 = arith.constant 0 : i32
    %c0_i32_1 = arith.constant 0 : i32
    return %c0_i32, %c0_i32_0 : i32, i32
  }
  func.func @transform_14(%arg0: i32) -> (i32, i32) {
    %c0_i32 = arith.constant 0 : i32
    %c0_i32_0 = arith.constant 0 : i32
    %c0_i32_1 = arith.constant 0 : i32
    return %c0_i32, %c0_i32_0 : i32, i32
  }
  func.func @transform_15(%arg0: i32) -> (i32, i32) {
    %c0_i32 = arith.constant 0 : i32
    %c0_i32_0 = arith.constant 0 : i32
    %c0_i32_1 = arith.constant 0 : i32
    return %c0_i32, %c0_i32_0 : i32, i32
  }
}

module attributes {stable_mosaic.version = 14 : i64} {
  func.func @_dec_kernel(%arg0: i32, %arg1: i32, %arg2: memref<1024x768xbf16, #tpu.memory_space<vmem>>, %arg3: memref<1x16x768xf32, #tpu.memory_space<vmem>>, %arg4: memref<1x16x768xf32, #tpu.memory_space<vmem>>, %arg5: memref<768x768xbf16, #tpu.memory_space<vmem>>, %arg6: memref<768x768xbf16, #tpu.memory_space<vmem>>, %arg7: memref<768x2048xbf16, #tpu.memory_space<vmem>>, %arg8: memref<2048x768xbf16, #tpu.memory_space<vmem>>, %arg9: memref<768x256xbf16, #tpu.memory_space<vmem>>, %arg10: memref<1x1024x256xf32, #tpu.memory_space<vmem>>) attributes {dimension_semantics = [#tpu.dimension_semantics<arbitrary>, #tpu.dimension_semantics<arbitrary>], iteration_bounds = array<i64: 8, 2>, scalar_prefetch = 0 : i64, scratch_operands = 0 : i64, tpu.core_type = #tpu.core_type<tc>, window_params = [{transform_indices = @transform_0, window_bounds = array<i64: 1024, 768>}, {transform_indices = @transform_1, window_bounds = array<i64: 1, 16, 768>}, {transform_indices = @transform_2, window_bounds = array<i64: 1, 16, 768>}, {pipeline_mode = #tpu.pipeline_mode<synchronous>, transform_indices = @transform_3, window_bounds = array<i64: 768, 768>}, {pipeline_mode = #tpu.pipeline_mode<synchronous>, transform_indices = @transform_4, window_bounds = array<i64: 768, 768>}, {pipeline_mode = #tpu.pipeline_mode<synchronous>, transform_indices = @transform_5, window_bounds = array<i64: 768, 2048>}, {pipeline_mode = #tpu.pipeline_mode<synchronous>, transform_indices = @transform_6, window_bounds = array<i64: 2048, 768>}, {pipeline_mode = #tpu.pipeline_mode<synchronous>, transform_indices = @transform_7, window_bounds = array<i64: 768, 256>}, {transform_indices = @transform_8, window_bounds = array<i64: 1, 1024, 256>}]} {
    %get3A = arith.constant 0 : index
    %get3A_0 = arith.constant 0 : index
    %get3A_1 = vector.load %arg2[%get3A, %get3A_0] : memref<1024x768xbf16, #tpu.memory_space<vmem>>, vector<1024x768xbf16>
    %convert_element_type3A = arith.extf %get3A_1 : vector<1024x768xbf16> to vector<1024x768xf32>
    %reduce_sum3A = arith.constant dense<0.000000e+00> : vector<1024xf32>
    %reduce_sum3A_2 = vector.multi_reduction <add>, %convert_element_type3A, %reduce_sum3A [1] : vector<1024x768xf32> to vector<1024xf32>
    %broadcast_in_dim3A = vector.shape_cast %reduce_sum3A_2 : vector<1024xf32> to vector<1024x1xf32>
    %div3A = arith.constant 7.680000e+02 : f32
    %div3A_3 = vector.broadcast %div3A : f32 to vector<1024x1xf32>
    %div3A_4 = arith.divf %broadcast_in_dim3A, %div3A_3 : vector<1024x1xf32>
    %sub3A = vector.broadcast %div3A_4 : vector<1024x1xf32> to vector<1024x768xf32>
    %sub3A_5 = arith.subf %convert_element_type3A, %sub3A : vector<1024x768xf32>
    %sub3A_6 = vector.broadcast %div3A_4 : vector<1024x1xf32> to vector<1024x768xf32>
    %sub3A_7 = arith.subf %convert_element_type3A, %sub3A_6 : vector<1024x768xf32>
    %mul3A = arith.mulf %sub3A_5, %sub3A_7 : vector<1024x768xf32>
    %reduce_sum3A_8 = arith.constant dense<0.000000e+00> : vector<1024xf32>
    %reduce_sum3A_9 = vector.multi_reduction <add>, %mul3A, %reduce_sum3A_8 [1] : vector<1024x768xf32> to vector<1024xf32>
    %broadcast_in_dim3A_10 = vector.shape_cast %reduce_sum3A_9 : vector<1024xf32> to vector<1024x1xf32>
    %div3A_11 = arith.constant 7.680000e+02 : f32
    %div3A_12 = vector.broadcast %div3A_11 : f32 to vector<1024x1xf32>
    %div3A_13 = arith.divf %broadcast_in_dim3A_10, %div3A_12 : vector<1024x1xf32>
    %sub3A_14 = vector.broadcast %div3A_4 : vector<1024x1xf32> to vector<1024x768xf32>
    %sub3A_15 = arith.subf %convert_element_type3A, %sub3A_14 : vector<1024x768xf32>
    %add3A = arith.constant 9.99999974E-6 : f32
    %add3A_16 = vector.broadcast %add3A : f32 to vector<1024x1xf32>
    %add3A_17 = arith.addf %div3A_13, %add3A_16 : vector<1024x1xf32>
    %sqrt3A = math.sqrt %add3A_17 : vector<1024x1xf32>
    %div3A_18 = vector.broadcast %sqrt3A : vector<1024x1xf32> to vector<1024x768xf32>
    %div3A_19 = arith.divf %sub3A_15, %div3A_18 : vector<1024x768xf32>
    %get3A_20 = arith.constant 0 : index
    %get3A_21 = arith.constant 0 : index
    %get3A_22 = vector.load %arg5[%get3A_20, %get3A_21] : memref<768x768xbf16, #tpu.memory_space<vmem>>, vector<768x768xbf16>
    %convert_element_type3A_23 = arith.truncf %div3A_19 : vector<1024x768xf32> to vector<1024x768xbf16>
    %dot_general3A = arith.constant dense<0.000000e+00> : vector<1024x768xf32>
    %dot_general3A_24 = tpu.matmul %convert_element_type3A_23, %get3A_22, %dot_general3A {dimension_numbers = #tpu.dot_dimension_numbers<[1], [0], [0], [1], [0, 0, 1, 1], [], []>, transpose_lhs_hint = false} : vector<1024x768xbf16>, vector<768x768xbf16>, vector<1024x768xf32> -> vector<1024x768xf32>
    %get3A_25 = arith.constant 0 : index
    %get3A_26 = arith.constant 0 : index
    %get3A_27 = arith.constant 0 : index
    %get3A_28 = vector.load %arg3[%get3A_25, %get3A_26, %get3A_27] : memref<1x16x768xf32, #tpu.memory_space<vmem>>, vector<1x16x768xf32>
    %get3A_29 = vector.shape_cast %get3A_28 : vector<1x16x768xf32> to vector<16x768xf32>
    %get3A_30 = arith.constant 0 : index
    %get3A_31 = arith.constant 0 : index
    %get3A_32 = arith.constant 0 : index
    %get3A_33 = vector.load %arg4[%get3A_30, %get3A_31, %get3A_32] : memref<1x16x768xf32, #tpu.memory_space<vmem>>, vector<1x16x768xf32>
    %get3A_34 = vector.shape_cast %get3A_33 : vector<1x16x768xf32> to vector<16x768xf32>
    %convert_element_type3A_35 = arith.truncf %get3A_29 : vector<16x768xf32> to vector<16x768xbf16>
    %iota3A = tpu.iota {dimensions = array<i32: 1>} : vector<1x768xi32>
    %jit3A = arith.constant 96 : i32
    %div3A_36 = vector.broadcast %jit3A : i32 to vector<1x768xi32>
    %div3A_37 = arith.divsi %iota3A, %div3A_36 : vector<1x768xi32>
    %sign3A = arith.constant 0 : i32
    %sign3A_38 = vector.broadcast %sign3A : i32 to vector<1x768xi32>
    %sign3A_39 = arith.cmpi sgt, %iota3A, %sign3A_38 : vector<1x768xi32>
    %sign3A_40 = arith.extui %sign3A_39 : vector<1x768xi1> to vector<1x768xi32>
    %sign3A_41 = arith.constant 0 : i32
    %sign3A_42 = vector.broadcast %sign3A_41 : i32 to vector<1x768xi32>
    %sign3A_43 = arith.cmpi slt, %iota3A, %sign3A_42 : vector<1x768xi32>
    %sign3A_44 = arith.extui %sign3A_43 : vector<1x768xi1> to vector<1x768xi32>
    %sign3A_45 = arith.subi %sign3A_40, %sign3A_44 : vector<1x768xi32>
    %sign3A_46 = arith.constant 0 : i32
    %sign3A_47 = arith.cmpi sgt, %jit3A, %sign3A_46 : i32
    %sign3A_48 = arith.extui %sign3A_47 : i1 to i32
    %sign3A_49 = arith.constant 0 : i32
    %sign3A_50 = arith.cmpi slt, %jit3A, %sign3A_49 : i32
    %sign3A_51 = arith.extui %sign3A_50 : i1 to i32
    %sign3A_52 = arith.subi %sign3A_48, %sign3A_51 : i32
    %ne3A = vector.broadcast %sign3A_52 : i32 to vector<1x768xi32>
    %ne3A_53 = arith.cmpi ne, %sign3A_45, %ne3A : vector<1x768xi32>
    %rem3A = vector.broadcast %jit3A : i32 to vector<1x768xi32>
    %rem3A_54 = arith.remsi %iota3A, %rem3A : vector<1x768xi32>
    %ne3A_55 = arith.constant 0 : i32
    %ne3A_56 = vector.broadcast %ne3A_55 : i32 to vector<1x768xi32>
    %ne3A_57 = arith.cmpi ne, %rem3A_54, %ne3A_56 : vector<1x768xi32>
    %and3A = arith.andi %ne3A_53, %ne3A_57 : vector<1x768xi1>
    %sub3A_58 = arith.constant 1 : i32
    %sub3A_59 = vector.broadcast %sub3A_58 : i32 to vector<1x768xi32>
    %sub3A_60 = arith.subi %div3A_37, %sub3A_59 : vector<1x768xi32>
    %select_n3A = arith.select %and3A, %sub3A_60, %div3A_37 : vector<1x768xi1>, vector<1x768xi32>
    %eq3A = arith.constant 0 : i32
    %eq3A_61 = vector.broadcast %eq3A : i32 to vector<1x768xi32>
    %eq3A_62 = arith.cmpi eq, %select_n3A, %eq3A_61 : vector<1x768xi32>
    %convert_element_type3A_63 = arith.extui %eq3A_62 : vector<1x768xi1> to vector<1x768xi32>
    %convert_element_type3A_64 = arith.sitofp %convert_element_type3A_63 : vector<1x768xi32> to vector<1x768xf32>
    %mul3A_65 = vector.broadcast %convert_element_type3A_64 : vector<1x768xf32> to vector<1024x768xf32>
    %mul3A_66 = arith.mulf %dot_general3A_24, %mul3A_65 : vector<1024x768xf32>
    %convert_element_type3A_67 = arith.truncf %mul3A_66 : vector<1024x768xf32> to vector<1024x768xbf16>
    %dot_general3A_68 = arith.constant dense<0.000000e+00> : vector<1024x16xf32>
    %dot_general3A_69 = tpu.matmul %convert_element_type3A_67, %convert_element_type3A_35, %dot_general3A_68 {dimension_numbers = #tpu.dot_dimension_numbers<[1], [1], [0], [0], [0, 0, 1, 0], [], []>, transpose_lhs_hint = false} : vector<1024x768xbf16>, vector<16x768xbf16>, vector<1024x16xf32> -> vector<1024x16xf32>
    %mul3A_70 = arith.constant 0.102062076 : f32
    %mul3A_71 = vector.broadcast %mul3A_70 : f32 to vector<1024x16xf32>
    %mul3A_72 = arith.mulf %dot_general3A_69, %mul3A_71 : vector<1024x16xf32>
    %mul3A_73 = vector.broadcast %convert_element_type3A_64 : vector<1x768xf32> to vector<16x768xf32>
    %mul3A_74 = arith.mulf %get3A_34, %mul3A_73 : vector<16x768xf32>
    %convert_element_type3A_75 = arith.truncf %mul3A_74 : vector<16x768xf32> to vector<16x768xbf16>
    %iota3A_76 = tpu.iota {dimensions = array<i32: 1>} : vector<1x768xi32>
    %jit3A_77 = arith.constant 96 : i32
    %div3A_78 = vector.broadcast %jit3A_77 : i32 to vector<1x768xi32>
    %div3A_79 = arith.divsi %iota3A_76, %div3A_78 : vector<1x768xi32>
    %sign3A_80 = arith.constant 0 : i32
    %sign3A_81 = vector.broadcast %sign3A_80 : i32 to vector<1x768xi32>
    %sign3A_82 = arith.cmpi sgt, %iota3A_76, %sign3A_81 : vector<1x768xi32>
    %sign3A_83 = arith.extui %sign3A_82 : vector<1x768xi1> to vector<1x768xi32>
    %sign3A_84 = arith.constant 0 : i32
    %sign3A_85 = vector.broadcast %sign3A_84 : i32 to vector<1x768xi32>
    %sign3A_86 = arith.cmpi slt, %iota3A_76, %sign3A_85 : vector<1x768xi32>
    %sign3A_87 = arith.extui %sign3A_86 : vector<1x768xi1> to vector<1x768xi32>
    %sign3A_88 = arith.subi %sign3A_83, %sign3A_87 : vector<1x768xi32>
    %sign3A_89 = arith.constant 0 : i32
    %sign3A_90 = arith.cmpi sgt, %jit3A_77, %sign3A_89 : i32
    %sign3A_91 = arith.extui %sign3A_90 : i1 to i32
    %sign3A_92 = arith.constant 0 : i32
    %sign3A_93 = arith.cmpi slt, %jit3A_77, %sign3A_92 : i32
    %sign3A_94 = arith.extui %sign3A_93 : i1 to i32
    %sign3A_95 = arith.subi %sign3A_91, %sign3A_94 : i32
    %ne3A_96 = vector.broadcast %sign3A_95 : i32 to vector<1x768xi32>
    %ne3A_97 = arith.cmpi ne, %sign3A_88, %ne3A_96 : vector<1x768xi32>
    %rem3A_98 = vector.broadcast %jit3A_77 : i32 to vector<1x768xi32>
    %rem3A_99 = arith.remsi %iota3A_76, %rem3A_98 : vector<1x768xi32>
    %ne3A_100 = arith.constant 0 : i32
    %ne3A_101 = vector.broadcast %ne3A_100 : i32 to vector<1x768xi32>
    %ne3A_102 = arith.cmpi ne, %rem3A_99, %ne3A_101 : vector<1x768xi32>
    %and3A_103 = arith.andi %ne3A_97, %ne3A_102 : vector<1x768xi1>
    %sub3A_104 = arith.constant 1 : i32
    %sub3A_105 = vector.broadcast %sub3A_104 : i32 to vector<1x768xi32>
    %sub3A_106 = arith.subi %div3A_79, %sub3A_105 : vector<1x768xi32>
    %select_n3A_107 = arith.select %and3A_103, %sub3A_106, %div3A_79 : vector<1x768xi1>, vector<1x768xi32>
    %eq3A_108 = arith.constant 1 : i32
    %eq3A_109 = vector.broadcast %eq3A_108 : i32 to vector<1x768xi32>
    %eq3A_110 = arith.cmpi eq, %select_n3A_107, %eq3A_109 : vector<1x768xi32>
    %convert_element_type3A_111 = arith.extui %eq3A_110 : vector<1x768xi1> to vector<1x768xi32>
    %convert_element_type3A_112 = arith.sitofp %convert_element_type3A_111 : vector<1x768xi32> to vector<1x768xf32>
    %mul3A_113 = vector.broadcast %convert_element_type3A_112 : vector<1x768xf32> to vector<1024x768xf32>
    %mul3A_114 = arith.mulf %dot_general3A_24, %mul3A_113 : vector<1024x768xf32>
    %convert_element_type3A_115 = arith.truncf %mul3A_114 : vector<1024x768xf32> to vector<1024x768xbf16>
    %dot_general3A_116 = arith.constant dense<0.000000e+00> : vector<1024x16xf32>
    %dot_general3A_117 = tpu.matmul %convert_element_type3A_115, %convert_element_type3A_35, %dot_general3A_116 {dimension_numbers = #tpu.dot_dimension_numbers<[1], [1], [0], [0], [0, 0, 1, 0], [], []>, transpose_lhs_hint = false} : vector<1024x768xbf16>, vector<16x768xbf16>, vector<1024x16xf32> -> vector<1024x16xf32>
    %mul3A_118 = arith.constant 0.102062076 : f32
    %mul3A_119 = vector.broadcast %mul3A_118 : f32 to vector<1024x16xf32>
    %mul3A_120 = arith.mulf %dot_general3A_117, %mul3A_119 : vector<1024x16xf32>
    %mul3A_121 = vector.broadcast %convert_element_type3A_112 : vector<1x768xf32> to vector<16x768xf32>
    %mul3A_122 = arith.mulf %get3A_34, %mul3A_121 : vector<16x768xf32>
    %convert_element_type3A_123 = arith.truncf %mul3A_122 : vector<16x768xf32> to vector<16x768xbf16>
    %iota3A_124 = tpu.iota {dimensions = array<i32: 1>} : vector<1x768xi32>
    %jit3A_125 = arith.constant 96 : i32
    %div3A_126 = vector.broadcast %jit3A_125 : i32 to vector<1x768xi32>
    %div3A_127 = arith.divsi %iota3A_124, %div3A_126 : vector<1x768xi32>
    %sign3A_128 = arith.constant 0 : i32
    %sign3A_129 = vector.broadcast %sign3A_128 : i32 to vector<1x768xi32>
    %sign3A_130 = arith.cmpi sgt, %iota3A_124, %sign3A_129 : vector<1x768xi32>
    %sign3A_131 = arith.extui %sign3A_130 : vector<1x768xi1> to vector<1x768xi32>
    %sign3A_132 = arith.constant 0 : i32
    %sign3A_133 = vector.broadcast %sign3A_132 : i32 to vector<1x768xi32>
    %sign3A_134 = arith.cmpi slt, %iota3A_124, %sign3A_133 : vector<1x768xi32>
    %sign3A_135 = arith.extui %sign3A_134 : vector<1x768xi1> to vector<1x768xi32>
    %sign3A_136 = arith.subi %sign3A_131, %sign3A_135 : vector<1x768xi32>
    %sign3A_137 = arith.constant 0 : i32
    %sign3A_138 = arith.cmpi sgt, %jit3A_125, %sign3A_137 : i32
    %sign3A_139 = arith.extui %sign3A_138 : i1 to i32
    %sign3A_140 = arith.constant 0 : i32
    %sign3A_141 = arith.cmpi slt, %jit3A_125, %sign3A_140 : i32
    %sign3A_142 = arith.extui %sign3A_141 : i1 to i32
    %sign3A_143 = arith.subi %sign3A_139, %sign3A_142 : i32
    %ne3A_144 = vector.broadcast %sign3A_143 : i32 to vector<1x768xi32>
    %ne3A_145 = arith.cmpi ne, %sign3A_136, %ne3A_144 : vector<1x768xi32>
    %rem3A_146 = vector.broadcast %jit3A_125 : i32 to vector<1x768xi32>
    %rem3A_147 = arith.remsi %iota3A_124, %rem3A_146 : vector<1x768xi32>
    %ne3A_148 = arith.constant 0 : i32
    %ne3A_149 = vector.broadcast %ne3A_148 : i32 to vector<1x768xi32>
    %ne3A_150 = arith.cmpi ne, %rem3A_147, %ne3A_149 : vector<1x768xi32>
    %and3A_151 = arith.andi %ne3A_145, %ne3A_150 : vector<1x768xi1>
    %sub3A_152 = arith.constant 1 : i32
    %sub3A_153 = vector.broadcast %sub3A_152 : i32 to vector<1x768xi32>
    %sub3A_154 = arith.subi %div3A_127, %sub3A_153 : vector<1x768xi32>
    %select_n3A_155 = arith.select %and3A_151, %sub3A_154, %div3A_127 : vector<1x768xi1>, vector<1x768xi32>
    %eq3A_156 = arith.constant 2 : i32
    %eq3A_157 = vector.broadcast %eq3A_156 : i32 to vector<1x768xi32>
    %eq3A_158 = arith.cmpi eq, %select_n3A_155, %eq3A_157 : vector<1x768xi32>
    %convert_element_type3A_159 = arith.extui %eq3A_158 : vector<1x768xi1> to vector<1x768xi32>
    %convert_element_type3A_160 = arith.sitofp %convert_element_type3A_159 : vector<1x768xi32> to vector<1x768xf32>
    %mul3A_161 = vector.broadcast %convert_element_type3A_160 : vector<1x768xf32> to vector<1024x768xf32>
    %mul3A_162 = arith.mulf %dot_general3A_24, %mul3A_161 : vector<1024x768xf32>
    %convert_element_type3A_163 = arith.truncf %mul3A_162 : vector<1024x768xf32> to vector<1024x768xbf16>
    %dot_general3A_164 = arith.constant dense<0.000000e+00> : vector<1024x16xf32>
    %dot_general3A_165 = tpu.matmul %convert_element_type3A_163, %convert_element_type3A_35, %dot_general3A_164 {dimension_numbers = #tpu.dot_dimension_numbers<[1], [1], [0], [0], [0, 0, 1, 0], [], []>, transpose_lhs_hint = false} : vector<1024x768xbf16>, vector<16x768xbf16>, vector<1024x16xf32> -> vector<1024x16xf32>
    %mul3A_166 = arith.constant 0.102062076 : f32
    %mul3A_167 = vector.broadcast %mul3A_166 : f32 to vector<1024x16xf32>
    %mul3A_168 = arith.mulf %dot_general3A_165, %mul3A_167 : vector<1024x16xf32>
    %mul3A_169 = vector.broadcast %convert_element_type3A_160 : vector<1x768xf32> to vector<16x768xf32>
    %mul3A_170 = arith.mulf %get3A_34, %mul3A_169 : vector<16x768xf32>
    %convert_element_type3A_171 = arith.truncf %mul3A_170 : vector<16x768xf32> to vector<16x768xbf16>
    %iota3A_172 = tpu.iota {dimensions = array<i32: 1>} : vector<1x768xi32>
    %jit3A_173 = arith.constant 96 : i32
    %div3A_174 = vector.broadcast %jit3A_173 : i32 to vector<1x768xi32>
    %div3A_175 = arith.divsi %iota3A_172, %div3A_174 : vector<1x768xi32>
    %sign3A_176 = arith.constant 0 : i32
    %sign3A_177 = vector.broadcast %sign3A_176 : i32 to vector<1x768xi32>
    %sign3A_178 = arith.cmpi sgt, %iota3A_172, %sign3A_177 : vector<1x768xi32>
    %sign3A_179 = arith.extui %sign3A_178 : vector<1x768xi1> to vector<1x768xi32>
    %sign3A_180 = arith.constant 0 : i32
    %sign3A_181 = vector.broadcast %sign3A_180 : i32 to vector<1x768xi32>
    %sign3A_182 = arith.cmpi slt, %iota3A_172, %sign3A_181 : vector<1x768xi32>
    %sign3A_183 = arith.extui %sign3A_182 : vector<1x768xi1> to vector<1x768xi32>
    %sign3A_184 = arith.subi %sign3A_179, %sign3A_183 : vector<1x768xi32>
    %sign3A_185 = arith.constant 0 : i32
    %sign3A_186 = arith.cmpi sgt, %jit3A_173, %sign3A_185 : i32
    %sign3A_187 = arith.extui %sign3A_186 : i1 to i32
    %sign3A_188 = arith.constant 0 : i32
    %sign3A_189 = arith.cmpi slt, %jit3A_173, %sign3A_188 : i32
    %sign3A_190 = arith.extui %sign3A_189 : i1 to i32
    %sign3A_191 = arith.subi %sign3A_187, %sign3A_190 : i32
    %ne3A_192 = vector.broadcast %sign3A_191 : i32 to vector<1x768xi32>
    %ne3A_193 = arith.cmpi ne, %sign3A_184, %ne3A_192 : vector<1x768xi32>
    %rem3A_194 = vector.broadcast %jit3A_173 : i32 to vector<1x768xi32>
    %rem3A_195 = arith.remsi %iota3A_172, %rem3A_194 : vector<1x768xi32>
    %ne3A_196 = arith.constant 0 : i32
    %ne3A_197 = vector.broadcast %ne3A_196 : i32 to vector<1x768xi32>
    %ne3A_198 = arith.cmpi ne, %rem3A_195, %ne3A_197 : vector<1x768xi32>
    %and3A_199 = arith.andi %ne3A_193, %ne3A_198 : vector<1x768xi1>
    %sub3A_200 = arith.constant 1 : i32
    %sub3A_201 = vector.broadcast %sub3A_200 : i32 to vector<1x768xi32>
    %sub3A_202 = arith.subi %div3A_175, %sub3A_201 : vector<1x768xi32>
    %select_n3A_203 = arith.select %and3A_199, %sub3A_202, %div3A_175 : vector<1x768xi1>, vector<1x768xi32>
    %eq3A_204 = arith.constant 3 : i32
    %eq3A_205 = vector.broadcast %eq3A_204 : i32 to vector<1x768xi32>
    %eq3A_206 = arith.cmpi eq, %select_n3A_203, %eq3A_205 : vector<1x768xi32>
    %convert_element_type3A_207 = arith.extui %eq3A_206 : vector<1x768xi1> to vector<1x768xi32>
    %convert_element_type3A_208 = arith.sitofp %convert_element_type3A_207 : vector<1x768xi32> to vector<1x768xf32>
    %mul3A_209 = vector.broadcast %convert_element_type3A_208 : vector<1x768xf32> to vector<1024x768xf32>
    %mul3A_210 = arith.mulf %dot_general3A_24, %mul3A_209 : vector<1024x768xf32>
    %convert_element_type3A_211 = arith.truncf %mul3A_210 : vector<1024x768xf32> to vector<1024x768xbf16>
    %dot_general3A_212 = arith.constant dense<0.000000e+00> : vector<1024x16xf32>
    %dot_general3A_213 = tpu.matmul %convert_element_type3A_211, %convert_element_type3A_35, %dot_general3A_212 {dimension_numbers = #tpu.dot_dimension_numbers<[1], [1], [0], [0], [0, 0, 1, 0], [], []>, transpose_lhs_hint = false} : vector<1024x768xbf16>, vector<16x768xbf16>, vector<1024x16xf32> -> vector<1024x16xf32>
    %mul3A_214 = arith.constant 0.102062076 : f32
    %mul3A_215 = vector.broadcast %mul3A_214 : f32 to vector<1024x16xf32>
    %mul3A_216 = arith.mulf %dot_general3A_213, %mul3A_215 : vector<1024x16xf32>
    %mul3A_217 = vector.broadcast %convert_element_type3A_208 : vector<1x768xf32> to vector<16x768xf32>
    %mul3A_218 = arith.mulf %get3A_34, %mul3A_217 : vector<16x768xf32>
    %convert_element_type3A_219 = arith.truncf %mul3A_218 : vector<16x768xf32> to vector<16x768xbf16>
    %iota3A_220 = tpu.iota {dimensions = array<i32: 1>} : vector<1x768xi32>
    %jit3A_221 = arith.constant 96 : i32
    %div3A_222 = vector.broadcast %jit3A_221 : i32 to vector<1x768xi32>
    %div3A_223 = arith.divsi %iota3A_220, %div3A_222 : vector<1x768xi32>
    %sign3A_224 = arith.constant 0 : i32
    %sign3A_225 = vector.broadcast %sign3A_224 : i32 to vector<1x768xi32>
    %sign3A_226 = arith.cmpi sgt, %iota3A_220, %sign3A_225 : vector<1x768xi32>
    %sign3A_227 = arith.extui %sign3A_226 : vector<1x768xi1> to vector<1x768xi32>
    %sign3A_228 = arith.constant 0 : i32
    %sign3A_229 = vector.broadcast %sign3A_228 : i32 to vector<1x768xi32>
    %sign3A_230 = arith.cmpi slt, %iota3A_220, %sign3A_229 : vector<1x768xi32>
    %sign3A_231 = arith.extui %sign3A_230 : vector<1x768xi1> to vector<1x768xi32>
    %sign3A_232 = arith.subi %sign3A_227, %sign3A_231 : vector<1x768xi32>
    %sign3A_233 = arith.constant 0 : i32
    %sign3A_234 = arith.cmpi sgt, %jit3A_221, %sign3A_233 : i32
    %sign3A_235 = arith.extui %sign3A_234 : i1 to i32
    %sign3A_236 = arith.constant 0 : i32
    %sign3A_237 = arith.cmpi slt, %jit3A_221, %sign3A_236 : i32
    %sign3A_238 = arith.extui %sign3A_237 : i1 to i32
    %sign3A_239 = arith.subi %sign3A_235, %sign3A_238 : i32
    %ne3A_240 = vector.broadcast %sign3A_239 : i32 to vector<1x768xi32>
    %ne3A_241 = arith.cmpi ne, %sign3A_232, %ne3A_240 : vector<1x768xi32>
    %rem3A_242 = vector.broadcast %jit3A_221 : i32 to vector<1x768xi32>
    %rem3A_243 = arith.remsi %iota3A_220, %rem3A_242 : vector<1x768xi32>
    %ne3A_244 = arith.constant 0 : i32
    %ne3A_245 = vector.broadcast %ne3A_244 : i32 to vector<1x768xi32>
    %ne3A_246 = arith.cmpi ne, %rem3A_243, %ne3A_245 : vector<1x768xi32>
    %and3A_247 = arith.andi %ne3A_241, %ne3A_246 : vector<1x768xi1>
    %sub3A_248 = arith.constant 1 : i32
    %sub3A_249 = vector.broadcast %sub3A_248 : i32 to vector<1x768xi32>
    %sub3A_250 = arith.subi %div3A_223, %sub3A_249 : vector<1x768xi32>
    %select_n3A_251 = arith.select %and3A_247, %sub3A_250, %div3A_223 : vector<1x768xi1>, vector<1x768xi32>
    %eq3A_252 = arith.constant 4 : i32
    %eq3A_253 = vector.broadcast %eq3A_252 : i32 to vector<1x768xi32>
    %eq3A_254 = arith.cmpi eq, %select_n3A_251, %eq3A_253 : vector<1x768xi32>
    %convert_element_type3A_255 = arith.extui %eq3A_254 : vector<1x768xi1> to vector<1x768xi32>
    %convert_element_type3A_256 = arith.sitofp %convert_element_type3A_255 : vector<1x768xi32> to vector<1x768xf32>
    %mul3A_257 = vector.broadcast %convert_element_type3A_256 : vector<1x768xf32> to vector<1024x768xf32>
    %mul3A_258 = arith.mulf %dot_general3A_24, %mul3A_257 : vector<1024x768xf32>
    %convert_element_type3A_259 = arith.truncf %mul3A_258 : vector<1024x768xf32> to vector<1024x768xbf16>
    %dot_general3A_260 = arith.constant dense<0.000000e+00> : vector<1024x16xf32>
    %dot_general3A_261 = tpu.matmul %convert_element_type3A_259, %convert_element_type3A_35, %dot_general3A_260 {dimension_numbers = #tpu.dot_dimension_numbers<[1], [1], [0], [0], [0, 0, 1, 0], [], []>, transpose_lhs_hint = false} : vector<1024x768xbf16>, vector<16x768xbf16>, vector<1024x16xf32> -> vector<1024x16xf32>
    %mul3A_262 = arith.constant 0.102062076 : f32
    %mul3A_263 = vector.broadcast %mul3A_262 : f32 to vector<1024x16xf32>
    %mul3A_264 = arith.mulf %dot_general3A_261, %mul3A_263 : vector<1024x16xf32>
    %mul3A_265 = vector.broadcast %convert_element_type3A_256 : vector<1x768xf32> to vector<16x768xf32>
    %mul3A_266 = arith.mulf %get3A_34, %mul3A_265 : vector<16x768xf32>
    %convert_element_type3A_267 = arith.truncf %mul3A_266 : vector<16x768xf32> to vector<16x768xbf16>
    %iota3A_268 = tpu.iota {dimensions = array<i32: 1>} : vector<1x768xi32>
    %jit3A_269 = arith.constant 96 : i32
    %div3A_270 = vector.broadcast %jit3A_269 : i32 to vector<1x768xi32>
    %div3A_271 = arith.divsi %iota3A_268, %div3A_270 : vector<1x768xi32>
    %sign3A_272 = arith.constant 0 : i32
    %sign3A_273 = vector.broadcast %sign3A_272 : i32 to vector<1x768xi32>
    %sign3A_274 = arith.cmpi sgt, %iota3A_268, %sign3A_273 : vector<1x768xi32>
    %sign3A_275 = arith.extui %sign3A_274 : vector<1x768xi1> to vector<1x768xi32>
    %sign3A_276 = arith.constant 0 : i32
    %sign3A_277 = vector.broadcast %sign3A_276 : i32 to vector<1x768xi32>
    %sign3A_278 = arith.cmpi slt, %iota3A_268, %sign3A_277 : vector<1x768xi32>
    %sign3A_279 = arith.extui %sign3A_278 : vector<1x768xi1> to vector<1x768xi32>
    %sign3A_280 = arith.subi %sign3A_275, %sign3A_279 : vector<1x768xi32>
    %sign3A_281 = arith.constant 0 : i32
    %sign3A_282 = arith.cmpi sgt, %jit3A_269, %sign3A_281 : i32
    %sign3A_283 = arith.extui %sign3A_282 : i1 to i32
    %sign3A_284 = arith.constant 0 : i32
    %sign3A_285 = arith.cmpi slt, %jit3A_269, %sign3A_284 : i32
    %sign3A_286 = arith.extui %sign3A_285 : i1 to i32
    %sign3A_287 = arith.subi %sign3A_283, %sign3A_286 : i32
    %ne3A_288 = vector.broadcast %sign3A_287 : i32 to vector<1x768xi32>
    %ne3A_289 = arith.cmpi ne, %sign3A_280, %ne3A_288 : vector<1x768xi32>
    %rem3A_290 = vector.broadcast %jit3A_269 : i32 to vector<1x768xi32>
    %rem3A_291 = arith.remsi %iota3A_268, %rem3A_290 : vector<1x768xi32>
    %ne3A_292 = arith.constant 0 : i32
    %ne3A_293 = vector.broadcast %ne3A_292 : i32 to vector<1x768xi32>
    %ne3A_294 = arith.cmpi ne, %rem3A_291, %ne3A_293 : vector<1x768xi32>
    %and3A_295 = arith.andi %ne3A_289, %ne3A_294 : vector<1x768xi1>
    %sub3A_296 = arith.constant 1 : i32
    %sub3A_297 = vector.broadcast %sub3A_296 : i32 to vector<1x768xi32>
    %sub3A_298 = arith.subi %div3A_271, %sub3A_297 : vector<1x768xi32>
    %select_n3A_299 = arith.select %and3A_295, %sub3A_298, %div3A_271 : vector<1x768xi1>, vector<1x768xi32>
    %eq3A_300 = arith.constant 5 : i32
    %eq3A_301 = vector.broadcast %eq3A_300 : i32 to vector<1x768xi32>
    %eq3A_302 = arith.cmpi eq, %select_n3A_299, %eq3A_301 : vector<1x768xi32>
    %convert_element_type3A_303 = arith.extui %eq3A_302 : vector<1x768xi1> to vector<1x768xi32>
    %convert_element_type3A_304 = arith.sitofp %convert_element_type3A_303 : vector<1x768xi32> to vector<1x768xf32>
    %mul3A_305 = vector.broadcast %convert_element_type3A_304 : vector<1x768xf32> to vector<1024x768xf32>
    %mul3A_306 = arith.mulf %dot_general3A_24, %mul3A_305 : vector<1024x768xf32>
    %convert_element_type3A_307 = arith.truncf %mul3A_306 : vector<1024x768xf32> to vector<1024x768xbf16>
    %dot_general3A_308 = arith.constant dense<0.000000e+00> : vector<1024x16xf32>
    %dot_general3A_309 = tpu.matmul %convert_element_type3A_307, %convert_element_type3A_35, %dot_general3A_308 {dimension_numbers = #tpu.dot_dimension_numbers<[1], [1], [0], [0], [0, 0, 1, 0], [], []>, transpose_lhs_hint = false} : vector<1024x768xbf16>, vector<16x768xbf16>, vector<1024x16xf32> -> vector<1024x16xf32>
    %mul3A_310 = arith.constant 0.102062076 : f32
    %mul3A_311 = vector.broadcast %mul3A_310 : f32 to vector<1024x16xf32>
    %mul3A_312 = arith.mulf %dot_general3A_309, %mul3A_311 : vector<1024x16xf32>
    %mul3A_313 = vector.broadcast %convert_element_type3A_304 : vector<1x768xf32> to vector<16x768xf32>
    %mul3A_314 = arith.mulf %get3A_34, %mul3A_313 : vector<16x768xf32>
    %convert_element_type3A_315 = arith.truncf %mul3A_314 : vector<16x768xf32> to vector<16x768xbf16>
    %iota3A_316 = tpu.iota {dimensions = array<i32: 1>} : vector<1x768xi32>
    %jit3A_317 = arith.constant 96 : i32
    %div3A_318 = vector.broadcast %jit3A_317 : i32 to vector<1x768xi32>
    %div3A_319 = arith.divsi %iota3A_316, %div3A_318 : vector<1x768xi32>
    %sign3A_320 = arith.constant 0 : i32
    %sign3A_321 = vector.broadcast %sign3A_320 : i32 to vector<1x768xi32>
    %sign3A_322 = arith.cmpi sgt, %iota3A_316, %sign3A_321 : vector<1x768xi32>
    %sign3A_323 = arith.extui %sign3A_322 : vector<1x768xi1> to vector<1x768xi32>
    %sign3A_324 = arith.constant 0 : i32
    %sign3A_325 = vector.broadcast %sign3A_324 : i32 to vector<1x768xi32>
    %sign3A_326 = arith.cmpi slt, %iota3A_316, %sign3A_325 : vector<1x768xi32>
    %sign3A_327 = arith.extui %sign3A_326 : vector<1x768xi1> to vector<1x768xi32>
    %sign3A_328 = arith.subi %sign3A_323, %sign3A_327 : vector<1x768xi32>
    %sign3A_329 = arith.constant 0 : i32
    %sign3A_330 = arith.cmpi sgt, %jit3A_317, %sign3A_329 : i32
    %sign3A_331 = arith.extui %sign3A_330 : i1 to i32
    %sign3A_332 = arith.constant 0 : i32
    %sign3A_333 = arith.cmpi slt, %jit3A_317, %sign3A_332 : i32
    %sign3A_334 = arith.extui %sign3A_333 : i1 to i32
    %sign3A_335 = arith.subi %sign3A_331, %sign3A_334 : i32
    %ne3A_336 = vector.broadcast %sign3A_335 : i32 to vector<1x768xi32>
    %ne3A_337 = arith.cmpi ne, %sign3A_328, %ne3A_336 : vector<1x768xi32>
    %rem3A_338 = vector.broadcast %jit3A_317 : i32 to vector<1x768xi32>
    %rem3A_339 = arith.remsi %iota3A_316, %rem3A_338 : vector<1x768xi32>
    %ne3A_340 = arith.constant 0 : i32
    %ne3A_341 = vector.broadcast %ne3A_340 : i32 to vector<1x768xi32>
    %ne3A_342 = arith.cmpi ne, %rem3A_339, %ne3A_341 : vector<1x768xi32>
    %and3A_343 = arith.andi %ne3A_337, %ne3A_342 : vector<1x768xi1>
    %sub3A_344 = arith.constant 1 : i32
    %sub3A_345 = vector.broadcast %sub3A_344 : i32 to vector<1x768xi32>
    %sub3A_346 = arith.subi %div3A_319, %sub3A_345 : vector<1x768xi32>
    %select_n3A_347 = arith.select %and3A_343, %sub3A_346, %div3A_319 : vector<1x768xi1>, vector<1x768xi32>
    %eq3A_348 = arith.constant 6 : i32
    %eq3A_349 = vector.broadcast %eq3A_348 : i32 to vector<1x768xi32>
    %eq3A_350 = arith.cmpi eq, %select_n3A_347, %eq3A_349 : vector<1x768xi32>
    %convert_element_type3A_351 = arith.extui %eq3A_350 : vector<1x768xi1> to vector<1x768xi32>
    %convert_element_type3A_352 = arith.sitofp %convert_element_type3A_351 : vector<1x768xi32> to vector<1x768xf32>
    %mul3A_353 = vector.broadcast %convert_element_type3A_352 : vector<1x768xf32> to vector<1024x768xf32>
    %mul3A_354 = arith.mulf %dot_general3A_24, %mul3A_353 : vector<1024x768xf32>
    %convert_element_type3A_355 = arith.truncf %mul3A_354 : vector<1024x768xf32> to vector<1024x768xbf16>
    %dot_general3A_356 = arith.constant dense<0.000000e+00> : vector<1024x16xf32>
    %dot_general3A_357 = tpu.matmul %convert_element_type3A_355, %convert_element_type3A_35, %dot_general3A_356 {dimension_numbers = #tpu.dot_dimension_numbers<[1], [1], [0], [0], [0, 0, 1, 0], [], []>, transpose_lhs_hint = false} : vector<1024x768xbf16>, vector<16x768xbf16>, vector<1024x16xf32> -> vector<1024x16xf32>
    %mul3A_358 = arith.constant 0.102062076 : f32
    %mul3A_359 = vector.broadcast %mul3A_358 : f32 to vector<1024x16xf32>
    %mul3A_360 = arith.mulf %dot_general3A_357, %mul3A_359 : vector<1024x16xf32>
    %mul3A_361 = vector.broadcast %convert_element_type3A_352 : vector<1x768xf32> to vector<16x768xf32>
    %mul3A_362 = arith.mulf %get3A_34, %mul3A_361 : vector<16x768xf32>
    %convert_element_type3A_363 = arith.truncf %mul3A_362 : vector<16x768xf32> to vector<16x768xbf16>
    %iota3A_364 = tpu.iota {dimensions = array<i32: 1>} : vector<1x768xi32>
    %jit3A_365 = arith.constant 96 : i32
    %div3A_366 = vector.broadcast %jit3A_365 : i32 to vector<1x768xi32>
    %div3A_367 = arith.divsi %iota3A_364, %div3A_366 : vector<1x768xi32>
    %sign3A_368 = arith.constant 0 : i32
    %sign3A_369 = vector.broadcast %sign3A_368 : i32 to vector<1x768xi32>
    %sign3A_370 = arith.cmpi sgt, %iota3A_364, %sign3A_369 : vector<1x768xi32>
    %sign3A_371 = arith.extui %sign3A_370 : vector<1x768xi1> to vector<1x768xi32>
    %sign3A_372 = arith.constant 0 : i32
    %sign3A_373 = vector.broadcast %sign3A_372 : i32 to vector<1x768xi32>
    %sign3A_374 = arith.cmpi slt, %iota3A_364, %sign3A_373 : vector<1x768xi32>
    %sign3A_375 = arith.extui %sign3A_374 : vector<1x768xi1> to vector<1x768xi32>
    %sign3A_376 = arith.subi %sign3A_371, %sign3A_375 : vector<1x768xi32>
    %sign3A_377 = arith.constant 0 : i32
    %sign3A_378 = arith.cmpi sgt, %jit3A_365, %sign3A_377 : i32
    %sign3A_379 = arith.extui %sign3A_378 : i1 to i32
    %sign3A_380 = arith.constant 0 : i32
    %sign3A_381 = arith.cmpi slt, %jit3A_365, %sign3A_380 : i32
    %sign3A_382 = arith.extui %sign3A_381 : i1 to i32
    %sign3A_383 = arith.subi %sign3A_379, %sign3A_382 : i32
    %ne3A_384 = vector.broadcast %sign3A_383 : i32 to vector<1x768xi32>
    %ne3A_385 = arith.cmpi ne, %sign3A_376, %ne3A_384 : vector<1x768xi32>
    %rem3A_386 = vector.broadcast %jit3A_365 : i32 to vector<1x768xi32>
    %rem3A_387 = arith.remsi %iota3A_364, %rem3A_386 : vector<1x768xi32>
    %ne3A_388 = arith.constant 0 : i32
    %ne3A_389 = vector.broadcast %ne3A_388 : i32 to vector<1x768xi32>
    %ne3A_390 = arith.cmpi ne, %rem3A_387, %ne3A_389 : vector<1x768xi32>
    %and3A_391 = arith.andi %ne3A_385, %ne3A_390 : vector<1x768xi1>
    %sub3A_392 = arith.constant 1 : i32
    %sub3A_393 = vector.broadcast %sub3A_392 : i32 to vector<1x768xi32>
    %sub3A_394 = arith.subi %div3A_367, %sub3A_393 : vector<1x768xi32>
    %select_n3A_395 = arith.select %and3A_391, %sub3A_394, %div3A_367 : vector<1x768xi1>, vector<1x768xi32>
    %eq3A_396 = arith.constant 7 : i32
    %eq3A_397 = vector.broadcast %eq3A_396 : i32 to vector<1x768xi32>
    %eq3A_398 = arith.cmpi eq, %select_n3A_395, %eq3A_397 : vector<1x768xi32>
    %convert_element_type3A_399 = arith.extui %eq3A_398 : vector<1x768xi1> to vector<1x768xi32>
    %convert_element_type3A_400 = arith.sitofp %convert_element_type3A_399 : vector<1x768xi32> to vector<1x768xf32>
    %mul3A_401 = vector.broadcast %convert_element_type3A_400 : vector<1x768xf32> to vector<1024x768xf32>
    %mul3A_402 = arith.mulf %dot_general3A_24, %mul3A_401 : vector<1024x768xf32>
    %convert_element_type3A_403 = arith.truncf %mul3A_402 : vector<1024x768xf32> to vector<1024x768xbf16>
    %dot_general3A_404 = arith.constant dense<0.000000e+00> : vector<1024x16xf32>
    %dot_general3A_405 = tpu.matmul %convert_element_type3A_403, %convert_element_type3A_35, %dot_general3A_404 {dimension_numbers = #tpu.dot_dimension_numbers<[1], [1], [0], [0], [0, 0, 1, 0], [], []>, transpose_lhs_hint = false} : vector<1024x768xbf16>, vector<16x768xbf16>, vector<1024x16xf32> -> vector<1024x16xf32>
    %mul3A_406 = arith.constant 0.102062076 : f32
    %mul3A_407 = vector.broadcast %mul3A_406 : f32 to vector<1024x16xf32>
    %mul3A_408 = arith.mulf %dot_general3A_405, %mul3A_407 : vector<1024x16xf32>
    %mul3A_409 = vector.broadcast %convert_element_type3A_400 : vector<1x768xf32> to vector<16x768xf32>
    %mul3A_410 = arith.mulf %get3A_34, %mul3A_409 : vector<16x768xf32>
    %convert_element_type3A_411 = arith.truncf %mul3A_410 : vector<16x768xf32> to vector<16x768xbf16>
    %concatenate3A = tpu.concatenate %mul3A_72, %mul3A_120, %mul3A_168, %mul3A_216, %mul3A_264, %mul3A_312, %mul3A_360, %mul3A_408 in 1 : vector<1024x16xf32>, vector<1024x16xf32>, vector<1024x16xf32>, vector<1024x16xf32>, vector<1024x16xf32>, vector<1024x16xf32>, vector<1024x16xf32>, vector<1024x16xf32> -> vector<1024x128xf32>
    %reduce_max3A = arith.constant dense<0xFF800000> : vector<1024xf32>
    %reduce_max3A_412 = vector.multi_reduction <maximumf>, %concatenate3A, %reduce_max3A [1] : vector<1024x128xf32> to vector<1024xf32>
    %broadcast_in_dim3A_413 = vector.shape_cast %reduce_max3A_412 : vector<1024xf32> to vector<1024x1xf32>
    %sub3A_414 = vector.broadcast %broadcast_in_dim3A_413 : vector<1024x1xf32> to vector<1024x128xf32>
    %sub3A_415 = arith.subf %concatenate3A, %sub3A_414 : vector<1024x128xf32>
    %exp3A = math.exp %sub3A_415 : vector<1024x128xf32>
    %iota3A_416 = tpu.iota {dimensions = array<i32: 0>} : vector<128x128xi32>
    %jit3A_417 = arith.constant 16 : i32
    %div3A_418 = vector.broadcast %jit3A_417 : i32 to vector<128x128xi32>
    %div3A_419 = arith.divsi %iota3A_416, %div3A_418 : vector<128x128xi32>
    %sign3A_420 = arith.constant 0 : i32
    %sign3A_421 = vector.broadcast %sign3A_420 : i32 to vector<128x128xi32>
    %sign3A_422 = arith.cmpi sgt, %iota3A_416, %sign3A_421 : vector<128x128xi32>
    %sign3A_423 = arith.extui %sign3A_422 : vector<128x128xi1> to vector<128x128xi32>
    %sign3A_424 = arith.constant 0 : i32
    %sign3A_425 = vector.broadcast %sign3A_424 : i32 to vector<128x128xi32>
    %sign3A_426 = arith.cmpi slt, %iota3A_416, %sign3A_425 : vector<128x128xi32>
    %sign3A_427 = arith.extui %sign3A_426 : vector<128x128xi1> to vector<128x128xi32>
    %sign3A_428 = arith.subi %sign3A_423, %sign3A_427 : vector<128x128xi32>
    %sign3A_429 = arith.constant 0 : i32
    %sign3A_430 = arith.cmpi sgt, %jit3A_417, %sign3A_429 : i32
    %sign3A_431 = arith.extui %sign3A_430 : i1 to i32
    %sign3A_432 = arith.constant 0 : i32
    %sign3A_433 = arith.cmpi slt, %jit3A_417, %sign3A_432 : i32
    %sign3A_434 = arith.extui %sign3A_433 : i1 to i32
    %sign3A_435 = arith.subi %sign3A_431, %sign3A_434 : i32
    %ne3A_436 = vector.broadcast %sign3A_435 : i32 to vector<128x128xi32>
    %ne3A_437 = arith.cmpi ne, %sign3A_428, %ne3A_436 : vector<128x128xi32>
    %rem3A_438 = vector.broadcast %jit3A_417 : i32 to vector<128x128xi32>
    %rem3A_439 = arith.remsi %iota3A_416, %rem3A_438 : vector<128x128xi32>
    %ne3A_440 = arith.constant 0 : i32
    %ne3A_441 = vector.broadcast %ne3A_440 : i32 to vector<128x128xi32>
    %ne3A_442 = arith.cmpi ne, %rem3A_439, %ne3A_441 : vector<128x128xi32>
    %and3A_443 = arith.andi %ne3A_437, %ne3A_442 : vector<128x128xi1>
    %sub3A_444 = arith.constant 1 : i32
    %sub3A_445 = vector.broadcast %sub3A_444 : i32 to vector<128x128xi32>
    %sub3A_446 = arith.subi %div3A_419, %sub3A_445 : vector<128x128xi32>
    %select_n3A_447 = arith.select %and3A_443, %sub3A_446, %div3A_419 : vector<128x128xi1>, vector<128x128xi32>
    %iota3A_448 = tpu.iota {dimensions = array<i32: 1>} : vector<128x128xi32>
    %jit3A_449 = arith.constant 16 : i32
    %div3A_450 = vector.broadcast %jit3A_449 : i32 to vector<128x128xi32>
    %div3A_451 = arith.divsi %iota3A_448, %div3A_450 : vector<128x128xi32>
    %sign3A_452 = arith.constant 0 : i32
    %sign3A_453 = vector.broadcast %sign3A_452 : i32 to vector<128x128xi32>
    %sign3A_454 = arith.cmpi sgt, %iota3A_448, %sign3A_453 : vector<128x128xi32>
    %sign3A_455 = arith.extui %sign3A_454 : vector<128x128xi1> to vector<128x128xi32>
    %sign3A_456 = arith.constant 0 : i32
    %sign3A_457 = vector.broadcast %sign3A_456 : i32 to vector<128x128xi32>
    %sign3A_458 = arith.cmpi slt, %iota3A_448, %sign3A_457 : vector<128x128xi32>
    %sign3A_459 = arith.extui %sign3A_458 : vector<128x128xi1> to vector<128x128xi32>
    %sign3A_460 = arith.subi %sign3A_455, %sign3A_459 : vector<128x128xi32>
    %sign3A_461 = arith.constant 0 : i32
    %sign3A_462 = arith.cmpi sgt, %jit3A_449, %sign3A_461 : i32
    %sign3A_463 = arith.extui %sign3A_462 : i1 to i32
    %sign3A_464 = arith.constant 0 : i32
    %sign3A_465 = arith.cmpi slt, %jit3A_449, %sign3A_464 : i32
    %sign3A_466 = arith.extui %sign3A_465 : i1 to i32
    %sign3A_467 = arith.subi %sign3A_463, %sign3A_466 : i32
    %ne3A_468 = vector.broadcast %sign3A_467 : i32 to vector<128x128xi32>
    %ne3A_469 = arith.cmpi ne, %sign3A_460, %ne3A_468 : vector<128x128xi32>
    %rem3A_470 = vector.broadcast %jit3A_449 : i32 to vector<128x128xi32>
    %rem3A_471 = arith.remsi %iota3A_448, %rem3A_470 : vector<128x128xi32>
    %ne3A_472 = arith.constant 0 : i32
    %ne3A_473 = vector.broadcast %ne3A_472 : i32 to vector<128x128xi32>
    %ne3A_474 = arith.cmpi ne, %rem3A_471, %ne3A_473 : vector<128x128xi32>
    %and3A_475 = arith.andi %ne3A_469, %ne3A_474 : vector<128x128xi1>
    %sub3A_476 = arith.constant 1 : i32
    %sub3A_477 = vector.broadcast %sub3A_476 : i32 to vector<128x128xi32>
    %sub3A_478 = arith.subi %div3A_451, %sub3A_477 : vector<128x128xi32>
    %select_n3A_479 = arith.select %and3A_475, %sub3A_478, %div3A_451 : vector<128x128xi1>, vector<128x128xi32>
    %eq3A_480 = arith.cmpi eq, %select_n3A_447, %select_n3A_479 : vector<128x128xi32>
    %convert_element_type3A_481 = arith.extui %eq3A_480 : vector<128x128xi1> to vector<128x128xi32>
    %convert_element_type3A_482 = arith.sitofp %convert_element_type3A_481 : vector<128x128xi32> to vector<128x128xf32>
    %dot_general3A_483 = arith.constant dense<0.000000e+00> : vector<1024x128xf32>
    %dot_general3A_484 = tpu.matmul %exp3A, %convert_element_type3A_482, %dot_general3A_483 {dimension_numbers = #tpu.dot_dimension_numbers<[1], [0], [0], [1], [0, 0, 1, 1], [], []>, transpose_lhs_hint = false} : vector<1024x128xf32>, vector<128x128xf32>, vector<1024x128xf32> -> vector<1024x128xf32>
    %div3A_485 = arith.divf %exp3A, %dot_general3A_484 : vector<1024x128xf32>
    %concatenate3A_486 = tpu.concatenate %convert_element_type3A_75, %convert_element_type3A_123, %convert_element_type3A_171, %convert_element_type3A_219, %convert_element_type3A_267, %convert_element_type3A_315, %convert_element_type3A_363, %convert_element_type3A_411 in 0 : vector<16x768xbf16>, vector<16x768xbf16>, vector<16x768xbf16>, vector<16x768xbf16>, vector<16x768xbf16>, vector<16x768xbf16>, vector<16x768xbf16>, vector<16x768xbf16> -> vector<128x768xbf16>
    %convert_element_type3A_487 = arith.truncf %div3A_485 : vector<1024x128xf32> to vector<1024x128xbf16>
    %dot_general3A_488 = arith.constant dense<0.000000e+00> : vector<1024x768xf32>
    %dot_general3A_489 = tpu.matmul %convert_element_type3A_487, %concatenate3A_486, %dot_general3A_488 {dimension_numbers = #tpu.dot_dimension_numbers<[1], [0], [0], [1], [0, 0, 1, 1], [], []>, transpose_lhs_hint = false} : vector<1024x128xbf16>, vector<128x768xbf16>, vector<1024x768xf32> -> vector<1024x768xf32>
    %get3A_490 = arith.constant 0 : index
    %get3A_491 = arith.constant 0 : index
    %get3A_492 = vector.load %arg6[%get3A_490, %get3A_491] : memref<768x768xbf16, #tpu.memory_space<vmem>>, vector<768x768xbf16>
    %convert_element_type3A_493 = arith.truncf %dot_general3A_489 : vector<1024x768xf32> to vector<1024x768xbf16>
    %dot_general3A_494 = arith.constant dense<0.000000e+00> : vector<1024x768xf32>
    %dot_general3A_495 = tpu.matmul %convert_element_type3A_493, %get3A_492, %dot_general3A_494 {dimension_numbers = #tpu.dot_dimension_numbers<[1], [0], [0], [1], [0, 0, 1, 1], [], []>, transpose_lhs_hint = false} : vector<1024x768xbf16>, vector<768x768xbf16>, vector<1024x768xf32> -> vector<1024x768xf32>
    %add3A_496 = arith.addf %convert_element_type3A, %dot_general3A_495 : vector<1024x768xf32>
    %reduce_sum3A_497 = arith.constant dense<0.000000e+00> : vector<1024xf32>
    %reduce_sum3A_498 = vector.multi_reduction <add>, %add3A_496, %reduce_sum3A_497 [1] : vector<1024x768xf32> to vector<1024xf32>
    %broadcast_in_dim3A_499 = vector.shape_cast %reduce_sum3A_498 : vector<1024xf32> to vector<1024x1xf32>
    %div3A_500 = arith.constant 7.680000e+02 : f32
    %div3A_501 = vector.broadcast %div3A_500 : f32 to vector<1024x1xf32>
    %div3A_502 = arith.divf %broadcast_in_dim3A_499, %div3A_501 : vector<1024x1xf32>
    %sub3A_503 = vector.broadcast %div3A_502 : vector<1024x1xf32> to vector<1024x768xf32>
    %sub3A_504 = arith.subf %add3A_496, %sub3A_503 : vector<1024x768xf32>
    %sub3A_505 = vector.broadcast %div3A_502 : vector<1024x1xf32> to vector<1024x768xf32>
    %sub3A_506 = arith.subf %add3A_496, %sub3A_505 : vector<1024x768xf32>
    %mul3A_507 = arith.mulf %sub3A_504, %sub3A_506 : vector<1024x768xf32>
    %reduce_sum3A_508 = arith.constant dense<0.000000e+00> : vector<1024xf32>
    %reduce_sum3A_509 = vector.multi_reduction <add>, %mul3A_507, %reduce_sum3A_508 [1] : vector<1024x768xf32> to vector<1024xf32>
    %broadcast_in_dim3A_510 = vector.shape_cast %reduce_sum3A_509 : vector<1024xf32> to vector<1024x1xf32>
    %div3A_511 = arith.constant 7.680000e+02 : f32
    %div3A_512 = vector.broadcast %div3A_511 : f32 to vector<1024x1xf32>
    %div3A_513 = arith.divf %broadcast_in_dim3A_510, %div3A_512 : vector<1024x1xf32>
    %sub3A_514 = vector.broadcast %div3A_502 : vector<1024x1xf32> to vector<1024x768xf32>
    %sub3A_515 = arith.subf %add3A_496, %sub3A_514 : vector<1024x768xf32>
    %add3A_516 = arith.constant 9.99999974E-6 : f32
    %add3A_517 = vector.broadcast %add3A_516 : f32 to vector<1024x1xf32>
    %add3A_518 = arith.addf %div3A_513, %add3A_517 : vector<1024x1xf32>
    %sqrt3A_519 = math.sqrt %add3A_518 : vector<1024x1xf32>
    %div3A_520 = vector.broadcast %sqrt3A_519 : vector<1024x1xf32> to vector<1024x768xf32>
    %div3A_521 = arith.divf %sub3A_515, %div3A_520 : vector<1024x768xf32>
    %get3A_522 = arith.constant 0 : index
    %get3A_523 = arith.constant 0 : index
    %get3A_524 = vector.load %arg7[%get3A_522, %get3A_523] : memref<768x2048xbf16, #tpu.memory_space<vmem>>, vector<768x2048xbf16>
    %convert_element_type3A_525 = arith.truncf %div3A_521 : vector<1024x768xf32> to vector<1024x768xbf16>
    %dot_general3A_526 = arith.constant dense<0.000000e+00> : vector<1024x2048xf32>
    %dot_general3A_527 = tpu.matmul %convert_element_type3A_525, %get3A_524, %dot_general3A_526 {dimension_numbers = #tpu.dot_dimension_numbers<[1], [0], [0], [1], [0, 0, 1, 1], [], []>, transpose_lhs_hint = false} : vector<1024x768xbf16>, vector<768x2048xbf16>, vector<1024x2048xf32> -> vector<1024x2048xf32>
    %convert_element_type3A_528 = arith.truncf %dot_general3A_527 : vector<1024x2048xf32> to vector<1024x2048xbf16>
    %mul3A_529 = arith.constant 5.000000e-01 : bf16
    %mul3A_530 = vector.broadcast %mul3A_529 : bf16 to vector<1024x2048xbf16>
    %mul3A_531 = arith.mulf %mul3A_530, %convert_element_type3A_528 : vector<1024x2048xbf16>
    %mul3A_532 = arith.mulf %convert_element_type3A_528, %convert_element_type3A_528 : vector<1024x2048xbf16>
    %mul3A_533 = arith.mulf %mul3A_532, %convert_element_type3A_528 : vector<1024x2048xbf16>
    %mul3A_534 = arith.constant 4.467770e-02 : bf16
    %mul3A_535 = vector.broadcast %mul3A_534 : bf16 to vector<1024x2048xbf16>
    %mul3A_536 = arith.mulf %mul3A_535, %mul3A_533 : vector<1024x2048xbf16>
    %add3A_537 = arith.addf %convert_element_type3A_528, %mul3A_536 : vector<1024x2048xbf16>
    %mul3A_538 = arith.constant 7.968750e-01 : bf16
    %mul3A_539 = vector.broadcast %mul3A_538 : bf16 to vector<1024x2048xbf16>
    %mul3A_540 = arith.mulf %mul3A_539, %add3A_537 : vector<1024x2048xbf16>
    %tanh3A = math.tanh %mul3A_540 : vector<1024x2048xbf16>
    %add3A_541 = arith.constant 1.000000e+00 : bf16
    %add3A_542 = vector.broadcast %add3A_541 : bf16 to vector<1024x2048xbf16>
    %add3A_543 = arith.addf %add3A_542, %tanh3A : vector<1024x2048xbf16>
    %mul3A_544 = arith.mulf %mul3A_531, %add3A_543 : vector<1024x2048xbf16>
    %get3A_545 = arith.constant 0 : index
    %get3A_546 = arith.constant 0 : index
    %get3A_547 = vector.load %arg8[%get3A_545, %get3A_546] : memref<2048x768xbf16, #tpu.memory_space<vmem>>, vector<2048x768xbf16>
    %dot_general3A_548 = arith.constant dense<0.000000e+00> : vector<1024x768xf32>
    %dot_general3A_549 = tpu.matmul %mul3A_544, %get3A_547, %dot_general3A_548 {dimension_numbers = #tpu.dot_dimension_numbers<[1], [0], [0], [1], [0, 0, 1, 1], [], []>, transpose_lhs_hint = false} : vector<1024x2048xbf16>, vector<2048x768xbf16>, vector<1024x768xf32> -> vector<1024x768xf32>
    %add3A_550 = arith.addf %add3A_496, %dot_general3A_549 : vector<1024x768xf32>
    %reduce_sum3A_551 = arith.constant dense<0.000000e+00> : vector<1024xf32>
    %reduce_sum3A_552 = vector.multi_reduction <add>, %add3A_550, %reduce_sum3A_551 [1] : vector<1024x768xf32> to vector<1024xf32>
    %broadcast_in_dim3A_553 = vector.shape_cast %reduce_sum3A_552 : vector<1024xf32> to vector<1024x1xf32>
    %div3A_554 = arith.constant 7.680000e+02 : f32
    %div3A_555 = vector.broadcast %div3A_554 : f32 to vector<1024x1xf32>
    %div3A_556 = arith.divf %broadcast_in_dim3A_553, %div3A_555 : vector<1024x1xf32>
    %sub3A_557 = vector.broadcast %div3A_556 : vector<1024x1xf32> to vector<1024x768xf32>
    %sub3A_558 = arith.subf %add3A_550, %sub3A_557 : vector<1024x768xf32>
    %sub3A_559 = vector.broadcast %div3A_556 : vector<1024x1xf32> to vector<1024x768xf32>
    %sub3A_560 = arith.subf %add3A_550, %sub3A_559 : vector<1024x768xf32>
    %mul3A_561 = arith.mulf %sub3A_558, %sub3A_560 : vector<1024x768xf32>
    %reduce_sum3A_562 = arith.constant dense<0.000000e+00> : vector<1024xf32>
    %reduce_sum3A_563 = vector.multi_reduction <add>, %mul3A_561, %reduce_sum3A_562 [1] : vector<1024x768xf32> to vector<1024xf32>
    %broadcast_in_dim3A_564 = vector.shape_cast %reduce_sum3A_563 : vector<1024xf32> to vector<1024x1xf32>
    %div3A_565 = arith.constant 7.680000e+02 : f32
    %div3A_566 = vector.broadcast %div3A_565 : f32 to vector<1024x1xf32>
    %div3A_567 = arith.divf %broadcast_in_dim3A_564, %div3A_566 : vector<1024x1xf32>
    %sub3A_568 = vector.broadcast %div3A_556 : vector<1024x1xf32> to vector<1024x768xf32>
    %sub3A_569 = arith.subf %add3A_550, %sub3A_568 : vector<1024x768xf32>
    %add3A_570 = arith.constant 9.99999974E-6 : f32
    %add3A_571 = vector.broadcast %add3A_570 : f32 to vector<1024x1xf32>
    %add3A_572 = arith.addf %div3A_567, %add3A_571 : vector<1024x1xf32>
    %sqrt3A_573 = math.sqrt %add3A_572 : vector<1024x1xf32>
    %div3A_574 = vector.broadcast %sqrt3A_573 : vector<1024x1xf32> to vector<1024x768xf32>
    %div3A_575 = arith.divf %sub3A_569, %div3A_574 : vector<1024x768xf32>
    %get3A_576 = arith.constant 0 : index
    %get3A_577 = arith.constant 0 : index
    %get3A_578 = vector.load %arg9[%get3A_576, %get3A_577] : memref<768x256xbf16, #tpu.memory_space<vmem>>, vector<768x256xbf16>
    %convert_element_type3A_579 = arith.truncf %div3A_575 : vector<1024x768xf32> to vector<1024x768xbf16>
    %dot_general3A_580 = arith.constant dense<0.000000e+00> : vector<1024x256xf32>
    %dot_general3A_581 = tpu.matmul %convert_element_type3A_579, %get3A_578, %dot_general3A_580 {dimension_numbers = #tpu.dot_dimension_numbers<[1], [0], [0], [1], [0, 0, 1, 1], [], []>, transpose_lhs_hint = false} : vector<1024x768xbf16>, vector<768x256xbf16>, vector<1024x256xf32> -> vector<1024x256xf32>
    %swap3A = arith.constant 0 : index
    %swap3A_582 = arith.constant 0 : index
    %swap3A_583 = arith.constant 0 : index
    %swap3A_584 = vector.load %arg10[%swap3A, %swap3A_582, %swap3A_583] : memref<1x1024x256xf32, #tpu.memory_space<vmem>>, vector<1x1024x256xf32>
    %swap3A_585 = vector.shape_cast %swap3A_584 : vector<1x1024x256xf32> to vector<1024x256xf32>
    %swap3A_586 = vector.shape_cast %dot_general3A_581 : vector<1024x256xf32> to vector<1x1024x256xf32>
    tpu.vector_store %arg10[%swap3A, %swap3A_582, %swap3A_583], %swap3A_586 {strides = array<i32>} : memref<1x1024x256xf32, #tpu.memory_space<vmem>>, vector<1x1024x256xf32>,
    return
  }
  func.func @transform_0(%arg0: i32, %arg1: i32) -> (i32, i32) {
    %mul3A = arith.constant 2 : i32
    %mul3A_0 = arith.muli %arg0, %mul3A : i32
    %add3A = arith.addi %mul3A_0, %arg1 : i32
    %c0_i32 = arith.constant 0 : i32
    %c0_i32_1 = arith.constant 0 : i32
    return %add3A, %c0_i32 : i32, i32
  }
  func.func @transform_1(%arg0: i32, %arg1: i32) -> (i32, i32, i32) {
    %c0_i32 = arith.constant 0 : i32
    %c0_i32_0 = arith.constant 0 : i32
    %c0_i32_1 = arith.constant 0 : i32
    return %arg0, %c0_i32, %c0_i32_0 : i32, i32, i32
  }
  func.func @transform_2(%arg0: i32, %arg1: i32) -> (i32, i32, i32) {
    %c0_i32 = arith.constant 0 : i32
    %c0_i32_0 = arith.constant 0 : i32
    %c0_i32_1 = arith.constant 0 : i32
    return %arg0, %c0_i32, %c0_i32_0 : i32, i32, i32
  }
  func.func @transform_3(%arg0: i32, %arg1: i32) -> (i32, i32) {
    %c0_i32 = arith.constant 0 : i32
    %c0_i32_0 = arith.constant 0 : i32
    %c0_i32_1 = arith.constant 0 : i32
    return %c0_i32, %c0_i32_0 : i32, i32
  }
  func.func @transform_4(%arg0: i32, %arg1: i32) -> (i32, i32) {
    %c0_i32 = arith.constant 0 : i32
    %c0_i32_0 = arith.constant 0 : i32
    %c0_i32_1 = arith.constant 0 : i32
    return %c0_i32, %c0_i32_0 : i32, i32
  }
  func.func @transform_5(%arg0: i32, %arg1: i32) -> (i32, i32) {
    %c0_i32 = arith.constant 0 : i32
    %c0_i32_0 = arith.constant 0 : i32
    %c0_i32_1 = arith.constant 0 : i32
    return %c0_i32, %c0_i32_0 : i32, i32
  }
  func.func @transform_6(%arg0: i32, %arg1: i32) -> (i32, i32) {
    %c0_i32 = arith.constant 0 : i32
    %c0_i32_0 = arith.constant 0 : i32
    %c0_i32_1 = arith.constant 0 : i32
    return %c0_i32, %c0_i32_0 : i32, i32
  }
  func.func @transform_7(%arg0: i32, %arg1: i32) -> (i32, i32) {
    %c0_i32 = arith.constant 0 : i32
    %c0_i32_0 = arith.constant 0 : i32
    %c0_i32_1 = arith.constant 0 : i32
    return %c0_i32, %c0_i32_0 : i32, i32
  }
  func.func @transform_8(%arg0: i32, %arg1: i32) -> (i32, i32, i32) {
    %c0_i32 = arith.constant 0 : i32
    %c0_i32_0 = arith.constant 0 : i32
    return %arg0, %arg1, %c0_i32 : i32, i32, i32
  }
}

</mosaic_0001>

<sc_bundles>
// kernel: kernel.6.cloned.1.call-start
scs
__scs_entry_jumppad:
0x0: {  	(pc) =	sbr.rel $0x88, $3  }
0x1: {  	(tag) =	ssettag $0x0;
	lr =	simm.s32 $0x1  }
0x2: {  	[smem:$0x3F85] =	sst lr;
	_ =	strace $0xD0000000  }
0x3: {  	_ = 	snop  }
0x4: {  	_ = 	snop  }
0x5: {  	_ = 	snop  }
0x6: {  	_ = 	snop  }
0x7: {  	_ = 	snop  }
__scs_overlays_trampoline_lowered:
0x8: {  	[smem:$0x3F94] =	sst s0  }
0x9: {  	[smem:$0x3F95] =	sst s1  }
0xa: {  	[smem:$0x3F96] =	sst s2  }
0xb: {  	[smem:$0x3F97] =	sst s3  }
0xc: {  	[smem:$0x3F98] =	sst s4  }
0xd: {  	[smem:$0x3F99] =	sst s5  }
0xe: {  	[smem:$0x3F9A] =	sst s6  }
0xf: {  	[smem:$0x3F9B] =	sst s7  }
0x10: {  	[smem:$0x3F9C] =	sst s8  }
0x11: {  	[smem:$0x3F9D] =	sst s9;
	s0 =	simm.s32 @!p0 $0x0  }
0x12: {  	s1 =	sld [smem:$0x3F83];
	s0 =	simm.s32 @p0 $0x1  }
0x13: {  	[smem:$0x3F9E] =	sst s0;
	s0 =	simm.s32 @!p1 $0x0  }
0x14: {  	s2 =	sld [smem:$0x3F82];
	s0 =	simm.s32 @p1 $0x1  }
0x15: {  	[smem:$0x3F9F] =	sst s0;
	s0 =	simm.s32 @!p2 $0x0  }
0x16: {  	s3 =	sld [smem:$0x3FDB];
	s0 =	simm.s32 @p2 $0x1  }
0x17: {  	s4 =	simm.s32 $0x1BF5;
	[smem:$0x3FA1] =	sst s0  }
0x18: {  	s0 =	sld [smem:$0x3F84];
	_ =	swait.ge [sflag:s4], $0x0  }
0x19: {  	s7 =	sld [smem:$0x3F85]  }
0x1a: {  	s8 =	sadd.s32 $0xFFFFE003, lr  }
0x1b: {  	s9 =	sadd.s32 $0xFFFFFEF7, lr;
	s5 =	simm.s32 $0xFFFFFFFF;
	p2 =	slt.u32 s8, $0xFFFFF086  }
0x1c: {  	p1 =	slt.u32 s9, $0xF7A;
	s5 =	simm.s32 @!p2 $0x0  }
0x1d: {  	s5 =	simm.s32 @p1 $0x1;
	p0 =	seq.s32 s7, s2  }
0x1e: {  	s7 =	smul.u32 @!p0 $0xF7A, s2;
	p2 =	seq.s32 @!p0 s5, $0x0  }
0x1f: {  	s9 =	smul.u32 $0xF7A, s1;
	s8 =	simm.s32 @!p0 $0x1BF5;
	p2 =	por !p2, p0  }
0x20: {  	[sflag:s8] =	ssyncset.s32 @!p0 $0xFFFFF086;
	s6 =	sadd.s32 @!p0 s3, s7;
	s7 =	simm.s32 @!p0 $0x108  }
0x21: {  	s3 =	sadd.s32 s3, s9;
	s6 =	sadd.s32 @!p0 $0x88, s6;
	s7 =	simm.s32 @p2 $0x1082  }
0x22: {  	[simem:s7], [sflag:s8] =	dma.local @!p0 [hbm:s6], $0xF7A  }
0x23: {  	s9 =	sor.u32 $0xD0000000, s2;
	s6 =	simm.s32 $0x108;
	_ =	swait.ge @!p0 [sflag:s8], $0x0  }
0x24: {  	s3 =	sadd.s32 $0x88, s3;
	s6 =	simm.s32 @!p1 $0x1082;
	[sflag:s4] =	ssyncset.s32 $0xFFFFF086  }
0x25: {  	[simem:s6], [sflag:s4] =	dma.local [hbm:s3], $0xF7A  }
0x26: {  	[smem:$0x3F85] =	sst s1;
	(tag) =	ssettag s2;
	_ =	strace s9  }
0x27: {  	s1 =	sld [smem:$0x3F95]  }
0x28: {  	s2 =	sld [smem:$0x3F96]  }
0x29: {  	s4 =	sld [smem:$0x3F98]  }
0x2a: {  	p0 =	seq.s32 s5, $0x0;
	s5 =	sld [smem:$0x3F99]  }
0x2b: {  	s6 =	sld [smem:$0x3F9A]  }
0x2c: {  	s7 =	sld [smem:$0x3F9B]  }
0x2d: {  	s3 =	simm.s32 $0x108;
	s8 =	sld [smem:$0x3F9C]  }
0x2e: {  	s3 =	simm.s32 @!p0 $0x1082;
	s9 =	sld [smem:$0x3F9D]  }
0x2f: {  	lr =	sadd.s32 s0, s3;
	s0 =	sld [smem:$0x3F94]  }
0x30: {  	s3 =	sld [smem:$0x3F97]  }
0x31: {  	[smem:$0x3FA0] =	sst s10  }
0x32: {  	s10 =	sld [smem:$0x3F9E];
	_ =	sdelay $0x3  }
0x33: {  	p0 =	seq.s32 s10, $0x1;
	s10 =	sld [smem:$0x3FA0];
	_ =	sdelay $0x3  }
0x34: {  	[smem:$0x3FA0] =	sst s10  }
0x35: {  	s10 =	sld [smem:$0x3F9F];
	_ =	sdelay $0x3  }
0x36: {  	p1 =	seq.s32 s10, $0x1;
	s10 =	sld [smem:$0x3FA0];
	_ =	sdelay $0x3  }
0x37: {  	[smem:$0x3FA0] =	sst s10  }
0x38: {  	s10 =	sld [smem:$0x3FA1]  }
0x39: {  	_ = 	snop;
	(pc) =	sbr.ind lr, $3  }
0x3a: {  	_ = 	snop  }
0x3b: {  	_ = 	snop  }
0x3c: {  	p2 =	seq.s32 s10, $0x1;
	s10 =	sld [smem:$0x3FA0]  }
0x3d: {  	_ =	shalt  }
0x3e: {  	_ =	shalt  }
0x3f: {  	_ =	shalt  }
0x40: {  	_ =	shalt  }
0x41: {  	_ =	shalt  }
0x42: {  	_ =	shalt  }
0x43: {  	_ =	shalt  }
0x44: {  	_ =	shalt  }
0x45: {  	_ =	shalt  }
0x46: {  	_ =	shalt  }
0x47: {  	_ =	shalt  }
0x48: {  	_ =	shalt  }
0x49: {  	_ =	shalt  }
0x4a: {  	_ =	shalt  }
0x4b: {  	_ =	shalt  }
0x4c: {  	_ =	shalt  }
0x4d: {  	_ =	shalt  }
0x4e: {  	_ =	shalt  }
0x4f: {  	_ =	shalt  }
0x50: {  	_ =	shalt  }
0x51: {  	_ =	shalt  }
0x52: {  	_ =	shalt  }
0x53: {  	_ =	shalt  }
0x54: {  	_ =	shalt  }
0x55: {  	_ =	shalt  }
0x56: {  	_ =	shalt  }
0x57: {  	_ =	shalt  }
0x58: {  	_ =	shalt  }
0x59: {  	_ =	shalt  }
0x5a: {  	_ =	shalt  }
0x5b: {  	_ =	shalt  }
0x5c: {  	_ =	shalt  }
0x5d: {  	_ =	shalt  }
0x5e: {  	_ =	shalt  }
0x5f: {  	_ =	shalt  }
0x60: {  	_ =	shalt  }
0x61: {  	_ =	shalt  }
0x62: {  	_ =	shalt  }
0x63: {  	_ =	shalt  }
0x64: {  	_ =	shalt  }
0x65: {  	_ =	shalt  }
0x66: {  	_ =	shalt  }
0x67: {  	_ =	shalt  }
0x68: {  	_ =	shalt  }
0x69: {  	_ =	shalt  }
0x6a: {  	_ =	shalt  }
0x6b: {  	_ =	shalt  }
0x6c: {  	_ =	shalt  }
0x6d: {  	_ =	shalt  }
0x6e: {  	_ =	shalt  }
0x6f: {  	_ =	shalt  }
0x70: {  	_ =	shalt  }
0x71: {  	_ =	shalt  }
0x72: {  	_ =	shalt  }
0x73: {  	_ =	shalt  }
0x74: {  	_ =	shalt  }
0x75: {  	_ =	shalt  }
0x76: {  	_ =	shalt  }
0x77: {  	_ =	shalt  }
0x78: {  	_ =	shalt  }
0x79: {  	_ =	shalt  }
0x7a: {  	_ =	shalt  }
0x7b: {  	_ =	shalt  }
0x7c: {  	_ =	shalt  }
0x7d: {  	_ =	shalt  }
0x7e: {  	_ =	shalt  }
0x7f: {  	_ =	shalt  }
0x80: {  	_ =	shalt  }
0x81: {  	_ =	shalt  }
0x82: {  	_ =	shalt  }
0x83: {  	_ =	shalt  }
0x84: {  	_ =	shalt  }
0x85: {  	_ =	shalt  }
0x86: {  	_ =	shalt  }
0x87: {  	_ =	shalt  }
.Lfunc_end0:
.L_simem_size_0:
called_computation.1_lowered:
.L_overlay_start_0:
0x88: {  	s2 =	sld [smem:$0x3FD9]  }
0x89: {  	s3 =	sld [smem:$0x3FFE];
	_ =	sdelay $0x1  }
0x8a: {  	s1 =	srdreg.scid  }
0x8b: {  	s0 =	sand.u32 $0x1, s1  }
0x8c: {  	s17 =	sshll.u32 s0, $0xA;
	s2 =	sadd.s32 s3, s2  }
0x8d: {  	s2 =	sadd.s32 s2, s17  }
0x8e: {  	[smem:$0x3FAC] =	sst s2  }
0x8f: {  	_ = 	snop  }
0x90: {  	s2 =	sld [smem:$0x3FD0];
	(tm) =	ssettm $0x1  }
0x91: {  	s18 =	sld [smem:$0x3FFB];
	_ =	sdelay $0x3  }
0x92: {  	_ =	strace s18  }
0x93: {  	s3 =	sld [smem:$0x3FFC];
	_ =	sdelay $0x3  }
0x94: {  	_ =	strace s3  }
0x95: {  	s3 =	sld [smem:$0x3FFD];
	_ =	sdelay $0x3  }
0x96: {  	_ =	strace s3  }
0x97: {  	_ =	strace $0x8FFFFFFF  }
0x98: {  	s19 =	sld [smem:$0x3FDB];
	_ =	sdelay $0x1  }
0x99: {  	s4 =	simm.s32 $_scs_section_size  }
0x9a: {  	s5 =	simm.s32 $_size__tile_overlayer_lowered;
	s6 =	simm.s32 $_tile_overlayer_lowered  }
0x9b: {  	s22 =	simm.s32 $0x1BFF;
	s21 =	sshll.u32 s6, $0x1;
	s3 =	sadd.s32 s4, s19  }
0x9c: {  	s7 =	simm.s32 $0x0;
	s20 =	sshll.u32 s5, $0x1;
	s5 =	sadd.s32 s21, s3  }
0x9d: {  	[timem:s7], [sflag:s22] =	dma.local [hbm:s5], s20  }
0x9e: {  	_ =	swait.ge [sflag:s22], s20  }
0x9f: {  	s4 =	ssub.s32 $0x0, s20;
	[sflag:s22] =	ssyncset.done $0x0  }
0xa0: {  	[sflag:s22] =	ssyncadd.s32 s4;
	_ =	sdelay $0x1  }
0xa1: {  	s23 =	simm.s32 $0x1B8B  }
0xa2: {  	_ =	swait.ge [sflag:s23], $0x1  }
0xa3: {  	[sflag:s23] =	ssyncset.done $0x0  }
0xa4: {  	s25 =	simm.s32 $0x1B8E;
	s24 =	sld [smem:$0x3FFE];
	[sflag:s23] =	ssyncadd.s32 $0xFFFFFFFF  }
0xa5: {  	s26 =	simm.s32 $execute0_lowered;
	[smem:$0x3FD2] =	sst s25  }
0xa6: {  	s5 =	sshll.u32 s26, $0x1;
	_ =	strace $0x80000046;
	[dreg:$0x1] =	wrdreg $0xFFFFFFFF  }
0xa7: {  	s28 =	simm.s32 $_size_execute0_lowered;
	s3 =	sadd.s32 s3, s5;
	[dreg:$0x0] =	wrdreg $0x0  }
0xa8: {  	s5 =	sshll.u32 s28, $0x1;
	[dreg:$0x2] =	wrdreg s3  }
0xa9: {  	[dreg:$0x3] =	wrdreg s5  }
0xaa: {  	[dreg:$0x4] =	wrdreg $0xC0  }
0xab: {  	_ =	task [dreg:s7], $0x5FFFF  }
0xac: {  	[dreg:$0x1] =	wrdreg $0xFFFFFFFF  }
0xad: {  	[dreg:$0x0] =	wrdreg $0x60  }
0xae: {  	[dreg:$0x2] =	wrdreg s2  }
0xaf: {  	[dreg:$0x3] =	wrdreg s24  }
0xb0: {  	[dreg:$0x4] =	wrdreg $0x9  }
0xb1: {  	_ =	task.clear_ibuf [dreg:s7], $0x5FFFF;
	_ =	strace $0x90000046  }
0xb2: {  	s29 =	simm.s32 $0x9;
	_ =	strace $0x80000048  }
0xb3: {  	_ =	swait.ge [sflag:s29], $0x1  }
0xb4: {  	[sflag:s29] =	ssyncadd.s32 $0xFFFFFFFF  }
0xb5: {  	_ =	strace $0x90000048  }
0xb6: {  	_ =	sfence  }
0xb7: {  	s30 =	sld [smem:$0x0];
	_ =	sdelay $0x2  }
0xb8: {  	s31 =	sshll.u32 s1, $0xD;
	s1 =	sshrl.u32 s1, $0x2  }
0xb9: {  	s3 =	sand.u32 $0x4000, s31;
	s1 =	sadd.s32 s1, s30  }
0xba: {  	s0 =	sor.u32 s3, s0;
	s1 =	sshll.u32 s1, $0x11  }
0xbb: {  	s0 =	sor.u32 s1, s0  }
0xbc: {  	s0 =	sadd.s32 $0x8F2B, s0  }
0xbd: {  	[sflag:s0] =	ssyncadd.remote.s32 $0x1  }
0xbe: {  	_ =	sfence.sel $0xFFFF  }
0xbf: {  	[dreg:$0x0] =	wrdreg $0xFFFFFFFF;
	(pc) =	sbr.abs _section_cstart, $3  }
0xc0: {  	[dreg:$0x1] =	wrdreg $0xFFFFFFFF  }
0xc1: {  	_ =	task.clear_ibuf [dreg:s7], $0x2FFFF;
	_ =	strace $0x9FFFFFFF  }
0xc2: {  	(tm) =	ssettm $0x7FFFFFFF  }
0xc3: {  	_ =	shalt  }
tec
execute0_lowered:
.L_overlay_start_1:
0x0: {  	(tag) =	ssettag $0x1  }
0x1: {  	s0 =	srdreg.scid;
	s2 =	rddreg [dreg:$0x0]  }
0x2: {  	s3 =	stileid.u32;
	s1 =	rddreg [dreg:$0x1];
	s28 =	simm.s32 $0xE00  }
0x3: {  	s29 =	simm.s32 $0x1600;
	s30 =	simm.s32 $0x1A00;
	s31 =	simm.s32 $0x2200  }
0x4: {  	s9 =	simm.s32 $0x3200;
	s10 =	simm.s32 $0x3A00;
	s11 =	simm.s32 $0x3E00  }
0x5: {  	s12 =	simm.s32 $0x4600;
	s13 =	simm.s32 $0x4A00;
	s14 =	simm.s32 $0x5200  }
0x6: {  	s15 =	simm.s32 $0x5600;
	s17 =	simm.s32 $0x5E00;
	s18 =	simm.s32 $0x6200  }
0x7: {  	s19 =	simm.s32 $0x6A00;
	s20 =	simm.s32 $0x7600;
	s21 =	simm.s32 $0x7A00  }
0x8: {  	s22 =	simm.s32 $0x8200;
	s16 =	simm.s32 $0x8E00;
	s0 =	sand.u32 $0x1, s0  }
0x9: {  	s4 =	sshll.u32 s3, $0x7;
	s3 =	simm.s32 $0x0;
	s5 =	sshll.u32 s0, $0x6  }
0xa: {  	s23 =	simm.s32 $0x9200;
	[smem:$0x7FF] =	sst s3;
	s4 =	sor.u32 s5, s4  }
0xb: {  	s0 =	ssub.s32 $0x2, s0;
	_ =	strace $0x80000047;
	s5 =	smul.u32 $0x180, s4  }
0xc: {  	s7 =	sshrl.u32 s0, $0x1;
	s6 =	smul.u32 $0xC00, s4;
	s4 =	sadd.s32 s4, s1  }
0xd: {  	s1 =	sadd.s32 $0x6000, s1;
	s0 =	ssub.s32 s0, s7;
	s7 =	simm.s32 $0x3  }
0xe: {  	s4 =	sadd.s32 $0x5800, s4;
	s8 =	sadd.s32 s1, s5;
	s24 =	sshrl.u32 s6, $0x3  }
0xf: {  	[dreg:$0x3] =	wrdreg s4;
	s5 =	sadd.s32 $0x100, s2;
	s6 =	smax.u32 s0, $0x1  }
0x10: {  	[dreg:$0x7] =	wrdreg s8;
	s25 =	sadd.s32 $0x1800, s8;
	s1 =	sadd.s32 s1, s24  }
0x11: {  	v2 =	vlaneseq.u32;
	s4 =	simm.s32 $0x2;
	[dreg:$0x4] =	wrdreg s25;
	s26 =	sadd.s32 $0x3000, s1  }
0x12: {  	vm0 =	vmmov $0xffff;
	vm1 =	vmmov $0xff;
	v1 =	vshrl.u32 v2, $0x3;
	s8 =	simm.s32 $0x8600;
	s1 =	sadd.s32 $0x4800, s1;
	[dreg:$0x5] =	wrdreg s26  }
0x13: {  	v0 =	vand.u32 $0x7, v2;
	v2 =	vor.u32 $0x8, v2;
	v1 =	vmul.u32 $0x8, v1;
	s24 =	simm.s32 $0x1;
	[dreg:$0x6] =	wrdreg s1;
	s26 =	simm.s32 $0xA00  }
.LBB2_1:
0x14: {  	s25 =	rddreg [dreg:$0x3]  }
0x15: {  	[tilespmem:s3], [sflag:$0x3] =	stream.linear.gather [hbm4b:s25+s3], $0x200, $0x38;
	[tilespmem:$0x18200] =	vst v63  }
0x16: {  	_ =	swait.ge [sflag:s7], $0x200  }
0x17: {  	[sflag:s7] =	ssyncset.done $0x0  }
0x18: {  	[sflag:s7] =	ssyncadd.s32 $0xFFFFFE00  }
0x19: {  	v3 =	vld [tilespmem:$0x0];
	_ =	sdelay $0x4  }
0x1a: {  	v4 =	vshrl.u32 v3, $0x3  }
0x1b: {  	v4 =	vmul.u32 $0x18, v4  }
0x1c: {  	v3 =	vand.u32 $0x7, v3  }
0x1d: {  	v3 =	vor.u32 v3, v4  }
0x1e: {  	v4 =	vperm.xlane v3, v0;
	_ =	sdelay $0x1  }
0x1f: {  	v4 =	vadd.s32 v1, v4;
	_ =	sdelay $0x1  }
0x20: {  	v3 =	vperm.xlane v3, v2;
	_ =	sdelay $0x1  }
0x21: {  	s0 =	simm.s32 $0x200;
	v3 =	vadd.s32 v1, v3  }
0x22: {  	[tilespmem:s0], [sflag:$0x1] =	stream.indirect_vreg.gather [hbm4b:s2+s3], $0x80, v4, vm0, $0xb8;
	[tilespmem:$0x18200] =	vst v63  }
0x23: {  	_ = 	snop  }
0x24: {  	[tilespmem:s26], [sflag:$0x1] =	stream.indirect_vreg.gather [hbm4b:s5+s3], $0x80, v4, vm1, $0xb8;
	[tilespmem:$0x18200] =	vst v63  }
0x25: {  	_ = 	snop  }
0x26: {  	[tilespmem:s28], [sflag:$0x1] =	stream.indirect_vreg.gather [hbm4b:s2+s3], $0x80, v3, vm0, $0xb8;
	[tilespmem:$0x18200] =	vst v63  }
0x27: {  	_ = 	snop  }
0x28: {  	[tilespmem:s29], [sflag:$0x1] =	stream.indirect_vreg.gather [hbm4b:s5+s3], $0x80, v3, vm1, $0xb8;
	[tilespmem:$0x18200] =	vst v63  }
0x29: {  	v3 =	vld [tilespmem:$0x10];
	_ =	sdelay $0x4  }
0x2a: {  	v33 =	vshrl.u32 v3, $0x3  }
0x2b: {  	v4 =	vmul.u32 $0x18, v33  }
0x2c: {  	v3 =	vand.u32 $0x7, v3  }
0x2d: {  	v3 =	vor.u32 v3, v4  }
0x2e: {  	v4 =	vperm.xlane v3, v0;
	_ =	sdelay $0x1  }
0x2f: {  	v4 =	vadd.s32 v1, v4;
	_ =	sdelay $0x1  }
0x30: {  	v3 =	vperm.xlane v3, v2;
	_ =	sdelay $0x1  }
0x31: {  	v3 =	vadd.s32 v1, v3  }
0x32: {  	[tilespmem:s30], [sflag:$0x1] =	stream.indirect_vreg.gather [hbm4b:s2+s3], $0x80, v4, vm0, $0xb8;
	[tilespmem:$0x18200] =	vst v63  }
0x33: {  	_ = 	snop  }
0x34: {  	[tilespmem:s31], [sflag:$0x1] =	stream.indirect_vreg.gather [hbm4b:s5+s3], $0x80, v4, vm1, $0xb8;
	[tilespmem:$0x18200] =	vst v63  }
0x35: {  	s25 =	simm.s32 $0x2600  }
0x36: {  	[tilespmem:s25], [sflag:$0x1] =	stream.indirect_vreg.gather [hbm4b:s2+s3], $0x80, v3, vm0, $0xb8;
	[tilespmem:$0x18200] =	vst v63  }
0x37: {  	s1 =	simm.s32 $0x2E00  }
0x38: {  	[tilespmem:s1], [sflag:$0x1] =	stream.indirect_vreg.gather [hbm4b:s5+s3], $0x80, v3, vm1, $0xb8;
	[tilespmem:$0x18200] =	vst v63  }
0x39: {  	v3 =	vld [tilespmem:$0x20];
	_ =	sdelay $0x4  }
0x3a: {  	v34 =	vshrl.u32 v3, $0x3  }
0x3b: {  	v4 =	vmul.u32 $0x18, v34  }
0x3c: {  	v3 =	vand.u32 $0x7, v3  }
0x3d: {  	v3 =	vor.u32 v3, v4  }
0x3e: {  	v4 =	vperm.xlane v3, v0;
	_ =	sdelay $0x1  }
0x3f: {  	v4 =	vadd.s32 v1, v4;
	_ =	sdelay $0x1  }
0x40: {  	v3 =	vperm.xlane v3, v2;
	_ =	sdelay $0x1  }
0x41: {  	v3 =	vadd.s32 v1, v3  }
0x42: {  	[tilespmem:s9], [sflag:$0x1] =	stream.indirect_vreg.gather [hbm4b:s2+s3], $0x80, v4, vm0, $0xb8;
	[tilespmem:$0x18200] =	vst v63  }
0x43: {  	_ = 	snop  }
0x44: {  	[tilespmem:s10], [sflag:$0x1] =	stream.indirect_vreg.gather [hbm4b:s5+s3], $0x80, v4, vm1, $0xb8;
	[tilespmem:$0x18200] =	vst v63  }
0x45: {  	_ = 	snop  }
0x46: {  	[tilespmem:s11], [sflag:$0x1] =	stream.indirect_vreg.gather [hbm4b:s2+s3], $0x80, v3, vm0, $0xb8;
	[tilespmem:$0x18200] =	vst v63  }
0x47: {  	_ = 	snop  }
0x48: {  	[tilespmem:s12], [sflag:$0x1] =	stream.indirect_vreg.gather [hbm4b:s5+s3], $0x80, v3, vm1, $0xb8;
	[tilespmem:$0x18200] =	vst v63  }
0x49: {  	v3 =	vld [tilespmem:$0x30];
	_ =	sdelay $0x4  }
0x4a: {  	v35 =	vshrl.u32 v3, $0x3  }
0x4b: {  	v4 =	vmul.u32 $0x18, v35  }
0x4c: {  	v3 =	vand.u32 $0x7, v3  }
0x4d: {  	v3 =	vor.u32 v3, v4  }
0x4e: {  	v4 =	vperm.xlane v3, v0;
	_ =	sdelay $0x1  }
0x4f: {  	v4 =	vadd.s32 v1, v4;
	_ =	sdelay $0x1  }
0x50: {  	v3 =	vperm.xlane v3, v2;
	_ =	sdelay $0x1  }
0x51: {  	v3 =	vadd.s32 v1, v3  }
0x52: {  	[tilespmem:s13], [sflag:$0x1] =	stream.indirect_vreg.gather [hbm4b:s2+s3], $0x80, v4, vm0, $0xb8;
	[tilespmem:$0x18200] =	vst v63  }
0x53: {  	_ = 	snop  }
0x54: {  	[tilespmem:s14], [sflag:$0x1] =	stream.indirect_vreg.gather [hbm4b:s5+s3], $0x80, v4, vm1, $0xb8;
	[tilespmem:$0x18200] =	vst v63  }
0x55: {  	_ = 	snop  }
0x56: {  	[tilespmem:s15], [sflag:$0x1] =	stream.indirect_vreg.gather [hbm4b:s2+s3], $0x80, v3, vm0, $0xb8;
	[tilespmem:$0x18200] =	vst v63  }
0x57: {  	_ = 	snop  }
0x58: {  	[tilespmem:s17], [sflag:$0x1] =	stream.indirect_vreg.gather [hbm4b:s5+s3], $0x80, v3, vm1, $0xb8;
	[tilespmem:$0x18200] =	vst v63  }
0x59: {  	v3 =	vld [tilespmem:$0x40];
	_ =	sdelay $0x4  }
0x5a: {  	v36 =	vshrl.u32 v3, $0x3  }
0x5b: {  	v4 =	vmul.u32 $0x18, v36  }
0x5c: {  	v3 =	vand.u32 $0x7, v3  }
0x5d: {  	v3 =	vor.u32 v3, v4  }
0x5e: {  	v4 =	vperm.xlane v3, v0;
	_ =	sdelay $0x1  }
0x5f: {  	v4 =	vadd.s32 v1, v4;
	_ =	sdelay $0x1  }
0x60: {  	v3 =	vperm.xlane v3, v2;
	_ =	sdelay $0x1  }
0x61: {  	v3 =	vadd.s32 v1, v3  }
0x62: {  	[tilespmem:s18], [sflag:$0x1] =	stream.indirect_vreg.gather [hbm4b:s2+s3], $0x80, v4, vm0, $0xb8;
	[tilespmem:$0x18200] =	vst v63  }
0x63: {  	_ = 	snop  }
0x64: {  	[tilespmem:s19], [sflag:$0x1] =	stream.indirect_vreg.gather [hbm4b:s5+s3], $0x80, v4, vm1, $0xb8;
	[tilespmem:$0x18200] =	vst v63  }
0x65: {  	s25 =	simm.s32 $0x6E00  }
0x66: {  	[tilespmem:s25], [sflag:$0x1] =	stream.indirect_vreg.gather [hbm4b:s2+s3], $0x80, v3, vm0, $0xb8;
	[tilespmem:$0x18200] =	vst v63  }
0x67: {  	_ = 	snop  }
0x68: {  	[tilespmem:s20], [sflag:$0x1] =	stream.indirect_vreg.gather [hbm4b:s5+s3], $0x80, v3, vm1, $0xb8;
	[tilespmem:$0x18200] =	vst v63  }
0x69: {  	v3 =	vld [tilespmem:$0x50];
	_ =	sdelay $0x4  }
0x6a: {  	v37 =	vshrl.u32 v3, $0x3  }
0x6b: {  	v4 =	vmul.u32 $0x18, v37  }
0x6c: {  	v3 =	vand.u32 $0x7, v3  }
0x6d: {  	v3 =	vor.u32 v3, v4  }
0x6e: {  	v4 =	vperm.xlane v3, v0;
	_ =	sdelay $0x1  }
0x6f: {  	v4 =	vadd.s32 v1, v4;
	_ =	sdelay $0x1  }
0x70: {  	v3 =	vperm.xlane v3, v2;
	_ =	sdelay $0x1  }
0x71: {  	v3 =	vadd.s32 v1, v3  }
0x72: {  	[tilespmem:s21], [sflag:$0x1] =	stream.indirect_vreg.gather [hbm4b:s2+s3], $0x80, v4, vm0, $0xb8;
	[tilespmem:$0x18200] =	vst v63  }
0x73: {  	_ = 	snop  }
0x74: {  	[tilespmem:s22], [sflag:$0x1] =	stream.indirect_vreg.gather [hbm4b:s5+s3], $0x80, v4, vm1, $0xb8;
	[tilespmem:$0x18200] =	vst v63  }
0x75: {  	_ = 	snop  }
0x76: {  	[tilespmem:s8], [sflag:$0x1] =	stream.indirect_vreg.gather [hbm4b:s2+s3], $0x80, v3, vm0, $0xb8;
	[tilespmem:$0x18200] =	vst v63  }
0x77: {  	_ = 	snop  }
0x78: {  	[tilespmem:s16], [sflag:$0x1] =	stream.indirect_vreg.gather [hbm4b:s5+s3], $0x80, v3, vm1, $0xb8;
	[tilespmem:$0x18200] =	vst v63  }
0x79: {  	v3 =	vld [tilespmem:$0x60];
	_ =	sdelay $0x4  }
0x7a: {  	v38 =	vshrl.u32 v3, $0x3  }
0x7b: {  	v4 =	vmul.u32 $0x18, v38  }
0x7c: {  	v3 =	vand.u32 $0x7, v3  }
0x7d: {  	v3 =	vor.u32 v3, v4  }
0x7e: {  	v4 =	vperm.xlane v3, v0;
	_ =	sdelay $0x1  }
0x7f: {  	v4 =	vadd.s32 v1, v4;
	_ =	sdelay $0x1  }
0x80: {  	v3 =	vperm.xlane v3, v2;
	_ =	sdelay $0x1  }
0x81: {  	v3 =	vadd.s32 v1, v3  }
0x82: {  	[tilespmem:s23], [sflag:$0x1] =	stream.indirect_vreg.gather [hbm4b:s2+s3], $0x80, v4, vm0, $0xb8;
	[tilespmem:$0x18200] =	vst v63  }
0x83: {  	s1 =	simm.s32 $0x9A00  }
0x84: {  	[tilespmem:s1], [sflag:$0x1] =	stream.indirect_vreg.gather [hbm4b:s5+s3], $0x80, v4, vm1, $0xb8;
	[tilespmem:$0x18200] =	vst v63  }
0x85: {  	s25 =	simm.s32 $0x9E00  }
0x86: {  	[tilespmem:s25], [sflag:$0x1] =	stream.indirect_vreg.gather [hbm4b:s2+s3], $0x80, v3, vm0, $0xb8;
	[tilespmem:$0x18200] =	vst v63  }
0x87: {  	s1 =	simm.s32 $0xA600  }
0x88: {  	[tilespmem:s1], [sflag:$0x1] =	stream.indirect_vreg.gather [hbm4b:s5+s3], $0x80, v3, vm1, $0xb8;
	[tilespmem:$0x18200] =	vst v63  }
0x89: {  	v3 =	vld [tilespmem:$0x70];
	_ =	sdelay $0x4  }
0x8a: {  	v39 =	vshrl.u32 v3, $0x3  }
0x8b: {  	v4 =	vmul.u32 $0x18, v39  }
0x8c: {  	v3 =	vand.u32 $0x7, v3  }
0x8d: {  	v3 =	vor.u32 v3, v4  }
0x8e: {  	v4 =	vperm.xlane v3, v0;
	_ =	sdelay $0x1  }
0x8f: {  	v4 =	vadd.s32 v1, v4;
	_ =	sdelay $0x1  }
0x90: {  	v3 =	vperm.xlane v3, v2;
	_ =	sdelay $0x1  }
0x91: {  	s25 =	simm.s32 $0xAA00;
	v3 =	vadd.s32 v1, v3  }
0x92: {  	[tilespmem:s25], [sflag:$0x1] =	stream.indirect_vreg.gather [hbm4b:s2+s3], $0x80, v4, vm0, $0xb8;
	[tilespmem:$0x18200] =	vst v63  }
0x93: {  	s1 =	simm.s32 $0xB200  }
0x94: {  	[tilespmem:s1], [sflag:$0x1] =	stream.indirect_vreg.gather [hbm4b:s5+s3], $0x80, v4, vm1, $0xb8;
	[tilespmem:$0x18200] =	vst v63  }
0x95: {  	s25 =	simm.s32 $0xB600  }
0x96: {  	[tilespmem:s25], [sflag:$0x1] =	stream.indirect_vreg.gather [hbm4b:s2+s3], $0x80, v3, vm0, $0xb8;
	[tilespmem:$0x18200] =	vst v63  }
0x97: {  	s1 =	simm.s32 $0xBE00  }
0x98: {  	[tilespmem:s1], [sflag:$0x1] =	stream.indirect_vreg.gather [hbm4b:s5+s3], $0x80, v3, vm1, $0xb8;
	[tilespmem:$0x18200] =	vst v63  }
0x99: {  	v3 =	vld [tilespmem:$0x80];
	_ =	sdelay $0x4  }
0x9a: {  	v40 =	vshrl.u32 v3, $0x3  }
0x9b: {  	v4 =	vmul.u32 $0x18, v40  }
0x9c: {  	v3 =	vand.u32 $0x7, v3  }
0x9d: {  	v3 =	vor.u32 v3, v4  }
0x9e: {  	v4 =	vperm.xlane v3, v0;
	_ =	sdelay $0x1  }
0x9f: {  	v4 =	vadd.s32 v1, v4;
	_ =	sdelay $0x1  }
0xa0: {  	v3 =	vperm.xlane v3, v2;
	_ =	sdelay $0x1  }
0xa1: {  	s0 =	simm.s32 $0xC200;
	v3 =	vadd.s32 v1, v3  }
0xa2: {  	[tilespmem:s0], [sflag:$0x2] =	stream.indirect_vreg.gather [hbm4b:s2+s3], $0x80, v4, vm0, $0xb8;
	[tilespmem:$0x18200] =	vst v63  }
0xa3: {  	s1 =	simm.s32 $0xCA00  }
0xa4: {  	[tilespmem:s1], [sflag:$0x2] =	stream.indirect_vreg.gather [hbm4b:s5+s3], $0x80, v4, vm1, $0xb8;
	[tilespmem:$0x18200] =	vst v63  }
0xa5: {  	s25 =	simm.s32 $0xCE00  }
0xa6: {  	[tilespmem:s25], [sflag:$0x2] =	stream.indirect_vreg.gather [hbm4b:s2+s3], $0x80, v3, vm0, $0xb8;
	[tilespmem:$0x18200] =	vst v63  }
0xa7: {  	s25 =	simm.s32 $0xD600  }
0xa8: {  	[tilespmem:s25], [sflag:$0x2] =	stream.indirect_vreg.gather [hbm4b:s5+s3], $0x80, v3, vm1, $0xb8;
	[tilespmem:$0x18200] =	vst v63  }
0xa9: {  	v3 =	vld [tilespmem:$0x90];
	_ =	sdelay $0x4  }
0xaa: {  	v41 =	vshrl.u32 v3, $0x3  }
0xab: {  	v4 =	vmul.u32 $0x18, v41  }
0xac: {  	v3 =	vand.u32 $0x7, v3  }
0xad: {  	v3 =	vor.u32 v3, v4  }
0xae: {  	v4 =	vperm.xlane v3, v0;
	_ =	sdelay $0x1  }
0xaf: {  	v4 =	vadd.s32 v1, v4;
	_ =	sdelay $0x1  }
0xb0: {  	v3 =	vperm.xlane v3, v2;
	_ =	sdelay $0x1  }
0xb1: {  	s25 =	simm.s32 $0xDA00;
	v3 =	vadd.s32 v1, v3  }
0xb2: {  	[tilespmem:s25], [sflag:$0x2] =	stream.indirect_vreg.gather [hbm4b:s2+s3], $0x80, v4, vm0, $0xb8;
	[tilespmem:$0x18200] =	vst v63  }
0xb3: {  	s25 =	simm.s32 $0xE200  }
0xb4: {  	[tilespmem:s25], [sflag:$0x2] =	stream.indirect_vreg.gather [hbm4b:s5+s3], $0x80, v4, vm1, $0xb8;
	[tilespmem:$0x18200] =	vst v63  }
0xb5: {  	s25 =	simm.s32 $0xE600  }
0xb6: {  	[tilespmem:s25], [sflag:$0x2] =	stream.indirect_vreg.gather [hbm4b:s2+s3], $0x80, v3, vm0, $0xb8;
	[tilespmem:$0x18200] =	vst v63  }
0xb7: {  	s25 =	simm.s32 $0xEE00  }
0xb8: {  	[tilespmem:s25], [sflag:$0x2] =	stream.indirect_vreg.gather [hbm4b:s5+s3], $0x80, v3, vm1, $0xb8;
	[tilespmem:$0x18200] =	vst v63  }
0xb9: {  	v3 =	vld [tilespmem:$0xA0];
	_ =	sdelay $0x4  }
0xba: {  	v42 =	vshrl.u32 v3, $0x3  }
0xbb: {  	v4 =	vmul.u32 $0x18, v42  }
0xbc: {  	v3 =	vand.u32 $0x7, v3  }
0xbd: {  	v3 =	vor.u32 v3, v4  }
0xbe: {  	v4 =	vperm.xlane v3, v0;
	_ =	sdelay $0x1  }
0xbf: {  	v4 =	vadd.s32 v1, v4;
	_ =	sdelay $0x1  }
0xc0: {  	v3 =	vperm.xlane v3, v2;
	_ =	sdelay $0x1  }
0xc1: {  	s25 =	simm.s32 $0xF200;
	v3 =	vadd.s32 v1, v3  }
0xc2: {  	[tilespmem:s25], [sflag:$0x2] =	stream.indirect_vreg.gather [hbm4b:s2+s3], $0x80, v4, vm0, $0xb8;
	[tilespmem:$0x18200] =	vst v63  }
0xc3: {  	s25 =	simm.s32 $0xFA00  }
0xc4: {  	[tilespmem:s25], [sflag:$0x2] =	stream.indirect_vreg.gather [hbm4b:s5+s3], $0x80, v4, vm1, $0xb8;
	[tilespmem:$0x18200] =	vst v63  }
0xc5: {  	s25 =	simm.s32 $0xFE00  }
0xc6: {  	[tilespmem:s25], [sflag:$0x2] =	stream.indirect_vreg.gather [hbm4b:s2+s3], $0x80, v3, vm0, $0xb8;
	[tilespmem:$0x18200] =	vst v63  }
0xc7: {  	s25 =	simm.s32 $0x10600  }
0xc8: {  	[tilespmem:s25], [sflag:$0x2] =	stream.indirect_vreg.gather [hbm4b:s5+s3], $0x80, v3, vm1, $0xb8;
	[tilespmem:$0x18200] =	vst v63  }
0xc9: {  	v3 =	vld [tilespmem:$0xB0];
	_ =	sdelay $0x4  }
0xca: {  	v43 =	vshrl.u32 v3, $0x3  }
0xcb: {  	v4 =	vmul.u32 $0x18, v43  }
0xcc: {  	v3 =	vand.u32 $0x7, v3  }
0xcd: {  	v3 =	vor.u32 v3, v4  }
0xce: {  	v4 =	vperm.xlane v3, v0;
	_ =	sdelay $0x1  }
0xcf: {  	v4 =	vadd.s32 v1, v4;
	_ =	sdelay $0x1  }
0xd0: {  	v3 =	vperm.xlane v3, v2;
	_ =	sdelay $0x1  }
0xd1: {  	s25 =	simm.s32 $0x10A00;
	v3 =	vadd.s32 v1, v3  }
0xd2: {  	[tilespmem:s25], [sflag:$0x2] =	stream.indirect_vreg.gather [hbm4b:s2+s3], $0x80, v4, vm0, $0xb8;
	[tilespmem:$0x18200] =	vst v63  }
0xd3: {  	s25 =	simm.s32 $0x11200  }
0xd4: {  	[tilespmem:s25], [sflag:$0x2] =	stream.indirect_vreg.gather [hbm4b:s5+s3], $0x80, v4, vm1, $0xb8;
	[tilespmem:$0x18200] =	vst v63  }
0xd5: {  	s25 =	simm.s32 $0x11600  }
0xd6: {  	[tilespmem:s25], [sflag:$0x2] =	stream.indirect_vreg.gather [hbm4b:s2+s3], $0x80, v3, vm0, $0xb8;
	[tilespmem:$0x18200] =	vst v63  }
0xd7: {  	s25 =	simm.s32 $0x11E00  }
0xd8: {  	[tilespmem:s25], [sflag:$0x2] =	stream.indirect_vreg.gather [hbm4b:s5+s3], $0x80, v3, vm1, $0xb8;
	[tilespmem:$0x18200] =	vst v63  }
0xd9: {  	v3 =	vld [tilespmem:$0xC0];
	_ =	sdelay $0x4  }
0xda: {  	v44 =	vshrl.u32 v3, $0x3  }
0xdb: {  	v4 =	vmul.u32 $0x18, v44  }
0xdc: {  	v3 =	vand.u32 $0x7, v3  }
0xdd: {  	v3 =	vor.u32 v3, v4  }
0xde: {  	v4 =	vperm.xlane v3, v0;
	_ =	sdelay $0x1  }
0xdf: {  	v4 =	vadd.s32 v1, v4;
	_ =	sdelay $0x1  }
0xe0: {  	v3 =	vperm.xlane v3, v2;
	_ =	sdelay $0x1  }
0xe1: {  	s25 =	simm.s32 $0x12200;
	v3 =	vadd.s32 v1, v3  }
0xe2: {  	[tilespmem:s25], [sflag:$0x2] =	stream.indirect_vreg.gather [hbm4b:s2+s3], $0x80, v4, vm0, $0xb8;
	[tilespmem:$0x18200] =	vst v63  }
0xe3: {  	s25 =	simm.s32 $0x12A00  }
0xe4: {  	[tilespmem:s25], [sflag:$0x2] =	stream.indirect_vreg.gather [hbm4b:s5+s3], $0x80, v4, vm1, $0xb8;
	[tilespmem:$0x18200] =	vst v63  }
0xe5: {  	s25 =	simm.s32 $0x12E00  }
0xe6: {  	[tilespmem:s25], [sflag:$0x2] =	stream.indirect_vreg.gather [hbm4b:s2+s3], $0x80, v3, vm0, $0xb8;
	[tilespmem:$0x18200] =	vst v63  }
0xe7: {  	s25 =	simm.s32 $0x13600  }
0xe8: {  	[tilespmem:s25], [sflag:$0x2] =	stream.indirect_vreg.gather [hbm4b:s5+s3], $0x80, v3, vm1, $0xb8;
	[tilespmem:$0x18200] =	vst v63  }
0xe9: {  	v3 =	vld [tilespmem:$0xD0];
	_ =	sdelay $0x4  }
0xea: {  	v45 =	vshrl.u32 v3, $0x3  }
0xeb: {  	v4 =	vmul.u32 $0x18, v45  }
0xec: {  	v3 =	vand.u32 $0x7, v3  }
0xed: {  	v3 =	vor.u32 v3, v4  }
0xee: {  	v4 =	vperm.xlane v3, v0;
	_ =	sdelay $0x1  }
0xef: {  	v4 =	vadd.s32 v1, v4;
	_ =	sdelay $0x1  }
0xf0: {  	v3 =	vperm.xlane v3, v2;
	_ =	sdelay $0x1  }
0xf1: {  	s25 =	simm.s32 $0x13A00;
	v3 =	vadd.s32 v1, v3  }
0xf2: {  	[tilespmem:s25], [sflag:$0x2] =	stream.indirect_vreg.gather [hbm4b:s2+s3], $0x80, v4, vm0, $0xb8;
	[tilespmem:$0x18200] =	vst v63  }
0xf3: {  	s25 =	simm.s32 $0x14200  }
0xf4: {  	[tilespmem:s25], [sflag:$0x2] =	stream.indirect_vreg.gather [hbm4b:s5+s3], $0x80, v4, vm1, $0xb8;
	[tilespmem:$0x18200] =	vst v63  }
0xf5: {  	s25 =	simm.s32 $0x14600  }
0xf6: {  	[tilespmem:s25], [sflag:$0x2] =	stream.indirect_vreg.gather [hbm4b:s2+s3], $0x80, v3, vm0, $0xb8;
	[tilespmem:$0x18200] =	vst v63  }
0xf7: {  	s25 =	simm.s32 $0x14E00  }
0xf8: {  	[tilespmem:s25], [sflag:$0x2] =	stream.indirect_vreg.gather [hbm4b:s5+s3], $0x80, v3, vm1, $0xb8;
	[tilespmem:$0x18200] =	vst v63  }
0xf9: {  	v3 =	vld [tilespmem:$0xE0];
	_ =	sdelay $0x4  }
0xfa: {  	v46 =	vshrl.u32 v3, $0x3  }
0xfb: {  	v4 =	vmul.u32 $0x18, v46  }
0xfc: {  	v3 =	vand.u32 $0x7, v3  }
0xfd: {  	v3 =	vor.u32 v3, v4  }
0xfe: {  	v4 =	vperm.xlane v3, v0;
	_ =	sdelay $0x1  }
0xff: {  	v4 =	vadd.s32 v1, v4;
	_ =	sdelay $0x1  }
0x100: {  	v3 =	vperm.xlane v3, v2;
	_ =	sdelay $0x1  }
0x101: {  	s25 =	simm.s32 $0x15200;
	v3 =	vadd.s32 v1, v3  }
0x102: {  	[tilespmem:s25], [sflag:$0x2] =	stream.indirect_vreg.gather [hbm4b:s2+s3], $0x80, v4, vm0, $0xb8;
	[tilespmem:$0x18200] =	vst v63  }
0x103: {  	s25 =	simm.s32 $0x15A00  }
0x104: {  	[tilespmem:s25], [sflag:$0x2] =	stream.indirect_vreg.gather [hbm4b:s5+s3], $0x80, v4, vm1, $0xb8;
	[tilespmem:$0x18200] =	vst v63  }
0x105: {  	s25 =	simm.s32 $0x15E00  }
0x106: {  	[tilespmem:s25], [sflag:$0x2] =	stream.indirect_vreg.gather [hbm4b:s2+s3], $0x80, v3, vm0, $0xb8;
	[tilespmem:$0x18200] =	vst v63  }
0x107: {  	s25 =	simm.s32 $0x16600  }
0x108: {  	[tilespmem:s25], [sflag:$0x2] =	stream.indirect_vreg.gather [hbm4b:s5+s3], $0x80, v3, vm1, $0xb8;
	[tilespmem:$0x18200] =	vst v63  }
0x109: {  	v3 =	vld [tilespmem:$0xF0];
	_ =	sdelay $0x4  }
0x10a: {  	v47 =	vshrl.u32 v3, $0x3  }
0x10b: {  	v4 =	vmul.u32 $0x18, v47  }
0x10c: {  	v3 =	vand.u32 $0x7, v3  }
0x10d: {  	v3 =	vor.u32 v3, v4  }
0x10e: {  	v4 =	vperm.xlane v3, v0;
	_ =	sdelay $0x1  }
0x10f: {  	v4 =	vadd.s32 v1, v4;
	_ =	sdelay $0x1  }
0x110: {  	v3 =	vperm.xlane v3, v2;
	_ =	sdelay $0x1  }
0x111: {  	s25 =	simm.s32 $0x16A00;
	v3 =	vadd.s32 v1, v3  }
0x112: {  	[tilespmem:s25], [sflag:$0x2] =	stream.indirect_vreg.gather [hbm4b:s2+s3], $0x80, v4, vm0, $0xb8;
	[tilespmem:$0x18200] =	vst v63  }
0x113: {  	s25 =	simm.s32 $0x17200  }
0x114: {  	[tilespmem:s25], [sflag:$0x2] =	stream.indirect_vreg.gather [hbm4b:s5+s3], $0x80, v4, vm1, $0xb8;
	[tilespmem:$0x18200] =	vst v63  }
0x115: {  	s25 =	simm.s32 $0x17600  }
0x116: {  	[tilespmem:s25], [sflag:$0x2] =	stream.indirect_vreg.gather [hbm4b:s2+s3], $0x80, v3, vm0, $0xb8;
	[tilespmem:$0x18200] =	vst v63  }
0x117: {  	s25 =	simm.s32 $0x17E00  }
0x118: {  	[tilespmem:s25], [sflag:$0x2] =	stream.indirect_vreg.gather [hbm4b:s5+s3], $0x80, v3, vm1, $0xb8;
	[tilespmem:$0x18200] =	vst v63  }
0x119: {  	_ =	swait.ge [sflag:s24], $0xC000  }
0x11a: {  	[sflag:s24] =	ssyncset.done $0x0  }
0x11b: {  	s1 =	simm.s32 $0x200;
	s25 =	rddreg [dreg:$0x7];
	[sflag:s24] =	ssyncadd.s32 $0xFFFF4000  }
0x11c: {  	[hbm4b:s25+s3] =	stream.linear.scatter [tilespmem:s1], [sflag:$0x3], $0xC000, $0x38;
	[tilespmem:$0x18200] =	vst v63  }
0x11d: {  	_ =	swait.ge [sflag:s7], $0xC000  }
0x11e: {  	[sflag:s7] =	ssyncset.done $0x0  }
0x11f: {  	[sflag:s7] =	ssyncadd.s32 $0xFFFF4000  }
0x120: {  	v3 =	vld [tilespmem:$0x100];
	_ =	sdelay $0x4  }
0x121: {  	v48 =	vshrl.u32 v3, $0x3  }
0x122: {  	v4 =	vmul.u32 $0x18, v48  }
0x123: {  	v3 =	vand.u32 $0x7, v3  }
0x124: {  	v3 =	vor.u32 v3, v4  }
0x125: {  	v4 =	vperm.xlane v3, v0;
	_ =	sdelay $0x1  }
0x126: {  	v4 =	vadd.s32 v1, v4;
	_ =	sdelay $0x1  }
0x127: {  	v3 =	vperm.xlane v3, v2;
	_ =	sdelay $0x1  }
0x128: {  	v3 =	vadd.s32 v1, v3  }
0x129: {  	[tilespmem:s1], [sflag:$0x1] =	stream.indirect_vreg.gather [hbm4b:s2+s3], $0x80, v4, vm0, $0xb8;
	[tilespmem:$0x18200] =	vst v63  }
0x12a: {  	_ = 	snop  }
0x12b: {  	[tilespmem:s26], [sflag:$0x1] =	stream.indirect_vreg.gather [hbm4b:s5+s3], $0x80, v4, vm1, $0xb8;
	[tilespmem:$0x18200] =	vst v63  }
0x12c: {  	_ = 	snop  }
0x12d: {  	[tilespmem:s28], [sflag:$0x1] =	stream.indirect_vreg.gather [hbm4b:s2+s3], $0x80, v3, vm0, $0xb8;
	[tilespmem:$0x18200] =	vst v63  }
0x12e: {  	_ = 	snop  }
0x12f: {  	[tilespmem:s29], [sflag:$0x1] =	stream.indirect_vreg.gather [hbm4b:s5+s3], $0x80, v3, vm1, $0xb8;
	[tilespmem:$0x18200] =	vst v63  }
0x130: {  	v3 =	vld [tilespmem:$0x110];
	_ =	sdelay $0x4  }
0x131: {  	v49 =	vshrl.u32 v3, $0x3  }
0x132: {  	v4 =	vmul.u32 $0x18, v49  }
0x133: {  	v3 =	vand.u32 $0x7, v3  }
0x134: {  	v3 =	vor.u32 v3, v4  }
0x135: {  	v4 =	vperm.xlane v3, v0;
	_ =	sdelay $0x1  }
0x136: {  	v4 =	vadd.s32 v1, v4;
	_ =	sdelay $0x1  }
0x137: {  	v3 =	vperm.xlane v3, v2;
	_ =	sdelay $0x1  }
0x138: {  	v3 =	vadd.s32 v1, v3  }
0x139: {  	[tilespmem:s30], [sflag:$0x1] =	stream.indirect_vreg.gather [hbm4b:s2+s3], $0x80, v4, vm0, $0xb8;
	[tilespmem:$0x18200] =	vst v63  }
0x13a: {  	_ = 	snop  }
0x13b: {  	[tilespmem:s31], [sflag:$0x1] =	stream.indirect_vreg.gather [hbm4b:s5+s3], $0x80, v4, vm1, $0xb8;
	[tilespmem:$0x18200] =	vst v63  }
0x13c: {  	s25 =	simm.s32 $0x2600  }
0x13d: {  	[tilespmem:s25], [sflag:$0x1] =	stream.indirect_vreg.gather [hbm4b:s2+s3], $0x80, v3, vm0, $0xb8;
	[tilespmem:$0x18200] =	vst v63  }
0x13e: {  	s25 =	simm.s32 $0x2E00  }
0x13f: {  	[tilespmem:s25], [sflag:$0x1] =	stream.indirect_vreg.gather [hbm4b:s5+s3], $0x80, v3, vm1, $0xb8;
	[tilespmem:$0x18200] =	vst v63  }
0x140: {  	v3 =	vld [tilespmem:$0x120];
	_ =	sdelay $0x4  }
0x141: {  	v50 =	vshrl.u32 v3, $0x3  }
0x142: {  	v4 =	vmul.u32 $0x18, v50  }
0x143: {  	v3 =	vand.u32 $0x7, v3  }
0x144: {  	v3 =	vor.u32 v3, v4  }
0x145: {  	v4 =	vperm.xlane v3, v0;
	_ =	sdelay $0x1  }
0x146: {  	v4 =	vadd.s32 v1, v4;
	_ =	sdelay $0x1  }
0x147: {  	v3 =	vperm.xlane v3, v2;
	_ =	sdelay $0x1  }
0x148: {  	v3 =	vadd.s32 v1, v3  }
0x149: {  	[tilespmem:s9], [sflag:$0x1] =	stream.indirect_vreg.gather [hbm4b:s2+s3], $0x80, v4, vm0, $0xb8;
	[tilespmem:$0x18200] =	vst v63  }
0x14a: {  	_ = 	snop  }
0x14b: {  	[tilespmem:s10], [sflag:$0x1] =	stream.indirect_vreg.gather [hbm4b:s5+s3], $0x80, v4, vm1, $0xb8;
	[tilespmem:$0x18200] =	vst v63  }
0x14c: {  	_ = 	snop  }
0x14d: {  	[tilespmem:s11], [sflag:$0x1] =	stream.indirect_vreg.gather [hbm4b:s2+s3], $0x80, v3, vm0, $0xb8;
	[tilespmem:$0x18200] =	vst v63  }
0x14e: {  	_ = 	snop  }
0x14f: {  	[tilespmem:s12], [sflag:$0x1] =	stream.indirect_vreg.gather [hbm4b:s5+s3], $0x80, v3, vm1, $0xb8;
	[tilespmem:$0x18200] =	vst v63  }
0x150: {  	v3 =	vld [tilespmem:$0x130];
	_ =	sdelay $0x4  }
0x151: {  	v51 =	vshrl.u32 v3, $0x3  }
0x152: {  	v4 =	vmul.u32 $0x18, v51  }
0x153: {  	v3 =	vand.u32 $0x7, v3  }
0x154: {  	v3 =	vor.u32 v3, v4  }
0x155: {  	v4 =	vperm.xlane v3, v0;
	_ =	sdelay $0x1  }
0x156: {  	v4 =	vadd.s32 v1, v4;
	_ =	sdelay $0x1  }
0x157: {  	v3 =	vperm.xlane v3, v2;
	_ =	sdelay $0x1  }
0x158: {  	v3 =	vadd.s32 v1, v3  }
0x159: {  	[tilespmem:s13], [sflag:$0x1] =	stream.indirect_vreg.gather [hbm4b:s2+s3], $0x80, v4, vm0, $0xb8;
	[tilespmem:$0x18200] =	vst v63  }
0x15a: {  	_ = 	snop  }
0x15b: {  	[tilespmem:s14], [sflag:$0x1] =	stream.indirect_vreg.gather [hbm4b:s5+s3], $0x80, v4, vm1, $0xb8;
	[tilespmem:$0x18200] =	vst v63  }
0x15c: {  	_ = 	snop  }
0x15d: {  	[tilespmem:s15], [sflag:$0x1] =	stream.indirect_vreg.gather [hbm4b:s2+s3], $0x80, v3, vm0, $0xb8;
	[tilespmem:$0x18200] =	vst v63  }
0x15e: {  	_ = 	snop  }
0x15f: {  	[tilespmem:s17], [sflag:$0x1] =	stream.indirect_vreg.gather [hbm4b:s5+s3], $0x80, v3, vm1, $0xb8;
	[tilespmem:$0x18200] =	vst v63  }
0x160: {  	v3 =	vld [tilespmem:$0x140];
	_ =	sdelay $0x4  }
0x161: {  	v52 =	vshrl.u32 v3, $0x3  }
0x162: {  	v4 =	vmul.u32 $0x18, v52  }
0x163: {  	v3 =	vand.u32 $0x7, v3  }
0x164: {  	v3 =	vor.u32 v3, v4  }
0x165: {  	v4 =	vperm.xlane v3, v0;
	_ =	sdelay $0x1  }
0x166: {  	v4 =	vadd.s32 v1, v4;
	_ =	sdelay $0x1  }
0x167: {  	v3 =	vperm.xlane v3, v2;
	_ =	sdelay $0x1  }
0x168: {  	v3 =	vadd.s32 v1, v3  }
0x169: {  	[tilespmem:s18], [sflag:$0x1] =	stream.indirect_vreg.gather [hbm4b:s2+s3], $0x80, v4, vm0, $0xb8;
	[tilespmem:$0x18200] =	vst v63  }
0x16a: {  	_ = 	snop  }
0x16b: {  	[tilespmem:s19], [sflag:$0x1] =	stream.indirect_vreg.gather [hbm4b:s5+s3], $0x80, v4, vm1, $0xb8;
	[tilespmem:$0x18200] =	vst v63  }
0x16c: {  	s25 =	simm.s32 $0x6E00  }
0x16d: {  	[tilespmem:s25], [sflag:$0x1] =	stream.indirect_vreg.gather [hbm4b:s2+s3], $0x80, v3, vm0, $0xb8;
	[tilespmem:$0x18200] =	vst v63  }
0x16e: {  	_ = 	snop  }
0x16f: {  	[tilespmem:s20], [sflag:$0x1] =	stream.indirect_vreg.gather [hbm4b:s5+s3], $0x80, v3, vm1, $0xb8;
	[tilespmem:$0x18200] =	vst v63  }
0x170: {  	v3 =	vld [tilespmem:$0x150];
	_ =	sdelay $0x4  }
0x171: {  	v53 =	vshrl.u32 v3, $0x3  }
0x172: {  	v4 =	vmul.u32 $0x18, v53  }
0x173: {  	v3 =	vand.u32 $0x7, v3  }
0x174: {  	v3 =	vor.u32 v3, v4  }
0x175: {  	v4 =	vperm.xlane v3, v0;
	_ =	sdelay $0x1  }
0x176: {  	v4 =	vadd.s32 v1, v4;
	_ =	sdelay $0x1  }
0x177: {  	v3 =	vperm.xlane v3, v2;
	_ =	sdelay $0x1  }
0x178: {  	v3 =	vadd.s32 v1, v3  }
0x179: {  	[tilespmem:s21], [sflag:$0x1] =	stream.indirect_vreg.gather [hbm4b:s2+s3], $0x80, v4, vm0, $0xb8;
	[tilespmem:$0x18200] =	vst v63  }
0x17a: {  	_ = 	snop  }
0x17b: {  	[tilespmem:s22], [sflag:$0x1] =	stream.indirect_vreg.gather [hbm4b:s5+s3], $0x80, v4, vm1, $0xb8;
	[tilespmem:$0x18200] =	vst v63  }
0x17c: {  	_ = 	snop  }
0x17d: {  	[tilespmem:s8], [sflag:$0x1] =	stream.indirect_vreg.gather [hbm4b:s2+s3], $0x80, v3, vm0, $0xb8;
	[tilespmem:$0x18200] =	vst v63  }
0x17e: {  	_ = 	snop  }
0x17f: {  	[tilespmem:s16], [sflag:$0x1] =	stream.indirect_vreg.gather [hbm4b:s5+s3], $0x80, v3, vm1, $0xb8;
	[tilespmem:$0x18200] =	vst v63  }
0x180: {  	v3 =	vld [tilespmem:$0x160];
	_ =	sdelay $0x4  }
0x181: {  	v54 =	vshrl.u32 v3, $0x3  }
0x182: {  	v4 =	vmul.u32 $0x18, v54  }
0x183: {  	v3 =	vand.u32 $0x7, v3  }
0x184: {  	v3 =	vor.u32 v3, v4  }
0x185: {  	v4 =	vperm.xlane v3, v0;
	_ =	sdelay $0x1  }
0x186: {  	v4 =	vadd.s32 v1, v4;
	_ =	sdelay $0x1  }
0x187: {  	v3 =	vperm.xlane v3, v2;
	_ =	sdelay $0x1  }
0x188: {  	v3 =	vadd.s32 v1, v3  }
0x189: {  	[tilespmem:s23], [sflag:$0x1] =	stream.indirect_vreg.gather [hbm4b:s2+s3], $0x80, v4, vm0, $0xb8;
	[tilespmem:$0x18200] =	vst v63  }
0x18a: {  	s25 =	simm.s32 $0x9A00  }
0x18b: {  	[tilespmem:s25], [sflag:$0x1] =	stream.indirect_vreg.gather [hbm4b:s5+s3], $0x80, v4, vm1, $0xb8;
	[tilespmem:$0x18200] =	vst v63  }
0x18c: {  	s25 =	simm.s32 $0x9E00  }
0x18d: {  	[tilespmem:s25], [sflag:$0x1] =	stream.indirect_vreg.gather [hbm4b:s2+s3], $0x80, v3, vm0, $0xb8;
	[tilespmem:$0x18200] =	vst v63  }
0x18e: {  	s25 =	simm.s32 $0xA600  }
0x18f: {  	[tilespmem:s25], [sflag:$0x1] =	stream.indirect_vreg.gather [hbm4b:s5+s3], $0x80, v3, vm1, $0xb8;
	[tilespmem:$0x18200] =	vst v63  }
0x190: {  	v3 =	vld [tilespmem:$0x170];
	_ =	sdelay $0x4  }
0x191: {  	v55 =	vshrl.u32 v3, $0x3  }
0x192: {  	v4 =	vmul.u32 $0x18, v55  }
0x193: {  	v3 =	vand.u32 $0x7, v3  }
0x194: {  	v3 =	vor.u32 v3, v4  }
0x195: {  	v4 =	vperm.xlane v3, v0;
	_ =	sdelay $0x1  }
0x196: {  	v4 =	vadd.s32 v1, v4;
	_ =	sdelay $0x1  }
0x197: {  	v3 =	vperm.xlane v3, v2;
	_ =	sdelay $0x1  }
0x198: {  	s25 =	simm.s32 $0xAA00;
	v3 =	vadd.s32 v1, v3  }
0x199: {  	[tilespmem:s25], [sflag:$0x1] =	stream.indirect_vreg.gather [hbm4b:s2+s3], $0x80, v4, vm0, $0xb8;
	[tilespmem:$0x18200] =	vst v63  }
0x19a: {  	s25 =	simm.s32 $0xB200  }
0x19b: {  	[tilespmem:s25], [sflag:$0x1] =	stream.indirect_vreg.gather [hbm4b:s5+s3], $0x80, v4, vm1, $0xb8;
	[tilespmem:$0x18200] =	vst v63  }
0x19c: {  	s25 =	simm.s32 $0xB600  }
0x19d: {  	[tilespmem:s25], [sflag:$0x1] =	stream.indirect_vreg.gather [hbm4b:s2+s3], $0x80, v3, vm0, $0xb8;
	[tilespmem:$0x18200] =	vst v63  }
0x19e: {  	s25 =	simm.s32 $0xBE00  }
0x19f: {  	[tilespmem:s25], [sflag:$0x1] =	stream.indirect_vreg.gather [hbm4b:s5+s3], $0x80, v3, vm1, $0xb8;
	[tilespmem:$0x18200] =	vst v63  }
0x1a0: {  	_ =	swait.ge [sflag:s4], $0xC000  }
0x1a1: {  	[sflag:s4] =	ssyncset.done $0x0  }
0x1a2: {  	s1 =	rddreg [dreg:$0x4];
	[sflag:s4] =	ssyncadd.s32 $0xFFFF4000  }
0x1a3: {  	[hbm4b:s1+s3] =	stream.linear.scatter [tilespmem:s0], [sflag:$0x3], $0xC000, $0x38;
	[tilespmem:$0x18200] =	vst v63  }
0x1a4: {  	_ =	swait.ge [sflag:s7], $0xC000  }
0x1a5: {  	[sflag:s7] =	ssyncset.done $0x0  }
0x1a6: {  	[sflag:s7] =	ssyncadd.s32 $0xFFFF4000  }
0x1a7: {  	v3 =	vld [tilespmem:$0x180];
	_ =	sdelay $0x4  }
0x1a8: {  	v56 =	vshrl.u32 v3, $0x3  }
0x1a9: {  	v4 =	vmul.u32 $0x18, v56  }
0x1aa: {  	v3 =	vand.u32 $0x7, v3  }
0x1ab: {  	v3 =	vor.u32 v3, v4  }
0x1ac: {  	v4 =	vperm.xlane v3, v0;
	_ =	sdelay $0x1  }
0x1ad: {  	v4 =	vadd.s32 v1, v4;
	_ =	sdelay $0x1  }
0x1ae: {  	v3 =	vperm.xlane v3, v2;
	_ =	sdelay $0x1  }
0x1af: {  	v3 =	vadd.s32 v1, v3  }
0x1b0: {  	[tilespmem:s0], [sflag:$0x2] =	stream.indirect_vreg.gather [hbm4b:s2+s3], $0x80, v4, vm0, $0xb8;
	[tilespmem:$0x18200] =	vst v63  }
0x1b1: {  	s25 =	simm.s32 $0xCA00  }
0x1b2: {  	[tilespmem:s25], [sflag:$0x2] =	stream.indirect_vreg.gather [hbm4b:s5+s3], $0x80, v4, vm1, $0xb8;
	[tilespmem:$0x18200] =	vst v63  }
0x1b3: {  	s25 =	simm.s32 $0xCE00  }
0x1b4: {  	[tilespmem:s25], [sflag:$0x2] =	stream.indirect_vreg.gather [hbm4b:s2+s3], $0x80, v3, vm0, $0xb8;
	[tilespmem:$0x18200] =	vst v63  }
0x1b5: {  	s25 =	simm.s32 $0xD600  }
0x1b6: {  	[tilespmem:s25], [sflag:$0x2] =	stream.indirect_vreg.gather [hbm4b:s5+s3], $0x80, v3, vm1, $0xb8;
	[tilespmem:$0x18200] =	vst v63  }
0x1b7: {  	v3 =	vld [tilespmem:$0x190];
	_ =	sdelay $0x4  }
0x1b8: {  	v57 =	vshrl.u32 v3, $0x3  }
0x1b9: {  	v4 =	vmul.u32 $0x18, v57  }
0x1ba: {  	v3 =	vand.u32 $0x7, v3  }
0x1bb: {  	v3 =	vor.u32 v3, v4  }
0x1bc: {  	v4 =	vperm.xlane v3, v0;
	_ =	sdelay $0x1  }
0x1bd: {  	v4 =	vadd.s32 v1, v4;
	_ =	sdelay $0x1  }
0x1be: {  	v3 =	vperm.xlane v3, v2;
	_ =	sdelay $0x1  }
0x1bf: {  	s25 =	simm.s32 $0xDA00;
	v3 =	vadd.s32 v1, v3  }
0x1c0: {  	[tilespmem:s25], [sflag:$0x2] =	stream.indirect_vreg.gather [hbm4b:s2+s3], $0x80, v4, vm0, $0xb8;
	[tilespmem:$0x18200] =	vst v63  }
0x1c1: {  	s25 =	simm.s32 $0xE200  }
0x1c2: {  	[tilespmem:s25], [sflag:$0x2] =	stream.indirect_vreg.gather [hbm4b:s5+s3], $0x80, v4, vm1, $0xb8;
	[tilespmem:$0x18200] =	vst v63  }
0x1c3: {  	s25 =	simm.s32 $0xE600  }
0x1c4: {  	[tilespmem:s25], [sflag:$0x2] =	stream.indirect_vreg.gather [hbm4b:s2+s3], $0x80, v3, vm0, $0xb8;
	[tilespmem:$0x18200] =	vst v63  }
0x1c5: {  	s25 =	simm.s32 $0xEE00  }
0x1c6: {  	[tilespmem:s25], [sflag:$0x2] =	stream.indirect_vreg.gather [hbm4b:s5+s3], $0x80, v3, vm1, $0xb8;
	[tilespmem:$0x18200] =	vst v63  }
0x1c7: {  	v3 =	vld [tilespmem:$0x1A0];
	_ =	sdelay $0x4  }
0x1c8: {  	v58 =	vshrl.u32 v3, $0x3  }
0x1c9: {  	v4 =	vmul.u32 $0x18, v58  }
0x1ca: {  	v3 =	vand.u32 $0x7, v3  }
0x1cb: {  	v3 =	vor.u32 v3, v4  }
0x1cc: {  	v4 =	vperm.xlane v3, v0;
	_ =	sdelay $0x1  }
0x1cd: {  	v4 =	vadd.s32 v1, v4;
	_ =	sdelay $0x1  }
0x1ce: {  	v3 =	vperm.xlane v3, v2;
	_ =	sdelay $0x1  }
0x1cf: {  	s25 =	simm.s32 $0xF200;
	v3 =	vadd.s32 v1, v3  }
0x1d0: {  	[tilespmem:s25], [sflag:$0x2] =	stream.indirect_vreg.gather [hbm4b:s2+s3], $0x80, v4, vm0, $0xb8;
	[tilespmem:$0x18200] =	vst v63  }
0x1d1: {  	s25 =	simm.s32 $0xFA00  }
0x1d2: {  	[tilespmem:s25], [sflag:$0x2] =	stream.indirect_vreg.gather [hbm4b:s5+s3], $0x80, v4, vm1, $0xb8;
	[tilespmem:$0x18200] =	vst v63  }
0x1d3: {  	s25 =	simm.s32 $0xFE00  }
0x1d4: {  	[tilespmem:s25], [sflag:$0x2] =	stream.indirect_vreg.gather [hbm4b:s2+s3], $0x80, v3, vm0, $0xb8;
	[tilespmem:$0x18200] =	vst v63  }
0x1d5: {  	s25 =	simm.s32 $0x10600  }
0x1d6: {  	[tilespmem:s25], [sflag:$0x2] =	stream.indirect_vreg.gather [hbm4b:s5+s3], $0x80, v3, vm1, $0xb8;
	[tilespmem:$0x18200] =	vst v63  }
0x1d7: {  	v3 =	vld [tilespmem:$0x1B0];
	_ =	sdelay $0x4  }
0x1d8: {  	v59 =	vshrl.u32 v3, $0x3  }
0x1d9: {  	v4 =	vmul.u32 $0x18, v59  }
0x1da: {  	v3 =	vand.u32 $0x7, v3  }
0x1db: {  	v3 =	vor.u32 v3, v4  }
0x1dc: {  	v4 =	vperm.xlane v3, v0;
	_ =	sdelay $0x1  }
0x1dd: {  	v4 =	vadd.s32 v1, v4;
	_ =	sdelay $0x1  }
0x1de: {  	v3 =	vperm.xlane v3, v2;
	_ =	sdelay $0x1  }
0x1df: {  	s25 =	simm.s32 $0x10A00;
	v3 =	vadd.s32 v1, v3  }
0x1e0: {  	[tilespmem:s25], [sflag:$0x2] =	stream.indirect_vreg.gather [hbm4b:s2+s3], $0x80, v4, vm0, $0xb8;
	[tilespmem:$0x18200] =	vst v63  }
0x1e1: {  	s25 =	simm.s32 $0x11200  }
0x1e2: {  	[tilespmem:s25], [sflag:$0x2] =	stream.indirect_vreg.gather [hbm4b:s5+s3], $0x80, v4, vm1, $0xb8;
	[tilespmem:$0x18200] =	vst v63  }
0x1e3: {  	s25 =	simm.s32 $0x11600  }
0x1e4: {  	[tilespmem:s25], [sflag:$0x2] =	stream.indirect_vreg.gather [hbm4b:s2+s3], $0x80, v3, vm0, $0xb8;
	[tilespmem:$0x18200] =	vst v63  }
0x1e5: {  	s25 =	simm.s32 $0x11E00  }
0x1e6: {  	[tilespmem:s25], [sflag:$0x2] =	stream.indirect_vreg.gather [hbm4b:s5+s3], $0x80, v3, vm1, $0xb8;
	[tilespmem:$0x18200] =	vst v63  }
0x1e7: {  	v3 =	vld [tilespmem:$0x1C0];
	_ =	sdelay $0x4  }
0x1e8: {  	v60 =	vshrl.u32 v3, $0x3  }
0x1e9: {  	v4 =	vmul.u32 $0x18, v60  }
0x1ea: {  	v3 =	vand.u32 $0x7, v3  }
0x1eb: {  	v3 =	vor.u32 v3, v4  }
0x1ec: {  	v4 =	vperm.xlane v3, v0;
	_ =	sdelay $0x1  }
0x1ed: {  	v4 =	vadd.s32 v1, v4;
	_ =	sdelay $0x1  }
0x1ee: {  	v3 =	vperm.xlane v3, v2;
	_ =	sdelay $0x1  }
0x1ef: {  	s25 =	simm.s32 $0x12200;
	v3 =	vadd.s32 v1, v3  }
0x1f0: {  	[tilespmem:s25], [sflag:$0x2] =	stream.indirect_vreg.gather [hbm4b:s2+s3], $0x80, v4, vm0, $0xb8;
	[tilespmem:$0x18200] =	vst v63  }
0x1f1: {  	s25 =	simm.s32 $0x12A00  }
0x1f2: {  	[tilespmem:s25], [sflag:$0x2] =	stream.indirect_vreg.gather [hbm4b:s5+s3], $0x80, v4, vm1, $0xb8;
	[tilespmem:$0x18200] =	vst v63  }
0x1f3: {  	s25 =	simm.s32 $0x12E00  }
0x1f4: {  	[tilespmem:s25], [sflag:$0x2] =	stream.indirect_vreg.gather [hbm4b:s2+s3], $0x80, v3, vm0, $0xb8;
	[tilespmem:$0x18200] =	vst v63  }
0x1f5: {  	s25 =	simm.s32 $0x13600  }
0x1f6: {  	[tilespmem:s25], [sflag:$0x2] =	stream.indirect_vreg.gather [hbm4b:s5+s3], $0x80, v3, vm1, $0xb8;
	[tilespmem:$0x18200] =	vst v63  }
0x1f7: {  	v3 =	vld [tilespmem:$0x1D0];
	_ =	sdelay $0x4  }
0x1f8: {  	v61 =	vshrl.u32 v3, $0x3  }
0x1f9: {  	v4 =	vmul.u32 $0x18, v61  }
0x1fa: {  	v3 =	vand.u32 $0x7, v3  }
0x1fb: {  	v3 =	vor.u32 v3, v4  }
0x1fc: {  	v4 =	vperm.xlane v3, v0;
	_ =	sdelay $0x1  }
0x1fd: {  	v4 =	vadd.s32 v1, v4;
	_ =	sdelay $0x1  }
0x1fe: {  	v3 =	vperm.xlane v3, v2;
	_ =	sdelay $0x1  }
0x1ff: {  	s25 =	simm.s32 $0x13A00;
	v3 =	vadd.s32 v1, v3  }
0x200: {  	[tilespmem:s25], [sflag:$0x2] =	stream.indirect_vreg.gather [hbm4b:s2+s3], $0x80, v4, vm0, $0xb8;
	[tilespmem:$0x18200] =	vst v63  }
0x201: {  	s25 =	simm.s32 $0x14200  }
0x202: {  	[tilespmem:s25], [sflag:$0x2] =	stream.indirect_vreg.gather [hbm4b:s5+s3], $0x80, v4, vm1, $0xb8;
	[tilespmem:$0x18200] =	vst v63  }
0x203: {  	s25 =	simm.s32 $0x14600  }
0x204: {  	[tilespmem:s25], [sflag:$0x2] =	stream.indirect_vreg.gather [hbm4b:s2+s3], $0x80, v3, vm0, $0xb8;
	[tilespmem:$0x18200] =	vst v63  }
0x205: {  	s25 =	simm.s32 $0x14E00  }
0x206: {  	[tilespmem:s25], [sflag:$0x2] =	stream.indirect_vreg.gather [hbm4b:s5+s3], $0x80, v3, vm1, $0xb8;
	[tilespmem:$0x18200] =	vst v63  }
0x207: {  	v3 =	vld [tilespmem:$0x1E0];
	_ =	sdelay $0x4  }
0x208: {  	v62 =	vshrl.u32 v3, $0x3  }
0x209: {  	v4 =	vmul.u32 $0x18, v62  }
0x20a: {  	v3 =	vand.u32 $0x7, v3  }
0x20b: {  	v3 =	vor.u32 v3, v4  }
0x20c: {  	v4 =	vperm.xlane v3, v0;
	_ =	sdelay $0x1  }
0x20d: {  	v4 =	vadd.s32 v1, v4;
	_ =	sdelay $0x1  }
0x20e: {  	v3 =	vperm.xlane v3, v2;
	_ =	sdelay $0x1  }
0x20f: {  	s25 =	simm.s32 $0x15200;
	v3 =	vadd.s32 v1, v3  }
0x210: {  	[tilespmem:s25], [sflag:$0x2] =	stream.indirect_vreg.gather [hbm4b:s2+s3], $0x80, v4, vm0, $0xb8;
	[tilespmem:$0x18200] =	vst v63  }
0x211: {  	s25 =	simm.s32 $0x15A00  }
0x212: {  	[tilespmem:s25], [sflag:$0x2] =	stream.indirect_vreg.gather [hbm4b:s5+s3], $0x80, v4, vm1, $0xb8;
	[tilespmem:$0x18200] =	vst v63  }
0x213: {  	s25 =	simm.s32 $0x15E00  }
0x214: {  	[tilespmem:s25], [sflag:$0x2] =	stream.indirect_vreg.gather [hbm4b:s2+s3], $0x80, v3, vm0, $0xb8;
	[tilespmem:$0x18200] =	vst v63  }
0x215: {  	s25 =	simm.s32 $0x16600  }
0x216: {  	[tilespmem:s25], [sflag:$0x2] =	stream.indirect_vreg.gather [hbm4b:s5+s3], $0x80, v3, vm1, $0xb8;
	[tilespmem:$0x18200] =	vst v63  }
0x217: {  	v3 =	vld [tilespmem:$0x1F0];
	_ =	sdelay $0x4  }
0x218: {  	v63 =	vshrl.u32 v3, $0x3  }
0x219: {  	v4 =	vmul.u32 $0x18, v63  }
0x21a: {  	v3 =	vand.u32 $0x7, v3  }
0x21b: {  	v3 =	vor.u32 v3, v4  }
0x21c: {  	v4 =	vperm.xlane v3, v0;
	_ =	sdelay $0x1  }
0x21d: {  	v4 =	vadd.s32 v1, v4;
	_ =	sdelay $0x1  }
0x21e: {  	v3 =	vperm.xlane v3, v2;
	_ =	sdelay $0x1  }
0x21f: {  	s25 =	simm.s32 $0x16A00;
	v3 =	vadd.s32 v1, v3  }
0x220: {  	[tilespmem:s25], [sflag:$0x2] =	stream.indirect_vreg.gather [hbm4b:s2+s3], $0x80, v4, vm0, $0xb8;
	[tilespmem:$0x18200] =	vst v63  }
0x221: {  	s25 =	simm.s32 $0x17200  }
0x222: {  	[tilespmem:s25], [sflag:$0x2] =	stream.indirect_vreg.gather [hbm4b:s5+s3], $0x80, v4, vm1, $0xb8;
	[tilespmem:$0x18200] =	vst v63  }
0x223: {  	s25 =	simm.s32 $0x17600  }
0x224: {  	[tilespmem:s25], [sflag:$0x2] =	stream.indirect_vreg.gather [hbm4b:s2+s3], $0x80, v3, vm0, $0xb8;
	[tilespmem:$0x18200] =	vst v63  }
0x225: {  	s25 =	simm.s32 $0x17E00  }
0x226: {  	[tilespmem:s25], [sflag:$0x2] =	stream.indirect_vreg.gather [hbm4b:s5+s3], $0x80, v3, vm1, $0xb8;
	[tilespmem:$0x18200] =	vst v63  }
0x227: {  	_ =	swait.ge [sflag:s24], $0xC000  }
0x228: {  	[sflag:s24] =	ssyncset.done $0x0  }
0x229: {  	s1 =	simm.s32 $0x200;
	s25 =	rddreg [dreg:$0x5];
	[sflag:s24] =	ssyncadd.s32 $0xFFFF4000  }
0x22a: {  	[hbm4b:s25+s3] =	stream.linear.scatter [tilespmem:s1], [sflag:$0x3], $0xC000, $0x38;
	[tilespmem:$0x18200] =	vst v63  }
0x22b: {  	_ =	swait.ge [sflag:s7], $0xC000  }
0x22c: {  	[sflag:s7] =	ssyncset.done $0x0  }
0x22d: {  	[sflag:s7] =	ssyncadd.s32 $0xFFFF4000  }
0x22e: {  	_ =	swait.ge [sflag:s4], $0xC000  }
0x22f: {  	p0 =	sne.s32 s6, $0x1;
	[sflag:s4] =	ssyncset.done $0x0  }
.Ltmp0:
0x230: {  	s1 =	rddreg [dreg:$0x6];
	[sflag:s4] =	ssyncadd.s32 $0xFFFF4000;
	(pc) =	sbr.rel @p0 .LBB2_1-.Ltmp0, $4  }
0x231: {  	[hbm4b:s1+s3] =	stream.linear.scatter [tilespmem:s0], [sflag:$0x3], $0xC000, $0x38;
	[tilespmem:$0x18200] =	vst v63  }
0x232: {  	_ =	swait.ge [sflag:s7], $0xC000  }
0x233: {  	[sflag:s7] =	ssyncset.done $0x0  }
0x234: {  	s6 =	sadd.s32 $0xFFFFFFFF, s6;
	[sflag:s7] =	ssyncadd.s32 $0xFFFF4000  }
0x235: {  	_ =	sfence.sel $0x180000  }
0x236: {  	[bflag:$0x0] =	sbarrier.arrive $0xFFFF  }
0x237: {  	_ =	strace $0x90000047  }
0x238: {  	s0 =	stileid.u32;
	[bflag:$0x2] =	sbarrier.arrive $0xFFFF  }
0x239: {  	p0 =	sne.s32 s0, $0x0;
	s0 =	rddreg [dreg:$0x2]  }
0x23a: {  	s0 =	sadd.s32 @!p0 $0x100000, s0  }
0x23b: {  	[sflag:s0] =	ssyncadd.tile.s32 @!p0 $0x1;
	_ =	shalt  }
.Lfunc_end2:
_tile_overlayer_lowered:
.L_overlay_start_2:
0x23c: {  	(tag) =	ssettag $0x2  }
0x23d: {  	s0 =	rddreg [dreg:$0x0];
	s2 =	stileid.u32  }
0x23e: {  	s1 =	rddreg [dreg:$0x1];
	p0 =	sne.s32 s2, $0x0  }
0x23f: {  	s3 =	rddreg [dreg:$0x2];
	[bflag:$0x3] =	sbarrier.arrive $0xFFFF;
	s2 =	simm.s32 @!p0 $0x1C03  }
0x240: {  	[timem:s3], [sflag:s2] =	dma.local @!p0 [hbm:s0], s1  }
0x241: {  	s0 =	simm.s32 @!p0 $0x3  }
0x242: {  	_ =	swait.ge @!p0 [sflag:s0], s1  }
0x243: {  	s1 =	ssub.s32 @!p0 $0x0, s1;
	[sflag:s0] =	ssyncset.done @!p0 $0x0  }
0x244: {  	[sflag:s0] =	ssyncadd.s32 @!p0 s1  }
0x245: {  	[bflag:$0x3] =	sbarrier.arrive $0xFFFF  }
0x246: {  	_ =	shalt  }

// kernel: sparse-core-data-format-call.cloned.1.call-start
scs
called_computation_lowered:
.L_overlay_start_0:
0x0: {  	s1 =	sld [smem:$0x3FD9]  }
0x1: {  	s2 =	sld [smem:$0x3FFE];
	_ =	sdelay $0x1  }
0x2: {  	s3 =	srdreg.scid  }
0x3: {  	s0 =	sand.u32 $0x1, s3  }
0x4: {  	s17 =	sshll.u32 s0, $0xA;
	s1 =	sadd.s32 s2, s1  }
0x5: {  	s1 =	sadd.s32 s1, s17  }
0x6: {  	[smem:$0x3FAC] =	sst s1  }
0x7: {  	_ = 	snop  }
0x8: {  	(tm) =	ssettm $0x1  }
0x9: {  	s18 =	sld [smem:$0x3FFB];
	_ =	sdelay $0x3  }
0xa: {  	_ =	strace s18  }
0xb: {  	s1 =	sld [smem:$0x3FFC];
	_ =	sdelay $0x3  }
0xc: {  	_ =	strace s1  }
0xd: {  	s1 =	sld [smem:$0x3FFD];
	_ =	sdelay $0x3  }
0xe: {  	_ =	strace s1  }
0xf: {  	_ =	strace $0x8FFFFFFF  }
0x10: {  	s19 =	sld [smem:$0x3FDB];
	_ =	sdelay $0x1  }
0x11: {  	s20 =	simm.s32 $_scs_section_size  }
0x12: {  	s4 =	simm.s32 $_size__tile_overlayer_lowered;
	s5 =	simm.s32 $_tile_overlayer_lowered  }
0x13: {  	s23 =	simm.s32 $0x1BFF;
	s22 =	sshll.u32 s5, $0x1;
	s1 =	sadd.s32 s20, s19  }
0x14: {  	s6 =	simm.s32 $0x0;
	s21 =	sshll.u32 s4, $0x1;
	s4 =	sadd.s32 s22, s1  }
0x15: {  	[timem:s6], [sflag:s23] =	dma.local [hbm:s4], s21  }
0x16: {  	_ =	swait.ge [sflag:s23], s21  }
0x17: {  	s2 =	ssub.s32 $0x0, s21;
	[sflag:s23] =	ssyncset.done $0x0  }
0x18: {  	[sflag:s23] =	ssyncadd.s32 s2;
	_ =	sdelay $0x1  }
0x19: {  	s24 =	simm.s32 $0x1B8B  }
0x1a: {  	_ =	swait.ge [sflag:s24], $0x1  }
0x1b: {  	[sflag:s24] =	ssyncset.done $0x0  }
0x1c: {  	s26 =	simm.s32 $0x1B8E;
	s25 =	sld [smem:$0x3FFE];
	[sflag:s24] =	ssyncadd.s32 $0xFFFFFFFF  }
0x1d: {  	s27 =	simm.s32 $execute0_lowered;
	[smem:$0x3FD2] =	sst s26  }
0x1e: {  	s4 =	sshll.u32 s27, $0x1;
	_ =	strace $0x80000049;
	[dreg:$0x1] =	wrdreg $0xFFFFFFFF  }
0x1f: {  	s28 =	simm.s32 $_size_execute0_lowered;
	s1 =	sadd.s32 s1, s4;
	[dreg:$0x0] =	wrdreg $0x0  }
0x20: {  	s4 =	sshll.u32 s28, $0x1;
	[dreg:$0x2] =	wrdreg s1  }
0x21: {  	[dreg:$0x3] =	wrdreg s4  }
0x22: {  	[dreg:$0x4] =	wrdreg $0xC0  }
0x23: {  	_ =	task [dreg:s6], $0x5FFFF  }
0x24: {  	[dreg:$0x1] =	wrdreg $0xFFFFFFFF  }
0x25: {  	[dreg:$0x0] =	wrdreg $0x60  }
0x26: {  	[dreg:$0x2] =	wrdreg s25  }
0x27: {  	[dreg:$0x3] =	wrdreg $0x9  }
0x28: {  	_ =	task.clear_ibuf [dreg:s6], $0x4FFFF;
	_ =	strace $0x90000049  }
0x29: {  	s29 =	simm.s32 $0x9;
	_ =	strace $0x8000004B  }
0x2a: {  	_ =	swait.ge [sflag:s29], $0x1  }
0x2b: {  	[sflag:s29] =	ssyncadd.s32 $0xFFFFFFFF  }
0x2c: {  	_ =	strace $0x9000004B  }
0x2d: {  	_ =	sfence  }
0x2e: {  	s30 =	sld [smem:$0x0];
	_ =	sdelay $0x2  }
0x2f: {  	s31 =	sshll.u32 s3, $0xD;
	s3 =	sshrl.u32 s3, $0x2  }
0x30: {  	s2 =	sand.u32 $0x4000, s31;
	s1 =	sadd.s32 s3, s30  }
0x31: {  	s0 =	sor.u32 s2, s0;
	s1 =	sshll.u32 s1, $0x11  }
0x32: {  	s0 =	sor.u32 s1, s0  }
0x33: {  	s0 =	sadd.s32 $0x8F2B, s0  }
0x34: {  	[sflag:s0] =	ssyncadd.remote.s32 $0x1  }
0x35: {  	_ =	sfence.sel $0xFFFF  }
0x36: {  	[dreg:$0x0] =	wrdreg $0xFFFFFFFF;
	(pc) =	sbr.abs _section_cstart, $3  }
0x37: {  	[dreg:$0x1] =	wrdreg $0xFFFFFFFF  }
0x38: {  	_ =	task.clear_ibuf [dreg:s6], $0x2FFFF;
	_ =	strace $0x9FFFFFFF  }
0x39: {  	(tm) =	ssettm $0x7FFFFFFF  }
tec
execute0_lowered:
.L_overlay_start_1:
0x0: {  	(tag) =	ssettag $0x1  }
0x1: {  	s0 =	srdreg.scid  }
0x2: {  	s1 =	sshll.u32 s0, $0x4  }
0x3: {  	s0 =	stileid.u32;
	s1 =	sand.u32 $0x10, s1  }
0x4: {  	s1 =	sor.u32 s0, s1  }
0x5: {  	s6 =	rddreg [dreg:$0x0];
	s7 =	simm.s32 $0x2;
	s2 =	sshll.u32 s1, $0x7  }
0x6: {  	s13 =	simm.s32 $0x0;
	s8 =	simm.s32 $0x1800;
	s1 =	ssub.s32 $0x4000, s2  }
0x7: {  	s12 =	simm.s32 $0x0;
	s10 =	simm.s32 $0x0;
	s3 =	sand.u32 $0xF80, s1  }
0x8: {  	s11 =	simm.s32 $0x0;
	p0 =	sne.s32 s3, $0x0;
	s3 =	simm.s32 $0x1  }
.Ltmp0:
0x9: {  	s4 =	sshrl.u32 s1, $0xC;
	s3 =	simm.s32 @!p0 $0x0;
	(pc) =	sbr.rel .LBB1_1-.Ltmp0, $4  }
0xa: {  	s5 =	sadd.s32 $0x245800, s6;
	s1 =	rddreg [dreg:$0x1];
	s4 =	sadd.s32 s3, s4  }
0xb: {  	_ =	strace $0x8000004A;
	s3 =	simm.s32 $0x1;
	s4 =	smul.u32 $0x6, s4  }
0xc: {  	s6 =	sadd.s32 $0x5800, s6;
	s9 =	smov.u32 s2;
	[sflag:s3] =	ssyncpa.u1 $0x0  }
0xd: {  	p0 =	por $0x0, $0x0;
	[sflag:s7] =	ssyncpa.u1 $0x0;
	s7 =	sor.u32 $0x1, s4  }
.LBB1_4:
0xe: {  	s19 =	sshrl.u32 s13, $0x3  }
0xf: {  	s20 =	sshll.u32 s12, $0x3;
	s19 =	smul.u32 $0x1800, s19  }
0x10: {  	s29 =	sshll.u32 s13, $0x7;
	s20 =	sand.u32 $0xFFFFFC00, s20  }
0x11: {  	v5 =	vld [tilespmem:s17+$0xFFFFFFD0];
	[tilespmem:s16+$0x2040 ss:$0x81] =	vst.msk $0xffff, v4;
	s13 =	sand.u32 $0x380, s29;
	s19 =	sadd.s32 s20, s19  }
0x12: {  	v58 =	vld [tilespmem:s17+$0xFFFFFFE0];
	[tilespmem:s16+$0x2850 ss:$0x81] =	vst.msk $0xffff, v3;
	s30 =	sand.u32 $0x7F, s12;
	s13 =	sor.u32 s13, s19  }
0x13: {  	s18 =	sshra.s32 s18, $0x2;
	v59 =	vld [tilespmem:s17+$0xFFFFFFF0];
	[tilespmem:s16+$0x3060 ss:$0x81] =	vst.msk $0xffff, v2;
	s12 =	sor.u32 s30, s13  }
0x14: {  	v60 =	vld [tilespmem:s17+$0x0];
	[tilespmem:s16+$0x0 ss:$0x81] =	vst.msk $0xffff, v0;
	s15 =	sadd.s32 s18, s15;
	s31 =	smulhi.u32 $0xAAAAAAAB, s12  }
0x15: {  	v61 =	vld [tilespmem:s17+$0x10];
	[tilespmem:s15+$0x3870 ss:$0x81] =	vst.msk $0xffff, v1  }
0x16: {  	v62 =	vld [tilespmem:s17+$0x20];
	[tilespmem:s15+$0x810 ss:$0x81] =	vst.msk $0xffff, v5;
	s13 =	smulhi.u32 $0xAAAAAAAB, s13;
	s16 =	sshrl.u32 s31, $0x9  }
0x17: {  	v63 =	vld [tilespmem:s17+$0xFFFFFFC0];
	[tilespmem:s15+$0x1020 ss:$0x81] =	vst.msk $0xffff, v58;
	s16 =	smul.u32 $0x300, s16  }
0x18: {  	[tilespmem:s15+$0x1830 ss:$0x81] =	vst.msk $0xffff, v59;
	s13 =	sshrl.u32 s13, $0x9  }
0x19: {  	[tilespmem:s15+$0x2040 ss:$0x81] =	vst.msk $0xffff, v60;
	s13 =	sand.u32 $0x3FFF, s13;
	s12 =	ssub.s32 s12, s16  }
0x1a: {  	[tilespmem:s15+$0x2850 ss:$0x81] =	vst.msk $0xffff, v61;
	s13 =	smul.u32 $0x60, s13;
	s16 =	sshrl.u32 s12, $0x3;
	s12 =	sand.u32 $0x7, s12  }
0x1b: {  	[tilespmem:s15+$0x3060 ss:$0x81] =	vst.msk $0xffff, v62;
	s16 =	sadd.s32 s6, s16;
	s12 =	sshll.u32 s12, $0x12  }
0x1c: {  	[tilespmem:s15+$0x0 ss:$0x81] =	vst.msk $0xffff, v63;
	s13 =	sadd.s32 s13, s16;
	s12 =	sor.u32 $0x400, s12  }
0x1d: {  	[hbm4b:s13+s12] =	stream.strided.scatter [tilespmem:s14], [sflag:$0x2], $0x4000, s8, s12, $0x20;
	[tilespmem:$0x10100] =	vst v63  }
.LBB1_5:
0x1e: {  	s14 =	sadd.s32 $0x1000, s9  }
0x1f: {  	s12 =	sadd.s32 $0x80, s10;
	s16 =	smov.u32 s10;
	p2 =	sgt.s32 s14, $0x3FFF  }
0x20: {  	s16 =	smov.u32 @p2 s12  }
0x21: {  	s14 =	smov.u32 @p2 s2;
	p2 =	sgt.s32 s16, $0x2FF  }
0x22: {  	s16 =	simm.s32 @p2 $0x0;
	p2 =	sne.s32 s11, s7  }
.Ltmp1:
0x23: {  	p1 =	slt.u32 s11, $0x2;
	(pc) =	sbr.rel @!p2 .LBB1_6-.Ltmp1, $4  }
0x24: {  	s15 =	simm.s32 @!p1 $0x2  }
0x25: {  	s13 =	smov.u32 s9;
	p0 =	por !p0, !p0;
	_ =	swait.ge @!p1 [sflag:s15], $0x4000  }
0x26: {  	s12 =	smov.u32 s10;
	[sflag:s15] =	ssyncset.done @!p1 $0x0;
	s9 =	smov.u32 s14  }
0x27: {  	s11 =	sadd.s32 $0x1, s11;
	[sflag:s15] =	ssyncadd.s32 @!p1 $0xFFFFC000;
	s10 =	smov.u32 s16  }
.LBB1_1:
0x28: {  	p1 =	sge.u32 s11, s4  }
0x29: {  	s14 =	sshll.u32 @!p1 s10, $0xE  }
0x2a: {  	s15 =	sshll.u32 @!p1 s9, $0x3;
	s14 =	sand.u32 @!p1 $0xFFFE0000, s14  }
0x2b: {  	s14 =	sadd.s32 @!p1 s14, s15  }
0x2c: {  	s16 =	sshll.u32 @!p1 s10, $0x7;
	s14 =	sshrl.u32 @!p1 s14, $0xE  }
0x2d: {  	s17 =	sand.u32 @!p1 $0x78, s9;
	s16 =	sand.u32 @!p1 $0x380, s16;
	s18 =	smulhi.u32 @!p1 $0x555556, s14  }
0x2e: {  	s31 =	sadd.s32 $0xFFFFFFFF, s11;
	s16 =	sor.u32 @!p1 s16, s17  }
0x2f: {  	s17 =	sxor.u32 @!p1 $0xFFFFFFFF, s11;
	s15 =	sand.u32 @!p1 $0x3C00, s15;
	s18 =	smul.u32 @!p1 $0x300, s18  }
0x30: {  	s17 =	sshll.u32 @!p1 s17, $0xE;
	s15 =	sor.u32 @!p1 s15, s16;
	s16 =	sand.u32 @!p1 $0x7, s9  }
0x31: {  	s17 =	sand.u32 @!p1 $0x4000, s17;
	s15 =	sshrl.u32 @!p1 s15, $0x3;
	s14 =	ssub.s32 @!p1 s14, s18  }
0x32: {  	s16 =	sshll.u32 @!p1 s16, $0x12;
	s15 =	sadd.s32 @!p1 s5, s15;
	s14 =	sshll.u32 @!p1 s14, $0xB  }
0x33: {  	s14 =	sadd.s32 @!p1 s14, s15;
	s15 =	sor.u32 @!p1 $0x400, s16;
	s16 =	simm.s32 @!p1 $0x20000  }
0x34: {  	[tilespmem:s17], [sflag:$0x1] =	stream.strided.gather @!p1 [hbm4b:s14+s15], $0x4000, s16, s15, $0x38;
	[tilespmem:$0x10100] =	vst v63  }
0x35: {  	p1 =	sge.u32 s31, s4  }
.Ltmp2:
0x36: {  	_ = 	snop;
	(pc) =	sbr.rel @p1 .LBB1_5-.Ltmp2, $1  }
0x37: {  	_ =	sdelay $0x3  }
0x38: {  	s14 =	simm.s32 $0x1  }
0x39: {  	_ =	swait.ge [sflag:s3], $0x4000;
	s14 =	simm.s32 @!p0 $0x0  }
0x3a: {  	[sflag:s3] =	ssyncset.done $0x0;
	s15 =	sshll.u32 s14, $0xE  }
0x3b: {  	[sflag:s3] =	ssyncadd.s32 $0xFFFFC000;
	s17 =	sor.u32 $0x40, s15  }
0x3c: {  	s14 =	smul.u32 $0x10200, s14;
	v0 =	vld [tilespmem:s17+$0x30]  }
0x3d: {  	v1 =	vld [tilespmem:s17+$0xFFFFFFD0]  }
0x3e: {  	s14 =	sshrl.u32 s14, $0x2;
	v5 =	vld [tilespmem:s17+$0xFFFFFFE0]  }
0x3f: {  	v6 =	vld [tilespmem:s17+$0xFFFFFFF0];
	s15 =	sor.u32 $0x8000, s14  }
0x40: {  	s31 =	sand.u32 $0x1, s11;
	v4 =	vld [tilespmem:s17+$0x0];
	s16 =	sadd.s32 $0x0, s15  }
0x41: {  	v3 =	vld [tilespmem:s17+$0x10];
	s14 =	smul.u32 $0x10200, s31;
	[tilespmem:s16+$0x3870 ss:$0x81] =	vst.msk $0xffff, v0  }
0x42: {  	v2 =	vld [tilespmem:s17+$0x20];
	[tilespmem:s16+$0x810 ss:$0x81] =	vst.msk $0xffff, v1  }
0x43: {  	s14 =	sshrl.u32 s14, $0x2;
	v0 =	vld [tilespmem:s17+$0xFFFFFFC0];
	[tilespmem:s16+$0x1020 ss:$0x81] =	vst.msk $0xffff, v5;
	s17 =	sadd.s32 $0x80, s17  }
0x44: {  	s18 =	simm.s32 $0x4;
	s19 =	simm.s32 $0x8;
	s14 =	sor.u32 $0x8000, s14;
	[tilespmem:s16+$0x1830 ss:$0x81] =	vst.msk $0xffff, v6;
	v1 =	vld [tilespmem:s17+$0x30]  }
.LBB1_3:
0x45: {  	p1 =	sne.s32 s19, $0x1FC;
	v5 =	vld [tilespmem:s17+$0xFFFFFFD0];
	[tilespmem:s16+$0x2040 ss:$0x81] =	vst.msk $0xffff, v4  }
0x46: {  	v6 =	vld [tilespmem:s17+$0xFFFFFFE0];
	[tilespmem:s16+$0x2850 ss:$0x81] =	vst.msk $0xffff, v3  }
0x47: {  	s20 =	sshra.s32 s18, $0x2;
	s18 =	smov.u32 s19;
	v7 =	vld [tilespmem:s17+$0xFFFFFFF0];
	[tilespmem:s16+$0x3060 ss:$0x81] =	vst.msk $0xffff, v2  }
.Ltmp3:
0x48: {  	v4 =	vld [tilespmem:s17+$0x0];
	[tilespmem:s16+$0x0 ss:$0x81] =	vst.msk $0xffff, v0;
	s16 =	sadd.s32 s20, s15;
	(pc) =	sbr.rel @p1 .LBB1_3-.Ltmp3, $4  }
0x49: {  	v3 =	vld [tilespmem:s17+$0x10];
	[tilespmem:s16+$0x3870 ss:$0x81] =	vst.msk $0xffff, v1  }
0x4a: {  	[tilespmem:s16+$0x810 ss:$0x81] =	vst.msk $0xffff, v5;
	v2 =	vld [tilespmem:s17+$0x20]  }
0x4b: {  	v0 =	vld [tilespmem:s17+$0xFFFFFFC0];
	[tilespmem:s16+$0x1020 ss:$0x81] =	vst.msk $0xffff, v6;
	s17 =	sadd.s32 $0x80, s17  }
0x4c: {  	s19 =	sadd.s32 $0x4, s19;
	v1 =	vld [tilespmem:s17+$0x30];
	[tilespmem:s16+$0x1830 ss:$0x81] =	vst.msk $0xffff, v7  }
.Ltmp4:
0x4d: {  	_ = 	snop;
	(pc) =	sbr.rel .LBB1_4-.Ltmp4, $1  }
0x4e: {  	_ =	sdelay $0x3  }
.LBB1_6:
0x4f: {  	_ =	sfence.sel $0x180000  }
0x50: {  	s2 =	simm.s32 $0x1;
	[bflag:$0x0] =	sbarrier.arrive $0xFFFF  }
0x51: {  	s31 =	simm.s32 $0x2;
	[sflag:s2] =	ssyncpa.u1 $0x1  }
0x52: {  	[sflag:s31] =	ssyncpa.u1 $0x1  }
0x53: {  	p0 =	sne.s32 s0, $0x0;
	_ =	strace $0x9000004A  }
0x54: {  	s0 =	sadd.s32 @!p0 $0x100000, s1;
	[bflag:$0x2] =	sbarrier.arrive $0xFFFF  }
0x55: {  	[sflag:s0] =	ssyncadd.tile.s32 @!p0 $0x1;
	_ =	shalt  }
.Lfunc_end1:
_tile_overlayer_lowered:
.L_overlay_start_2:
0x56: {  	(tag) =	ssettag $0x2  }
0x57: {  	s0 =	rddreg [dreg:$0x0];
	s2 =	stileid.u32  }
0x58: {  	s1 =	rddreg [dreg:$0x1];
	p0 =	sne.s32 s2, $0x0  }
0x59: {  	s3 =	rddreg [dreg:$0x2];
	[bflag:$0x3] =	sbarrier.arrive $0xFFFF;
	s2 =	simm.s32 @!p0 $0x1C01  }
0x5a: {  	[timem:s3], [sflag:s2] =	dma.local @!p0 [hbm:s0], s1  }
0x5b: {  	s0 =	simm.s32 @!p0 $0x1  }
0x5c: {  	_ =	swait.ge @!p0 [sflag:s0], s1  }
0x5d: {  	s1 =	ssub.s32 @!p0 $0x0, s1;
	[sflag:s0] =	ssyncset.done @!p0 $0x0  }
0x5e: {  	[sflag:s0] =	ssyncadd.s32 @!p0 s1  }
0x5f: {  	[bflag:$0x3] =	sbarrier.arrive $0xFFFF  }
0x60: {  	_ =	shalt  }

</sc_bundles>
